<compile_context>
chip_gen: v7x
topology: tpu7x:2x2x1
jax: 0.10.2.dev20260603
libtpu: 0.0.44.dev20260713+nightly
codegen_flags: <defaults>
</compile_context>

<pallas_src>
import jax
import jax.numpy as jnp
from jax import lax
from jax.experimental import pallas as pl
from jax.experimental.pallas import tpu as pltpu
from jax.experimental.pallas import tpu_sc as plsc

N = 320000
D = 128
S = 10000
OUT = 32

NC = 2
NS = 16
SEGH = S // NC
TROWS = 5008
RPW = N // NS
BLK = 160
NBLK = RPW // BLK
IDXW = 80
NIDX = BLK // IDXW
G = 16
NGRP = RPW // G
CW = 16


def _make_sc_call(is_cones):
    mesh = plsc.VectorSubcoreMesh(core_axis_name="c", subcore_axis_name="s",
                                  num_cores=NC)
    body = _sc_cone_body if is_cones else _sc_feat_body
    return pl.kernel(
        body,
        out_type=jax.ShapeDtypeStruct((NC, TROWS, D), jnp.float32),
        mesh=mesh,
        scratch_types=(
            pltpu.VMEM((BLK, D), jnp.float32),
            pltpu.VMEM((BLK, CW), jnp.float32),
            pltpu.VMEM((RPW,), jnp.int32),
            pltpu.VMEM((NIDX, IDXW), jnp.int32),
            pltpu.VMEM((BLK, D), jnp.float32),
            pltpu.VMEM_SHARED((TROWS, D), jnp.float32),
        ),
    )


def _sc_prologue(ids_hbm, fbuf, ibig, ftab, cid, sid):
    z16 = jnp.zeros((16,), jnp.float32)
    base = cid * SEGH

    def zero_row(r, _):
        for k in range(D // 16):
            fbuf[r, pl.ds(k * 16, 16)] = z16
        return 0

    lax.fori_loop(0, BLK, zero_row, 0)

    @pl.when(sid < NS - 1)
    def _():
        s0 = sid * 312
        pltpu.sync_copy(fbuf.at[pl.ds(0, 160)], ftab.at[pl.ds(s0, 160)])
        pltpu.sync_copy(fbuf.at[pl.ds(0, 152)], ftab.at[pl.ds(s0 + 160, 152)])

    @pl.when(sid == NS - 1)
    def _():
        pltpu.sync_copy(fbuf.at[pl.ds(0, 160)], ftab.at[pl.ds(4680, 160)])
        pltpu.sync_copy(fbuf.at[pl.ds(0, 160)], ftab.at[pl.ds(4840, 160)])
        pltpu.sync_copy(fbuf.at[pl.ds(0, 8)], ftab.at[pl.ds(5000, 8)])

    row_base = sid * RPW
    pltpu.sync_copy(ids_hbm.at[pl.ds(row_base, RPW)], ibig)

    plsc.subcore_barrier()

    def lower_bound(bound):
        def step(_, c):
            lo, hi = c
            mid = (lo + hi) >> 1
            h = ibig[pl.ds(mid * G, G)][0]
            take = h < bound
            lo = jnp.where(take, mid + 1, lo)
            hi = jnp.where(take, hi, mid)
            return lo, hi
        lo, _ = lax.fori_loop(0, 11, step, (jnp.int32(0), jnp.int32(NGRP)))
        return lo

    gb = lower_bound(base)
    ge = lower_bound(base + SEGH)
    blo = jnp.maximum(gb - 1, 0) * G // BLK
    bhi = jnp.minimum(jnp.int32(NBLK), (ge * G + BLK - 1) // BLK)
    return row_base, base, blo, bhi


def _fill_sbuf(ibig, sbuf, b, base):
    for j in range(NIDX):
        for c in range(IDXW // G):
            idv = ibig[pl.ds(b * BLK + j * IDXW + c * G, G)]
            x = idv - base
            sbuf[j, pl.ds(c * G, G)] = jnp.minimum(
                x + ((x >> 31) & 16384), SEGH)


def _scatter_blk(src, sbuf, ftab):
    for j in range(NIDX):
        pltpu.sync_copy(src.at[pl.ds(j * IDXW, IDXW)],
                        ftab.at[sbuf.at[j]], add=True)


def _writeout(ftab, out, fbuf, cid, sid):
    def copy_out(s0, ln):
        pltpu.sync_copy(ftab.at[pl.ds(s0, ln)], fbuf.at[pl.ds(0, ln)])
        pltpu.sync_copy(fbuf.at[pl.ds(0, ln)], out.at[cid, pl.ds(s0, ln)])

    @pl.when(sid < NS - 1)
    def _():
        copy_out(sid * 312, 160)
        copy_out(sid * 312 + 160, 152)

    @pl.when(sid == NS - 1)
    def _():
        copy_out(4680, 160)
        copy_out(4840, 160)
        copy_out(5000, 8)


def _sc_feat_body(feat_hbm, ids_hbm, emb_out, fbuf, cbuf, ibig, sbuf, fpad,
                  ftab):
    cid = lax.axis_index("c")
    sid = lax.axis_index("s")
    row_base, base, blo, bhi = _sc_prologue(ids_hbm, fbuf, ibig, ftab,
                                            cid, sid)

    def block_body(b, _):
        pltpu.sync_copy(feat_hbm.at[pl.ds(row_base + b * BLK, BLK)], fbuf)
        _fill_sbuf(ibig, sbuf, b, base)
        _scatter_blk(fbuf, sbuf, ftab)
        return 0

    lax.fori_loop(blo, bhi, block_body, 0)
    plsc.subcore_barrier()
    _writeout(ftab, emb_out, fbuf, cid, sid)


def _sc_cone_body(cones_hbm, ids_hbm, c_out, fbuf, cbuf, ibig, sbuf, fpad,
                  ftab):
    cid = lax.axis_index("c")
    sid = lax.axis_index("s")
    row_base, base, blo, bhi = _sc_prologue(ids_hbm, fbuf, ibig, ftab,
                                            cid, sid)

    def block_body(b, _):
        pltpu.sync_copy(cones_hbm.at[pl.ds(row_base + b * BLK, BLK)], cbuf)
        _fill_sbuf(ibig, sbuf, b, base)

        def pad_row(r, _):
            fbuf[r, pl.ds(0, 16)] = cbuf[r, pl.ds(0, 16)]
            return 0

        lax.fori_loop(0, BLK, pad_row, 0)
        _scatter_blk(fbuf, sbuf, ftab)
        return 0

    lax.fori_loop(blo, bhi, block_body, 0)
    plsc.subcore_barrier()
    _writeout(ftab, c_out, fbuf, cid, sid)


def _tc_finalize_body(emb_ref, c_ref, w1_ref, w2_ref, w3_ref, b3_ref,
                      emb_out, cent_out, mlp_out):
    e = emb_ref[...]
    c4 = c_ref[...]
    counts = c4[:, 3:4]
    denom = jnp.maximum(counts, 1.0)
    emb = e / denom
    cent_out[...] = c4 / denom
    emb_out[...] = emb
    h = jnp.maximum(jnp.dot(emb, w1_ref[...],
                            preferred_element_type=jnp.float32), 0.0)
    h = jnp.maximum(jnp.dot(h, w2_ref[...],
                            preferred_element_type=jnp.float32), 0.0)
    mlp_out[...] = jnp.dot(h, w3_ref[...],
                           preferred_element_type=jnp.float32) + b3_ref[...]


def _tc_finalize(emb_sums, c_sums, W1, W2, W3, b3):
    SB = 400
    grid = (S // SB,)
    return pl.pallas_call(
        _tc_finalize_body,
        grid=grid,
        in_specs=[
            pl.BlockSpec((SB, D), lambda i: (i, 0)),
            pl.BlockSpec((SB, CW), lambda i: (i, 0)),
            pl.BlockSpec((D, 64), lambda i: (0, 0)),
            pl.BlockSpec((64, 64), lambda i: (0, 0)),
            pl.BlockSpec((64, OUT), lambda i: (0, 0)),
            pl.BlockSpec((1, OUT), lambda i: (0, 0)),
        ],
        out_specs=[
            pl.BlockSpec((SB, D), lambda i: (i, 0)),
            pl.BlockSpec((SB, CW), lambda i: (i, 0)),
            pl.BlockSpec((SB, OUT), lambda i: (i, 0)),
        ],
        out_shape=[
            jax.ShapeDtypeStruct((S, D), jnp.float32),
            jax.ShapeDtypeStruct((S, CW), jnp.float32),
            jax.ShapeDtypeStruct((S, OUT), jnp.float32),
        ],
    )(emb_sums, c_sums, W1, W2, W3, b3)


def kernel(features, coords, instance_ids, W1, W2, W3, b3):
    ones = jnp.ones((N, 1), jnp.float32)
    pad = jnp.zeros((N, CW - 4), jnp.float32)
    cones = jnp.concatenate([coords, ones, pad], axis=1)

    parts_emb = _make_sc_call(False)(features, instance_ids)
    parts_c = _make_sc_call(True)(cones, instance_ids)

    emb_sums = parts_emb[:, :SEGH, :].reshape(S, D)
    c_sums = parts_c[:, :SEGH, :CW].reshape(S, CW)
    emb, cent4, out = _tc_finalize(emb_sums, c_sums, W1, W2, W3,
                                   b3.reshape(1, OUT))
    return emb, cent4[:, :3], out

# --- scband reference (transcript-rebuilt; emitter-appended) ---
"""Pipeline reference for scband-masked-average-pooling-48438641164895 (READ-ONLY COPY).

The authoritative reference and input builder live on the scoring server;
editing this copy changes nothing except your own understanding.
"""

import jax, jax.numpy as jnp
import numpy as np

N = 320000
D = 128
S = 10000
OUT = 32


def setup_inputs(seed: int = 0) -> dict:
    key = jax.random.key(seed)
    k1, k2, k3, k4, k5, k6 = jax.random.split(key, 6)
    features = jax.random.normal(k1, (N, D), dtype=jnp.float32)
    coords = jax.random.normal(k2, (N, 3), dtype=jnp.float32)
    instance_ids = jnp.sort(jax.random.randint(k3, (N,), 0, S, dtype=jnp.int32))
    # MLP params: Linear(D,64,bias=False), Linear(64,64,bias=False), Linear(64,OUT,bias=True)
    W1 = jax.random.normal(k4, (D, 64), dtype=jnp.float32) * 0.05
    W2 = jax.random.normal(k5, (64, 64), dtype=jnp.float32) * 0.05
    W3 = jax.random.normal(k6, (64, OUT), dtype=jnp.float32) * 0.05
    b3 = jnp.zeros((OUT,), dtype=jnp.float32)
    return {"features": features, "coords": coords, "instance_ids": instance_ids,
            "W1": W1, "W2": W2, "W3": W3, "b3": b3}


def reference(features, coords, instance_ids, W1, W2, W3, b3):
    # Masked average pooling per instance: segment-mean of point features
    ones = jnp.ones((features.shape[0],), dtype=features.dtype)
    counts = jax.ops.segment_sum(ones, instance_ids, num_segments=S)
    denom = jnp.clip(counts, 1.0)[:, None]
    # embeddings[i] = mean of features where instance_ids == i  (prototype mean)
    embeddings = jax.ops.segment_sum(features, instance_ids, num_segments=S) / denom
    # centroids = scatter_mean(coords, instance_ids)
    centroids = jax.ops.segment_sum(coords, instance_ids, num_segments=S) / denom
    # MLP head on per-instance embeddings
    h = jax.nn.relu(embeddings @ W1)
    h = jax.nn.relu(h @ W2)
    out = h @ W3 + b3
    return embeddings, centroids, out

if __name__ == "__main__":
    import jax
    _d = setup_inputs()
    print(jax.jit(kernel)(*tuple(_d.values())))

</pallas_src>

<mosaic_0001>
#map = affine_map<(d0, d1) -> (0, 0)>
#map1 = affine_map<(d0, d1) -> (0)>
#map2 = affine_map<(d0, d1) -> (0, 0, 0)>
module attributes {stable_mosaic.version = 14 : i64} {
  func.func @_sc_cone_body(%arg0: i32, %arg1: i32, %arg2: memref<320000x16xf32, #tpu.memory_space<hbm>>, %arg3: memref<320000xi32, #tpu.memory_space<hbm>>, %arg4: memref<2x5008x128xf32, #tpu.memory_space<hbm>>, %arg5: memref<160x128xf32, #tpu.memory_space<vmem>>, %arg6: memref<160x16xf32, #tpu.memory_space<vmem>>, %arg7: memref<20000xi32, #tpu.memory_space<vmem>>, %arg8: memref<2x80xi32, #tpu.memory_space<vmem>>, %arg9: memref<160x128xf32, #tpu.memory_space<vmem>>, %arg10: memref<5008x128xf32, #tpu.memory_space<vmem_shared>>) attributes {dimension_semantics = [#tpu.dimension_semantics<core_parallel>, #tpu.dimension_semantics<subcore_parallel>], iteration_bounds = array<i64: 2, 16>, scalar_prefetch = 0 : i64, scratch_operands = 6 : i64, tpu.core_type = #tpu.core_type<sc_vector_subcore>, window_params = [{transform_indices = #map}, {transform_indices = #map1}, {transform_indices = #map2}]} {
    %broadcast_in_dim3A = arith.constant 0.000000e+00 : f32
    %broadcast_in_dim3A_0 = vector.broadcast %broadcast_in_dim3A : f32 to vector<16xf32>
    %mul3A = arith.constant 5000 : i32
    %mul3A_1 = arith.muli %arg0, %mul3A : i32
    %scan3A = arith.constant 0 : i32
    %scan3A_2 = arith.constant 0 : i32
    %scan3A_3 = arith.constant 160 : i32
    %scan3A_4 = arith.addi %scan3A_2, %scan3A_3 : i32
    %scan3A_5 = arith.constant 1 : i32
    %scan3A_6 = scf.for %scan3A_106 = %scan3A_2 to %scan3A_4 step %scan3A_5 iter_args(%scan3A_107 = %scan3A) -> (i32)  : i32 {
      %swap3A = arith.index_cast %scan3A_106 : i32 to index
      %swap3A_108 = arith.constant 0 : index
      %swap3A_109 = tpu.vector_load %arg5[%swap3A, %swap3A_108] {strides = array<i32>} : memref<160x128xf32, #tpu.memory_space<vmem>>, vector<1x16xf32>,
      %swap3A_110 = vector.shape_cast %swap3A_109 : vector<1x16xf32> to vector<16xf32>
      %swap3A_111 = vector.shape_cast %broadcast_in_dim3A_0 : vector<16xf32> to vector<1x16xf32>
      tpu.vector_store %arg5[%swap3A, %swap3A_108], %swap3A_111 {strides = array<i32>} : memref<160x128xf32, #tpu.memory_space<vmem>>, vector<1x16xf32>,
      %swap3A_112 = arith.index_cast %scan3A_106 : i32 to index
      %swap3A_113 = arith.constant 16 : index
      %swap3A_114 = tpu.vector_load %arg5[%swap3A_112, %swap3A_113] {strides = array<i32>} : memref<160x128xf32, #tpu.memory_space<vmem>>, vector<1x16xf32>,
      %swap3A_115 = vector.shape_cast %swap3A_114 : vector<1x16xf32> to vector<16xf32>
      %swap3A_116 = vector.shape_cast %broadcast_in_dim3A_0 : vector<16xf32> to vector<1x16xf32>
      tpu.vector_store %arg5[%swap3A_112, %swap3A_113], %swap3A_116 {strides = array<i32>} : memref<160x128xf32, #tpu.memory_space<vmem>>, vector<1x16xf32>,
      %swap3A_117 = arith.index_cast %scan3A_106 : i32 to index
      %swap3A_118 = arith.constant 32 : index
      %swap3A_119 = tpu.vector_load %arg5[%swap3A_117, %swap3A_118] {strides = array<i32>} : memref<160x128xf32, #tpu.memory_space<vmem>>, vector<1x16xf32>,
      %swap3A_120 = vector.shape_cast %swap3A_119 : vector<1x16xf32> to vector<16xf32>
      %swap3A_121 = vector.shape_cast %broadcast_in_dim3A_0 : vector<16xf32> to vector<1x16xf32>
      tpu.vector_store %arg5[%swap3A_117, %swap3A_118], %swap3A_121 {strides = array<i32>} : memref<160x128xf32, #tpu.memory_space<vmem>>, vector<1x16xf32>,
      %swap3A_122 = arith.index_cast %scan3A_106 : i32 to index
      %swap3A_123 = arith.constant 48 : index
      %swap3A_124 = tpu.vector_load %arg5[%swap3A_122, %swap3A_123] {strides = array<i32>} : memref<160x128xf32, #tpu.memory_space<vmem>>, vector<1x16xf32>,
      %swap3A_125 = vector.shape_cast %swap3A_124 : vector<1x16xf32> to vector<16xf32>
      %swap3A_126 = vector.shape_cast %broadcast_in_dim3A_0 : vector<16xf32> to vector<1x16xf32>
      tpu.vector_store %arg5[%swap3A_122, %swap3A_123], %swap3A_126 {strides = array<i32>} : memref<160x128xf32, #tpu.memory_space<vmem>>, vector<1x16xf32>,
      %swap3A_127 = arith.index_cast %scan3A_106 : i32 to index
      %swap3A_128 = arith.constant 64 : index
      %swap3A_129 = tpu.vector_load %arg5[%swap3A_127, %swap3A_128] {strides = array<i32>} : memref<160x128xf32, #tpu.memory_space<vmem>>, vector<1x16xf32>,
      %swap3A_130 = vector.shape_cast %swap3A_129 : vector<1x16xf32> to vector<16xf32>
      %swap3A_131 = vector.shape_cast %broadcast_in_dim3A_0 : vector<16xf32> to vector<1x16xf32>
      tpu.vector_store %arg5[%swap3A_127, %swap3A_128], %swap3A_131 {strides = array<i32>} : memref<160x128xf32, #tpu.memory_space<vmem>>, vector<1x16xf32>,
      %swap3A_132 = arith.index_cast %scan3A_106 : i32 to index
      %swap3A_133 = arith.constant 80 : index
      %swap3A_134 = tpu.vector_load %arg5[%swap3A_132, %swap3A_133] {strides = array<i32>} : memref<160x128xf32, #tpu.memory_space<vmem>>, vector<1x16xf32>,
      %swap3A_135 = vector.shape_cast %swap3A_134 : vector<1x16xf32> to vector<16xf32>
      %swap3A_136 = vector.shape_cast %broadcast_in_dim3A_0 : vector<16xf32> to vector<1x16xf32>
      tpu.vector_store %arg5[%swap3A_132, %swap3A_133], %swap3A_136 {strides = array<i32>} : memref<160x128xf32, #tpu.memory_space<vmem>>, vector<1x16xf32>,
      %swap3A_137 = arith.index_cast %scan3A_106 : i32 to index
      %swap3A_138 = arith.constant 96 : index
      %swap3A_139 = tpu.vector_load %arg5[%swap3A_137, %swap3A_138] {strides = array<i32>} : memref<160x128xf32, #tpu.memory_space<vmem>>, vector<1x16xf32>,
      %swap3A_140 = vector.shape_cast %swap3A_139 : vector<1x16xf32> to vector<16xf32>
      %swap3A_141 = vector.shape_cast %broadcast_in_dim3A_0 : vector<16xf32> to vector<1x16xf32>
      tpu.vector_store %arg5[%swap3A_137, %swap3A_138], %swap3A_141 {strides = array<i32>} : memref<160x128xf32, #tpu.memory_space<vmem>>, vector<1x16xf32>,
      %swap3A_142 = arith.index_cast %scan3A_106 : i32 to index
      %swap3A_143 = arith.constant 112 : index
      %swap3A_144 = tpu.vector_load %arg5[%swap3A_142, %swap3A_143] {strides = array<i32>} : memref<160x128xf32, #tpu.memory_space<vmem>>, vector<1x16xf32>,
      %swap3A_145 = vector.shape_cast %swap3A_144 : vector<1x16xf32> to vector<16xf32>
      %swap3A_146 = vector.shape_cast %broadcast_in_dim3A_0 : vector<16xf32> to vector<1x16xf32>
      tpu.vector_store %arg5[%swap3A_142, %swap3A_143], %swap3A_146 {strides = array<i32>} : memref<160x128xf32, #tpu.memory_space<vmem>>, vector<1x16xf32>,
      %scan3A_147 = arith.constant 0 : i32
      scf.yield %scan3A_147 : i32
    }
    %scan3A_7 = arith.constant 160 : i32
    %lt3A = arith.constant 15 : i32
    %lt3A_8 = arith.cmpi slt, %arg1, %lt3A : i32
    %convert_element_type3A = arith.extui %lt3A_8 : i1 to i32
    %cond3A = arith.constant 0 : i32
    %cond3A_9 = arith.cmpi ne, %convert_element_type3A, %cond3A : i32
    scf.if %cond3A_9 {
      %mul3A_106 = arith.constant 312 : i32
      %mul3A_107 = arith.muli %arg1, %mul3A_106 : i32
      "tpu.region"() ({
        %run_scoped3A = tpu.sem_alloc : memref<!tpu.dma_semaphore, #tpu.memory_space<semaphore_mem>>
        %dma_start3A = arith.constant 0 : i32
        %dma_start3A_110 = arith.constant 0 : i32
        %dma_start3A_111 = tpu.memref_slice %arg5[%dma_start3A, %dma_start3A_110] : memref<160x128xf32, #tpu.memory_space<vmem>> -> memref<160x128xf32, #tpu.memory_space<vmem>>
        %dma_start3A_112 = arith.constant 0 : i32
        %dma_start3A_113 = tpu.memref_slice %arg10[%mul3A_107, %dma_start3A_112] : memref<5008x128xf32, #tpu.memory_space<vmem_shared>> -> memref<160x128xf32, #tpu.memory_space<vmem_shared>>
        %dma_start3A_114 = arith.constant 0 : i32
        %dma_start3A_115 = tpu.memref_slice %arg10[%mul3A_107, %dma_start3A_114] : memref<5008x128xf32, #tpu.memory_space<vmem_shared>> -> memref<160x128xf32, #tpu.memory_space<vmem_shared>>
        %dma_start3A_116 = arith.constant 0 : i32
        %dma_start3A_117 = arith.constant 0 : i32
        %dma_start3A_118 = tpu.memref_slice %arg5[%dma_start3A_116, %dma_start3A_117] : memref<160x128xf32, #tpu.memory_space<vmem>> -> memref<160x128xf32, #tpu.memory_space<vmem>>
        tpu.enqueue_dma source(%dma_start3A_118 : memref<160x128xf32, #tpu.memory_space<vmem>>) target(%dma_start3A_115 : memref<160x128xf32, #tpu.memory_space<vmem_shared>>) target_semaphore(%run_scoped3A : memref<!tpu.dma_semaphore, #tpu.memory_space<semaphore_mem>>)
        %dma_wait3A = arith.constant 0 : i32
        %dma_wait3A_119 = arith.constant 0 : i32
        %dma_wait3A_120 = tpu.memref_slice %arg5[%dma_wait3A, %dma_wait3A_119] : memref<160x128xf32, #tpu.memory_space<vmem>> -> memref<160x128xf32, #tpu.memory_space<vmem>>
        %dma_wait3A_121 = arith.constant 0 : i32
        %dma_wait3A_122 = tpu.memref_slice %arg10[%mul3A_107, %dma_wait3A_121] : memref<5008x128xf32, #tpu.memory_space<vmem_shared>> -> memref<160x128xf32, #tpu.memory_space<vmem_shared>>
        %dma_wait3A_123 = arith.constant 0 : i32
        %dma_wait3A_124 = tpu.memref_slice %arg10[%mul3A_107, %dma_wait3A_123] : memref<5008x128xf32, #tpu.memory_space<vmem_shared>> -> memref<160x128xf32, #tpu.memory_space<vmem_shared>>
        %dma_wait3A_125 = arith.constant 0 : i32
        %dma_wait3A_126 = arith.constant 0 : i32
        %dma_wait3A_127 = tpu.memref_slice %arg5[%dma_wait3A_125, %dma_wait3A_126] : memref<160x128xf32, #tpu.memory_space<vmem>> -> memref<160x128xf32, #tpu.memory_space<vmem>>
        tpu.wait_dma2 semaphore(%run_scoped3A : memref<!tpu.dma_semaphore, #tpu.memory_space<semaphore_mem>>) src(%dma_wait3A_127 : memref<160x128xf32, #tpu.memory_space<vmem>>) dst(%dma_wait3A_124 : memref<160x128xf32, #tpu.memory_space<vmem_shared>>)
        tpu.yield
      }) : () -> ()
      %add3A_108 = arith.constant 160 : i32
      %add3A_109 = arith.addi %mul3A_107, %add3A_108 : i32
      "tpu.region"() ({
        %run_scoped3A = tpu.sem_alloc : memref<!tpu.dma_semaphore, #tpu.memory_space<semaphore_mem>>
        %dma_start3A = arith.constant 0 : i32
        %dma_start3A_110 = arith.constant 0 : i32
        %dma_start3A_111 = tpu.memref_slice %arg5[%dma_start3A, %dma_start3A_110] : memref<160x128xf32, #tpu.memory_space<vmem>> -> memref<152x128xf32, #tpu.memory_space<vmem>>
        %dma_start3A_112 = arith.constant 0 : i32
        %dma_start3A_113 = tpu.memref_slice %arg10[%add3A_109, %dma_start3A_112] : memref<5008x128xf32, #tpu.memory_space<vmem_shared>> -> memref<152x128xf32, #tpu.memory_space<vmem_shared>>
        %dma_start3A_114 = arith.constant 0 : i32
        %dma_start3A_115 = tpu.memref_slice %arg10[%add3A_109, %dma_start3A_114] : memref<5008x128xf32, #tpu.memory_space<vmem_shared>> -> memref<152x128xf32, #tpu.memory_space<vmem_shared>>
        %dma_start3A_116 = arith.constant 0 : i32
        %dma_start3A_117 = arith.constant 0 : i32
        %dma_start3A_118 = tpu.memref_slice %arg5[%dma_start3A_116, %dma_start3A_117] : memref<160x128xf32, #tpu.memory_space<vmem>> -> memref<152x128xf32, #tpu.memory_space<vmem>>
        tpu.enqueue_dma source(%dma_start3A_118 : memref<152x128xf32, #tpu.memory_space<vmem>>) target(%dma_start3A_115 : memref<152x128xf32, #tpu.memory_space<vmem_shared>>) target_semaphore(%run_scoped3A : memref<!tpu.dma_semaphore, #tpu.memory_space<semaphore_mem>>)
        %dma_wait3A = arith.constant 0 : i32
        %dma_wait3A_119 = arith.constant 0 : i32
        %dma_wait3A_120 = tpu.memref_slice %arg5[%dma_wait3A, %dma_wait3A_119] : memref<160x128xf32, #tpu.memory_space<vmem>> -> memref<152x128xf32, #tpu.memory_space<vmem>>
        %dma_wait3A_121 = arith.constant 0 : i32
        %dma_wait3A_122 = tpu.memref_slice %arg10[%add3A_109, %dma_wait3A_121] : memref<5008x128xf32, #tpu.memory_space<vmem_shared>> -> memref<152x128xf32, #tpu.memory_space<vmem_shared>>
        %dma_wait3A_123 = arith.constant 0 : i32
        %dma_wait3A_124 = tpu.memref_slice %arg10[%add3A_109, %dma_wait3A_123] : memref<5008x128xf32, #tpu.memory_space<vmem_shared>> -> memref<152x128xf32, #tpu.memory_space<vmem_shared>>
        %dma_wait3A_125 = arith.constant 0 : i32
        %dma_wait3A_126 = arith.constant 0 : i32
        %dma_wait3A_127 = tpu.memref_slice %arg5[%dma_wait3A_125, %dma_wait3A_126] : memref<160x128xf32, #tpu.memory_space<vmem>> -> memref<152x128xf32, #tpu.memory_space<vmem>>
        tpu.wait_dma2 semaphore(%run_scoped3A : memref<!tpu.dma_semaphore, #tpu.memory_space<semaphore_mem>>) src(%dma_wait3A_127 : memref<152x128xf32, #tpu.memory_space<vmem>>) dst(%dma_wait3A_124 : memref<152x128xf32, #tpu.memory_space<vmem_shared>>)
        tpu.yield
      }) : () -> ()
    } else {
    }
    %eq3A = arith.constant 15 : i32
    %eq3A_10 = arith.cmpi eq, %arg1, %eq3A : i32
    %convert_element_type3A_11 = arith.extui %eq3A_10 : i1 to i32
    %cond3A_12 = arith.constant 0 : i32
    %cond3A_13 = arith.cmpi ne, %convert_element_type3A_11, %cond3A_12 : i32
    scf.if %cond3A_13 {
      "tpu.region"() ({
        %run_scoped3A = tpu.sem_alloc : memref<!tpu.dma_semaphore, #tpu.memory_space<semaphore_mem>>
        %dma_start3A = arith.constant 0 : i32
        %dma_start3A_106 = arith.constant 0 : i32
        %dma_start3A_107 = tpu.memref_slice %arg5[%dma_start3A, %dma_start3A_106] : memref<160x128xf32, #tpu.memory_space<vmem>> -> memref<160x128xf32, #tpu.memory_space<vmem>>
        %dma_start3A_108 = arith.constant 4680 : i32
        %dma_start3A_109 = arith.constant 0 : i32
        %dma_start3A_110 = tpu.memref_slice %arg10[%dma_start3A_108, %dma_start3A_109] : memref<5008x128xf32, #tpu.memory_space<vmem_shared>> -> memref<160x128xf32, #tpu.memory_space<vmem_shared>>
        %dma_start3A_111 = arith.constant 4680 : i32
        %dma_start3A_112 = arith.constant 0 : i32
        %dma_start3A_113 = tpu.memref_slice %arg10[%dma_start3A_111, %dma_start3A_112] : memref<5008x128xf32, #tpu.memory_space<vmem_shared>> -> memref<160x128xf32, #tpu.memory_space<vmem_shared>>
        %dma_start3A_114 = arith.constant 0 : i32
        %dma_start3A_115 = arith.constant 0 : i32
        %dma_start3A_116 = tpu.memref_slice %arg5[%dma_start3A_114, %dma_start3A_115] : memref<160x128xf32, #tpu.memory_space<vmem>> -> memref<160x128xf32, #tpu.memory_space<vmem>>
        tpu.enqueue_dma source(%dma_start3A_116 : memref<160x128xf32, #tpu.memory_space<vmem>>) target(%dma_start3A_113 : memref<160x128xf32, #tpu.memory_space<vmem_shared>>) target_semaphore(%run_scoped3A : memref<!tpu.dma_semaphore, #tpu.memory_space<semaphore_mem>>)
        %dma_wait3A = arith.constant 0 : i32
        %dma_wait3A_117 = arith.constant 0 : i32
        %dma_wait3A_118 = tpu.memref_slice %arg5[%dma_wait3A, %dma_wait3A_117] : memref<160x128xf32, #tpu.memory_space<vmem>> -> memref<160x128xf32, #tpu.memory_space<vmem>>
        %dma_wait3A_119 = arith.constant 4680 : i32
        %dma_wait3A_120 = arith.constant 0 : i32
        %dma_wait3A_121 = tpu.memref_slice %arg10[%dma_wait3A_119, %dma_wait3A_120] : memref<5008x128xf32, #tpu.memory_space<vmem_shared>> -> memref<160x128xf32, #tpu.memory_space<vmem_shared>>
        %dma_wait3A_122 = arith.constant 4680 : i32
        %dma_wait3A_123 = arith.constant 0 : i32
        %dma_wait3A_124 = tpu.memref_slice %arg10[%dma_wait3A_122, %dma_wait3A_123] : memref<5008x128xf32, #tpu.memory_space<vmem_shared>> -> memref<160x128xf32, #tpu.memory_space<vmem_shared>>
        %dma_wait3A_125 = arith.constant 0 : i32
        %dma_wait3A_126 = arith.constant 0 : i32
        %dma_wait3A_127 = tpu.memref_slice %arg5[%dma_wait3A_125, %dma_wait3A_126] : memref<160x128xf32, #tpu.memory_space<vmem>> -> memref<160x128xf32, #tpu.memory_space<vmem>>
        tpu.wait_dma2 semaphore(%run_scoped3A : memref<!tpu.dma_semaphore, #tpu.memory_space<semaphore_mem>>) src(%dma_wait3A_127 : memref<160x128xf32, #tpu.memory_space<vmem>>) dst(%dma_wait3A_124 : memref<160x128xf32, #tpu.memory_space<vmem_shared>>)
        tpu.yield
      }) : () -> ()
      "tpu.region"() ({
        %run_scoped3A = tpu.sem_alloc : memref<!tpu.dma_semaphore, #tpu.memory_space<semaphore_mem>>
        %dma_start3A = arith.constant 0 : i32
        %dma_start3A_106 = arith.constant 0 : i32
        %dma_start3A_107 = tpu.memref_slice %arg5[%dma_start3A, %dma_start3A_106] : memref<160x128xf32, #tpu.memory_space<vmem>> -> memref<160x128xf32, #tpu.memory_space<vmem>>
        %dma_start3A_108 = arith.constant 4840 : i32
        %dma_start3A_109 = arith.constant 0 : i32
        %dma_start3A_110 = tpu.memref_slice %arg10[%dma_start3A_108, %dma_start3A_109] : memref<5008x128xf32, #tpu.memory_space<vmem_shared>> -> memref<160x128xf32, #tpu.memory_space<vmem_shared>>
        %dma_start3A_111 = arith.constant 4840 : i32
        %dma_start3A_112 = arith.constant 0 : i32
        %dma_start3A_113 = tpu.memref_slice %arg10[%dma_start3A_111, %dma_start3A_112] : memref<5008x128xf32, #tpu.memory_space<vmem_shared>> -> memref<160x128xf32, #tpu.memory_space<vmem_shared>>
        %dma_start3A_114 = arith.constant 0 : i32
        %dma_start3A_115 = arith.constant 0 : i32
        %dma_start3A_116 = tpu.memref_slice %arg5[%dma_start3A_114, %dma_start3A_115] : memref<160x128xf32, #tpu.memory_space<vmem>> -> memref<160x128xf32, #tpu.memory_space<vmem>>
        tpu.enqueue_dma source(%dma_start3A_116 : memref<160x128xf32, #tpu.memory_space<vmem>>) target(%dma_start3A_113 : memref<160x128xf32, #tpu.memory_space<vmem_shared>>) target_semaphore(%run_scoped3A : memref<!tpu.dma_semaphore, #tpu.memory_space<semaphore_mem>>)
        %dma_wait3A = arith.constant 0 : i32
        %dma_wait3A_117 = arith.constant 0 : i32
        %dma_wait3A_118 = tpu.memref_slice %arg5[%dma_wait3A, %dma_wait3A_117] : memref<160x128xf32, #tpu.memory_space<vmem>> -> memref<160x128xf32, #tpu.memory_space<vmem>>
        %dma_wait3A_119 = arith.constant 4840 : i32
        %dma_wait3A_120 = arith.constant 0 : i32
        %dma_wait3A_121 = tpu.memref_slice %arg10[%dma_wait3A_119, %dma_wait3A_120] : memref<5008x128xf32, #tpu.memory_space<vmem_shared>> -> memref<160x128xf32, #tpu.memory_space<vmem_shared>>
        %dma_wait3A_122 = arith.constant 4840 : i32
        %dma_wait3A_123 = arith.constant 0 : i32
        %dma_wait3A_124 = tpu.memref_slice %arg10[%dma_wait3A_122, %dma_wait3A_123] : memref<5008x128xf32, #tpu.memory_space<vmem_shared>> -> memref<160x128xf32, #tpu.memory_space<vmem_shared>>
        %dma_wait3A_125 = arith.constant 0 : i32
        %dma_wait3A_126 = arith.constant 0 : i32
        %dma_wait3A_127 = tpu.memref_slice %arg5[%dma_wait3A_125, %dma_wait3A_126] : memref<160x128xf32, #tpu.memory_space<vmem>> -> memref<160x128xf32, #tpu.memory_space<vmem>>
        tpu.wait_dma2 semaphore(%run_scoped3A : memref<!tpu.dma_semaphore, #tpu.memory_space<semaphore_mem>>) src(%dma_wait3A_127 : memref<160x128xf32, #tpu.memory_space<vmem>>) dst(%dma_wait3A_124 : memref<160x128xf32, #tpu.memory_space<vmem_shared>>)
        tpu.yield
      }) : () -> ()
      "tpu.region"() ({
        %run_scoped3A = tpu.sem_alloc : memref<!tpu.dma_semaphore, #tpu.memory_space<semaphore_mem>>
        %dma_start3A = arith.constant 0 : i32
        %dma_start3A_106 = arith.constant 0 : i32
        %dma_start3A_107 = tpu.memref_slice %arg5[%dma_start3A, %dma_start3A_106] : memref<160x128xf32, #tpu.memory_space<vmem>> -> memref<8x128xf32, #tpu.memory_space<vmem>>
        %dma_start3A_108 = arith.constant 5000 : i32
        %dma_start3A_109 = arith.constant 0 : i32
        %dma_start3A_110 = tpu.memref_slice %arg10[%dma_start3A_108, %dma_start3A_109] : memref<5008x128xf32, #tpu.memory_space<vmem_shared>> -> memref<8x128xf32, #tpu.memory_space<vmem_shared>>
        %dma_start3A_111 = arith.constant 5000 : i32
        %dma_start3A_112 = arith.constant 0 : i32
        %dma_start3A_113 = tpu.memref_slice %arg10[%dma_start3A_111, %dma_start3A_112] : memref<5008x128xf32, #tpu.memory_space<vmem_shared>> -> memref<8x128xf32, #tpu.memory_space<vmem_shared>>
        %dma_start3A_114 = arith.constant 0 : i32
        %dma_start3A_115 = arith.constant 0 : i32
        %dma_start3A_116 = tpu.memref_slice %arg5[%dma_start3A_114, %dma_start3A_115] : memref<160x128xf32, #tpu.memory_space<vmem>> -> memref<8x128xf32, #tpu.memory_space<vmem>>
        tpu.enqueue_dma source(%dma_start3A_116 : memref<8x128xf32, #tpu.memory_space<vmem>>) target(%dma_start3A_113 : memref<8x128xf32, #tpu.memory_space<vmem_shared>>) target_semaphore(%run_scoped3A : memref<!tpu.dma_semaphore, #tpu.memory_space<semaphore_mem>>)
        %dma_wait3A = arith.constant 0 : i32
        %dma_wait3A_117 = arith.constant 0 : i32
        %dma_wait3A_118 = tpu.memref_slice %arg5[%dma_wait3A, %dma_wait3A_117] : memref<160x128xf32, #tpu.memory_space<vmem>> -> memref<8x128xf32, #tpu.memory_space<vmem>>
        %dma_wait3A_119 = arith.constant 5000 : i32
        %dma_wait3A_120 = arith.constant 0 : i32
        %dma_wait3A_121 = tpu.memref_slice %arg10[%dma_wait3A_119, %dma_wait3A_120] : memref<5008x128xf32, #tpu.memory_space<vmem_shared>> -> memref<8x128xf32, #tpu.memory_space<vmem_shared>>
        %dma_wait3A_122 = arith.constant 5000 : i32
        %dma_wait3A_123 = arith.constant 0 : i32
        %dma_wait3A_124 = tpu.memref_slice %arg10[%dma_wait3A_122, %dma_wait3A_123] : memref<5008x128xf32, #tpu.memory_space<vmem_shared>> -> memref<8x128xf32, #tpu.memory_space<vmem_shared>>
        %dma_wait3A_125 = arith.constant 0 : i32
        %dma_wait3A_126 = arith.constant 0 : i32
        %dma_wait3A_127 = tpu.memref_slice %arg5[%dma_wait3A_125, %dma_wait3A_126] : memref<160x128xf32, #tpu.memory_space<vmem>> -> memref<8x128xf32, #tpu.memory_space<vmem>>
        tpu.wait_dma2 semaphore(%run_scoped3A : memref<!tpu.dma_semaphore, #tpu.memory_space<semaphore_mem>>) src(%dma_wait3A_127 : memref<8x128xf32, #tpu.memory_space<vmem>>) dst(%dma_wait3A_124 : memref<8x128xf32, #tpu.memory_space<vmem_shared>>)
        tpu.yield
      }) : () -> ()
    } else {
    }
    %mul3A_14 = arith.constant 20000 : i32
    %mul3A_15 = arith.muli %arg1, %mul3A_14 : i32
    "tpu.region"() ({
      %run_scoped3A = tpu.sem_alloc : memref<!tpu.dma_semaphore, #tpu.memory_space<semaphore_mem>>
      %dma_start3A = tpu.memref_slice %arg3[%mul3A_15] : memref<320000xi32, #tpu.memory_space<hbm>> -> memref<20000xi32, #tpu.memory_space<hbm>>
      %dma_start3A_106 = tpu.memref_slice %arg3[%mul3A_15] : memref<320000xi32, #tpu.memory_space<hbm>> -> memref<20000xi32, #tpu.memory_space<hbm>>
      tpu.enqueue_dma source(%dma_start3A_106 : memref<20000xi32, #tpu.memory_space<hbm>>) target(%arg7 : memref<20000xi32, #tpu.memory_space<vmem>>) target_semaphore(%run_scoped3A : memref<!tpu.dma_semaphore, #tpu.memory_space<semaphore_mem>>)
      %dma_wait3A = tpu.memref_slice %arg3[%mul3A_15] : memref<320000xi32, #tpu.memory_space<hbm>> -> memref<20000xi32, #tpu.memory_space<hbm>>
      %dma_wait3A_107 = tpu.memref_slice %arg3[%mul3A_15] : memref<320000xi32, #tpu.memory_space<hbm>> -> memref<20000xi32, #tpu.memory_space<hbm>>
      tpu.wait_dma2 semaphore(%run_scoped3A : memref<!tpu.dma_semaphore, #tpu.memory_space<semaphore_mem>>) src(%dma_wait3A_107 : memref<20000xi32, #tpu.memory_space<hbm>>) dst(%arg7 : memref<20000xi32, #tpu.memory_space<vmem>>)
      tpu.yield
    }) : () -> ()
    %barrier3A = arith.constant 0 : index
    tpu.barrier barrier_id(%barrier3A)
    %scan3A_16 = arith.constant 0 : i32
    %scan3A_17 = arith.constant 1250 : i32
    %scan3A_18 = arith.constant 0 : i32
    %scan3A_19 = arith.constant 11 : i32
    %scan3A_20 = arith.addi %scan3A_18, %scan3A_19 : i32
    %scan3A_21 = arith.constant 1 : i32
    %scan3A_22:2 = scf.for %scan3A_106 = %scan3A_18 to %scan3A_20 step %scan3A_21 iter_args(%scan3A_107 = %scan3A_16, %scan3A_108 = %scan3A_17) -> (i32, i32)  : i32 {
      %add3A_109 = arith.addi %scan3A_107, %scan3A_108 : i32
      %shift_right_arithmetic3A = arith.constant 1 : i32
      %shift_right_arithmetic3A_110 = arith.shrsi %add3A_109, %shift_right_arithmetic3A : i32
      %mul3A_111 = arith.constant 16 : i32
      %mul3A_112 = arith.muli %shift_right_arithmetic3A_110, %mul3A_111 : i32
      %get3A = arith.index_cast %mul3A_112 : i32 to index
      %get3A_113 = tpu.vector_load %arg7[%get3A] {strides = array<i32>} : memref<20000xi32, #tpu.memory_space<vmem>>, vector<16xi32>,
      %get3A_114 = vector.shape_cast %get3A_113 : vector<16xi32> to vector<16xi32>
      %slice3A = vector.extract_strided_slice %get3A_114 {offsets = [0], sizes = [1], strides = [1]} : vector<16xi32> to vector<1xi32>
      %squeeze3A = vector.extract %slice3A[0] : i32 from vector<1xi32>
      %lt3A_115 = arith.cmpi slt, %squeeze3A, %mul3A_1 : i32
      %add3A_116 = arith.constant 1 : i32
      %add3A_117 = arith.addi %shift_right_arithmetic3A_110, %add3A_116 : i32
      %select_n3A_118 = arith.select %lt3A_115, %add3A_117, %scan3A_107 : i32
      %select_n3A_119 = arith.select %lt3A_115, %scan3A_108, %shift_right_arithmetic3A_110 : i32
      scf.yield %select_n3A_118, %select_n3A_119 : i32, i32
    }
    %scan3A_23 = arith.constant 11 : i32
    %add3A = arith.constant 5000 : i32
    %add3A_24 = arith.addi %mul3A_1, %add3A : i32
    %scan3A_25 = arith.constant 0 : i32
    %scan3A_26 = arith.constant 1250 : i32
    %scan3A_27 = arith.constant 0 : i32
    %scan3A_28 = arith.constant 11 : i32
    %scan3A_29 = arith.addi %scan3A_27, %scan3A_28 : i32
    %scan3A_30 = arith.constant 1 : i32
    %scan3A_31:2 = scf.for %scan3A_106 = %scan3A_27 to %scan3A_29 step %scan3A_30 iter_args(%scan3A_107 = %scan3A_25, %scan3A_108 = %scan3A_26) -> (i32, i32)  : i32 {
      %add3A_109 = arith.addi %scan3A_107, %scan3A_108 : i32
      %shift_right_arithmetic3A = arith.constant 1 : i32
      %shift_right_arithmetic3A_110 = arith.shrsi %add3A_109, %shift_right_arithmetic3A : i32
      %mul3A_111 = arith.constant 16 : i32
      %mul3A_112 = arith.muli %shift_right_arithmetic3A_110, %mul3A_111 : i32
      %get3A = arith.index_cast %mul3A_112 : i32 to index
      %get3A_113 = tpu.vector_load %arg7[%get3A] {strides = array<i32>} : memref<20000xi32, #tpu.memory_space<vmem>>, vector<16xi32>,
      %get3A_114 = vector.shape_cast %get3A_113 : vector<16xi32> to vector<16xi32>
      %slice3A = vector.extract_strided_slice %get3A_114 {offsets = [0], sizes = [1], strides = [1]} : vector<16xi32> to vector<1xi32>
      %squeeze3A = vector.extract %slice3A[0] : i32 from vector<1xi32>
      %lt3A_115 = arith.cmpi slt, %squeeze3A, %add3A_24 : i32
      %add3A_116 = arith.constant 1 : i32
      %add3A_117 = arith.addi %shift_right_arithmetic3A_110, %add3A_116 : i32
      %select_n3A_118 = arith.select %lt3A_115, %add3A_117, %scan3A_107 : i32
      %select_n3A_119 = arith.select %lt3A_115, %scan3A_108, %shift_right_arithmetic3A_110 : i32
      scf.yield %select_n3A_118, %select_n3A_119 : i32, i32
    }
    %scan3A_32 = arith.constant 11 : i32
    %sub3A = arith.constant 1 : i32
    %sub3A_33 = arith.subi %scan3A_22#0, %sub3A : i32
    %max3A = arith.constant 0 : i32
    %max3A_34 = arith.maxsi %sub3A_33, %max3A : i32
    %mul3A_35 = arith.constant 16 : i32
    %mul3A_36 = arith.muli %max3A_34, %mul3A_35 : i32
    %jit3A = arith.constant 160 : i32
    %div3A = arith.divsi %mul3A_36, %jit3A : i32
    %sign3A = arith.constant 0 : i32
    %sign3A_37 = arith.cmpi sgt, %mul3A_36, %sign3A : i32
    %sign3A_38 = arith.extui %sign3A_37 : i1 to i32
    %sign3A_39 = arith.constant 0 : i32
    %sign3A_40 = arith.cmpi slt, %mul3A_36, %sign3A_39 : i32
    %sign3A_41 = arith.extui %sign3A_40 : i1 to i32
    %sign3A_42 = arith.subi %sign3A_38, %sign3A_41 : i32
    %sign3A_43 = arith.constant 0 : i32
    %sign3A_44 = arith.cmpi sgt, %jit3A, %sign3A_43 : i32
    %sign3A_45 = arith.extui %sign3A_44 : i1 to i32
    %sign3A_46 = arith.constant 0 : i32
    %sign3A_47 = arith.cmpi slt, %jit3A, %sign3A_46 : i32
    %sign3A_48 = arith.extui %sign3A_47 : i1 to i32
    %sign3A_49 = arith.subi %sign3A_45, %sign3A_48 : i32
    %ne3A = arith.cmpi ne, %sign3A_42, %sign3A_49 : i32
    %rem3A = arith.remsi %mul3A_36, %jit3A : i32
    %ne3A_50 = arith.constant 0 : i32
    %ne3A_51 = arith.cmpi ne, %rem3A, %ne3A_50 : i32
    %and3A = arith.andi %ne3A, %ne3A_51 : i1
    %sub3A_52 = arith.constant 1 : i32
    %sub3A_53 = arith.subi %div3A, %sub3A_52 : i32
    %select_n3A = arith.select %and3A, %sub3A_53, %div3A : i32
    %mul3A_54 = arith.constant 16 : i32
    %mul3A_55 = arith.muli %scan3A_31#0, %mul3A_54 : i32
    %add3A_56 = arith.constant 160 : i32
    %add3A_57 = arith.addi %mul3A_55, %add3A_56 : i32
    %sub3A_58 = arith.constant 1 : i32
    %sub3A_59 = arith.subi %add3A_57, %sub3A_58 : i32
    %jit3A_60 = arith.constant 160 : i32
    %div3A_61 = arith.divsi %sub3A_59, %jit3A_60 : i32
    %sign3A_62 = arith.constant 0 : i32
    %sign3A_63 = arith.cmpi sgt, %sub3A_59, %sign3A_62 : i32
    %sign3A_64 = arith.extui %sign3A_63 : i1 to i32
    %sign3A_65 = arith.constant 0 : i32
    %sign3A_66 = arith.cmpi slt, %sub3A_59, %sign3A_65 : i32
    %sign3A_67 = arith.extui %sign3A_66 : i1 to i32
    %sign3A_68 = arith.subi %sign3A_64, %sign3A_67 : i32
    %sign3A_69 = arith.constant 0 : i32
    %sign3A_70 = arith.cmpi sgt, %jit3A_60, %sign3A_69 : i32
    %sign3A_71 = arith.extui %sign3A_70 : i1 to i32
    %sign3A_72 = arith.constant 0 : i32
    %sign3A_73 = arith.cmpi slt, %jit3A_60, %sign3A_72 : i32
    %sign3A_74 = arith.extui %sign3A_73 : i1 to i32
    %sign3A_75 = arith.subi %sign3A_71, %sign3A_74 : i32
    %ne3A_76 = arith.cmpi ne, %sign3A_68, %sign3A_75 : i32
    %rem3A_77 = arith.remsi %sub3A_59, %jit3A_60 : i32
    %ne3A_78 = arith.constant 0 : i32
    %ne3A_79 = arith.cmpi ne, %rem3A_77, %ne3A_78 : i32
    %and3A_80 = arith.andi %ne3A_76, %ne3A_79 : i1
    %sub3A_81 = arith.constant 1 : i32
    %sub3A_82 = arith.subi %div3A_61, %sub3A_81 : i32
    %select_n3A_83 = arith.select %and3A_80, %sub3A_82, %div3A_61 : i32
    %min3A = arith.constant 125 : i32
    %min3A_84 = arith.minsi %min3A, %select_n3A_83 : i32
    %while3A = arith.constant 0 : i32
    %while3A_85 = arith.subi %min3A_84, %select_n3A : i32
    %while3A_86 = arith.addi %select_n3A, %while3A_85 : i32
    %while3A_87 = arith.constant 1 : i32
    %while3A_88 = arith.divsi %while3A_85, %while3A_87 : i32
    %while3A_89 = arith.muli %while3A_88, %while3A_87 : i32
    %while3A_90 = arith.addi %select_n3A, %while3A_89 : i32
    %while3A_91 = arith.constant 1 : i32
    %while3A_92 = scf.for %while3A_106 = %select_n3A to %while3A_90 step %while3A_91 iter_args(%while3A_107 = %while3A) -> (i32)  : i32 {
      %mul3A_108 = arith.constant 160 : i32
      %mul3A_109 = arith.muli %while3A_106, %mul3A_108 : i32
      %add3A_110 = arith.addi %mul3A_15, %mul3A_109 : i32
      "tpu.region"() ({
        %run_scoped3A_387 = tpu.sem_alloc : memref<!tpu.dma_semaphore, #tpu.memory_space<semaphore_mem>>
        %dma_start3A = arith.constant 0 : i32
        %dma_start3A_388 = tpu.memref_slice %arg2[%add3A_110, %dma_start3A] : memref<320000x16xf32, #tpu.memory_space<hbm>> -> memref<160x16xf32, #tpu.memory_space<hbm>>
        %dma_start3A_389 = arith.constant 0 : i32
        %dma_start3A_390 = tpu.memref_slice %arg2[%add3A_110, %dma_start3A_389] : memref<320000x16xf32, #tpu.memory_space<hbm>> -> memref<160x16xf32, #tpu.memory_space<hbm>>
        tpu.enqueue_dma source(%dma_start3A_390 : memref<160x16xf32, #tpu.memory_space<hbm>>) target(%arg6 : memref<160x16xf32, #tpu.memory_space<vmem>>) target_semaphore(%run_scoped3A_387 : memref<!tpu.dma_semaphore, #tpu.memory_space<semaphore_mem>>)
        %dma_wait3A = arith.constant 0 : i32
        %dma_wait3A_391 = tpu.memref_slice %arg2[%add3A_110, %dma_wait3A] : memref<320000x16xf32, #tpu.memory_space<hbm>> -> memref<160x16xf32, #tpu.memory_space<hbm>>
        %dma_wait3A_392 = arith.constant 0 : i32
        %dma_wait3A_393 = tpu.memref_slice %arg2[%add3A_110, %dma_wait3A_392] : memref<320000x16xf32, #tpu.memory_space<hbm>> -> memref<160x16xf32, #tpu.memory_space<hbm>>
        tpu.wait_dma2 semaphore(%run_scoped3A_387 : memref<!tpu.dma_semaphore, #tpu.memory_space<semaphore_mem>>) src(%dma_wait3A_393 : memref<160x16xf32, #tpu.memory_space<hbm>>) dst(%arg6 : memref<160x16xf32, #tpu.memory_space<vmem>>)
        tpu.yield
      }) : () -> ()
      %mul3A_111 = arith.constant 160 : i32
      %mul3A_112 = arith.muli %while3A_106, %mul3A_111 : i32
      %add3A_113 = arith.constant 0 : i32
      %add3A_114 = arith.addi %mul3A_112, %add3A_113 : i32
      %add3A_115 = arith.constant 0 : i32
      %add3A_116 = arith.addi %add3A_114, %add3A_115 : i32
      %get3A = arith.index_cast %add3A_116 : i32 to index
      %get3A_117 = tpu.vector_load %arg7[%get3A] {strides = array<i32>} : memref<20000xi32, #tpu.memory_space<vmem>>, vector<16xi32>,
      %get3A_118 = vector.shape_cast %get3A_117 : vector<16xi32> to vector<16xi32>
      %sub3A_119 = vector.broadcast %mul3A_1 : i32 to vector<16xi32>
      %sub3A_120 = arith.subi %get3A_118, %sub3A_119 : vector<16xi32>
      %shift_right_arithmetic3A = arith.constant 31 : i32
      %shift_right_arithmetic3A_121 = vector.broadcast %shift_right_arithmetic3A : i32 to vector<16xi32>
      %shift_right_arithmetic3A_122 = arith.shrsi %sub3A_120, %shift_right_arithmetic3A_121 : vector<16xi32>
      %and3A_123 = arith.constant 16384 : i32
      %and3A_124 = vector.broadcast %and3A_123 : i32 to vector<16xi32>
      %and3A_125 = arith.andi %shift_right_arithmetic3A_122, %and3A_124 : vector<16xi32>
      %add3A_126 = arith.addi %sub3A_120, %and3A_125 : vector<16xi32>
      %min3A_127 = arith.constant 5000 : i32
      %min3A_128 = vector.broadcast %min3A_127 : i32 to vector<16xi32>
      %min3A_129 = arith.minsi %add3A_126, %min3A_128 : vector<16xi32>
      %swap3A = arith.constant 0 : i32
      %swap3A_130 = arith.index_cast %swap3A : i32 to index
      %swap3A_131 = arith.constant 0 : index
      %swap3A_132 = tpu.vector_load %arg8[%swap3A_130, %swap3A_131] {strides = array<i32>} : memref<2x80xi32, #tpu.memory_space<vmem>>, vector<1x16xi32>,
      %swap3A_133 = vector.shape_cast %swap3A_132 : vector<1x16xi32> to vector<16xi32>
      %swap3A_134 = vector.shape_cast %min3A_129 : vector<16xi32> to vector<1x16xi32>
      tpu.vector_store %arg8[%swap3A_130, %swap3A_131], %swap3A_134 {strides = array<i32>} : memref<2x80xi32, #tpu.memory_space<vmem>>, vector<1x16xi32>,
      %mul3A_135 = arith.constant 160 : i32
      %mul3A_136 = arith.muli %while3A_106, %mul3A_135 : i32
      %add3A_137 = arith.constant 0 : i32
      %add3A_138 = arith.addi %mul3A_136, %add3A_137 : i32
      %add3A_139 = arith.constant 16 : i32
      %add3A_140 = arith.addi %add3A_138, %add3A_139 : i32
      %get3A_141 = arith.index_cast %add3A_140 : i32 to index
      %get3A_142 = tpu.vector_load %arg7[%get3A_141] {strides = array<i32>} : memref<20000xi32, #tpu.memory_space<vmem>>, vector<16xi32>,
      %get3A_143 = vector.shape_cast %get3A_142 : vector<16xi32> to vector<16xi32>
      %sub3A_144 = vector.broadcast %mul3A_1 : i32 to vector<16xi32>
      %sub3A_145 = arith.subi %get3A_143, %sub3A_144 : vector<16xi32>
      %shift_right_arithmetic3A_146 = arith.constant 31 : i32
      %shift_right_arithmetic3A_147 = vector.broadcast %shift_right_arithmetic3A_146 : i32 to vector<16xi32>
      %shift_right_arithmetic3A_148 = arith.shrsi %sub3A_145, %shift_right_arithmetic3A_147 : vector<16xi32>
      %and3A_149 = arith.constant 16384 : i32
      %and3A_150 = vector.broadcast %and3A_149 : i32 to vector<16xi32>
      %and3A_151 = arith.andi %shift_right_arithmetic3A_148, %and3A_150 : vector<16xi32>
      %add3A_152 = arith.addi %sub3A_145, %and3A_151 : vector<16xi32>
      %min3A_153 = arith.constant 5000 : i32
      %min3A_154 = vector.broadcast %min3A_153 : i32 to vector<16xi32>
      %min3A_155 = arith.minsi %add3A_152, %min3A_154 : vector<16xi32>
      %swap3A_156 = arith.constant 0 : i32
      %swap3A_157 = arith.index_cast %swap3A_156 : i32 to index
      %swap3A_158 = arith.constant 16 : index
      %swap3A_159 = tpu.vector_load %arg8[%swap3A_157, %swap3A_158] {strides = array<i32>} : memref<2x80xi32, #tpu.memory_space<vmem>>, vector<1x16xi32>,
      %swap3A_160 = vector.shape_cast %swap3A_159 : vector<1x16xi32> to vector<16xi32>
      %swap3A_161 = vector.shape_cast %min3A_155 : vector<16xi32> to vector<1x16xi32>
      tpu.vector_store %arg8[%swap3A_157, %swap3A_158], %swap3A_161 {strides = array<i32>} : memref<2x80xi32, #tpu.memory_space<vmem>>, vector<1x16xi32>,
      %mul3A_162 = arith.constant 160 : i32
      %mul3A_163 = arith.muli %while3A_106, %mul3A_162 : i32
      %add3A_164 = arith.constant 0 : i32
      %add3A_165 = arith.addi %mul3A_163, %add3A_164 : i32
      %add3A_166 = arith.constant 32 : i32
      %add3A_167 = arith.addi %add3A_165, %add3A_166 : i32
      %get3A_168 = arith.index_cast %add3A_167 : i32 to index
      %get3A_169 = tpu.vector_load %arg7[%get3A_168] {strides = array<i32>} : memref<20000xi32, #tpu.memory_space<vmem>>, vector<16xi32>,
      %get3A_170 = vector.shape_cast %get3A_169 : vector<16xi32> to vector<16xi32>
      %sub3A_171 = vector.broadcast %mul3A_1 : i32 to vector<16xi32>
      %sub3A_172 = arith.subi %get3A_170, %sub3A_171 : vector<16xi32>
      %shift_right_arithmetic3A_173 = arith.constant 31 : i32
      %shift_right_arithmetic3A_174 = vector.broadcast %shift_right_arithmetic3A_173 : i32 to vector<16xi32>
      %shift_right_arithmetic3A_175 = arith.shrsi %sub3A_172, %shift_right_arithmetic3A_174 : vector<16xi32>
      %and3A_176 = arith.constant 16384 : i32
      %and3A_177 = vector.broadcast %and3A_176 : i32 to vector<16xi32>
      %and3A_178 = arith.andi %shift_right_arithmetic3A_175, %and3A_177 : vector<16xi32>
      %add3A_179 = arith.addi %sub3A_172, %and3A_178 : vector<16xi32>
      %min3A_180 = arith.constant 5000 : i32
      %min3A_181 = vector.broadcast %min3A_180 : i32 to vector<16xi32>
      %min3A_182 = arith.minsi %add3A_179, %min3A_181 : vector<16xi32>
      %swap3A_183 = arith.constant 0 : i32
      %swap3A_184 = arith.index_cast %swap3A_183 : i32 to index
      %swap3A_185 = arith.constant 32 : index
      %swap3A_186 = tpu.vector_load %arg8[%swap3A_184, %swap3A_185] {strides = array<i32>} : memref<2x80xi32, #tpu.memory_space<vmem>>, vector<1x16xi32>,
      %swap3A_187 = vector.shape_cast %swap3A_186 : vector<1x16xi32> to vector<16xi32>
      %swap3A_188 = vector.shape_cast %min3A_182 : vector<16xi32> to vector<1x16xi32>
      tpu.vector_store %arg8[%swap3A_184, %swap3A_185], %swap3A_188 {strides = array<i32>} : memref<2x80xi32, #tpu.memory_space<vmem>>, vector<1x16xi32>,
      %mul3A_189 = arith.constant 160 : i32
      %mul3A_190 = arith.muli %while3A_106, %mul3A_189 : i32
      %add3A_191 = arith.constant 0 : i32
      %add3A_192 = arith.addi %mul3A_190, %add3A_191 : i32
      %add3A_193 = arith.constant 48 : i32
      %add3A_194 = arith.addi %add3A_192, %add3A_193 : i32
      %get3A_195 = arith.index_cast %add3A_194 : i32 to index
      %get3A_196 = tpu.vector_load %arg7[%get3A_195] {strides = array<i32>} : memref<20000xi32, #tpu.memory_space<vmem>>, vector<16xi32>,
      %get3A_197 = vector.shape_cast %get3A_196 : vector<16xi32> to vector<16xi32>
      %sub3A_198 = vector.broadcast %mul3A_1 : i32 to vector<16xi32>
      %sub3A_199 = arith.subi %get3A_197, %sub3A_198 : vector<16xi32>
      %shift_right_arithmetic3A_200 = arith.constant 31 : i32
      %shift_right_arithmetic3A_201 = vector.broadcast %shift_right_arithmetic3A_200 : i32 to vector<16xi32>
      %shift_right_arithmetic3A_202 = arith.shrsi %sub3A_199, %shift_right_arithmetic3A_201 : vector<16xi32>
      %and3A_203 = arith.constant 16384 : i32
      %and3A_204 = vector.broadcast %and3A_203 : i32 to vector<16xi32>
      %and3A_205 = arith.andi %shift_right_arithmetic3A_202, %and3A_204 : vector<16xi32>
      %add3A_206 = arith.addi %sub3A_199, %and3A_205 : vector<16xi32>
      %min3A_207 = arith.constant 5000 : i32
      %min3A_208 = vector.broadcast %min3A_207 : i32 to vector<16xi32>
      %min3A_209 = arith.minsi %add3A_206, %min3A_208 : vector<16xi32>
      %swap3A_210 = arith.constant 0 : i32
      %swap3A_211 = arith.index_cast %swap3A_210 : i32 to index
      %swap3A_212 = arith.constant 48 : index
      %swap3A_213 = tpu.vector_load %arg8[%swap3A_211, %swap3A_212] {strides = array<i32>} : memref<2x80xi32, #tpu.memory_space<vmem>>, vector<1x16xi32>,
      %swap3A_214 = vector.shape_cast %swap3A_213 : vector<1x16xi32> to vector<16xi32>
      %swap3A_215 = vector.shape_cast %min3A_209 : vector<16xi32> to vector<1x16xi32>
      tpu.vector_store %arg8[%swap3A_211, %swap3A_212], %swap3A_215 {strides = array<i32>} : memref<2x80xi32, #tpu.memory_space<vmem>>, vector<1x16xi32>,
      %mul3A_216 = arith.constant 160 : i32
      %mul3A_217 = arith.muli %while3A_106, %mul3A_216 : i32
      %add3A_218 = arith.constant 0 : i32
      %add3A_219 = arith.addi %mul3A_217, %add3A_218 : i32
      %add3A_220 = arith.constant 64 : i32
      %add3A_221 = arith.addi %add3A_219, %add3A_220 : i32
      %get3A_222 = arith.index_cast %add3A_221 : i32 to index
      %get3A_223 = tpu.vector_load %arg7[%get3A_222] {strides = array<i32>} : memref<20000xi32, #tpu.memory_space<vmem>>, vector<16xi32>,
      %get3A_224 = vector.shape_cast %get3A_223 : vector<16xi32> to vector<16xi32>
      %sub3A_225 = vector.broadcast %mul3A_1 : i32 to vector<16xi32>
      %sub3A_226 = arith.subi %get3A_224, %sub3A_225 : vector<16xi32>
      %shift_right_arithmetic3A_227 = arith.constant 31 : i32
      %shift_right_arithmetic3A_228 = vector.broadcast %shift_right_arithmetic3A_227 : i32 to vector<16xi32>
      %shift_right_arithmetic3A_229 = arith.shrsi %sub3A_226, %shift_right_arithmetic3A_228 : vector<16xi32>
      %and3A_230 = arith.constant 16384 : i32
      %and3A_231 = vector.broadcast %and3A_230 : i32 to vector<16xi32>
      %and3A_232 = arith.andi %shift_right_arithmetic3A_229, %and3A_231 : vector<16xi32>
      %add3A_233 = arith.addi %sub3A_226, %and3A_232 : vector<16xi32>
      %min3A_234 = arith.constant 5000 : i32
      %min3A_235 = vector.broadcast %min3A_234 : i32 to vector<16xi32>
      %min3A_236 = arith.minsi %add3A_233, %min3A_235 : vector<16xi32>
      %swap3A_237 = arith.constant 0 : i32
      %swap3A_238 = arith.index_cast %swap3A_237 : i32 to index
      %swap3A_239 = arith.constant 64 : index
      %swap3A_240 = tpu.vector_load %arg8[%swap3A_238, %swap3A_239] {strides = array<i32>} : memref<2x80xi32, #tpu.memory_space<vmem>>, vector<1x16xi32>,
      %swap3A_241 = vector.shape_cast %swap3A_240 : vector<1x16xi32> to vector<16xi32>
      %swap3A_242 = vector.shape_cast %min3A_236 : vector<16xi32> to vector<1x16xi32>
      tpu.vector_store %arg8[%swap3A_238, %swap3A_239], %swap3A_242 {strides = array<i32>} : memref<2x80xi32, #tpu.memory_space<vmem>>, vector<1x16xi32>,
      %mul3A_243 = arith.constant 160 : i32
      %mul3A_244 = arith.muli %while3A_106, %mul3A_243 : i32
      %add3A_245 = arith.constant 80 : i32
      %add3A_246 = arith.addi %mul3A_244, %add3A_245 : i32
      %add3A_247 = arith.constant 0 : i32
      %add3A_248 = arith.addi %add3A_246, %add3A_247 : i32
      %get3A_249 = arith.index_cast %add3A_248 : i32 to index
      %get3A_250 = tpu.vector_load %arg7[%get3A_249] {strides = array<i32>} : memref<20000xi32, #tpu.memory_space<vmem>>, vector<16xi32>,
      %get3A_251 = vector.shape_cast %get3A_250 : vector<16xi32> to vector<16xi32>
      %sub3A_252 = vector.broadcast %mul3A_1 : i32 to vector<16xi32>
      %sub3A_253 = arith.subi %get3A_251, %sub3A_252 : vector<16xi32>
      %shift_right_arithmetic3A_254 = arith.constant 31 : i32
      %shift_right_arithmetic3A_255 = vector.broadcast %shift_right_arithmetic3A_254 : i32 to vector<16xi32>
      %shift_right_arithmetic3A_256 = arith.shrsi %sub3A_253, %shift_right_arithmetic3A_255 : vector<16xi32>
      %and3A_257 = arith.constant 16384 : i32
      %and3A_258 = vector.broadcast %and3A_257 : i32 to vector<16xi32>
      %and3A_259 = arith.andi %shift_right_arithmetic3A_256, %and3A_258 : vector<16xi32>
      %add3A_260 = arith.addi %sub3A_253, %and3A_259 : vector<16xi32>
      %min3A_261 = arith.constant 5000 : i32
      %min3A_262 = vector.broadcast %min3A_261 : i32 to vector<16xi32>
      %min3A_263 = arith.minsi %add3A_260, %min3A_262 : vector<16xi32>
      %swap3A_264 = arith.constant 1 : i32
      %swap3A_265 = arith.index_cast %swap3A_264 : i32 to index
      %swap3A_266 = arith.constant 0 : index
      %swap3A_267 = tpu.vector_load %arg8[%swap3A_265, %swap3A_266] {strides = array<i32>} : memref<2x80xi32, #tpu.memory_space<vmem>>, vector<1x16xi32>,
      %swap3A_268 = vector.shape_cast %swap3A_267 : vector<1x16xi32> to vector<16xi32>
      %swap3A_269 = vector.shape_cast %min3A_263 : vector<16xi32> to vector<1x16xi32>
      tpu.vector_store %arg8[%swap3A_265, %swap3A_266], %swap3A_269 {strides = array<i32>} : memref<2x80xi32, #tpu.memory_space<vmem>>, vector<1x16xi32>,
      %mul3A_270 = arith.constant 160 : i32
      %mul3A_271 = arith.muli %while3A_106, %mul3A_270 : i32
      %add3A_272 = arith.constant 80 : i32
      %add3A_273 = arith.addi %mul3A_271, %add3A_272 : i32
      %add3A_274 = arith.constant 16 : i32
      %add3A_275 = arith.addi %add3A_273, %add3A_274 : i32
      %get3A_276 = arith.index_cast %add3A_275 : i32 to index
      %get3A_277 = tpu.vector_load %arg7[%get3A_276] {strides = array<i32>} : memref<20000xi32, #tpu.memory_space<vmem>>, vector<16xi32>,
      %get3A_278 = vector.shape_cast %get3A_277 : vector<16xi32> to vector<16xi32>
      %sub3A_279 = vector.broadcast %mul3A_1 : i32 to vector<16xi32>
      %sub3A_280 = arith.subi %get3A_278, %sub3A_279 : vector<16xi32>
      %shift_right_arithmetic3A_281 = arith.constant 31 : i32
      %shift_right_arithmetic3A_282 = vector.broadcast %shift_right_arithmetic3A_281 : i32 to vector<16xi32>
      %shift_right_arithmetic3A_283 = arith.shrsi %sub3A_280, %shift_right_arithmetic3A_282 : vector<16xi32>
      %and3A_284 = arith.constant 16384 : i32
      %and3A_285 = vector.broadcast %and3A_284 : i32 to vector<16xi32>
      %and3A_286 = arith.andi %shift_right_arithmetic3A_283, %and3A_285 : vector<16xi32>
      %add3A_287 = arith.addi %sub3A_280, %and3A_286 : vector<16xi32>
      %min3A_288 = arith.constant 5000 : i32
      %min3A_289 = vector.broadcast %min3A_288 : i32 to vector<16xi32>
      %min3A_290 = arith.minsi %add3A_287, %min3A_289 : vector<16xi32>
      %swap3A_291 = arith.constant 1 : i32
      %swap3A_292 = arith.index_cast %swap3A_291 : i32 to index
      %swap3A_293 = arith.constant 16 : index
      %swap3A_294 = tpu.vector_load %arg8[%swap3A_292, %swap3A_293] {strides = array<i32>} : memref<2x80xi32, #tpu.memory_space<vmem>>, vector<1x16xi32>,
      %swap3A_295 = vector.shape_cast %swap3A_294 : vector<1x16xi32> to vector<16xi32>
      %swap3A_296 = vector.shape_cast %min3A_290 : vector<16xi32> to vector<1x16xi32>
      tpu.vector_store %arg8[%swap3A_292, %swap3A_293], %swap3A_296 {strides = array<i32>} : memref<2x80xi32, #tpu.memory_space<vmem>>, vector<1x16xi32>,
      %mul3A_297 = arith.constant 160 : i32
      %mul3A_298 = arith.muli %while3A_106, %mul3A_297 : i32
      %add3A_299 = arith.constant 80 : i32
      %add3A_300 = arith.addi %mul3A_298, %add3A_299 : i32
      %add3A_301 = arith.constant 32 : i32
      %add3A_302 = arith.addi %add3A_300, %add3A_301 : i32
      %get3A_303 = arith.index_cast %add3A_302 : i32 to index
      %get3A_304 = tpu.vector_load %arg7[%get3A_303] {strides = array<i32>} : memref<20000xi32, #tpu.memory_space<vmem>>, vector<16xi32>,
      %get3A_305 = vector.shape_cast %get3A_304 : vector<16xi32> to vector<16xi32>
      %sub3A_306 = vector.broadcast %mul3A_1 : i32 to vector<16xi32>
      %sub3A_307 = arith.subi %get3A_305, %sub3A_306 : vector<16xi32>
      %shift_right_arithmetic3A_308 = arith.constant 31 : i32
      %shift_right_arithmetic3A_309 = vector.broadcast %shift_right_arithmetic3A_308 : i32 to vector<16xi32>
      %shift_right_arithmetic3A_310 = arith.shrsi %sub3A_307, %shift_right_arithmetic3A_309 : vector<16xi32>
      %and3A_311 = arith.constant 16384 : i32
      %and3A_312 = vector.broadcast %and3A_311 : i32 to vector<16xi32>
      %and3A_313 = arith.andi %shift_right_arithmetic3A_310, %and3A_312 : vector<16xi32>
      %add3A_314 = arith.addi %sub3A_307, %and3A_313 : vector<16xi32>
      %min3A_315 = arith.constant 5000 : i32
      %min3A_316 = vector.broadcast %min3A_315 : i32 to vector<16xi32>
      %min3A_317 = arith.minsi %add3A_314, %min3A_316 : vector<16xi32>
      %swap3A_318 = arith.constant 1 : i32
      %swap3A_319 = arith.index_cast %swap3A_318 : i32 to index
      %swap3A_320 = arith.constant 32 : index
      %swap3A_321 = tpu.vector_load %arg8[%swap3A_319, %swap3A_320] {strides = array<i32>} : memref<2x80xi32, #tpu.memory_space<vmem>>, vector<1x16xi32>,
      %swap3A_322 = vector.shape_cast %swap3A_321 : vector<1x16xi32> to vector<16xi32>
      %swap3A_323 = vector.shape_cast %min3A_317 : vector<16xi32> to vector<1x16xi32>
      tpu.vector_store %arg8[%swap3A_319, %swap3A_320], %swap3A_323 {strides = array<i32>} : memref<2x80xi32, #tpu.memory_space<vmem>>, vector<1x16xi32>,
      %mul3A_324 = arith.constant 160 : i32
      %mul3A_325 = arith.muli %while3A_106, %mul3A_324 : i32
      %add3A_326 = arith.constant 80 : i32
      %add3A_327 = arith.addi %mul3A_325, %add3A_326 : i32
      %add3A_328 = arith.constant 48 : i32
      %add3A_329 = arith.addi %add3A_327, %add3A_328 : i32
      %get3A_330 = arith.index_cast %add3A_329 : i32 to index
      %get3A_331 = tpu.vector_load %arg7[%get3A_330] {strides = array<i32>} : memref<20000xi32, #tpu.memory_space<vmem>>, vector<16xi32>,
      %get3A_332 = vector.shape_cast %get3A_331 : vector<16xi32> to vector<16xi32>
      %sub3A_333 = vector.broadcast %mul3A_1 : i32 to vector<16xi32>
      %sub3A_334 = arith.subi %get3A_332, %sub3A_333 : vector<16xi32>
      %shift_right_arithmetic3A_335 = arith.constant 31 : i32
      %shift_right_arithmetic3A_336 = vector.broadcast %shift_right_arithmetic3A_335 : i32 to vector<16xi32>
      %shift_right_arithmetic3A_337 = arith.shrsi %sub3A_334, %shift_right_arithmetic3A_336 : vector<16xi32>
      %and3A_338 = arith.constant 16384 : i32
      %and3A_339 = vector.broadcast %and3A_338 : i32 to vector<16xi32>
      %and3A_340 = arith.andi %shift_right_arithmetic3A_337, %and3A_339 : vector<16xi32>
      %add3A_341 = arith.addi %sub3A_334, %and3A_340 : vector<16xi32>
      %min3A_342 = arith.constant 5000 : i32
      %min3A_343 = vector.broadcast %min3A_342 : i32 to vector<16xi32>
      %min3A_344 = arith.minsi %add3A_341, %min3A_343 : vector<16xi32>
      %swap3A_345 = arith.constant 1 : i32
      %swap3A_346 = arith.index_cast %swap3A_345 : i32 to index
      %swap3A_347 = arith.constant 48 : index
      %swap3A_348 = tpu.vector_load %arg8[%swap3A_346, %swap3A_347] {strides = array<i32>} : memref<2x80xi32, #tpu.memory_space<vmem>>, vector<1x16xi32>,
      %swap3A_349 = vector.shape_cast %swap3A_348 : vector<1x16xi32> to vector<16xi32>
      %swap3A_350 = vector.shape_cast %min3A_344 : vector<16xi32> to vector<1x16xi32>
      tpu.vector_store %arg8[%swap3A_346, %swap3A_347], %swap3A_350 {strides = array<i32>} : memref<2x80xi32, #tpu.memory_space<vmem>>, vector<1x16xi32>,
      %mul3A_351 = arith.constant 160 : i32
      %mul3A_352 = arith.muli %while3A_106, %mul3A_351 : i32
      %add3A_353 = arith.constant 80 : i32
      %add3A_354 = arith.addi %mul3A_352, %add3A_353 : i32
      %add3A_355 = arith.constant 64 : i32
      %add3A_356 = arith.addi %add3A_354, %add3A_355 : i32
      %get3A_357 = arith.index_cast %add3A_356 : i32 to index
      %get3A_358 = tpu.vector_load %arg7[%get3A_357] {strides = array<i32>} : memref<20000xi32, #tpu.memory_space<vmem>>, vector<16xi32>,
      %get3A_359 = vector.shape_cast %get3A_358 : vector<16xi32> to vector<16xi32>
      %sub3A_360 = vector.broadcast %mul3A_1 : i32 to vector<16xi32>
      %sub3A_361 = arith.subi %get3A_359, %sub3A_360 : vector<16xi32>
      %shift_right_arithmetic3A_362 = arith.constant 31 : i32
      %shift_right_arithmetic3A_363 = vector.broadcast %shift_right_arithmetic3A_362 : i32 to vector<16xi32>
      %shift_right_arithmetic3A_364 = arith.shrsi %sub3A_361, %shift_right_arithmetic3A_363 : vector<16xi32>
      %and3A_365 = arith.constant 16384 : i32
      %and3A_366 = vector.broadcast %and3A_365 : i32 to vector<16xi32>
      %and3A_367 = arith.andi %shift_right_arithmetic3A_364, %and3A_366 : vector<16xi32>
      %add3A_368 = arith.addi %sub3A_361, %and3A_367 : vector<16xi32>
      %min3A_369 = arith.constant 5000 : i32
      %min3A_370 = vector.broadcast %min3A_369 : i32 to vector<16xi32>
      %min3A_371 = arith.minsi %add3A_368, %min3A_370 : vector<16xi32>
      %swap3A_372 = arith.constant 1 : i32
      %swap3A_373 = arith.index_cast %swap3A_372 : i32 to index
      %swap3A_374 = arith.constant 64 : index
      %swap3A_375 = tpu.vector_load %arg8[%swap3A_373, %swap3A_374] {strides = array<i32>} : memref<2x80xi32, #tpu.memory_space<vmem>>, vector<1x16xi32>,
      %swap3A_376 = vector.shape_cast %swap3A_375 : vector<1x16xi32> to vector<16xi32>
      %swap3A_377 = vector.shape_cast %min3A_371 : vector<16xi32> to vector<1x16xi32>
      tpu.vector_store %arg8[%swap3A_373, %swap3A_374], %swap3A_377 {strides = array<i32>} : memref<2x80xi32, #tpu.memory_space<vmem>>, vector<1x16xi32>,
      %scan3A_378 = arith.constant 0 : i32
      %scan3A_379 = arith.constant 0 : i32
      %scan3A_380 = arith.constant 160 : i32
      %scan3A_381 = arith.addi %scan3A_379, %scan3A_380 : i32
      %scan3A_382 = arith.constant 1 : i32
      %scan3A_383 = scf.for %scan3A_387 = %scan3A_379 to %scan3A_381 step %scan3A_382 iter_args(%scan3A_388 = %scan3A_378) -> (i32)  : i32 {
        %get3A_389 = arith.index_cast %scan3A_387 : i32 to index
        %get3A_390 = arith.constant 0 : index
        %get3A_391 = tpu.vector_load %arg6[%get3A_389, %get3A_390] {strides = array<i32>} : memref<160x16xf32, #tpu.memory_space<vmem>>, vector<1x16xf32>,
        %get3A_392 = vector.shape_cast %get3A_391 : vector<1x16xf32> to vector<16xf32>
        %swap3A_393 = arith.index_cast %scan3A_387 : i32 to index
        %swap3A_394 = arith.constant 0 : index
        %swap3A_395 = tpu.vector_load %arg5[%swap3A_393, %swap3A_394] {strides = array<i32>} : memref<160x128xf32, #tpu.memory_space<vmem>>, vector<1x16xf32>,
        %swap3A_396 = vector.shape_cast %swap3A_395 : vector<1x16xf32> to vector<16xf32>
        %swap3A_397 = vector.shape_cast %get3A_392 : vector<16xf32> to vector<1x16xf32>
        tpu.vector_store %arg5[%swap3A_393, %swap3A_394], %swap3A_397 {strides = array<i32>} : memref<160x128xf32, #tpu.memory_space<vmem>>, vector<1x16xf32>,
        %scan3A_398 = arith.constant 0 : i32
        scf.yield %scan3A_398 : i32
      }
      %scan3A_384 = arith.constant 160 : i32
      %run_scoped3A = arith.constant 0 : i32
      "tpu.region"() ({
        %run_scoped3A_387 = tpu.sem_alloc : memref<!tpu.dma_semaphore, #tpu.memory_space<semaphore_mem>>
        %dma_start3A = arith.constant 0 : i32
        %dma_start3A_388 = arith.constant 0 : i32
        %dma_start3A_389 = tpu.memref_slice %arg5[%dma_start3A, %dma_start3A_388] : memref<160x128xf32, #tpu.memory_space<vmem>> -> memref<80x128xf32, #tpu.memory_space<vmem>>
        %dma_start3A_390 = arith.constant 0 : i32
        %dma_start3A_391 = tpu.memref_slice %arg8[%run_scoped3A, %dma_start3A_390] : memref<2x80xi32, #tpu.memory_space<vmem>> -> memref<1x80xi32, #tpu.memory_space<vmem>>
        %dma_start3A_392 = tpu.memref_squeeze %dma_start3A_391 : memref<1x80xi32, #tpu.memory_space<vmem>> -> memref<80xi32, #tpu.memory_space<vmem>>
        %dma_start3A_393 = arith.constant 0 : i32
        %dma_start3A_394 = arith.constant 0 : i32
        %dma_start3A_395 = tpu.memref_slice %arg10[%dma_start3A_393, %dma_start3A_394] : memref<5008x128xf32, #tpu.memory_space<vmem_shared>> -> memref<5008x128xf32, #tpu.memory_space<vmem_shared>>
        tpu.enqueue_indirect_dma source(%dma_start3A_389 : memref<80x128xf32, #tpu.memory_space<vmem>>) target(%dma_start3A_395 : memref<5008x128xf32, #tpu.memory_space<vmem_shared>>) offsets(%dma_start3A_392 : memref<80xi32, #tpu.memory_space<vmem>>) semaphore(%run_scoped3A_387 : memref<!tpu.dma_semaphore, #tpu.memory_space<semaphore_mem>>) {add = true}
        %dma_wait3A = arith.constant 0 : i32
        %dma_wait3A_396 = arith.constant 0 : i32
        %dma_wait3A_397 = tpu.memref_slice %arg5[%dma_wait3A, %dma_wait3A_396] : memref<160x128xf32, #tpu.memory_space<vmem>> -> memref<80x128xf32, #tpu.memory_space<vmem>>
        %dma_wait3A_398 = arith.constant 0 : i32
        %dma_wait3A_399 = tpu.memref_slice %arg8[%run_scoped3A, %dma_wait3A_398] : memref<2x80xi32, #tpu.memory_space<vmem>> -> memref<1x80xi32, #tpu.memory_space<vmem>>
        %dma_wait3A_400 = tpu.memref_squeeze %dma_wait3A_399 : memref<1x80xi32, #tpu.memory_space<vmem>> -> memref<80xi32, #tpu.memory_space<vmem>>
        %dma_wait3A_401 = arith.constant 0 : i32
        %dma_wait3A_402 = arith.constant 0 : i32
        %dma_wait3A_403 = tpu.memref_slice %arg10[%dma_wait3A_401, %dma_wait3A_402] : memref<5008x128xf32, #tpu.memory_space<vmem_shared>> -> memref<5008x128xf32, #tpu.memory_space<vmem_shared>>
        tpu.wait_indirect_dma semaphore(%run_scoped3A_387 : memref<!tpu.dma_semaphore, #tpu.memory_space<semaphore_mem>>) src(%dma_wait3A_397 : memref<80x128xf32, #tpu.memory_space<vmem>>) dst(%dma_wait3A_403 : memref<5008x128xf32, #tpu.memory_space<vmem_shared>>)
        tpu.yield
      }) : () -> ()
      %run_scoped3A_385 = arith.constant 1 : i32
      "tpu.region"() ({
        %run_scoped3A_387 = tpu.sem_alloc : memref<!tpu.dma_semaphore, #tpu.memory_space<semaphore_mem>>
        %dma_start3A = arith.constant 80 : i32
        %dma_start3A_388 = arith.constant 0 : i32
        %dma_start3A_389 = tpu.memref_slice %arg5[%dma_start3A, %dma_start3A_388] : memref<160x128xf32, #tpu.memory_space<vmem>> -> memref<80x128xf32, #tpu.memory_space<vmem>>
        %dma_start3A_390 = arith.constant 0 : i32
        %dma_start3A_391 = tpu.memref_slice %arg8[%run_scoped3A_385, %dma_start3A_390] : memref<2x80xi32, #tpu.memory_space<vmem>> -> memref<1x80xi32, #tpu.memory_space<vmem>>
        %dma_start3A_392 = tpu.memref_squeeze %dma_start3A_391 : memref<1x80xi32, #tpu.memory_space<vmem>> -> memref<80xi32, #tpu.memory_space<vmem>>
        %dma_start3A_393 = arith.constant 0 : i32
        %dma_start3A_394 = arith.constant 0 : i32
        %dma_start3A_395 = tpu.memref_slice %arg10[%dma_start3A_393, %dma_start3A_394] : memref<5008x128xf32, #tpu.memory_space<vmem_shared>> -> memref<5008x128xf32, #tpu.memory_space<vmem_shared>>
        tpu.enqueue_indirect_dma source(%dma_start3A_389 : memref<80x128xf32, #tpu.memory_space<vmem>>) target(%dma_start3A_395 : memref<5008x128xf32, #tpu.memory_space<vmem_shared>>) offsets(%dma_start3A_392 : memref<80xi32, #tpu.memory_space<vmem>>) semaphore(%run_scoped3A_387 : memref<!tpu.dma_semaphore, #tpu.memory_space<semaphore_mem>>) {add = true}
        %dma_wait3A = arith.constant 80 : i32
        %dma_wait3A_396 = arith.constant 0 : i32
        %dma_wait3A_397 = tpu.memref_slice %arg5[%dma_wait3A, %dma_wait3A_396] : memref<160x128xf32, #tpu.memory_space<vmem>> -> memref<80x128xf32, #tpu.memory_space<vmem>>
        %dma_wait3A_398 = arith.constant 0 : i32
        %dma_wait3A_399 = tpu.memref_slice %arg8[%run_scoped3A_385, %dma_wait3A_398] : memref<2x80xi32, #tpu.memory_space<vmem>> -> memref<1x80xi32, #tpu.memory_space<vmem>>
        %dma_wait3A_400 = tpu.memref_squeeze %dma_wait3A_399 : memref<1x80xi32, #tpu.memory_space<vmem>> -> memref<80xi32, #tpu.memory_space<vmem>>
        %dma_wait3A_401 = arith.constant 0 : i32
        %dma_wait3A_402 = arith.constant 0 : i32
        %dma_wait3A_403 = tpu.memref_slice %arg10[%dma_wait3A_401, %dma_wait3A_402] : memref<5008x128xf32, #tpu.memory_space<vmem_shared>> -> memref<5008x128xf32, #tpu.memory_space<vmem_shared>>
        tpu.wait_indirect_dma semaphore(%run_scoped3A_387 : memref<!tpu.dma_semaphore, #tpu.memory_space<semaphore_mem>>) src(%dma_wait3A_397 : memref<80x128xf32, #tpu.memory_space<vmem>>) dst(%dma_wait3A_403 : memref<5008x128xf32, #tpu.memory_space<vmem_shared>>)
        tpu.yield
      }) : () -> ()
      %while3A_386 = arith.constant 0 : i32
      scf.yield %while3A_386 : i32
    }
    %while3A_93 = arith.constant 1 : i32
    %while3A_94 = scf.for %while3A_106 = %while3A_90 to %while3A_86 step %while3A_93 iter_args(%while3A_107 = %while3A_92) -> (i32)  : i32 {
      %mul3A_108 = arith.constant 160 : i32
      %mul3A_109 = arith.muli %while3A_106, %mul3A_108 : i32
      %add3A_110 = arith.addi %mul3A_15, %mul3A_109 : i32
      "tpu.region"() ({
        %run_scoped3A_387 = tpu.sem_alloc : memref<!tpu.dma_semaphore, #tpu.memory_space<semaphore_mem>>
        %dma_start3A = arith.constant 0 : i32
        %dma_start3A_388 = tpu.memref_slice %arg2[%add3A_110, %dma_start3A] : memref<320000x16xf32, #tpu.memory_space<hbm>> -> memref<160x16xf32, #tpu.memory_space<hbm>>
        %dma_start3A_389 = arith.constant 0 : i32
        %dma_start3A_390 = tpu.memref_slice %arg2[%add3A_110, %dma_start3A_389] : memref<320000x16xf32, #tpu.memory_space<hbm>> -> memref<160x16xf32, #tpu.memory_space<hbm>>
        tpu.enqueue_dma source(%dma_start3A_390 : memref<160x16xf32, #tpu.memory_space<hbm>>) target(%arg6 : memref<160x16xf32, #tpu.memory_space<vmem>>) target_semaphore(%run_scoped3A_387 : memref<!tpu.dma_semaphore, #tpu.memory_space<semaphore_mem>>)
        %dma_wait3A = arith.constant 0 : i32
        %dma_wait3A_391 = tpu.memref_slice %arg2[%add3A_110, %dma_wait3A] : memref<320000x16xf32, #tpu.memory_space<hbm>> -> memref<160x16xf32, #tpu.memory_space<hbm>>
        %dma_wait3A_392 = arith.constant 0 : i32
        %dma_wait3A_393 = tpu.memref_slice %arg2[%add3A_110, %dma_wait3A_392] : memref<320000x16xf32, #tpu.memory_space<hbm>> -> memref<160x16xf32, #tpu.memory_space<hbm>>
        tpu.wait_dma2 semaphore(%run_scoped3A_387 : memref<!tpu.dma_semaphore, #tpu.memory_space<semaphore_mem>>) src(%dma_wait3A_393 : memref<160x16xf32, #tpu.memory_space<hbm>>) dst(%arg6 : memref<160x16xf32, #tpu.memory_space<vmem>>)
        tpu.yield
      }) : () -> ()
      %mul3A_111 = arith.constant 160 : i32
      %mul3A_112 = arith.muli %while3A_106, %mul3A_111 : i32
      %add3A_113 = arith.constant 0 : i32
      %add3A_114 = arith.addi %mul3A_112, %add3A_113 : i32
      %add3A_115 = arith.constant 0 : i32
      %add3A_116 = arith.addi %add3A_114, %add3A_115 : i32
      %get3A = arith.index_cast %add3A_116 : i32 to index
      %get3A_117 = tpu.vector_load %arg7[%get3A] {strides = array<i32>} : memref<20000xi32, #tpu.memory_space<vmem>>, vector<16xi32>,
      %get3A_118 = vector.shape_cast %get3A_117 : vector<16xi32> to vector<16xi32>
      %sub3A_119 = vector.broadcast %mul3A_1 : i32 to vector<16xi32>
      %sub3A_120 = arith.subi %get3A_118, %sub3A_119 : vector<16xi32>
      %shift_right_arithmetic3A = arith.constant 31 : i32
      %shift_right_arithmetic3A_121 = vector.broadcast %shift_right_arithmetic3A : i32 to vector<16xi32>
      %shift_right_arithmetic3A_122 = arith.shrsi %sub3A_120, %shift_right_arithmetic3A_121 : vector<16xi32>
      %and3A_123 = arith.constant 16384 : i32
      %and3A_124 = vector.broadcast %and3A_123 : i32 to vector<16xi32>
      %and3A_125 = arith.andi %shift_right_arithmetic3A_122, %and3A_124 : vector<16xi32>
      %add3A_126 = arith.addi %sub3A_120, %and3A_125 : vector<16xi32>
      %min3A_127 = arith.constant 5000 : i32
      %min3A_128 = vector.broadcast %min3A_127 : i32 to vector<16xi32>
      %min3A_129 = arith.minsi %add3A_126, %min3A_128 : vector<16xi32>
      %swap3A = arith.constant 0 : i32
      %swap3A_130 = arith.index_cast %swap3A : i32 to index
      %swap3A_131 = arith.constant 0 : index
      %swap3A_132 = tpu.vector_load %arg8[%swap3A_130, %swap3A_131] {strides = array<i32>} : memref<2x80xi32, #tpu.memory_space<vmem>>, vector<1x16xi32>,
      %swap3A_133 = vector.shape_cast %swap3A_132 : vector<1x16xi32> to vector<16xi32>
      %swap3A_134 = vector.shape_cast %min3A_129 : vector<16xi32> to vector<1x16xi32>
      tpu.vector_store %arg8[%swap3A_130, %swap3A_131], %swap3A_134 {strides = array<i32>} : memref<2x80xi32, #tpu.memory_space<vmem>>, vector<1x16xi32>,
      %mul3A_135 = arith.constant 160 : i32
      %mul3A_136 = arith.muli %while3A_106, %mul3A_135 : i32
      %add3A_137 = arith.constant 0 : i32
      %add3A_138 = arith.addi %mul3A_136, %add3A_137 : i32
      %add3A_139 = arith.constant 16 : i32
      %add3A_140 = arith.addi %add3A_138, %add3A_139 : i32
      %get3A_141 = arith.index_cast %add3A_140 : i32 to index
      %get3A_142 = tpu.vector_load %arg7[%get3A_141] {strides = array<i32>} : memref<20000xi32, #tpu.memory_space<vmem>>, vector<16xi32>,
      %get3A_143 = vector.shape_cast %get3A_142 : vector<16xi32> to vector<16xi32>
      %sub3A_144 = vector.broadcast %mul3A_1 : i32 to vector<16xi32>
      %sub3A_145 = arith.subi %get3A_143, %sub3A_144 : vector<16xi32>
      %shift_right_arithmetic3A_146 = arith.constant 31 : i32
      %shift_right_arithmetic3A_147 = vector.broadcast %shift_right_arithmetic3A_146 : i32 to vector<16xi32>
      %shift_right_arithmetic3A_148 = arith.shrsi %sub3A_145, %shift_right_arithmetic3A_147 : vector<16xi32>
      %and3A_149 = arith.constant 16384 : i32
      %and3A_150 = vector.broadcast %and3A_149 : i32 to vector<16xi32>
      %and3A_151 = arith.andi %shift_right_arithmetic3A_148, %and3A_150 : vector<16xi32>
      %add3A_152 = arith.addi %sub3A_145, %and3A_151 : vector<16xi32>
      %min3A_153 = arith.constant 5000 : i32
      %min3A_154 = vector.broadcast %min3A_153 : i32 to vector<16xi32>
      %min3A_155 = arith.minsi %add3A_152, %min3A_154 : vector<16xi32>
      %swap3A_156 = arith.constant 0 : i32
      %swap3A_157 = arith.index_cast %swap3A_156 : i32 to index
      %swap3A_158 = arith.constant 16 : index
      %swap3A_159 = tpu.vector_load %arg8[%swap3A_157, %swap3A_158] {strides = array<i32>} : memref<2x80xi32, #tpu.memory_space<vmem>>, vector<1x16xi32>,
      %swap3A_160 = vector.shape_cast %swap3A_159 : vector<1x16xi32> to vector<16xi32>
      %swap3A_161 = vector.shape_cast %min3A_155 : vector<16xi32> to vector<1x16xi32>
      tpu.vector_store %arg8[%swap3A_157, %swap3A_158], %swap3A_161 {strides = array<i32>} : memref<2x80xi32, #tpu.memory_space<vmem>>, vector<1x16xi32>,
      %mul3A_162 = arith.constant 160 : i32
      %mul3A_163 = arith.muli %while3A_106, %mul3A_162 : i32
      %add3A_164 = arith.constant 0 : i32
      %add3A_165 = arith.addi %mul3A_163, %add3A_164 : i32
      %add3A_166 = arith.constant 32 : i32
      %add3A_167 = arith.addi %add3A_165, %add3A_166 : i32
      %get3A_168 = arith.index_cast %add3A_167 : i32 to index
      %get3A_169 = tpu.vector_load %arg7[%get3A_168] {strides = array<i32>} : memref<20000xi32, #tpu.memory_space<vmem>>, vector<16xi32>,
      %get3A_170 = vector.shape_cast %get3A_169 : vector<16xi32> to vector<16xi32>
      %sub3A_171 = vector.broadcast %mul3A_1 : i32 to vector<16xi32>
      %sub3A_172 = arith.subi %get3A_170, %sub3A_171 : vector<16xi32>
      %shift_right_arithmetic3A_173 = arith.constant 31 : i32
      %shift_right_arithmetic3A_174 = vector.broadcast %shift_right_arithmetic3A_173 : i32 to vector<16xi32>
      %shift_right_arithmetic3A_175 = arith.shrsi %sub3A_172, %shift_right_arithmetic3A_174 : vector<16xi32>
      %and3A_176 = arith.constant 16384 : i32
      %and3A_177 = vector.broadcast %and3A_176 : i32 to vector<16xi32>
      %and3A_178 = arith.andi %shift_right_arithmetic3A_175, %and3A_177 : vector<16xi32>
      %add3A_179 = arith.addi %sub3A_172, %and3A_178 : vector<16xi32>
      %min3A_180 = arith.constant 5000 : i32
      %min3A_181 = vector.broadcast %min3A_180 : i32 to vector<16xi32>
      %min3A_182 = arith.minsi %add3A_179, %min3A_181 : vector<16xi32>
      %swap3A_183 = arith.constant 0 : i32
      %swap3A_184 = arith.index_cast %swap3A_183 : i32 to index
      %swap3A_185 = arith.constant 32 : index
      %swap3A_186 = tpu.vector_load %arg8[%swap3A_184, %swap3A_185] {strides = array<i32>} : memref<2x80xi32, #tpu.memory_space<vmem>>, vector<1x16xi32>,
      %swap3A_187 = vector.shape_cast %swap3A_186 : vector<1x16xi32> to vector<16xi32>
      %swap3A_188 = vector.shape_cast %min3A_182 : vector<16xi32> to vector<1x16xi32>
      tpu.vector_store %arg8[%swap3A_184, %swap3A_185], %swap3A_188 {strides = array<i32>} : memref<2x80xi32, #tpu.memory_space<vmem>>, vector<1x16xi32>,
      %mul3A_189 = arith.constant 160 : i32
      %mul3A_190 = arith.muli %while3A_106, %mul3A_189 : i32
      %add3A_191 = arith.constant 0 : i32
      %add3A_192 = arith.addi %mul3A_190, %add3A_191 : i32
      %add3A_193 = arith.constant 48 : i32
      %add3A_194 = arith.addi %add3A_192, %add3A_193 : i32
      %get3A_195 = arith.index_cast %add3A_194 : i32 to index
      %get3A_196 = tpu.vector_load %arg7[%get3A_195] {strides = array<i32>} : memref<20000xi32, #tpu.memory_space<vmem>>, vector<16xi32>,
      %get3A_197 = vector.shape_cast %get3A_196 : vector<16xi32> to vector<16xi32>
      %sub3A_198 = vector.broadcast %mul3A_1 : i32 to vector<16xi32>
      %sub3A_199 = arith.subi %get3A_197, %sub3A_198 : vector<16xi32>
      %shift_right_arithmetic3A_200 = arith.constant 31 : i32
      %shift_right_arithmetic3A_201 = vector.broadcast %shift_right_arithmetic3A_200 : i32 to vector<16xi32>
      %shift_right_arithmetic3A_202 = arith.shrsi %sub3A_199, %shift_right_arithmetic3A_201 : vector<16xi32>
      %and3A_203 = arith.constant 16384 : i32
      %and3A_204 = vector.broadcast %and3A_203 : i32 to vector<16xi32>
      %and3A_205 = arith.andi %shift_right_arithmetic3A_202, %and3A_204 : vector<16xi32>
      %add3A_206 = arith.addi %sub3A_199, %and3A_205 : vector<16xi32>
      %min3A_207 = arith.constant 5000 : i32
      %min3A_208 = vector.broadcast %min3A_207 : i32 to vector<16xi32>
      %min3A_209 = arith.minsi %add3A_206, %min3A_208 : vector<16xi32>
      %swap3A_210 = arith.constant 0 : i32
      %swap3A_211 = arith.index_cast %swap3A_210 : i32 to index
      %swap3A_212 = arith.constant 48 : index
      %swap3A_213 = tpu.vector_load %arg8[%swap3A_211, %swap3A_212] {strides = array<i32>} : memref<2x80xi32, #tpu.memory_space<vmem>>, vector<1x16xi32>,
      %swap3A_214 = vector.shape_cast %swap3A_213 : vector<1x16xi32> to vector<16xi32>
      %swap3A_215 = vector.shape_cast %min3A_209 : vector<16xi32> to vector<1x16xi32>
      tpu.vector_store %arg8[%swap3A_211, %swap3A_212], %swap3A_215 {strides = array<i32>} : memref<2x80xi32, #tpu.memory_space<vmem>>, vector<1x16xi32>,
      %mul3A_216 = arith.constant 160 : i32
      %mul3A_217 = arith.muli %while3A_106, %mul3A_216 : i32
      %add3A_218 = arith.constant 0 : i32
      %add3A_219 = arith.addi %mul3A_217, %add3A_218 : i32
      %add3A_220 = arith.constant 64 : i32
      %add3A_221 = arith.addi %add3A_219, %add3A_220 : i32
      %get3A_222 = arith.index_cast %add3A_221 : i32 to index
      %get3A_223 = tpu.vector_load %arg7[%get3A_222] {strides = array<i32>} : memref<20000xi32, #tpu.memory_space<vmem>>, vector<16xi32>,
      %get3A_224 = vector.shape_cast %get3A_223 : vector<16xi32> to vector<16xi32>
      %sub3A_225 = vector.broadcast %mul3A_1 : i32 to vector<16xi32>
      %sub3A_226 = arith.subi %get3A_224, %sub3A_225 : vector<16xi32>
      %shift_right_arithmetic3A_227 = arith.constant 31 : i32
      %shift_right_arithmetic3A_228 = vector.broadcast %shift_right_arithmetic3A_227 : i32 to vector<16xi32>
      %shift_right_arithmetic3A_229 = arith.shrsi %sub3A_226, %shift_right_arithmetic3A_228 : vector<16xi32>
      %and3A_230 = arith.constant 16384 : i32
      %and3A_231 = vector.broadcast %and3A_230 : i32 to vector<16xi32>
      %and3A_232 = arith.andi %shift_right_arithmetic3A_229, %and3A_231 : vector<16xi32>
      %add3A_233 = arith.addi %sub3A_226, %and3A_232 : vector<16xi32>
      %min3A_234 = arith.constant 5000 : i32
      %min3A_235 = vector.broadcast %min3A_234 : i32 to vector<16xi32>
      %min3A_236 = arith.minsi %add3A_233, %min3A_235 : vector<16xi32>
      %swap3A_237 = arith.constant 0 : i32
      %swap3A_238 = arith.index_cast %swap3A_237 : i32 to index
      %swap3A_239 = arith.constant 64 : index
      %swap3A_240 = tpu.vector_load %arg8[%swap3A_238, %swap3A_239] {strides = array<i32>} : memref<2x80xi32, #tpu.memory_space<vmem>>, vector<1x16xi32>,
      %swap3A_241 = vector.shape_cast %swap3A_240 : vector<1x16xi32> to vector<16xi32>
      %swap3A_242 = vector.shape_cast %min3A_236 : vector<16xi32> to vector<1x16xi32>
      tpu.vector_store %arg8[%swap3A_238, %swap3A_239], %swap3A_242 {strides = array<i32>} : memref<2x80xi32, #tpu.memory_space<vmem>>, vector<1x16xi32>,
      %mul3A_243 = arith.constant 160 : i32
      %mul3A_244 = arith.muli %while3A_106, %mul3A_243 : i32
      %add3A_245 = arith.constant 80 : i32
      %add3A_246 = arith.addi %mul3A_244, %add3A_245 : i32
      %add3A_247 = arith.constant 0 : i32
      %add3A_248 = arith.addi %add3A_246, %add3A_247 : i32
      %get3A_249 = arith.index_cast %add3A_248 : i32 to index
      %get3A_250 = tpu.vector_load %arg7[%get3A_249] {strides = array<i32>} : memref<20000xi32, #tpu.memory_space<vmem>>, vector<16xi32>,
      %get3A_251 = vector.shape_cast %get3A_250 : vector<16xi32> to vector<16xi32>
      %sub3A_252 = vector.broadcast %mul3A_1 : i32 to vector<16xi32>
      %sub3A_253 = arith.subi %get3A_251, %sub3A_252 : vector<16xi32>
      %shift_right_arithmetic3A_254 = arith.constant 31 : i32
      %shift_right_arithmetic3A_255 = vector.broadcast %shift_right_arithmetic3A_254 : i32 to vector<16xi32>
      %shift_right_arithmetic3A_256 = arith.shrsi %sub3A_253, %shift_right_arithmetic3A_255 : vector<16xi32>
      %and3A_257 = arith.constant 16384 : i32
      %and3A_258 = vector.broadcast %and3A_257 : i32 to vector<16xi32>
      %and3A_259 = arith.andi %shift_right_arithmetic3A_256, %and3A_258 : vector<16xi32>
      %add3A_260 = arith.addi %sub3A_253, %and3A_259 : vector<16xi32>
      %min3A_261 = arith.constant 5000 : i32
      %min3A_262 = vector.broadcast %min3A_261 : i32 to vector<16xi32>
      %min3A_263 = arith.minsi %add3A_260, %min3A_262 : vector<16xi32>
      %swap3A_264 = arith.constant 1 : i32
      %swap3A_265 = arith.index_cast %swap3A_264 : i32 to index
      %swap3A_266 = arith.constant 0 : index
      %swap3A_267 = tpu.vector_load %arg8[%swap3A_265, %swap3A_266] {strides = array<i32>} : memref<2x80xi32, #tpu.memory_space<vmem>>, vector<1x16xi32>,
      %swap3A_268 = vector.shape_cast %swap3A_267 : vector<1x16xi32> to vector<16xi32>
      %swap3A_269 = vector.shape_cast %min3A_263 : vector<16xi32> to vector<1x16xi32>
      tpu.vector_store %arg8[%swap3A_265, %swap3A_266], %swap3A_269 {strides = array<i32>} : memref<2x80xi32, #tpu.memory_space<vmem>>, vector<1x16xi32>,
      %mul3A_270 = arith.constant 160 : i32
      %mul3A_271 = arith.muli %while3A_106, %mul3A_270 : i32
      %add3A_272 = arith.constant 80 : i32
      %add3A_273 = arith.addi %mul3A_271, %add3A_272 : i32
      %add3A_274 = arith.constant 16 : i32
      %add3A_275 = arith.addi %add3A_273, %add3A_274 : i32
      %get3A_276 = arith.index_cast %add3A_275 : i32 to index
      %get3A_277 = tpu.vector_load %arg7[%get3A_276] {strides = array<i32>} : memref<20000xi32, #tpu.memory_space<vmem>>, vector<16xi32>,
      %get3A_278 = vector.shape_cast %get3A_277 : vector<16xi32> to vector<16xi32>
      %sub3A_279 = vector.broadcast %mul3A_1 : i32 to vector<16xi32>
      %sub3A_280 = arith.subi %get3A_278, %sub3A_279 : vector<16xi32>
      %shift_right_arithmetic3A_281 = arith.constant 31 : i32
      %shift_right_arithmetic3A_282 = vector.broadcast %shift_right_arithmetic3A_281 : i32 to vector<16xi32>
      %shift_right_arithmetic3A_283 = arith.shrsi %sub3A_280, %shift_right_arithmetic3A_282 : vector<16xi32>
      %and3A_284 = arith.constant 16384 : i32
      %and3A_285 = vector.broadcast %and3A_284 : i32 to vector<16xi32>
      %and3A_286 = arith.andi %shift_right_arithmetic3A_283, %and3A_285 : vector<16xi32>
      %add3A_287 = arith.addi %sub3A_280, %and3A_286 : vector<16xi32>
      %min3A_288 = arith.constant 5000 : i32
      %min3A_289 = vector.broadcast %min3A_288 : i32 to vector<16xi32>
      %min3A_290 = arith.minsi %add3A_287, %min3A_289 : vector<16xi32>
      %swap3A_291 = arith.constant 1 : i32
      %swap3A_292 = arith.index_cast %swap3A_291 : i32 to index
      %swap3A_293 = arith.constant 16 : index
      %swap3A_294 = tpu.vector_load %arg8[%swap3A_292, %swap3A_293] {strides = array<i32>} : memref<2x80xi32, #tpu.memory_space<vmem>>, vector<1x16xi32>,
      %swap3A_295 = vector.shape_cast %swap3A_294 : vector<1x16xi32> to vector<16xi32>
      %swap3A_296 = vector.shape_cast %min3A_290 : vector<16xi32> to vector<1x16xi32>
      tpu.vector_store %arg8[%swap3A_292, %swap3A_293], %swap3A_296 {strides = array<i32>} : memref<2x80xi32, #tpu.memory_space<vmem>>, vector<1x16xi32>,
      %mul3A_297 = arith.constant 160 : i32
      %mul3A_298 = arith.muli %while3A_106, %mul3A_297 : i32
      %add3A_299 = arith.constant 80 : i32
      %add3A_300 = arith.addi %mul3A_298, %add3A_299 : i32
      %add3A_301 = arith.constant 32 : i32
      %add3A_302 = arith.addi %add3A_300, %add3A_301 : i32
      %get3A_303 = arith.index_cast %add3A_302 : i32 to index
      %get3A_304 = tpu.vector_load %arg7[%get3A_303] {strides = array<i32>} : memref<20000xi32, #tpu.memory_space<vmem>>, vector<16xi32>,
      %get3A_305 = vector.shape_cast %get3A_304 : vector<16xi32> to vector<16xi32>
      %sub3A_306 = vector.broadcast %mul3A_1 : i32 to vector<16xi32>
      %sub3A_307 = arith.subi %get3A_305, %sub3A_306 : vector<16xi32>
      %shift_right_arithmetic3A_308 = arith.constant 31 : i32
      %shift_right_arithmetic3A_309 = vector.broadcast %shift_right_arithmetic3A_308 : i32 to vector<16xi32>
      %shift_right_arithmetic3A_310 = arith.shrsi %sub3A_307, %shift_right_arithmetic3A_309 : vector<16xi32>
      %and3A_311 = arith.constant 16384 : i32
      %and3A_312 = vector.broadcast %and3A_311 : i32 to vector<16xi32>
      %and3A_313 = arith.andi %shift_right_arithmetic3A_310, %and3A_312 : vector<16xi32>
      %add3A_314 = arith.addi %sub3A_307, %and3A_313 : vector<16xi32>
      %min3A_315 = arith.constant 5000 : i32
      %min3A_316 = vector.broadcast %min3A_315 : i32 to vector<16xi32>
      %min3A_317 = arith.minsi %add3A_314, %min3A_316 : vector<16xi32>
      %swap3A_318 = arith.constant 1 : i32
      %swap3A_319 = arith.index_cast %swap3A_318 : i32 to index
      %swap3A_320 = arith.constant 32 : index
      %swap3A_321 = tpu.vector_load %arg8[%swap3A_319, %swap3A_320] {strides = array<i32>} : memref<2x80xi32, #tpu.memory_space<vmem>>, vector<1x16xi32>,
      %swap3A_322 = vector.shape_cast %swap3A_321 : vector<1x16xi32> to vector<16xi32>
      %swap3A_323 = vector.shape_cast %min3A_317 : vector<16xi32> to vector<1x16xi32>
      tpu.vector_store %arg8[%swap3A_319, %swap3A_320], %swap3A_323 {strides = array<i32>} : memref<2x80xi32, #tpu.memory_space<vmem>>, vector<1x16xi32>,
      %mul3A_324 = arith.constant 160 : i32
      %mul3A_325 = arith.muli %while3A_106, %mul3A_324 : i32
      %add3A_326 = arith.constant 80 : i32
      %add3A_327 = arith.addi %mul3A_325, %add3A_326 : i32
      %add3A_328 = arith.constant 48 : i32
      %add3A_329 = arith.addi %add3A_327, %add3A_328 : i32
      %get3A_330 = arith.index_cast %add3A_329 : i32 to index
      %get3A_331 = tpu.vector_load %arg7[%get3A_330] {strides = array<i32>} : memref<20000xi32, #tpu.memory_space<vmem>>, vector<16xi32>,
      %get3A_332 = vector.shape_cast %get3A_331 : vector<16xi32> to vector<16xi32>
      %sub3A_333 = vector.broadcast %mul3A_1 : i32 to vector<16xi32>
      %sub3A_334 = arith.subi %get3A_332, %sub3A_333 : vector<16xi32>
      %shift_right_arithmetic3A_335 = arith.constant 31 : i32
      %shift_right_arithmetic3A_336 = vector.broadcast %shift_right_arithmetic3A_335 : i32 to vector<16xi32>
      %shift_right_arithmetic3A_337 = arith.shrsi %sub3A_334, %shift_right_arithmetic3A_336 : vector<16xi32>
      %and3A_338 = arith.constant 16384 : i32
      %and3A_339 = vector.broadcast %and3A_338 : i32 to vector<16xi32>
      %and3A_340 = arith.andi %shift_right_arithmetic3A_337, %and3A_339 : vector<16xi32>
      %add3A_341 = arith.addi %sub3A_334, %and3A_340 : vector<16xi32>
      %min3A_342 = arith.constant 5000 : i32
      %min3A_343 = vector.broadcast %min3A_342 : i32 to vector<16xi32>
      %min3A_344 = arith.minsi %add3A_341, %min3A_343 : vector<16xi32>
      %swap3A_345 = arith.constant 1 : i32
      %swap3A_346 = arith.index_cast %swap3A_345 : i32 to index
      %swap3A_347 = arith.constant 48 : index
      %swap3A_348 = tpu.vector_load %arg8[%swap3A_346, %swap3A_347] {strides = array<i32>} : memref<2x80xi32, #tpu.memory_space<vmem>>, vector<1x16xi32>,
      %swap3A_349 = vector.shape_cast %swap3A_348 : vector<1x16xi32> to vector<16xi32>
      %swap3A_350 = vector.shape_cast %min3A_344 : vector<16xi32> to vector<1x16xi32>
      tpu.vector_store %arg8[%swap3A_346, %swap3A_347], %swap3A_350 {strides = array<i32>} : memref<2x80xi32, #tpu.memory_space<vmem>>, vector<1x16xi32>,
      %mul3A_351 = arith.constant 160 : i32
      %mul3A_352 = arith.muli %while3A_106, %mul3A_351 : i32
      %add3A_353 = arith.constant 80 : i32
      %add3A_354 = arith.addi %mul3A_352, %add3A_353 : i32
      %add3A_355 = arith.constant 64 : i32
      %add3A_356 = arith.addi %add3A_354, %add3A_355 : i32
      %get3A_357 = arith.index_cast %add3A_356 : i32 to index
      %get3A_358 = tpu.vector_load %arg7[%get3A_357] {strides = array<i32>} : memref<20000xi32, #tpu.memory_space<vmem>>, vector<16xi32>,
      %get3A_359 = vector.shape_cast %get3A_358 : vector<16xi32> to vector<16xi32>
      %sub3A_360 = vector.broadcast %mul3A_1 : i32 to vector<16xi32>
      %sub3A_361 = arith.subi %get3A_359, %sub3A_360 : vector<16xi32>
      %shift_right_arithmetic3A_362 = arith.constant 31 : i32
      %shift_right_arithmetic3A_363 = vector.broadcast %shift_right_arithmetic3A_362 : i32 to vector<16xi32>
      %shift_right_arithmetic3A_364 = arith.shrsi %sub3A_361, %shift_right_arithmetic3A_363 : vector<16xi32>
      %and3A_365 = arith.constant 16384 : i32
      %and3A_366 = vector.broadcast %and3A_365 : i32 to vector<16xi32>
      %and3A_367 = arith.andi %shift_right_arithmetic3A_364, %and3A_366 : vector<16xi32>
      %add3A_368 = arith.addi %sub3A_361, %and3A_367 : vector<16xi32>
      %min3A_369 = arith.constant 5000 : i32
      %min3A_370 = vector.broadcast %min3A_369 : i32 to vector<16xi32>
      %min3A_371 = arith.minsi %add3A_368, %min3A_370 : vector<16xi32>
      %swap3A_372 = arith.constant 1 : i32
      %swap3A_373 = arith.index_cast %swap3A_372 : i32 to index
      %swap3A_374 = arith.constant 64 : index
      %swap3A_375 = tpu.vector_load %arg8[%swap3A_373, %swap3A_374] {strides = array<i32>} : memref<2x80xi32, #tpu.memory_space<vmem>>, vector<1x16xi32>,
      %swap3A_376 = vector.shape_cast %swap3A_375 : vector<1x16xi32> to vector<16xi32>
      %swap3A_377 = vector.shape_cast %min3A_371 : vector<16xi32> to vector<1x16xi32>
      tpu.vector_store %arg8[%swap3A_373, %swap3A_374], %swap3A_377 {strides = array<i32>} : memref<2x80xi32, #tpu.memory_space<vmem>>, vector<1x16xi32>,
      %scan3A_378 = arith.constant 0 : i32
      %scan3A_379 = arith.constant 0 : i32
      %scan3A_380 = arith.constant 160 : i32
      %scan3A_381 = arith.addi %scan3A_379, %scan3A_380 : i32
      %scan3A_382 = arith.constant 1 : i32
      %scan3A_383 = scf.for %scan3A_387 = %scan3A_379 to %scan3A_381 step %scan3A_382 iter_args(%scan3A_388 = %scan3A_378) -> (i32)  : i32 {
        %get3A_389 = arith.index_cast %scan3A_387 : i32 to index
        %get3A_390 = arith.constant 0 : index
        %get3A_391 = tpu.vector_load %arg6[%get3A_389, %get3A_390] {strides = array<i32>} : memref<160x16xf32, #tpu.memory_space<vmem>>, vector<1x16xf32>,
        %get3A_392 = vector.shape_cast %get3A_391 : vector<1x16xf32> to vector<16xf32>
        %swap3A_393 = arith.index_cast %scan3A_387 : i32 to index
        %swap3A_394 = arith.constant 0 : index
        %swap3A_395 = tpu.vector_load %arg5[%swap3A_393, %swap3A_394] {strides = array<i32>} : memref<160x128xf32, #tpu.memory_space<vmem>>, vector<1x16xf32>,
        %swap3A_396 = vector.shape_cast %swap3A_395 : vector<1x16xf32> to vector<16xf32>
        %swap3A_397 = vector.shape_cast %get3A_392 : vector<16xf32> to vector<1x16xf32>
        tpu.vector_store %arg5[%swap3A_393, %swap3A_394], %swap3A_397 {strides = array<i32>} : memref<160x128xf32, #tpu.memory_space<vmem>>, vector<1x16xf32>,
        %scan3A_398 = arith.constant 0 : i32
        scf.yield %scan3A_398 : i32
      }
      %scan3A_384 = arith.constant 160 : i32
      %run_scoped3A = arith.constant 0 : i32
      "tpu.region"() ({
        %run_scoped3A_387 = tpu.sem_alloc : memref<!tpu.dma_semaphore, #tpu.memory_space<semaphore_mem>>
        %dma_start3A = arith.constant 0 : i32
        %dma_start3A_388 = arith.constant 0 : i32
        %dma_start3A_389 = tpu.memref_slice %arg5[%dma_start3A, %dma_start3A_388] : memref<160x128xf32, #tpu.memory_space<vmem>> -> memref<80x128xf32, #tpu.memory_space<vmem>>
        %dma_start3A_390 = arith.constant 0 : i32
        %dma_start3A_391 = tpu.memref_slice %arg8[%run_scoped3A, %dma_start3A_390] : memref<2x80xi32, #tpu.memory_space<vmem>> -> memref<1x80xi32, #tpu.memory_space<vmem>>
        %dma_start3A_392 = tpu.memref_squeeze %dma_start3A_391 : memref<1x80xi32, #tpu.memory_space<vmem>> -> memref<80xi32, #tpu.memory_space<vmem>>
        %dma_start3A_393 = arith.constant 0 : i32
        %dma_start3A_394 = arith.constant 0 : i32
        %dma_start3A_395 = tpu.memref_slice %arg10[%dma_start3A_393, %dma_start3A_394] : memref<5008x128xf32, #tpu.memory_space<vmem_shared>> -> memref<5008x128xf32, #tpu.memory_space<vmem_shared>>
        tpu.enqueue_indirect_dma source(%dma_start3A_389 : memref<80x128xf32, #tpu.memory_space<vmem>>) target(%dma_start3A_395 : memref<5008x128xf32, #tpu.memory_space<vmem_shared>>) offsets(%dma_start3A_392 : memref<80xi32, #tpu.memory_space<vmem>>) semaphore(%run_scoped3A_387 : memref<!tpu.dma_semaphore, #tpu.memory_space<semaphore_mem>>) {add = true}
        %dma_wait3A = arith.constant 0 : i32
        %dma_wait3A_396 = arith.constant 0 : i32
        %dma_wait3A_397 = tpu.memref_slice %arg5[%dma_wait3A, %dma_wait3A_396] : memref<160x128xf32, #tpu.memory_space<vmem>> -> memref<80x128xf32, #tpu.memory_space<vmem>>
        %dma_wait3A_398 = arith.constant 0 : i32
        %dma_wait3A_399 = tpu.memref_slice %arg8[%run_scoped3A, %dma_wait3A_398] : memref<2x80xi32, #tpu.memory_space<vmem>> -> memref<1x80xi32, #tpu.memory_space<vmem>>
        %dma_wait3A_400 = tpu.memref_squeeze %dma_wait3A_399 : memref<1x80xi32, #tpu.memory_space<vmem>> -> memref<80xi32, #tpu.memory_space<vmem>>
        %dma_wait3A_401 = arith.constant 0 : i32
        %dma_wait3A_402 = arith.constant 0 : i32
        %dma_wait3A_403 = tpu.memref_slice %arg10[%dma_wait3A_401, %dma_wait3A_402] : memref<5008x128xf32, #tpu.memory_space<vmem_shared>> -> memref<5008x128xf32, #tpu.memory_space<vmem_shared>>
        tpu.wait_indirect_dma semaphore(%run_scoped3A_387 : memref<!tpu.dma_semaphore, #tpu.memory_space<semaphore_mem>>) src(%dma_wait3A_397 : memref<80x128xf32, #tpu.memory_space<vmem>>) dst(%dma_wait3A_403 : memref<5008x128xf32, #tpu.memory_space<vmem_shared>>)
        tpu.yield
      }) : () -> ()
      %run_scoped3A_385 = arith.constant 1 : i32
      "tpu.region"() ({
        %run_scoped3A_387 = tpu.sem_alloc : memref<!tpu.dma_semaphore, #tpu.memory_space<semaphore_mem>>
        %dma_start3A = arith.constant 80 : i32
        %dma_start3A_388 = arith.constant 0 : i32
        %dma_start3A_389 = tpu.memref_slice %arg5[%dma_start3A, %dma_start3A_388] : memref<160x128xf32, #tpu.memory_space<vmem>> -> memref<80x128xf32, #tpu.memory_space<vmem>>
        %dma_start3A_390 = arith.constant 0 : i32
        %dma_start3A_391 = tpu.memref_slice %arg8[%run_scoped3A_385, %dma_start3A_390] : memref<2x80xi32, #tpu.memory_space<vmem>> -> memref<1x80xi32, #tpu.memory_space<vmem>>
        %dma_start3A_392 = tpu.memref_squeeze %dma_start3A_391 : memref<1x80xi32, #tpu.memory_space<vmem>> -> memref<80xi32, #tpu.memory_space<vmem>>
        %dma_start3A_393 = arith.constant 0 : i32
        %dma_start3A_394 = arith.constant 0 : i32
        %dma_start3A_395 = tpu.memref_slice %arg10[%dma_start3A_393, %dma_start3A_394] : memref<5008x128xf32, #tpu.memory_space<vmem_shared>> -> memref<5008x128xf32, #tpu.memory_space<vmem_shared>>
        tpu.enqueue_indirect_dma source(%dma_start3A_389 : memref<80x128xf32, #tpu.memory_space<vmem>>) target(%dma_start3A_395 : memref<5008x128xf32, #tpu.memory_space<vmem_shared>>) offsets(%dma_start3A_392 : memref<80xi32, #tpu.memory_space<vmem>>) semaphore(%run_scoped3A_387 : memref<!tpu.dma_semaphore, #tpu.memory_space<semaphore_mem>>) {add = true}
        %dma_wait3A = arith.constant 80 : i32
        %dma_wait3A_396 = arith.constant 0 : i32
        %dma_wait3A_397 = tpu.memref_slice %arg5[%dma_wait3A, %dma_wait3A_396] : memref<160x128xf32, #tpu.memory_space<vmem>> -> memref<80x128xf32, #tpu.memory_space<vmem>>
        %dma_wait3A_398 = arith.constant 0 : i32
        %dma_wait3A_399 = tpu.memref_slice %arg8[%run_scoped3A_385, %dma_wait3A_398] : memref<2x80xi32, #tpu.memory_space<vmem>> -> memref<1x80xi32, #tpu.memory_space<vmem>>
        %dma_wait3A_400 = tpu.memref_squeeze %dma_wait3A_399 : memref<1x80xi32, #tpu.memory_space<vmem>> -> memref<80xi32, #tpu.memory_space<vmem>>
        %dma_wait3A_401 = arith.constant 0 : i32
        %dma_wait3A_402 = arith.constant 0 : i32
        %dma_wait3A_403 = tpu.memref_slice %arg10[%dma_wait3A_401, %dma_wait3A_402] : memref<5008x128xf32, #tpu.memory_space<vmem_shared>> -> memref<5008x128xf32, #tpu.memory_space<vmem_shared>>
        tpu.wait_indirect_dma semaphore(%run_scoped3A_387 : memref<!tpu.dma_semaphore, #tpu.memory_space<semaphore_mem>>) src(%dma_wait3A_397 : memref<80x128xf32, #tpu.memory_space<vmem>>) dst(%dma_wait3A_403 : memref<5008x128xf32, #tpu.memory_space<vmem_shared>>)
        tpu.yield
      }) : () -> ()
      %while3A_386 = arith.constant 0 : i32
      scf.yield %while3A_386 : i32
    }
    %barrier3A_95 = arith.constant 0 : index
    tpu.barrier barrier_id(%barrier3A_95)
    %lt3A_96 = arith.constant 15 : i32
    %lt3A_97 = arith.cmpi slt, %arg1, %lt3A_96 : i32
    %convert_element_type3A_98 = arith.extui %lt3A_97 : i1 to i32
    %cond3A_99 = arith.constant 0 : i32
    %cond3A_100 = arith.cmpi ne, %convert_element_type3A_98, %cond3A_99 : i32
    scf.if %cond3A_100 {
      %mul3A_106 = arith.constant 312 : i32
      %mul3A_107 = arith.muli %arg1, %mul3A_106 : i32
      "tpu.region"() ({
        %run_scoped3A = tpu.sem_alloc : memref<!tpu.dma_semaphore, #tpu.memory_space<semaphore_mem>>
        %dma_start3A = arith.constant 0 : i32
        %dma_start3A_112 = arith.constant 0 : i32
        %dma_start3A_113 = tpu.memref_slice %arg5[%dma_start3A, %dma_start3A_112] : memref<160x128xf32, #tpu.memory_space<vmem>> -> memref<160x128xf32, #tpu.memory_space<vmem>>
        %dma_start3A_114 = arith.constant 0 : i32
        %dma_start3A_115 = tpu.memref_slice %arg10[%mul3A_107, %dma_start3A_114] : memref<5008x128xf32, #tpu.memory_space<vmem_shared>> -> memref<160x128xf32, #tpu.memory_space<vmem_shared>>
        %dma_start3A_116 = arith.constant 0 : i32
        %dma_start3A_117 = arith.constant 0 : i32
        %dma_start3A_118 = tpu.memref_slice %arg5[%dma_start3A_116, %dma_start3A_117] : memref<160x128xf32, #tpu.memory_space<vmem>> -> memref<160x128xf32, #tpu.memory_space<vmem>>
        %dma_start3A_119 = arith.constant 0 : i32
        %dma_start3A_120 = tpu.memref_slice %arg10[%mul3A_107, %dma_start3A_119] : memref<5008x128xf32, #tpu.memory_space<vmem_shared>> -> memref<160x128xf32, #tpu.memory_space<vmem_shared>>
        tpu.enqueue_dma source(%dma_start3A_120 : memref<160x128xf32, #tpu.memory_space<vmem_shared>>) target(%dma_start3A_118 : memref<160x128xf32, #tpu.memory_space<vmem>>) target_semaphore(%run_scoped3A : memref<!tpu.dma_semaphore, #tpu.memory_space<semaphore_mem>>)
        %dma_wait3A = arith.constant 0 : i32
        %dma_wait3A_121 = arith.constant 0 : i32
        %dma_wait3A_122 = tpu.memref_slice %arg5[%dma_wait3A, %dma_wait3A_121] : memref<160x128xf32, #tpu.memory_space<vmem>> -> memref<160x128xf32, #tpu.memory_space<vmem>>
        %dma_wait3A_123 = arith.constant 0 : i32
        %dma_wait3A_124 = tpu.memref_slice %arg10[%mul3A_107, %dma_wait3A_123] : memref<5008x128xf32, #tpu.memory_space<vmem_shared>> -> memref<160x128xf32, #tpu.memory_space<vmem_shared>>
        %dma_wait3A_125 = arith.constant 0 : i32
        %dma_wait3A_126 = arith.constant 0 : i32
        %dma_wait3A_127 = tpu.memref_slice %arg5[%dma_wait3A_125, %dma_wait3A_126] : memref<160x128xf32, #tpu.memory_space<vmem>> -> memref<160x128xf32, #tpu.memory_space<vmem>>
        %dma_wait3A_128 = arith.constant 0 : i32
        %dma_wait3A_129 = tpu.memref_slice %arg10[%mul3A_107, %dma_wait3A_128] : memref<5008x128xf32, #tpu.memory_space<vmem_shared>> -> memref<160x128xf32, #tpu.memory_space<vmem_shared>>
        tpu.wait_dma2 semaphore(%run_scoped3A : memref<!tpu.dma_semaphore, #tpu.memory_space<semaphore_mem>>) src(%dma_wait3A_129 : memref<160x128xf32, #tpu.memory_space<vmem_shared>>) dst(%dma_wait3A_127 : memref<160x128xf32, #tpu.memory_space<vmem>>)
        tpu.yield
      }) : () -> ()
      "tpu.region"() ({
        %run_scoped3A = tpu.sem_alloc : memref<!tpu.dma_semaphore, #tpu.memory_space<semaphore_mem>>
        %dma_start3A = arith.constant 0 : i32
        %dma_start3A_112 = arith.constant 0 : i32
        %dma_start3A_113 = tpu.memref_slice %arg5[%dma_start3A, %dma_start3A_112] : memref<160x128xf32, #tpu.memory_space<vmem>> -> memref<160x128xf32, #tpu.memory_space<vmem>>
        %dma_start3A_114 = arith.constant 0 : i32
        %dma_start3A_115 = tpu.memref_slice %arg4[%arg0, %mul3A_107, %dma_start3A_114] : memref<2x5008x128xf32, #tpu.memory_space<hbm>> -> memref<1x160x128xf32, #tpu.memory_space<hbm>>
        %dma_start3A_116 = tpu.memref_squeeze %dma_start3A_115 : memref<1x160x128xf32, #tpu.memory_space<hbm>> -> memref<160x128xf32, #tpu.memory_space<hbm>>
        %dma_start3A_117 = arith.constant 0 : i32
        %dma_start3A_118 = tpu.memref_slice %arg4[%arg0, %mul3A_107, %dma_start3A_117] : memref<2x5008x128xf32, #tpu.memory_space<hbm>> -> memref<1x160x128xf32, #tpu.memory_space<hbm>>
        %dma_start3A_119 = tpu.memref_squeeze %dma_start3A_118 : memref<1x160x128xf32, #tpu.memory_space<hbm>> -> memref<160x128xf32, #tpu.memory_space<hbm>>
        %dma_start3A_120 = arith.constant 0 : i32
        %dma_start3A_121 = arith.constant 0 : i32
        %dma_start3A_122 = tpu.memref_slice %arg5[%dma_start3A_120, %dma_start3A_121] : memref<160x128xf32, #tpu.memory_space<vmem>> -> memref<160x128xf32, #tpu.memory_space<vmem>>
        tpu.enqueue_dma source(%dma_start3A_122 : memref<160x128xf32, #tpu.memory_space<vmem>>) target(%dma_start3A_119 : memref<160x128xf32, #tpu.memory_space<hbm>>) target_semaphore(%run_scoped3A : memref<!tpu.dma_semaphore, #tpu.memory_space<semaphore_mem>>)
        %dma_wait3A = arith.constant 0 : i32
        %dma_wait3A_123 = arith.constant 0 : i32
        %dma_wait3A_124 = tpu.memref_slice %arg5[%dma_wait3A, %dma_wait3A_123] : memref<160x128xf32, #tpu.memory_space<vmem>> -> memref<160x128xf32, #tpu.memory_space<vmem>>
        %dma_wait3A_125 = arith.constant 0 : i32
        %dma_wait3A_126 = tpu.memref_slice %arg4[%arg0, %mul3A_107, %dma_wait3A_125] : memref<2x5008x128xf32, #tpu.memory_space<hbm>> -> memref<1x160x128xf32, #tpu.memory_space<hbm>>
        %dma_wait3A_127 = tpu.memref_squeeze %dma_wait3A_126 : memref<1x160x128xf32, #tpu.memory_space<hbm>> -> memref<160x128xf32, #tpu.memory_space<hbm>>
        %dma_wait3A_128 = arith.constant 0 : i32
        %dma_wait3A_129 = tpu.memref_slice %arg4[%arg0, %mul3A_107, %dma_wait3A_128] : memref<2x5008x128xf32, #tpu.memory_space<hbm>> -> memref<1x160x128xf32, #tpu.memory_space<hbm>>
        %dma_wait3A_130 = tpu.memref_squeeze %dma_wait3A_129 : memref<1x160x128xf32, #tpu.memory_space<hbm>> -> memref<160x128xf32, #tpu.memory_space<hbm>>
        %dma_wait3A_131 = arith.constant 0 : i32
        %dma_wait3A_132 = arith.constant 0 : i32
        %dma_wait3A_133 = tpu.memref_slice %arg5[%dma_wait3A_131, %dma_wait3A_132] : memref<160x128xf32, #tpu.memory_space<vmem>> -> memref<160x128xf32, #tpu.memory_space<vmem>>
        tpu.wait_dma2 semaphore(%run_scoped3A : memref<!tpu.dma_semaphore, #tpu.memory_space<semaphore_mem>>) src(%dma_wait3A_133 : memref<160x128xf32, #tpu.memory_space<vmem>>) dst(%dma_wait3A_130 : memref<160x128xf32, #tpu.memory_space<hbm>>)
        tpu.yield
      }) : () -> ()
      %mul3A_108 = arith.constant 312 : i32
      %mul3A_109 = arith.muli %arg1, %mul3A_108 : i32
      %add3A_110 = arith.constant 160 : i32
      %add3A_111 = arith.addi %mul3A_109, %add3A_110 : i32
      "tpu.region"() ({
        %run_scoped3A = tpu.sem_alloc : memref<!tpu.dma_semaphore, #tpu.memory_space<semaphore_mem>>
        %dma_start3A = arith.constant 0 : i32
        %dma_start3A_112 = arith.constant 0 : i32
        %dma_start3A_113 = tpu.memref_slice %arg5[%dma_start3A, %dma_start3A_112] : memref<160x128xf32, #tpu.memory_space<vmem>> -> memref<152x128xf32, #tpu.memory_space<vmem>>
        %dma_start3A_114 = arith.constant 0 : i32
        %dma_start3A_115 = tpu.memref_slice %arg10[%add3A_111, %dma_start3A_114] : memref<5008x128xf32, #tpu.memory_space<vmem_shared>> -> memref<152x128xf32, #tpu.memory_space<vmem_shared>>
        %dma_start3A_116 = arith.constant 0 : i32
        %dma_start3A_117 = arith.constant 0 : i32
        %dma_start3A_118 = tpu.memref_slice %arg5[%dma_start3A_116, %dma_start3A_117] : memref<160x128xf32, #tpu.memory_space<vmem>> -> memref<152x128xf32, #tpu.memory_space<vmem>>
        %dma_start3A_119 = arith.constant 0 : i32
        %dma_start3A_120 = tpu.memref_slice %arg10[%add3A_111, %dma_start3A_119] : memref<5008x128xf32, #tpu.memory_space<vmem_shared>> -> memref<152x128xf32, #tpu.memory_space<vmem_shared>>
        tpu.enqueue_dma source(%dma_start3A_120 : memref<152x128xf32, #tpu.memory_space<vmem_shared>>) target(%dma_start3A_118 : memref<152x128xf32, #tpu.memory_space<vmem>>) target_semaphore(%run_scoped3A : memref<!tpu.dma_semaphore, #tpu.memory_space<semaphore_mem>>)
        %dma_wait3A = arith.constant 0 : i32
        %dma_wait3A_121 = arith.constant 0 : i32
        %dma_wait3A_122 = tpu.memref_slice %arg5[%dma_wait3A, %dma_wait3A_121] : memref<160x128xf32, #tpu.memory_space<vmem>> -> memref<152x128xf32, #tpu.memory_space<vmem>>
        %dma_wait3A_123 = arith.constant 0 : i32
        %dma_wait3A_124 = tpu.memref_slice %arg10[%add3A_111, %dma_wait3A_123] : memref<5008x128xf32, #tpu.memory_space<vmem_shared>> -> memref<152x128xf32, #tpu.memory_space<vmem_shared>>
        %dma_wait3A_125 = arith.constant 0 : i32
        %dma_wait3A_126 = arith.constant 0 : i32
        %dma_wait3A_127 = tpu.memref_slice %arg5[%dma_wait3A_125, %dma_wait3A_126] : memref<160x128xf32, #tpu.memory_space<vmem>> -> memref<152x128xf32, #tpu.memory_space<vmem>>
        %dma_wait3A_128 = arith.constant 0 : i32
        %dma_wait3A_129 = tpu.memref_slice %arg10[%add3A_111, %dma_wait3A_128] : memref<5008x128xf32, #tpu.memory_space<vmem_shared>> -> memref<152x128xf32, #tpu.memory_space<vmem_shared>>
        tpu.wait_dma2 semaphore(%run_scoped3A : memref<!tpu.dma_semaphore, #tpu.memory_space<semaphore_mem>>) src(%dma_wait3A_129 : memref<152x128xf32, #tpu.memory_space<vmem_shared>>) dst(%dma_wait3A_127 : memref<152x128xf32, #tpu.memory_space<vmem>>)
        tpu.yield
      }) : () -> ()
      "tpu.region"() ({
        %run_scoped3A = tpu.sem_alloc : memref<!tpu.dma_semaphore, #tpu.memory_space<semaphore_mem>>
        %dma_start3A = arith.constant 0 : i32
        %dma_start3A_112 = arith.constant 0 : i32
        %dma_start3A_113 = tpu.memref_slice %arg5[%dma_start3A, %dma_start3A_112] : memref<160x128xf32, #tpu.memory_space<vmem>> -> memref<152x128xf32, #tpu.memory_space<vmem>>
        %dma_start3A_114 = arith.constant 0 : i32
        %dma_start3A_115 = tpu.memref_slice %arg4[%arg0, %add3A_111, %dma_start3A_114] : memref<2x5008x128xf32, #tpu.memory_space<hbm>> -> memref<1x152x128xf32, #tpu.memory_space<hbm>>
        %dma_start3A_116 = tpu.memref_squeeze %dma_start3A_115 : memref<1x152x128xf32, #tpu.memory_space<hbm>> -> memref<152x128xf32, #tpu.memory_space<hbm>>
        %dma_start3A_117 = arith.constant 0 : i32
        %dma_start3A_118 = tpu.memref_slice %arg4[%arg0, %add3A_111, %dma_start3A_117] : memref<2x5008x128xf32, #tpu.memory_space<hbm>> -> memref<1x152x128xf32, #tpu.memory_space<hbm>>
        %dma_start3A_119 = tpu.memref_squeeze %dma_start3A_118 : memref<1x152x128xf32, #tpu.memory_space<hbm>> -> memref<152x128xf32, #tpu.memory_space<hbm>>
        %dma_start3A_120 = arith.constant 0 : i32
        %dma_start3A_121 = arith.constant 0 : i32
        %dma_start3A_122 = tpu.memref_slice %arg5[%dma_start3A_120, %dma_start3A_121] : memref<160x128xf32, #tpu.memory_space<vmem>> -> memref<152x128xf32, #tpu.memory_space<vmem>>
        tpu.enqueue_dma source(%dma_start3A_122 : memref<152x128xf32, #tpu.memory_space<vmem>>) target(%dma_start3A_119 : memref<152x128xf32, #tpu.memory_space<hbm>>) target_semaphore(%run_scoped3A : memref<!tpu.dma_semaphore, #tpu.memory_space<semaphore_mem>>)
        %dma_wait3A = arith.constant 0 : i32
        %dma_wait3A_123 = arith.constant 0 : i32
        %dma_wait3A_124 = tpu.memref_slice %arg5[%dma_wait3A, %dma_wait3A_123] : memref<160x128xf32, #tpu.memory_space<vmem>> -> memref<152x128xf32, #tpu.memory_space<vmem>>
        %dma_wait3A_125 = arith.constant 0 : i32
        %dma_wait3A_126 = tpu.memref_slice %arg4[%arg0, %add3A_111, %dma_wait3A_125] : memref<2x5008x128xf32, #tpu.memory_space<hbm>> -> memref<1x152x128xf32, #tpu.memory_space<hbm>>
        %dma_wait3A_127 = tpu.memref_squeeze %dma_wait3A_126 : memref<1x152x128xf32, #tpu.memory_space<hbm>> -> memref<152x128xf32, #tpu.memory_space<hbm>>
        %dma_wait3A_128 = arith.constant 0 : i32
        %dma_wait3A_129 = tpu.memref_slice %arg4[%arg0, %add3A_111, %dma_wait3A_128] : memref<2x5008x128xf32, #tpu.memory_space<hbm>> -> memref<1x152x128xf32, #tpu.memory_space<hbm>>
        %dma_wait3A_130 = tpu.memref_squeeze %dma_wait3A_129 : memref<1x152x128xf32, #tpu.memory_space<hbm>> -> memref<152x128xf32, #tpu.memory_space<hbm>>
        %dma_wait3A_131 = arith.constant 0 : i32
        %dma_wait3A_132 = arith.constant 0 : i32
        %dma_wait3A_133 = tpu.memref_slice %arg5[%dma_wait3A_131, %dma_wait3A_132] : memref<160x128xf32, #tpu.memory_space<vmem>> -> memref<152x128xf32, #tpu.memory_space<vmem>>
        tpu.wait_dma2 semaphore(%run_scoped3A : memref<!tpu.dma_semaphore, #tpu.memory_space<semaphore_mem>>) src(%dma_wait3A_133 : memref<152x128xf32, #tpu.memory_space<vmem>>) dst(%dma_wait3A_130 : memref<152x128xf32, #tpu.memory_space<hbm>>)
        tpu.yield
      }) : () -> ()
    } else {
    }
    %eq3A_101 = arith.constant 15 : i32
    %eq3A_102 = arith.cmpi eq, %arg1, %eq3A_101 : i32
    %convert_element_type3A_103 = arith.extui %eq3A_102 : i1 to i32
    %cond3A_104 = arith.constant 0 : i32
    %cond3A_105 = arith.cmpi ne, %convert_element_type3A_103, %cond3A_104 : i32
    scf.if %cond3A_105 {
      "tpu.region"() ({
        %run_scoped3A = tpu.sem_alloc : memref<!tpu.dma_semaphore, #tpu.memory_space<semaphore_mem>>
        %dma_start3A = arith.constant 0 : i32
        %dma_start3A_106 = arith.constant 0 : i32
        %dma_start3A_107 = tpu.memref_slice %arg5[%dma_start3A, %dma_start3A_106] : memref<160x128xf32, #tpu.memory_space<vmem>> -> memref<160x128xf32, #tpu.memory_space<vmem>>
        %dma_start3A_108 = arith.constant 4680 : i32
        %dma_start3A_109 = arith.constant 0 : i32
        %dma_start3A_110 = tpu.memref_slice %arg10[%dma_start3A_108, %dma_start3A_109] : memref<5008x128xf32, #tpu.memory_space<vmem_shared>> -> memref<160x128xf32, #tpu.memory_space<vmem_shared>>
        %dma_start3A_111 = arith.constant 0 : i32
        %dma_start3A_112 = arith.constant 0 : i32
        %dma_start3A_113 = tpu.memref_slice %arg5[%dma_start3A_111, %dma_start3A_112] : memref<160x128xf32, #tpu.memory_space<vmem>> -> memref<160x128xf32, #tpu.memory_space<vmem>>
        %dma_start3A_114 = arith.constant 4680 : i32
        %dma_start3A_115 = arith.constant 0 : i32
        %dma_start3A_116 = tpu.memref_slice %arg10[%dma_start3A_114, %dma_start3A_115] : memref<5008x128xf32, #tpu.memory_space<vmem_shared>> -> memref<160x128xf32, #tpu.memory_space<vmem_shared>>
        tpu.enqueue_dma source(%dma_start3A_116 : memref<160x128xf32, #tpu.memory_space<vmem_shared>>) target(%dma_start3A_113 : memref<160x128xf32, #tpu.memory_space<vmem>>) target_semaphore(%run_scoped3A : memref<!tpu.dma_semaphore, #tpu.memory_space<semaphore_mem>>)
        %dma_wait3A = arith.constant 0 : i32
        %dma_wait3A_117 = arith.constant 0 : i32
        %dma_wait3A_118 = tpu.memref_slice %arg5[%dma_wait3A, %dma_wait3A_117] : memref<160x128xf32, #tpu.memory_space<vmem>> -> memref<160x128xf32, #tpu.memory_space<vmem>>
        %dma_wait3A_119 = arith.constant 4680 : i32
        %dma_wait3A_120 = arith.constant 0 : i32
        %dma_wait3A_121 = tpu.memref_slice %arg10[%dma_wait3A_119, %dma_wait3A_120] : memref<5008x128xf32, #tpu.memory_space<vmem_shared>> -> memref<160x128xf32, #tpu.memory_space<vmem_shared>>
        %dma_wait3A_122 = arith.constant 0 : i32
        %dma_wait3A_123 = arith.constant 0 : i32
        %dma_wait3A_124 = tpu.memref_slice %arg5[%dma_wait3A_122, %dma_wait3A_123] : memref<160x128xf32, #tpu.memory_space<vmem>> -> memref<160x128xf32, #tpu.memory_space<vmem>>
        %dma_wait3A_125 = arith.constant 4680 : i32
        %dma_wait3A_126 = arith.constant 0 : i32
        %dma_wait3A_127 = tpu.memref_slice %arg10[%dma_wait3A_125, %dma_wait3A_126] : memref<5008x128xf32, #tpu.memory_space<vmem_shared>> -> memref<160x128xf32, #tpu.memory_space<vmem_shared>>
        tpu.wait_dma2 semaphore(%run_scoped3A : memref<!tpu.dma_semaphore, #tpu.memory_space<semaphore_mem>>) src(%dma_wait3A_127 : memref<160x128xf32, #tpu.memory_space<vmem_shared>>) dst(%dma_wait3A_124 : memref<160x128xf32, #tpu.memory_space<vmem>>)
        tpu.yield
      }) : () -> ()
      "tpu.region"() ({
        %run_scoped3A = tpu.sem_alloc : memref<!tpu.dma_semaphore, #tpu.memory_space<semaphore_mem>>
        %dma_start3A = arith.constant 0 : i32
        %dma_start3A_106 = arith.constant 0 : i32
        %dma_start3A_107 = tpu.memref_slice %arg5[%dma_start3A, %dma_start3A_106] : memref<160x128xf32, #tpu.memory_space<vmem>> -> memref<160x128xf32, #tpu.memory_space<vmem>>
        %dma_start3A_108 = arith.constant 4680 : i32
        %dma_start3A_109 = arith.constant 0 : i32
        %dma_start3A_110 = tpu.memref_slice %arg4[%arg0, %dma_start3A_108, %dma_start3A_109] : memref<2x5008x128xf32, #tpu.memory_space<hbm>> -> memref<1x160x128xf32, #tpu.memory_space<hbm>>
        %dma_start3A_111 = tpu.memref_squeeze %dma_start3A_110 : memref<1x160x128xf32, #tpu.memory_space<hbm>> -> memref<160x128xf32, #tpu.memory_space<hbm>>
        %dma_start3A_112 = arith.constant 4680 : i32
        %dma_start3A_113 = arith.constant 0 : i32
        %dma_start3A_114 = tpu.memref_slice %arg4[%arg0, %dma_start3A_112, %dma_start3A_113] : memref<2x5008x128xf32, #tpu.memory_space<hbm>> -> memref<1x160x128xf32, #tpu.memory_space<hbm>>
        %dma_start3A_115 = tpu.memref_squeeze %dma_start3A_114 : memref<1x160x128xf32, #tpu.memory_space<hbm>> -> memref<160x128xf32, #tpu.memory_space<hbm>>
        %dma_start3A_116 = arith.constant 0 : i32
        %dma_start3A_117 = arith.constant 0 : i32
        %dma_start3A_118 = tpu.memref_slice %arg5[%dma_start3A_116, %dma_start3A_117] : memref<160x128xf32, #tpu.memory_space<vmem>> -> memref<160x128xf32, #tpu.memory_space<vmem>>
        tpu.enqueue_dma source(%dma_start3A_118 : memref<160x128xf32, #tpu.memory_space<vmem>>) target(%dma_start3A_115 : memref<160x128xf32, #tpu.memory_space<hbm>>) target_semaphore(%run_scoped3A : memref<!tpu.dma_semaphore, #tpu.memory_space<semaphore_mem>>)
        %dma_wait3A = arith.constant 0 : i32
        %dma_wait3A_119 = arith.constant 0 : i32
        %dma_wait3A_120 = tpu.memref_slice %arg5[%dma_wait3A, %dma_wait3A_119] : memref<160x128xf32, #tpu.memory_space<vmem>> -> memref<160x128xf32, #tpu.memory_space<vmem>>
        %dma_wait3A_121 = arith.constant 4680 : i32
        %dma_wait3A_122 = arith.constant 0 : i32
        %dma_wait3A_123 = tpu.memref_slice %arg4[%arg0, %dma_wait3A_121, %dma_wait3A_122] : memref<2x5008x128xf32, #tpu.memory_space<hbm>> -> memref<1x160x128xf32, #tpu.memory_space<hbm>>
        %dma_wait3A_124 = tpu.memref_squeeze %dma_wait3A_123 : memref<1x160x128xf32, #tpu.memory_space<hbm>> -> memref<160x128xf32, #tpu.memory_space<hbm>>
        %dma_wait3A_125 = arith.constant 4680 : i32
        %dma_wait3A_126 = arith.constant 0 : i32
        %dma_wait3A_127 = tpu.memref_slice %arg4[%arg0, %dma_wait3A_125, %dma_wait3A_126] : memref<2x5008x128xf32, #tpu.memory_space<hbm>> -> memref<1x160x128xf32, #tpu.memory_space<hbm>>
        %dma_wait3A_128 = tpu.memref_squeeze %dma_wait3A_127 : memref<1x160x128xf32, #tpu.memory_space<hbm>> -> memref<160x128xf32, #tpu.memory_space<hbm>>
        %dma_wait3A_129 = arith.constant 0 : i32
        %dma_wait3A_130 = arith.constant 0 : i32
        %dma_wait3A_131 = tpu.memref_slice %arg5[%dma_wait3A_129, %dma_wait3A_130] : memref<160x128xf32, #tpu.memory_space<vmem>> -> memref<160x128xf32, #tpu.memory_space<vmem>>
        tpu.wait_dma2 semaphore(%run_scoped3A : memref<!tpu.dma_semaphore, #tpu.memory_space<semaphore_mem>>) src(%dma_wait3A_131 : memref<160x128xf32, #tpu.memory_space<vmem>>) dst(%dma_wait3A_128 : memref<160x128xf32, #tpu.memory_space<hbm>>)
        tpu.yield
      }) : () -> ()
      "tpu.region"() ({
        %run_scoped3A = tpu.sem_alloc : memref<!tpu.dma_semaphore, #tpu.memory_space<semaphore_mem>>
        %dma_start3A = arith.constant 0 : i32
        %dma_start3A_106 = arith.constant 0 : i32
        %dma_start3A_107 = tpu.memref_slice %arg5[%dma_start3A, %dma_start3A_106] : memref<160x128xf32, #tpu.memory_space<vmem>> -> memref<160x128xf32, #tpu.memory_space<vmem>>
        %dma_start3A_108 = arith.constant 4840 : i32
        %dma_start3A_109 = arith.constant 0 : i32
        %dma_start3A_110 = tpu.memref_slice %arg10[%dma_start3A_108, %dma_start3A_109] : memref<5008x128xf32, #tpu.memory_space<vmem_shared>> -> memref<160x128xf32, #tpu.memory_space<vmem_shared>>
        %dma_start3A_111 = arith.constant 0 : i32
        %dma_start3A_112 = arith.constant 0 : i32
        %dma_start3A_113 = tpu.memref_slice %arg5[%dma_start3A_111, %dma_start3A_112] : memref<160x128xf32, #tpu.memory_space<vmem>> -> memref<160x128xf32, #tpu.memory_space<vmem>>
        %dma_start3A_114 = arith.constant 4840 : i32
        %dma_start3A_115 = arith.constant 0 : i32
        %dma_start3A_116 = tpu.memref_slice %arg10[%dma_start3A_114, %dma_start3A_115] : memref<5008x128xf32, #tpu.memory_space<vmem_shared>> -> memref<160x128xf32, #tpu.memory_space<vmem_shared>>
        tpu.enqueue_dma source(%dma_start3A_116 : memref<160x128xf32, #tpu.memory_space<vmem_shared>>) target(%dma_start3A_113 : memref<160x128xf32, #tpu.memory_space<vmem>>) target_semaphore(%run_scoped3A : memref<!tpu.dma_semaphore, #tpu.memory_space<semaphore_mem>>)
        %dma_wait3A = arith.constant 0 : i32
        %dma_wait3A_117 = arith.constant 0 : i32
        %dma_wait3A_118 = tpu.memref_slice %arg5[%dma_wait3A, %dma_wait3A_117] : memref<160x128xf32, #tpu.memory_space<vmem>> -> memref<160x128xf32, #tpu.memory_space<vmem>>
        %dma_wait3A_119 = arith.constant 4840 : i32
        %dma_wait3A_120 = arith.constant 0 : i32
        %dma_wait3A_121 = tpu.memref_slice %arg10[%dma_wait3A_119, %dma_wait3A_120] : memref<5008x128xf32, #tpu.memory_space<vmem_shared>> -> memref<160x128xf32, #tpu.memory_space<vmem_shared>>
        %dma_wait3A_122 = arith.constant 0 : i32
        %dma_wait3A_123 = arith.constant 0 : i32
        %dma_wait3A_124 = tpu.memref_slice %arg5[%dma_wait3A_122, %dma_wait3A_123] : memref<160x128xf32, #tpu.memory_space<vmem>> -> memref<160x128xf32, #tpu.memory_space<vmem>>
        %dma_wait3A_125 = arith.constant 4840 : i32
        %dma_wait3A_126 = arith.constant 0 : i32
        %dma_wait3A_127 = tpu.memref_slice %arg10[%dma_wait3A_125, %dma_wait3A_126] : memref<5008x128xf32, #tpu.memory_space<vmem_shared>> -> memref<160x128xf32, #tpu.memory_space<vmem_shared>>
        tpu.wait_dma2 semaphore(%run_scoped3A : memref<!tpu.dma_semaphore, #tpu.memory_space<semaphore_mem>>) src(%dma_wait3A_127 : memref<160x128xf32, #tpu.memory_space<vmem_shared>>) dst(%dma_wait3A_124 : memref<160x128xf32, #tpu.memory_space<vmem>>)
        tpu.yield
      }) : () -> ()
      "tpu.region"() ({
        %run_scoped3A = tpu.sem_alloc : memref<!tpu.dma_semaphore, #tpu.memory_space<semaphore_mem>>
        %dma_start3A = arith.constant 0 : i32
        %dma_start3A_106 = arith.constant 0 : i32
        %dma_start3A_107 = tpu.memref_slice %arg5[%dma_start3A, %dma_start3A_106] : memref<160x128xf32, #tpu.memory_space<vmem>> -> memref<160x128xf32, #tpu.memory_space<vmem>>
        %dma_start3A_108 = arith.constant 4840 : i32
        %dma_start3A_109 = arith.constant 0 : i32
        %dma_start3A_110 = tpu.memref_slice %arg4[%arg0, %dma_start3A_108, %dma_start3A_109] : memref<2x5008x128xf32, #tpu.memory_space<hbm>> -> memref<1x160x128xf32, #tpu.memory_space<hbm>>
        %dma_start3A_111 = tpu.memref_squeeze %dma_start3A_110 : memref<1x160x128xf32, #tpu.memory_space<hbm>> -> memref<160x128xf32, #tpu.memory_space<hbm>>
        %dma_start3A_112 = arith.constant 4840 : i32
        %dma_start3A_113 = arith.constant 0 : i32
        %dma_start3A_114 = tpu.memref_slice %arg4[%arg0, %dma_start3A_112, %dma_start3A_113] : memref<2x5008x128xf32, #tpu.memory_space<hbm>> -> memref<1x160x128xf32, #tpu.memory_space<hbm>>
        %dma_start3A_115 = tpu.memref_squeeze %dma_start3A_114 : memref<1x160x128xf32, #tpu.memory_space<hbm>> -> memref<160x128xf32, #tpu.memory_space<hbm>>
        %dma_start3A_116 = arith.constant 0 : i32
        %dma_start3A_117 = arith.constant 0 : i32
        %dma_start3A_118 = tpu.memref_slice %arg5[%dma_start3A_116, %dma_start3A_117] : memref<160x128xf32, #tpu.memory_space<vmem>> -> memref<160x128xf32, #tpu.memory_space<vmem>>
        tpu.enqueue_dma source(%dma_start3A_118 : memref<160x128xf32, #tpu.memory_space<vmem>>) target(%dma_start3A_115 : memref<160x128xf32, #tpu.memory_space<hbm>>) target_semaphore(%run_scoped3A : memref<!tpu.dma_semaphore, #tpu.memory_space<semaphore_mem>>)
        %dma_wait3A = arith.constant 0 : i32
        %dma_wait3A_119 = arith.constant 0 : i32
        %dma_wait3A_120 = tpu.memref_slice %arg5[%dma_wait3A, %dma_wait3A_119] : memref<160x128xf32, #tpu.memory_space<vmem>> -> memref<160x128xf32, #tpu.memory_space<vmem>>
        %dma_wait3A_121 = arith.constant 4840 : i32
        %dma_wait3A_122 = arith.constant 0 : i32
        %dma_wait3A_123 = tpu.memref_slice %arg4[%arg0, %dma_wait3A_121, %dma_wait3A_122] : memref<2x5008x128xf32, #tpu.memory_space<hbm>> -> memref<1x160x128xf32, #tpu.memory_space<hbm>>
        %dma_wait3A_124 = tpu.memref_squeeze %dma_wait3A_123 : memref<1x160x128xf32, #tpu.memory_space<hbm>> -> memref<160x128xf32, #tpu.memory_space<hbm>>
        %dma_wait3A_125 = arith.constant 4840 : i32
        %dma_wait3A_126 = arith.constant 0 : i32
        %dma_wait3A_127 = tpu.memref_slice %arg4[%arg0, %dma_wait3A_125, %dma_wait3A_126] : memref<2x5008x128xf32, #tpu.memory_space<hbm>> -> memref<1x160x128xf32, #tpu.memory_space<hbm>>
        %dma_wait3A_128 = tpu.memref_squeeze %dma_wait3A_127 : memref<1x160x128xf32, #tpu.memory_space<hbm>> -> memref<160x128xf32, #tpu.memory_space<hbm>>
        %dma_wait3A_129 = arith.constant 0 : i32
        %dma_wait3A_130 = arith.constant 0 : i32
        %dma_wait3A_131 = tpu.memref_slice %arg5[%dma_wait3A_129, %dma_wait3A_130] : memref<160x128xf32, #tpu.memory_space<vmem>> -> memref<160x128xf32, #tpu.memory_space<vmem>>
        tpu.wait_dma2 semaphore(%run_scoped3A : memref<!tpu.dma_semaphore, #tpu.memory_space<semaphore_mem>>) src(%dma_wait3A_131 : memref<160x128xf32, #tpu.memory_space<vmem>>) dst(%dma_wait3A_128 : memref<160x128xf32, #tpu.memory_space<hbm>>)
        tpu.yield
      }) : () -> ()
      "tpu.region"() ({
        %run_scoped3A = tpu.sem_alloc : memref<!tpu.dma_semaphore, #tpu.memory_space<semaphore_mem>>
        %dma_start3A = arith.constant 0 : i32
        %dma_start3A_106 = arith.constant 0 : i32
        %dma_start3A_107 = tpu.memref_slice %arg5[%dma_start3A, %dma_start3A_106] : memref<160x128xf32, #tpu.memory_space<vmem>> -> memref<8x128xf32, #tpu.memory_space<vmem>>
        %dma_start3A_108 = arith.constant 5000 : i32
        %dma_start3A_109 = arith.constant 0 : i32
        %dma_start3A_110 = tpu.memref_slice %arg10[%dma_start3A_108, %dma_start3A_109] : memref<5008x128xf32, #tpu.memory_space<vmem_shared>> -> memref<8x128xf32, #tpu.memory_space<vmem_shared>>
        %dma_start3A_111 = arith.constant 0 : i32
        %dma_start3A_112 = arith.constant 0 : i32
        %dma_start3A_113 = tpu.memref_slice %arg5[%dma_start3A_111, %dma_start3A_112] : memref<160x128xf32, #tpu.memory_space<vmem>> -> memref<8x128xf32, #tpu.memory_space<vmem>>
        %dma_start3A_114 = arith.constant 5000 : i32
        %dma_start3A_115 = arith.constant 0 : i32
        %dma_start3A_116 = tpu.memref_slice %arg10[%dma_start3A_114, %dma_start3A_115] : memref<5008x128xf32, #tpu.memory_space<vmem_shared>> -> memref<8x128xf32, #tpu.memory_space<vmem_shared>>
        tpu.enqueue_dma source(%dma_start3A_116 : memref<8x128xf32, #tpu.memory_space<vmem_shared>>) target(%dma_start3A_113 : memref<8x128xf32, #tpu.memory_space<vmem>>) target_semaphore(%run_scoped3A : memref<!tpu.dma_semaphore, #tpu.memory_space<semaphore_mem>>)
        %dma_wait3A = arith.constant 0 : i32
        %dma_wait3A_117 = arith.constant 0 : i32
        %dma_wait3A_118 = tpu.memref_slice %arg5[%dma_wait3A, %dma_wait3A_117] : memref<160x128xf32, #tpu.memory_space<vmem>> -> memref<8x128xf32, #tpu.memory_space<vmem>>
        %dma_wait3A_119 = arith.constant 5000 : i32
        %dma_wait3A_120 = arith.constant 0 : i32
        %dma_wait3A_121 = tpu.memref_slice %arg10[%dma_wait3A_119, %dma_wait3A_120] : memref<5008x128xf32, #tpu.memory_space<vmem_shared>> -> memref<8x128xf32, #tpu.memory_space<vmem_shared>>
        %dma_wait3A_122 = arith.constant 0 : i32
        %dma_wait3A_123 = arith.constant 0 : i32
        %dma_wait3A_124 = tpu.memref_slice %arg5[%dma_wait3A_122, %dma_wait3A_123] : memref<160x128xf32, #tpu.memory_space<vmem>> -> memref<8x128xf32, #tpu.memory_space<vmem>>
        %dma_wait3A_125 = arith.constant 5000 : i32
        %dma_wait3A_126 = arith.constant 0 : i32
        %dma_wait3A_127 = tpu.memref_slice %arg10[%dma_wait3A_125, %dma_wait3A_126] : memref<5008x128xf32, #tpu.memory_space<vmem_shared>> -> memref<8x128xf32, #tpu.memory_space<vmem_shared>>
        tpu.wait_dma2 semaphore(%run_scoped3A : memref<!tpu.dma_semaphore, #tpu.memory_space<semaphore_mem>>) src(%dma_wait3A_127 : memref<8x128xf32, #tpu.memory_space<vmem_shared>>) dst(%dma_wait3A_124 : memref<8x128xf32, #tpu.memory_space<vmem>>)
        tpu.yield
      }) : () -> ()
      "tpu.region"() ({
        %run_scoped3A = tpu.sem_alloc : memref<!tpu.dma_semaphore, #tpu.memory_space<semaphore_mem>>
        %dma_start3A = arith.constant 0 : i32
        %dma_start3A_106 = arith.constant 0 : i32
        %dma_start3A_107 = tpu.memref_slice %arg5[%dma_start3A, %dma_start3A_106] : memref<160x128xf32, #tpu.memory_space<vmem>> -> memref<8x128xf32, #tpu.memory_space<vmem>>
        %dma_start3A_108 = arith.constant 5000 : i32
        %dma_start3A_109 = arith.constant 0 : i32
        %dma_start3A_110 = tpu.memref_slice %arg4[%arg0, %dma_start3A_108, %dma_start3A_109] : memref<2x5008x128xf32, #tpu.memory_space<hbm>> -> memref<1x8x128xf32, #tpu.memory_space<hbm>>
        %dma_start3A_111 = tpu.memref_squeeze %dma_start3A_110 : memref<1x8x128xf32, #tpu.memory_space<hbm>> -> memref<8x128xf32, #tpu.memory_space<hbm>>
        %dma_start3A_112 = arith.constant 5000 : i32
        %dma_start3A_113 = arith.constant 0 : i32
        %dma_start3A_114 = tpu.memref_slice %arg4[%arg0, %dma_start3A_112, %dma_start3A_113] : memref<2x5008x128xf32, #tpu.memory_space<hbm>> -> memref<1x8x128xf32, #tpu.memory_space<hbm>>
        %dma_start3A_115 = tpu.memref_squeeze %dma_start3A_114 : memref<1x8x128xf32, #tpu.memory_space<hbm>> -> memref<8x128xf32, #tpu.memory_space<hbm>>
        %dma_start3A_116 = arith.constant 0 : i32
        %dma_start3A_117 = arith.constant 0 : i32
        %dma_start3A_118 = tpu.memref_slice %arg5[%dma_start3A_116, %dma_start3A_117] : memref<160x128xf32, #tpu.memory_space<vmem>> -> memref<8x128xf32, #tpu.memory_space<vmem>>
        tpu.enqueue_dma source(%dma_start3A_118 : memref<8x128xf32, #tpu.memory_space<vmem>>) target(%dma_start3A_115 : memref<8x128xf32, #tpu.memory_space<hbm>>) target_semaphore(%run_scoped3A : memref<!tpu.dma_semaphore, #tpu.memory_space<semaphore_mem>>)
        %dma_wait3A = arith.constant 0 : i32
        %dma_wait3A_119 = arith.constant 0 : i32
        %dma_wait3A_120 = tpu.memref_slice %arg5[%dma_wait3A, %dma_wait3A_119] : memref<160x128xf32, #tpu.memory_space<vmem>> -> memref<8x128xf32, #tpu.memory_space<vmem>>
        %dma_wait3A_121 = arith.constant 5000 : i32
        %dma_wait3A_122 = arith.constant 0 : i32
        %dma_wait3A_123 = tpu.memref_slice %arg4[%arg0, %dma_wait3A_121, %dma_wait3A_122] : memref<2x5008x128xf32, #tpu.memory_space<hbm>> -> memref<1x8x128xf32, #tpu.memory_space<hbm>>
        %dma_wait3A_124 = tpu.memref_squeeze %dma_wait3A_123 : memref<1x8x128xf32, #tpu.memory_space<hbm>> -> memref<8x128xf32, #tpu.memory_space<hbm>>
        %dma_wait3A_125 = arith.constant 5000 : i32
        %dma_wait3A_126 = arith.constant 0 : i32
        %dma_wait3A_127 = tpu.memref_slice %arg4[%arg0, %dma_wait3A_125, %dma_wait3A_126] : memref<2x5008x128xf32, #tpu.memory_space<hbm>> -> memref<1x8x128xf32, #tpu.memory_space<hbm>>
        %dma_wait3A_128 = tpu.memref_squeeze %dma_wait3A_127 : memref<1x8x128xf32, #tpu.memory_space<hbm>> -> memref<8x128xf32, #tpu.memory_space<hbm>>
        %dma_wait3A_129 = arith.constant 0 : i32
        %dma_wait3A_130 = arith.constant 0 : i32
        %dma_wait3A_131 = tpu.memref_slice %arg5[%dma_wait3A_129, %dma_wait3A_130] : memref<160x128xf32, #tpu.memory_space<vmem>> -> memref<8x128xf32, #tpu.memory_space<vmem>>
        tpu.wait_dma2 semaphore(%run_scoped3A : memref<!tpu.dma_semaphore, #tpu.memory_space<semaphore_mem>>) src(%dma_wait3A_131 : memref<8x128xf32, #tpu.memory_space<vmem>>) dst(%dma_wait3A_128 : memref<8x128xf32, #tpu.memory_space<hbm>>)
        tpu.yield
      }) : () -> ()
    } else {
    }
    return
  }
}

#map = affine_map<(d0, d1) -> (0, 0)>
#map1 = affine_map<(d0, d1) -> (0)>
#map2 = affine_map<(d0, d1) -> (0, 0, 0)>
module attributes {stable_mosaic.version = 14 : i64} {
  func.func @_sc_feat_body(%arg0: i32, %arg1: i32, %arg2: memref<320000x128xf32, #tpu.memory_space<hbm>>, %arg3: memref<320000xi32, #tpu.memory_space<hbm>>, %arg4: memref<2x5008x128xf32, #tpu.memory_space<hbm>>, %arg5: memref<160x128xf32, #tpu.memory_space<vmem>>, %arg6: memref<160x16xf32, #tpu.memory_space<vmem>>, %arg7: memref<20000xi32, #tpu.memory_space<vmem>>, %arg8: memref<2x80xi32, #tpu.memory_space<vmem>>, %arg9: memref<160x128xf32, #tpu.memory_space<vmem>>, %arg10: memref<5008x128xf32, #tpu.memory_space<vmem_shared>>) attributes {dimension_semantics = [#tpu.dimension_semantics<core_parallel>, #tpu.dimension_semantics<subcore_parallel>], iteration_bounds = array<i64: 2, 16>, scalar_prefetch = 0 : i64, scratch_operands = 6 : i64, tpu.core_type = #tpu.core_type<sc_vector_subcore>, window_params = [{transform_indices = #map}, {transform_indices = #map1}, {transform_indices = #map2}]} {
    %broadcast_in_dim3A = arith.constant 0.000000e+00 : f32
    %broadcast_in_dim3A_0 = vector.broadcast %broadcast_in_dim3A : f32 to vector<16xf32>
    %mul3A = arith.constant 5000 : i32
    %mul3A_1 = arith.muli %arg0, %mul3A : i32
    %scan3A = arith.constant 0 : i32
    %scan3A_2 = arith.constant 0 : i32
    %scan3A_3 = arith.constant 160 : i32
    %scan3A_4 = arith.addi %scan3A_2, %scan3A_3 : i32
    %scan3A_5 = arith.constant 1 : i32
    %scan3A_6 = scf.for %scan3A_106 = %scan3A_2 to %scan3A_4 step %scan3A_5 iter_args(%scan3A_107 = %scan3A) -> (i32)  : i32 {
      %swap3A = arith.index_cast %scan3A_106 : i32 to index
      %swap3A_108 = arith.constant 0 : index
      %swap3A_109 = tpu.vector_load %arg5[%swap3A, %swap3A_108] {strides = array<i32>} : memref<160x128xf32, #tpu.memory_space<vmem>>, vector<1x16xf32>,
      %swap3A_110 = vector.shape_cast %swap3A_109 : vector<1x16xf32> to vector<16xf32>
      %swap3A_111 = vector.shape_cast %broadcast_in_dim3A_0 : vector<16xf32> to vector<1x16xf32>
      tpu.vector_store %arg5[%swap3A, %swap3A_108], %swap3A_111 {strides = array<i32>} : memref<160x128xf32, #tpu.memory_space<vmem>>, vector<1x16xf32>,
      %swap3A_112 = arith.index_cast %scan3A_106 : i32 to index
      %swap3A_113 = arith.constant 16 : index
      %swap3A_114 = tpu.vector_load %arg5[%swap3A_112, %swap3A_113] {strides = array<i32>} : memref<160x128xf32, #tpu.memory_space<vmem>>, vector<1x16xf32>,
      %swap3A_115 = vector.shape_cast %swap3A_114 : vector<1x16xf32> to vector<16xf32>
      %swap3A_116 = vector.shape_cast %broadcast_in_dim3A_0 : vector<16xf32> to vector<1x16xf32>
      tpu.vector_store %arg5[%swap3A_112, %swap3A_113], %swap3A_116 {strides = array<i32>} : memref<160x128xf32, #tpu.memory_space<vmem>>, vector<1x16xf32>,
      %swap3A_117 = arith.index_cast %scan3A_106 : i32 to index
      %swap3A_118 = arith.constant 32 : index
      %swap3A_119 = tpu.vector_load %arg5[%swap3A_117, %swap3A_118] {strides = array<i32>} : memref<160x128xf32, #tpu.memory_space<vmem>>, vector<1x16xf32>,
      %swap3A_120 = vector.shape_cast %swap3A_119 : vector<1x16xf32> to vector<16xf32>
      %swap3A_121 = vector.shape_cast %broadcast_in_dim3A_0 : vector<16xf32> to vector<1x16xf32>
      tpu.vector_store %arg5[%swap3A_117, %swap3A_118], %swap3A_121 {strides = array<i32>} : memref<160x128xf32, #tpu.memory_space<vmem>>, vector<1x16xf32>,
      %swap3A_122 = arith.index_cast %scan3A_106 : i32 to index
      %swap3A_123 = arith.constant 48 : index
      %swap3A_124 = tpu.vector_load %arg5[%swap3A_122, %swap3A_123] {strides = array<i32>} : memref<160x128xf32, #tpu.memory_space<vmem>>, vector<1x16xf32>,
      %swap3A_125 = vector.shape_cast %swap3A_124 : vector<1x16xf32> to vector<16xf32>
      %swap3A_126 = vector.shape_cast %broadcast_in_dim3A_0 : vector<16xf32> to vector<1x16xf32>
      tpu.vector_store %arg5[%swap3A_122, %swap3A_123], %swap3A_126 {strides = array<i32>} : memref<160x128xf32, #tpu.memory_space<vmem>>, vector<1x16xf32>,
      %swap3A_127 = arith.index_cast %scan3A_106 : i32 to index
      %swap3A_128 = arith.constant 64 : index
      %swap3A_129 = tpu.vector_load %arg5[%swap3A_127, %swap3A_128] {strides = array<i32>} : memref<160x128xf32, #tpu.memory_space<vmem>>, vector<1x16xf32>,
      %swap3A_130 = vector.shape_cast %swap3A_129 : vector<1x16xf32> to vector<16xf32>
      %swap3A_131 = vector.shape_cast %broadcast_in_dim3A_0 : vector<16xf32> to vector<1x16xf32>
      tpu.vector_store %arg5[%swap3A_127, %swap3A_128], %swap3A_131 {strides = array<i32>} : memref<160x128xf32, #tpu.memory_space<vmem>>, vector<1x16xf32>,
      %swap3A_132 = arith.index_cast %scan3A_106 : i32 to index
      %swap3A_133 = arith.constant 80 : index
      %swap3A_134 = tpu.vector_load %arg5[%swap3A_132, %swap3A_133] {strides = array<i32>} : memref<160x128xf32, #tpu.memory_space<vmem>>, vector<1x16xf32>,
      %swap3A_135 = vector.shape_cast %swap3A_134 : vector<1x16xf32> to vector<16xf32>
      %swap3A_136 = vector.shape_cast %broadcast_in_dim3A_0 : vector<16xf32> to vector<1x16xf32>
      tpu.vector_store %arg5[%swap3A_132, %swap3A_133], %swap3A_136 {strides = array<i32>} : memref<160x128xf32, #tpu.memory_space<vmem>>, vector<1x16xf32>,
      %swap3A_137 = arith.index_cast %scan3A_106 : i32 to index
      %swap3A_138 = arith.constant 96 : index
      %swap3A_139 = tpu.vector_load %arg5[%swap3A_137, %swap3A_138] {strides = array<i32>} : memref<160x128xf32, #tpu.memory_space<vmem>>, vector<1x16xf32>,
      %swap3A_140 = vector.shape_cast %swap3A_139 : vector<1x16xf32> to vector<16xf32>
      %swap3A_141 = vector.shape_cast %broadcast_in_dim3A_0 : vector<16xf32> to vector<1x16xf32>
      tpu.vector_store %arg5[%swap3A_137, %swap3A_138], %swap3A_141 {strides = array<i32>} : memref<160x128xf32, #tpu.memory_space<vmem>>, vector<1x16xf32>,
      %swap3A_142 = arith.index_cast %scan3A_106 : i32 to index
      %swap3A_143 = arith.constant 112 : index
      %swap3A_144 = tpu.vector_load %arg5[%swap3A_142, %swap3A_143] {strides = array<i32>} : memref<160x128xf32, #tpu.memory_space<vmem>>, vector<1x16xf32>,
      %swap3A_145 = vector.shape_cast %swap3A_144 : vector<1x16xf32> to vector<16xf32>
      %swap3A_146 = vector.shape_cast %broadcast_in_dim3A_0 : vector<16xf32> to vector<1x16xf32>
      tpu.vector_store %arg5[%swap3A_142, %swap3A_143], %swap3A_146 {strides = array<i32>} : memref<160x128xf32, #tpu.memory_space<vmem>>, vector<1x16xf32>,
      %scan3A_147 = arith.constant 0 : i32
      scf.yield %scan3A_147 : i32
    }
    %scan3A_7 = arith.constant 160 : i32
    %lt3A = arith.constant 15 : i32
    %lt3A_8 = arith.cmpi slt, %arg1, %lt3A : i32
    %convert_element_type3A = arith.extui %lt3A_8 : i1 to i32
    %cond3A = arith.constant 0 : i32
    %cond3A_9 = arith.cmpi ne, %convert_element_type3A, %cond3A : i32
    scf.if %cond3A_9 {
      %mul3A_106 = arith.constant 312 : i32
      %mul3A_107 = arith.muli %arg1, %mul3A_106 : i32
      "tpu.region"() ({
        %run_scoped3A = tpu.sem_alloc : memref<!tpu.dma_semaphore, #tpu.memory_space<semaphore_mem>>
        %dma_start3A = arith.constant 0 : i32
        %dma_start3A_110 = arith.constant 0 : i32
        %dma_start3A_111 = tpu.memref_slice %arg5[%dma_start3A, %dma_start3A_110] : memref<160x128xf32, #tpu.memory_space<vmem>> -> memref<160x128xf32, #tpu.memory_space<vmem>>
        %dma_start3A_112 = arith.constant 0 : i32
        %dma_start3A_113 = tpu.memref_slice %arg10[%mul3A_107, %dma_start3A_112] : memref<5008x128xf32, #tpu.memory_space<vmem_shared>> -> memref<160x128xf32, #tpu.memory_space<vmem_shared>>
        %dma_start3A_114 = arith.constant 0 : i32
        %dma_start3A_115 = tpu.memref_slice %arg10[%mul3A_107, %dma_start3A_114] : memref<5008x128xf32, #tpu.memory_space<vmem_shared>> -> memref<160x128xf32, #tpu.memory_space<vmem_shared>>
        %dma_start3A_116 = arith.constant 0 : i32
        %dma_start3A_117 = arith.constant 0 : i32
        %dma_start3A_118 = tpu.memref_slice %arg5[%dma_start3A_116, %dma_start3A_117] : memref<160x128xf32, #tpu.memory_space<vmem>> -> memref<160x128xf32, #tpu.memory_space<vmem>>
        tpu.enqueue_dma source(%dma_start3A_118 : memref<160x128xf32, #tpu.memory_space<vmem>>) target(%dma_start3A_115 : memref<160x128xf32, #tpu.memory_space<vmem_shared>>) target_semaphore(%run_scoped3A : memref<!tpu.dma_semaphore, #tpu.memory_space<semaphore_mem>>)
        %dma_wait3A = arith.constant 0 : i32
        %dma_wait3A_119 = arith.constant 0 : i32
        %dma_wait3A_120 = tpu.memref_slice %arg5[%dma_wait3A, %dma_wait3A_119] : memref<160x128xf32, #tpu.memory_space<vmem>> -> memref<160x128xf32, #tpu.memory_space<vmem>>
        %dma_wait3A_121 = arith.constant 0 : i32
        %dma_wait3A_122 = tpu.memref_slice %arg10[%mul3A_107, %dma_wait3A_121] : memref<5008x128xf32, #tpu.memory_space<vmem_shared>> -> memref<160x128xf32, #tpu.memory_space<vmem_shared>>
        %dma_wait3A_123 = arith.constant 0 : i32
        %dma_wait3A_124 = tpu.memref_slice %arg10[%mul3A_107, %dma_wait3A_123] : memref<5008x128xf32, #tpu.memory_space<vmem_shared>> -> memref<160x128xf32, #tpu.memory_space<vmem_shared>>
        %dma_wait3A_125 = arith.constant 0 : i32
        %dma_wait3A_126 = arith.constant 0 : i32
        %dma_wait3A_127 = tpu.memref_slice %arg5[%dma_wait3A_125, %dma_wait3A_126] : memref<160x128xf32, #tpu.memory_space<vmem>> -> memref<160x128xf32, #tpu.memory_space<vmem>>
        tpu.wait_dma2 semaphore(%run_scoped3A : memref<!tpu.dma_semaphore, #tpu.memory_space<semaphore_mem>>) src(%dma_wait3A_127 : memref<160x128xf32, #tpu.memory_space<vmem>>) dst(%dma_wait3A_124 : memref<160x128xf32, #tpu.memory_space<vmem_shared>>)
        tpu.yield
      }) : () -> ()
      %add3A_108 = arith.constant 160 : i32
      %add3A_109 = arith.addi %mul3A_107, %add3A_108 : i32
      "tpu.region"() ({
        %run_scoped3A = tpu.sem_alloc : memref<!tpu.dma_semaphore, #tpu.memory_space<semaphore_mem>>
        %dma_start3A = arith.constant 0 : i32
        %dma_start3A_110 = arith.constant 0 : i32
        %dma_start3A_111 = tpu.memref_slice %arg5[%dma_start3A, %dma_start3A_110] : memref<160x128xf32, #tpu.memory_space<vmem>> -> memref<152x128xf32, #tpu.memory_space<vmem>>
        %dma_start3A_112 = arith.constant 0 : i32
        %dma_start3A_113 = tpu.memref_slice %arg10[%add3A_109, %dma_start3A_112] : memref<5008x128xf32, #tpu.memory_space<vmem_shared>> -> memref<152x128xf32, #tpu.memory_space<vmem_shared>>
        %dma_start3A_114 = arith.constant 0 : i32
        %dma_start3A_115 = tpu.memref_slice %arg10[%add3A_109, %dma_start3A_114] : memref<5008x128xf32, #tpu.memory_space<vmem_shared>> -> memref<152x128xf32, #tpu.memory_space<vmem_shared>>
        %dma_start3A_116 = arith.constant 0 : i32
        %dma_start3A_117 = arith.constant 0 : i32
        %dma_start3A_118 = tpu.memref_slice %arg5[%dma_start3A_116, %dma_start3A_117] : memref<160x128xf32, #tpu.memory_space<vmem>> -> memref<152x128xf32, #tpu.memory_space<vmem>>
        tpu.enqueue_dma source(%dma_start3A_118 : memref<152x128xf32, #tpu.memory_space<vmem>>) target(%dma_start3A_115 : memref<152x128xf32, #tpu.memory_space<vmem_shared>>) target_semaphore(%run_scoped3A : memref<!tpu.dma_semaphore, #tpu.memory_space<semaphore_mem>>)
        %dma_wait3A = arith.constant 0 : i32
        %dma_wait3A_119 = arith.constant 0 : i32
        %dma_wait3A_120 = tpu.memref_slice %arg5[%dma_wait3A, %dma_wait3A_119] : memref<160x128xf32, #tpu.memory_space<vmem>> -> memref<152x128xf32, #tpu.memory_space<vmem>>
        %dma_wait3A_121 = arith.constant 0 : i32
        %dma_wait3A_122 = tpu.memref_slice %arg10[%add3A_109, %dma_wait3A_121] : memref<5008x128xf32, #tpu.memory_space<vmem_shared>> -> memref<152x128xf32, #tpu.memory_space<vmem_shared>>
        %dma_wait3A_123 = arith.constant 0 : i32
        %dma_wait3A_124 = tpu.memref_slice %arg10[%add3A_109, %dma_wait3A_123] : memref<5008x128xf32, #tpu.memory_space<vmem_shared>> -> memref<152x128xf32, #tpu.memory_space<vmem_shared>>
        %dma_wait3A_125 = arith.constant 0 : i32
        %dma_wait3A_126 = arith.constant 0 : i32
        %dma_wait3A_127 = tpu.memref_slice %arg5[%dma_wait3A_125, %dma_wait3A_126] : memref<160x128xf32, #tpu.memory_space<vmem>> -> memref<152x128xf32, #tpu.memory_space<vmem>>
        tpu.wait_dma2 semaphore(%run_scoped3A : memref<!tpu.dma_semaphore, #tpu.memory_space<semaphore_mem>>) src(%dma_wait3A_127 : memref<152x128xf32, #tpu.memory_space<vmem>>) dst(%dma_wait3A_124 : memref<152x128xf32, #tpu.memory_space<vmem_shared>>)
        tpu.yield
      }) : () -> ()
    } else {
    }
    %eq3A = arith.constant 15 : i32
    %eq3A_10 = arith.cmpi eq, %arg1, %eq3A : i32
    %convert_element_type3A_11 = arith.extui %eq3A_10 : i1 to i32
    %cond3A_12 = arith.constant 0 : i32
    %cond3A_13 = arith.cmpi ne, %convert_element_type3A_11, %cond3A_12 : i32
    scf.if %cond3A_13 {
      "tpu.region"() ({
        %run_scoped3A = tpu.sem_alloc : memref<!tpu.dma_semaphore, #tpu.memory_space<semaphore_mem>>
        %dma_start3A = arith.constant 0 : i32
        %dma_start3A_106 = arith.constant 0 : i32
        %dma_start3A_107 = tpu.memref_slice %arg5[%dma_start3A, %dma_start3A_106] : memref<160x128xf32, #tpu.memory_space<vmem>> -> memref<160x128xf32, #tpu.memory_space<vmem>>
        %dma_start3A_108 = arith.constant 4680 : i32
        %dma_start3A_109 = arith.constant 0 : i32
        %dma_start3A_110 = tpu.memref_slice %arg10[%dma_start3A_108, %dma_start3A_109] : memref<5008x128xf32, #tpu.memory_space<vmem_shared>> -> memref<160x128xf32, #tpu.memory_space<vmem_shared>>
        %dma_start3A_111 = arith.constant 4680 : i32
        %dma_start3A_112 = arith.constant 0 : i32
        %dma_start3A_113 = tpu.memref_slice %arg10[%dma_start3A_111, %dma_start3A_112] : memref<5008x128xf32, #tpu.memory_space<vmem_shared>> -> memref<160x128xf32, #tpu.memory_space<vmem_shared>>
        %dma_start3A_114 = arith.constant 0 : i32
        %dma_start3A_115 = arith.constant 0 : i32
        %dma_start3A_116 = tpu.memref_slice %arg5[%dma_start3A_114, %dma_start3A_115] : memref<160x128xf32, #tpu.memory_space<vmem>> -> memref<160x128xf32, #tpu.memory_space<vmem>>
        tpu.enqueue_dma source(%dma_start3A_116 : memref<160x128xf32, #tpu.memory_space<vmem>>) target(%dma_start3A_113 : memref<160x128xf32, #tpu.memory_space<vmem_shared>>) target_semaphore(%run_scoped3A : memref<!tpu.dma_semaphore, #tpu.memory_space<semaphore_mem>>)
        %dma_wait3A = arith.constant 0 : i32
        %dma_wait3A_117 = arith.constant 0 : i32
        %dma_wait3A_118 = tpu.memref_slice %arg5[%dma_wait3A, %dma_wait3A_117] : memref<160x128xf32, #tpu.memory_space<vmem>> -> memref<160x128xf32, #tpu.memory_space<vmem>>
        %dma_wait3A_119 = arith.constant 4680 : i32
        %dma_wait3A_120 = arith.constant 0 : i32
        %dma_wait3A_121 = tpu.memref_slice %arg10[%dma_wait3A_119, %dma_wait3A_120] : memref<5008x128xf32, #tpu.memory_space<vmem_shared>> -> memref<160x128xf32, #tpu.memory_space<vmem_shared>>
        %dma_wait3A_122 = arith.constant 4680 : i32
        %dma_wait3A_123 = arith.constant 0 : i32
        %dma_wait3A_124 = tpu.memref_slice %arg10[%dma_wait3A_122, %dma_wait3A_123] : memref<5008x128xf32, #tpu.memory_space<vmem_shared>> -> memref<160x128xf32, #tpu.memory_space<vmem_shared>>
        %dma_wait3A_125 = arith.constant 0 : i32
        %dma_wait3A_126 = arith.constant 0 : i32
        %dma_wait3A_127 = tpu.memref_slice %arg5[%dma_wait3A_125, %dma_wait3A_126] : memref<160x128xf32, #tpu.memory_space<vmem>> -> memref<160x128xf32, #tpu.memory_space<vmem>>
        tpu.wait_dma2 semaphore(%run_scoped3A : memref<!tpu.dma_semaphore, #tpu.memory_space<semaphore_mem>>) src(%dma_wait3A_127 : memref<160x128xf32, #tpu.memory_space<vmem>>) dst(%dma_wait3A_124 : memref<160x128xf32, #tpu.memory_space<vmem_shared>>)
        tpu.yield
      }) : () -> ()
      "tpu.region"() ({
        %run_scoped3A = tpu.sem_alloc : memref<!tpu.dma_semaphore, #tpu.memory_space<semaphore_mem>>
        %dma_start3A = arith.constant 0 : i32
        %dma_start3A_106 = arith.constant 0 : i32
        %dma_start3A_107 = tpu.memref_slice %arg5[%dma_start3A, %dma_start3A_106] : memref<160x128xf32, #tpu.memory_space<vmem>> -> memref<160x128xf32, #tpu.memory_space<vmem>>
        %dma_start3A_108 = arith.constant 4840 : i32
        %dma_start3A_109 = arith.constant 0 : i32
        %dma_start3A_110 = tpu.memref_slice %arg10[%dma_start3A_108, %dma_start3A_109] : memref<5008x128xf32, #tpu.memory_space<vmem_shared>> -> memref<160x128xf32, #tpu.memory_space<vmem_shared>>
        %dma_start3A_111 = arith.constant 4840 : i32
        %dma_start3A_112 = arith.constant 0 : i32
        %dma_start3A_113 = tpu.memref_slice %arg10[%dma_start3A_111, %dma_start3A_112] : memref<5008x128xf32, #tpu.memory_space<vmem_shared>> -> memref<160x128xf32, #tpu.memory_space<vmem_shared>>
        %dma_start3A_114 = arith.constant 0 : i32
        %dma_start3A_115 = arith.constant 0 : i32
        %dma_start3A_116 = tpu.memref_slice %arg5[%dma_start3A_114, %dma_start3A_115] : memref<160x128xf32, #tpu.memory_space<vmem>> -> memref<160x128xf32, #tpu.memory_space<vmem>>
        tpu.enqueue_dma source(%dma_start3A_116 : memref<160x128xf32, #tpu.memory_space<vmem>>) target(%dma_start3A_113 : memref<160x128xf32, #tpu.memory_space<vmem_shared>>) target_semaphore(%run_scoped3A : memref<!tpu.dma_semaphore, #tpu.memory_space<semaphore_mem>>)
        %dma_wait3A = arith.constant 0 : i32
        %dma_wait3A_117 = arith.constant 0 : i32
        %dma_wait3A_118 = tpu.memref_slice %arg5[%dma_wait3A, %dma_wait3A_117] : memref<160x128xf32, #tpu.memory_space<vmem>> -> memref<160x128xf32, #tpu.memory_space<vmem>>
        %dma_wait3A_119 = arith.constant 4840 : i32
        %dma_wait3A_120 = arith.constant 0 : i32
        %dma_wait3A_121 = tpu.memref_slice %arg10[%dma_wait3A_119, %dma_wait3A_120] : memref<5008x128xf32, #tpu.memory_space<vmem_shared>> -> memref<160x128xf32, #tpu.memory_space<vmem_shared>>
        %dma_wait3A_122 = arith.constant 4840 : i32
        %dma_wait3A_123 = arith.constant 0 : i32
        %dma_wait3A_124 = tpu.memref_slice %arg10[%dma_wait3A_122, %dma_wait3A_123] : memref<5008x128xf32, #tpu.memory_space<vmem_shared>> -> memref<160x128xf32, #tpu.memory_space<vmem_shared>>
        %dma_wait3A_125 = arith.constant 0 : i32
        %dma_wait3A_126 = arith.constant 0 : i32
        %dma_wait3A_127 = tpu.memref_slice %arg5[%dma_wait3A_125, %dma_wait3A_126] : memref<160x128xf32, #tpu.memory_space<vmem>> -> memref<160x128xf32, #tpu.memory_space<vmem>>
        tpu.wait_dma2 semaphore(%run_scoped3A : memref<!tpu.dma_semaphore, #tpu.memory_space<semaphore_mem>>) src(%dma_wait3A_127 : memref<160x128xf32, #tpu.memory_space<vmem>>) dst(%dma_wait3A_124 : memref<160x128xf32, #tpu.memory_space<vmem_shared>>)
        tpu.yield
      }) : () -> ()
      "tpu.region"() ({
        %run_scoped3A = tpu.sem_alloc : memref<!tpu.dma_semaphore, #tpu.memory_space<semaphore_mem>>
        %dma_start3A = arith.constant 0 : i32
        %dma_start3A_106 = arith.constant 0 : i32
        %dma_start3A_107 = tpu.memref_slice %arg5[%dma_start3A, %dma_start3A_106] : memref<160x128xf32, #tpu.memory_space<vmem>> -> memref<8x128xf32, #tpu.memory_space<vmem>>
        %dma_start3A_108 = arith.constant 5000 : i32
        %dma_start3A_109 = arith.constant 0 : i32
        %dma_start3A_110 = tpu.memref_slice %arg10[%dma_start3A_108, %dma_start3A_109] : memref<5008x128xf32, #tpu.memory_space<vmem_shared>> -> memref<8x128xf32, #tpu.memory_space<vmem_shared>>
        %dma_start3A_111 = arith.constant 5000 : i32
        %dma_start3A_112 = arith.constant 0 : i32
        %dma_start3A_113 = tpu.memref_slice %arg10[%dma_start3A_111, %dma_start3A_112] : memref<5008x128xf32, #tpu.memory_space<vmem_shared>> -> memref<8x128xf32, #tpu.memory_space<vmem_shared>>
        %dma_start3A_114 = arith.constant 0 : i32
        %dma_start3A_115 = arith.constant 0 : i32
        %dma_start3A_116 = tpu.memref_slice %arg5[%dma_start3A_114, %dma_start3A_115] : memref<160x128xf32, #tpu.memory_space<vmem>> -> memref<8x128xf32, #tpu.memory_space<vmem>>
        tpu.enqueue_dma source(%dma_start3A_116 : memref<8x128xf32, #tpu.memory_space<vmem>>) target(%dma_start3A_113 : memref<8x128xf32, #tpu.memory_space<vmem_shared>>) target_semaphore(%run_scoped3A : memref<!tpu.dma_semaphore, #tpu.memory_space<semaphore_mem>>)
        %dma_wait3A = arith.constant 0 : i32
        %dma_wait3A_117 = arith.constant 0 : i32
        %dma_wait3A_118 = tpu.memref_slice %arg5[%dma_wait3A, %dma_wait3A_117] : memref<160x128xf32, #tpu.memory_space<vmem>> -> memref<8x128xf32, #tpu.memory_space<vmem>>
        %dma_wait3A_119 = arith.constant 5000 : i32
        %dma_wait3A_120 = arith.constant 0 : i32
        %dma_wait3A_121 = tpu.memref_slice %arg10[%dma_wait3A_119, %dma_wait3A_120] : memref<5008x128xf32, #tpu.memory_space<vmem_shared>> -> memref<8x128xf32, #tpu.memory_space<vmem_shared>>
        %dma_wait3A_122 = arith.constant 5000 : i32
        %dma_wait3A_123 = arith.constant 0 : i32
        %dma_wait3A_124 = tpu.memref_slice %arg10[%dma_wait3A_122, %dma_wait3A_123] : memref<5008x128xf32, #tpu.memory_space<vmem_shared>> -> memref<8x128xf32, #tpu.memory_space<vmem_shared>>
        %dma_wait3A_125 = arith.constant 0 : i32
        %dma_wait3A_126 = arith.constant 0 : i32
        %dma_wait3A_127 = tpu.memref_slice %arg5[%dma_wait3A_125, %dma_wait3A_126] : memref<160x128xf32, #tpu.memory_space<vmem>> -> memref<8x128xf32, #tpu.memory_space<vmem>>
        tpu.wait_dma2 semaphore(%run_scoped3A : memref<!tpu.dma_semaphore, #tpu.memory_space<semaphore_mem>>) src(%dma_wait3A_127 : memref<8x128xf32, #tpu.memory_space<vmem>>) dst(%dma_wait3A_124 : memref<8x128xf32, #tpu.memory_space<vmem_shared>>)
        tpu.yield
      }) : () -> ()
    } else {
    }
    %mul3A_14 = arith.constant 20000 : i32
    %mul3A_15 = arith.muli %arg1, %mul3A_14 : i32
    "tpu.region"() ({
      %run_scoped3A = tpu.sem_alloc : memref<!tpu.dma_semaphore, #tpu.memory_space<semaphore_mem>>
      %dma_start3A = tpu.memref_slice %arg3[%mul3A_15] : memref<320000xi32, #tpu.memory_space<hbm>> -> memref<20000xi32, #tpu.memory_space<hbm>>
      %dma_start3A_106 = tpu.memref_slice %arg3[%mul3A_15] : memref<320000xi32, #tpu.memory_space<hbm>> -> memref<20000xi32, #tpu.memory_space<hbm>>
      tpu.enqueue_dma source(%dma_start3A_106 : memref<20000xi32, #tpu.memory_space<hbm>>) target(%arg7 : memref<20000xi32, #tpu.memory_space<vmem>>) target_semaphore(%run_scoped3A : memref<!tpu.dma_semaphore, #tpu.memory_space<semaphore_mem>>)
      %dma_wait3A = tpu.memref_slice %arg3[%mul3A_15] : memref<320000xi32, #tpu.memory_space<hbm>> -> memref<20000xi32, #tpu.memory_space<hbm>>
      %dma_wait3A_107 = tpu.memref_slice %arg3[%mul3A_15] : memref<320000xi32, #tpu.memory_space<hbm>> -> memref<20000xi32, #tpu.memory_space<hbm>>
      tpu.wait_dma2 semaphore(%run_scoped3A : memref<!tpu.dma_semaphore, #tpu.memory_space<semaphore_mem>>) src(%dma_wait3A_107 : memref<20000xi32, #tpu.memory_space<hbm>>) dst(%arg7 : memref<20000xi32, #tpu.memory_space<vmem>>)
      tpu.yield
    }) : () -> ()
    %barrier3A = arith.constant 0 : index
    tpu.barrier barrier_id(%barrier3A)
    %scan3A_16 = arith.constant 0 : i32
    %scan3A_17 = arith.constant 1250 : i32
    %scan3A_18 = arith.constant 0 : i32
    %scan3A_19 = arith.constant 11 : i32
    %scan3A_20 = arith.addi %scan3A_18, %scan3A_19 : i32
    %scan3A_21 = arith.constant 1 : i32
    %scan3A_22:2 = scf.for %scan3A_106 = %scan3A_18 to %scan3A_20 step %scan3A_21 iter_args(%scan3A_107 = %scan3A_16, %scan3A_108 = %scan3A_17) -> (i32, i32)  : i32 {
      %add3A_109 = arith.addi %scan3A_107, %scan3A_108 : i32
      %shift_right_arithmetic3A = arith.constant 1 : i32
      %shift_right_arithmetic3A_110 = arith.shrsi %add3A_109, %shift_right_arithmetic3A : i32
      %mul3A_111 = arith.constant 16 : i32
      %mul3A_112 = arith.muli %shift_right_arithmetic3A_110, %mul3A_111 : i32
      %get3A = arith.index_cast %mul3A_112 : i32 to index
      %get3A_113 = tpu.vector_load %arg7[%get3A] {strides = array<i32>} : memref<20000xi32, #tpu.memory_space<vmem>>, vector<16xi32>,
      %get3A_114 = vector.shape_cast %get3A_113 : vector<16xi32> to vector<16xi32>
      %slice3A = vector.extract_strided_slice %get3A_114 {offsets = [0], sizes = [1], strides = [1]} : vector<16xi32> to vector<1xi32>
      %squeeze3A = vector.extract %slice3A[0] : i32 from vector<1xi32>
      %lt3A_115 = arith.cmpi slt, %squeeze3A, %mul3A_1 : i32
      %add3A_116 = arith.constant 1 : i32
      %add3A_117 = arith.addi %shift_right_arithmetic3A_110, %add3A_116 : i32
      %select_n3A_118 = arith.select %lt3A_115, %add3A_117, %scan3A_107 : i32
      %select_n3A_119 = arith.select %lt3A_115, %scan3A_108, %shift_right_arithmetic3A_110 : i32
      scf.yield %select_n3A_118, %select_n3A_119 : i32, i32
    }
    %scan3A_23 = arith.constant 11 : i32
    %add3A = arith.constant 5000 : i32
    %add3A_24 = arith.addi %mul3A_1, %add3A : i32
    %scan3A_25 = arith.constant 0 : i32
    %scan3A_26 = arith.constant 1250 : i32
    %scan3A_27 = arith.constant 0 : i32
    %scan3A_28 = arith.constant 11 : i32
    %scan3A_29 = arith.addi %scan3A_27, %scan3A_28 : i32
    %scan3A_30 = arith.constant 1 : i32
    %scan3A_31:2 = scf.for %scan3A_106 = %scan3A_27 to %scan3A_29 step %scan3A_30 iter_args(%scan3A_107 = %scan3A_25, %scan3A_108 = %scan3A_26) -> (i32, i32)  : i32 {
      %add3A_109 = arith.addi %scan3A_107, %scan3A_108 : i32
      %shift_right_arithmetic3A = arith.constant 1 : i32
      %shift_right_arithmetic3A_110 = arith.shrsi %add3A_109, %shift_right_arithmetic3A : i32
      %mul3A_111 = arith.constant 16 : i32
      %mul3A_112 = arith.muli %shift_right_arithmetic3A_110, %mul3A_111 : i32
      %get3A = arith.index_cast %mul3A_112 : i32 to index
      %get3A_113 = tpu.vector_load %arg7[%get3A] {strides = array<i32>} : memref<20000xi32, #tpu.memory_space<vmem>>, vector<16xi32>,
      %get3A_114 = vector.shape_cast %get3A_113 : vector<16xi32> to vector<16xi32>
      %slice3A = vector.extract_strided_slice %get3A_114 {offsets = [0], sizes = [1], strides = [1]} : vector<16xi32> to vector<1xi32>
      %squeeze3A = vector.extract %slice3A[0] : i32 from vector<1xi32>
      %lt3A_115 = arith.cmpi slt, %squeeze3A, %add3A_24 : i32
      %add3A_116 = arith.constant 1 : i32
      %add3A_117 = arith.addi %shift_right_arithmetic3A_110, %add3A_116 : i32
      %select_n3A_118 = arith.select %lt3A_115, %add3A_117, %scan3A_107 : i32
      %select_n3A_119 = arith.select %lt3A_115, %scan3A_108, %shift_right_arithmetic3A_110 : i32
      scf.yield %select_n3A_118, %select_n3A_119 : i32, i32
    }
    %scan3A_32 = arith.constant 11 : i32
    %sub3A = arith.constant 1 : i32
    %sub3A_33 = arith.subi %scan3A_22#0, %sub3A : i32
    %max3A = arith.constant 0 : i32
    %max3A_34 = arith.maxsi %sub3A_33, %max3A : i32
    %mul3A_35 = arith.constant 16 : i32
    %mul3A_36 = arith.muli %max3A_34, %mul3A_35 : i32
    %jit3A = arith.constant 160 : i32
    %div3A = arith.divsi %mul3A_36, %jit3A : i32
    %sign3A = arith.constant 0 : i32
    %sign3A_37 = arith.cmpi sgt, %mul3A_36, %sign3A : i32
    %sign3A_38 = arith.extui %sign3A_37 : i1 to i32
    %sign3A_39 = arith.constant 0 : i32
    %sign3A_40 = arith.cmpi slt, %mul3A_36, %sign3A_39 : i32
    %sign3A_41 = arith.extui %sign3A_40 : i1 to i32
    %sign3A_42 = arith.subi %sign3A_38, %sign3A_41 : i32
    %sign3A_43 = arith.constant 0 : i32
    %sign3A_44 = arith.cmpi sgt, %jit3A, %sign3A_43 : i32
    %sign3A_45 = arith.extui %sign3A_44 : i1 to i32
    %sign3A_46 = arith.constant 0 : i32
    %sign3A_47 = arith.cmpi slt, %jit3A, %sign3A_46 : i32
    %sign3A_48 = arith.extui %sign3A_47 : i1 to i32
    %sign3A_49 = arith.subi %sign3A_45, %sign3A_48 : i32
    %ne3A = arith.cmpi ne, %sign3A_42, %sign3A_49 : i32
    %rem3A = arith.remsi %mul3A_36, %jit3A : i32
    %ne3A_50 = arith.constant 0 : i32
    %ne3A_51 = arith.cmpi ne, %rem3A, %ne3A_50 : i32
    %and3A = arith.andi %ne3A, %ne3A_51 : i1
    %sub3A_52 = arith.constant 1 : i32
    %sub3A_53 = arith.subi %div3A, %sub3A_52 : i32
    %select_n3A = arith.select %and3A, %sub3A_53, %div3A : i32
    %mul3A_54 = arith.constant 16 : i32
    %mul3A_55 = arith.muli %scan3A_31#0, %mul3A_54 : i32
    %add3A_56 = arith.constant 160 : i32
    %add3A_57 = arith.addi %mul3A_55, %add3A_56 : i32
    %sub3A_58 = arith.constant 1 : i32
    %sub3A_59 = arith.subi %add3A_57, %sub3A_58 : i32
    %jit3A_60 = arith.constant 160 : i32
    %div3A_61 = arith.divsi %sub3A_59, %jit3A_60 : i32
    %sign3A_62 = arith.constant 0 : i32
    %sign3A_63 = arith.cmpi sgt, %sub3A_59, %sign3A_62 : i32
    %sign3A_64 = arith.extui %sign3A_63 : i1 to i32
    %sign3A_65 = arith.constant 0 : i32
    %sign3A_66 = arith.cmpi slt, %sub3A_59, %sign3A_65 : i32
    %sign3A_67 = arith.extui %sign3A_66 : i1 to i32
    %sign3A_68 = arith.subi %sign3A_64, %sign3A_67 : i32
    %sign3A_69 = arith.constant 0 : i32
    %sign3A_70 = arith.cmpi sgt, %jit3A_60, %sign3A_69 : i32
    %sign3A_71 = arith.extui %sign3A_70 : i1 to i32
    %sign3A_72 = arith.constant 0 : i32
    %sign3A_73 = arith.cmpi slt, %jit3A_60, %sign3A_72 : i32
    %sign3A_74 = arith.extui %sign3A_73 : i1 to i32
    %sign3A_75 = arith.subi %sign3A_71, %sign3A_74 : i32
    %ne3A_76 = arith.cmpi ne, %sign3A_68, %sign3A_75 : i32
    %rem3A_77 = arith.remsi %sub3A_59, %jit3A_60 : i32
    %ne3A_78 = arith.constant 0 : i32
    %ne3A_79 = arith.cmpi ne, %rem3A_77, %ne3A_78 : i32
    %and3A_80 = arith.andi %ne3A_76, %ne3A_79 : i1
    %sub3A_81 = arith.constant 1 : i32
    %sub3A_82 = arith.subi %div3A_61, %sub3A_81 : i32
    %select_n3A_83 = arith.select %and3A_80, %sub3A_82, %div3A_61 : i32
    %min3A = arith.constant 125 : i32
    %min3A_84 = arith.minsi %min3A, %select_n3A_83 : i32
    %while3A = arith.constant 0 : i32
    %while3A_85 = arith.subi %min3A_84, %select_n3A : i32
    %while3A_86 = arith.addi %select_n3A, %while3A_85 : i32
    %while3A_87 = arith.constant 1 : i32
    %while3A_88 = arith.divsi %while3A_85, %while3A_87 : i32
    %while3A_89 = arith.muli %while3A_88, %while3A_87 : i32
    %while3A_90 = arith.addi %select_n3A, %while3A_89 : i32
    %while3A_91 = arith.constant 1 : i32
    %while3A_92 = scf.for %while3A_106 = %select_n3A to %while3A_90 step %while3A_91 iter_args(%while3A_107 = %while3A) -> (i32)  : i32 {
      %mul3A_108 = arith.constant 160 : i32
      %mul3A_109 = arith.muli %while3A_106, %mul3A_108 : i32
      %add3A_110 = arith.addi %mul3A_15, %mul3A_109 : i32
      "tpu.region"() ({
        %run_scoped3A_380 = tpu.sem_alloc : memref<!tpu.dma_semaphore, #tpu.memory_space<semaphore_mem>>
        %dma_start3A = arith.constant 0 : i32
        %dma_start3A_381 = tpu.memref_slice %arg2[%add3A_110, %dma_start3A] : memref<320000x128xf32, #tpu.memory_space<hbm>> -> memref<160x128xf32, #tpu.memory_space<hbm>>
        %dma_start3A_382 = arith.constant 0 : i32
        %dma_start3A_383 = tpu.memref_slice %arg2[%add3A_110, %dma_start3A_382] : memref<320000x128xf32, #tpu.memory_space<hbm>> -> memref<160x128xf32, #tpu.memory_space<hbm>>
        tpu.enqueue_dma source(%dma_start3A_383 : memref<160x128xf32, #tpu.memory_space<hbm>>) target(%arg5 : memref<160x128xf32, #tpu.memory_space<vmem>>) target_semaphore(%run_scoped3A_380 : memref<!tpu.dma_semaphore, #tpu.memory_space<semaphore_mem>>)
        %dma_wait3A = arith.constant 0 : i32
        %dma_wait3A_384 = tpu.memref_slice %arg2[%add3A_110, %dma_wait3A] : memref<320000x128xf32, #tpu.memory_space<hbm>> -> memref<160x128xf32, #tpu.memory_space<hbm>>
        %dma_wait3A_385 = arith.constant 0 : i32
        %dma_wait3A_386 = tpu.memref_slice %arg2[%add3A_110, %dma_wait3A_385] : memref<320000x128xf32, #tpu.memory_space<hbm>> -> memref<160x128xf32, #tpu.memory_space<hbm>>
        tpu.wait_dma2 semaphore(%run_scoped3A_380 : memref<!tpu.dma_semaphore, #tpu.memory_space<semaphore_mem>>) src(%dma_wait3A_386 : memref<160x128xf32, #tpu.memory_space<hbm>>) dst(%arg5 : memref<160x128xf32, #tpu.memory_space<vmem>>)
        tpu.yield
      }) : () -> ()
      %mul3A_111 = arith.constant 160 : i32
      %mul3A_112 = arith.muli %while3A_106, %mul3A_111 : i32
      %add3A_113 = arith.constant 0 : i32
      %add3A_114 = arith.addi %mul3A_112, %add3A_113 : i32
      %add3A_115 = arith.constant 0 : i32
      %add3A_116 = arith.addi %add3A_114, %add3A_115 : i32
      %get3A = arith.index_cast %add3A_116 : i32 to index
      %get3A_117 = tpu.vector_load %arg7[%get3A] {strides = array<i32>} : memref<20000xi32, #tpu.memory_space<vmem>>, vector<16xi32>,
      %get3A_118 = vector.shape_cast %get3A_117 : vector<16xi32> to vector<16xi32>
      %sub3A_119 = vector.broadcast %mul3A_1 : i32 to vector<16xi32>
      %sub3A_120 = arith.subi %get3A_118, %sub3A_119 : vector<16xi32>
      %shift_right_arithmetic3A = arith.constant 31 : i32
      %shift_right_arithmetic3A_121 = vector.broadcast %shift_right_arithmetic3A : i32 to vector<16xi32>
      %shift_right_arithmetic3A_122 = arith.shrsi %sub3A_120, %shift_right_arithmetic3A_121 : vector<16xi32>
      %and3A_123 = arith.constant 16384 : i32
      %and3A_124 = vector.broadcast %and3A_123 : i32 to vector<16xi32>
      %and3A_125 = arith.andi %shift_right_arithmetic3A_122, %and3A_124 : vector<16xi32>
      %add3A_126 = arith.addi %sub3A_120, %and3A_125 : vector<16xi32>
      %min3A_127 = arith.constant 5000 : i32
      %min3A_128 = vector.broadcast %min3A_127 : i32 to vector<16xi32>
      %min3A_129 = arith.minsi %add3A_126, %min3A_128 : vector<16xi32>
      %swap3A = arith.constant 0 : i32
      %swap3A_130 = arith.index_cast %swap3A : i32 to index
      %swap3A_131 = arith.constant 0 : index
      %swap3A_132 = tpu.vector_load %arg8[%swap3A_130, %swap3A_131] {strides = array<i32>} : memref<2x80xi32, #tpu.memory_space<vmem>>, vector<1x16xi32>,
      %swap3A_133 = vector.shape_cast %swap3A_132 : vector<1x16xi32> to vector<16xi32>
      %swap3A_134 = vector.shape_cast %min3A_129 : vector<16xi32> to vector<1x16xi32>
      tpu.vector_store %arg8[%swap3A_130, %swap3A_131], %swap3A_134 {strides = array<i32>} : memref<2x80xi32, #tpu.memory_space<vmem>>, vector<1x16xi32>,
      %mul3A_135 = arith.constant 160 : i32
      %mul3A_136 = arith.muli %while3A_106, %mul3A_135 : i32
      %add3A_137 = arith.constant 0 : i32
      %add3A_138 = arith.addi %mul3A_136, %add3A_137 : i32
      %add3A_139 = arith.constant 16 : i32
      %add3A_140 = arith.addi %add3A_138, %add3A_139 : i32
      %get3A_141 = arith.index_cast %add3A_140 : i32 to index
      %get3A_142 = tpu.vector_load %arg7[%get3A_141] {strides = array<i32>} : memref<20000xi32, #tpu.memory_space<vmem>>, vector<16xi32>,
      %get3A_143 = vector.shape_cast %get3A_142 : vector<16xi32> to vector<16xi32>
      %sub3A_144 = vector.broadcast %mul3A_1 : i32 to vector<16xi32>
      %sub3A_145 = arith.subi %get3A_143, %sub3A_144 : vector<16xi32>
      %shift_right_arithmetic3A_146 = arith.constant 31 : i32
      %shift_right_arithmetic3A_147 = vector.broadcast %shift_right_arithmetic3A_146 : i32 to vector<16xi32>
      %shift_right_arithmetic3A_148 = arith.shrsi %sub3A_145, %shift_right_arithmetic3A_147 : vector<16xi32>
      %and3A_149 = arith.constant 16384 : i32
      %and3A_150 = vector.broadcast %and3A_149 : i32 to vector<16xi32>
      %and3A_151 = arith.andi %shift_right_arithmetic3A_148, %and3A_150 : vector<16xi32>
      %add3A_152 = arith.addi %sub3A_145, %and3A_151 : vector<16xi32>
      %min3A_153 = arith.constant 5000 : i32
      %min3A_154 = vector.broadcast %min3A_153 : i32 to vector<16xi32>
      %min3A_155 = arith.minsi %add3A_152, %min3A_154 : vector<16xi32>
      %swap3A_156 = arith.constant 0 : i32
      %swap3A_157 = arith.index_cast %swap3A_156 : i32 to index
      %swap3A_158 = arith.constant 16 : index
      %swap3A_159 = tpu.vector_load %arg8[%swap3A_157, %swap3A_158] {strides = array<i32>} : memref<2x80xi32, #tpu.memory_space<vmem>>, vector<1x16xi32>,
      %swap3A_160 = vector.shape_cast %swap3A_159 : vector<1x16xi32> to vector<16xi32>
      %swap3A_161 = vector.shape_cast %min3A_155 : vector<16xi32> to vector<1x16xi32>
      tpu.vector_store %arg8[%swap3A_157, %swap3A_158], %swap3A_161 {strides = array<i32>} : memref<2x80xi32, #tpu.memory_space<vmem>>, vector<1x16xi32>,
      %mul3A_162 = arith.constant 160 : i32
      %mul3A_163 = arith.muli %while3A_106, %mul3A_162 : i32
      %add3A_164 = arith.constant 0 : i32
      %add3A_165 = arith.addi %mul3A_163, %add3A_164 : i32
      %add3A_166 = arith.constant 32 : i32
      %add3A_167 = arith.addi %add3A_165, %add3A_166 : i32
      %get3A_168 = arith.index_cast %add3A_167 : i32 to index
      %get3A_169 = tpu.vector_load %arg7[%get3A_168] {strides = array<i32>} : memref<20000xi32, #tpu.memory_space<vmem>>, vector<16xi32>,
      %get3A_170 = vector.shape_cast %get3A_169 : vector<16xi32> to vector<16xi32>
      %sub3A_171 = vector.broadcast %mul3A_1 : i32 to vector<16xi32>
      %sub3A_172 = arith.subi %get3A_170, %sub3A_171 : vector<16xi32>
      %shift_right_arithmetic3A_173 = arith.constant 31 : i32
      %shift_right_arithmetic3A_174 = vector.broadcast %shift_right_arithmetic3A_173 : i32 to vector<16xi32>
      %shift_right_arithmetic3A_175 = arith.shrsi %sub3A_172, %shift_right_arithmetic3A_174 : vector<16xi32>
      %and3A_176 = arith.constant 16384 : i32
      %and3A_177 = vector.broadcast %and3A_176 : i32 to vector<16xi32>
      %and3A_178 = arith.andi %shift_right_arithmetic3A_175, %and3A_177 : vector<16xi32>
      %add3A_179 = arith.addi %sub3A_172, %and3A_178 : vector<16xi32>
      %min3A_180 = arith.constant 5000 : i32
      %min3A_181 = vector.broadcast %min3A_180 : i32 to vector<16xi32>
      %min3A_182 = arith.minsi %add3A_179, %min3A_181 : vector<16xi32>
      %swap3A_183 = arith.constant 0 : i32
      %swap3A_184 = arith.index_cast %swap3A_183 : i32 to index
      %swap3A_185 = arith.constant 32 : index
      %swap3A_186 = tpu.vector_load %arg8[%swap3A_184, %swap3A_185] {strides = array<i32>} : memref<2x80xi32, #tpu.memory_space<vmem>>, vector<1x16xi32>,
      %swap3A_187 = vector.shape_cast %swap3A_186 : vector<1x16xi32> to vector<16xi32>
      %swap3A_188 = vector.shape_cast %min3A_182 : vector<16xi32> to vector<1x16xi32>
      tpu.vector_store %arg8[%swap3A_184, %swap3A_185], %swap3A_188 {strides = array<i32>} : memref<2x80xi32, #tpu.memory_space<vmem>>, vector<1x16xi32>,
      %mul3A_189 = arith.constant 160 : i32
      %mul3A_190 = arith.muli %while3A_106, %mul3A_189 : i32
      %add3A_191 = arith.constant 0 : i32
      %add3A_192 = arith.addi %mul3A_190, %add3A_191 : i32
      %add3A_193 = arith.constant 48 : i32
      %add3A_194 = arith.addi %add3A_192, %add3A_193 : i32
      %get3A_195 = arith.index_cast %add3A_194 : i32 to index
      %get3A_196 = tpu.vector_load %arg7[%get3A_195] {strides = array<i32>} : memref<20000xi32, #tpu.memory_space<vmem>>, vector<16xi32>,
      %get3A_197 = vector.shape_cast %get3A_196 : vector<16xi32> to vector<16xi32>
      %sub3A_198 = vector.broadcast %mul3A_1 : i32 to vector<16xi32>
      %sub3A_199 = arith.subi %get3A_197, %sub3A_198 : vector<16xi32>
      %shift_right_arithmetic3A_200 = arith.constant 31 : i32
      %shift_right_arithmetic3A_201 = vector.broadcast %shift_right_arithmetic3A_200 : i32 to vector<16xi32>
      %shift_right_arithmetic3A_202 = arith.shrsi %sub3A_199, %shift_right_arithmetic3A_201 : vector<16xi32>
      %and3A_203 = arith.constant 16384 : i32
      %and3A_204 = vector.broadcast %and3A_203 : i32 to vector<16xi32>
      %and3A_205 = arith.andi %shift_right_arithmetic3A_202, %and3A_204 : vector<16xi32>
      %add3A_206 = arith.addi %sub3A_199, %and3A_205 : vector<16xi32>
      %min3A_207 = arith.constant 5000 : i32
      %min3A_208 = vector.broadcast %min3A_207 : i32 to vector<16xi32>
      %min3A_209 = arith.minsi %add3A_206, %min3A_208 : vector<16xi32>
      %swap3A_210 = arith.constant 0 : i32
      %swap3A_211 = arith.index_cast %swap3A_210 : i32 to index
      %swap3A_212 = arith.constant 48 : index
      %swap3A_213 = tpu.vector_load %arg8[%swap3A_211, %swap3A_212] {strides = array<i32>} : memref<2x80xi32, #tpu.memory_space<vmem>>, vector<1x16xi32>,
      %swap3A_214 = vector.shape_cast %swap3A_213 : vector<1x16xi32> to vector<16xi32>
      %swap3A_215 = vector.shape_cast %min3A_209 : vector<16xi32> to vector<1x16xi32>
      tpu.vector_store %arg8[%swap3A_211, %swap3A_212], %swap3A_215 {strides = array<i32>} : memref<2x80xi32, #tpu.memory_space<vmem>>, vector<1x16xi32>,
      %mul3A_216 = arith.constant 160 : i32
      %mul3A_217 = arith.muli %while3A_106, %mul3A_216 : i32
      %add3A_218 = arith.constant 0 : i32
      %add3A_219 = arith.addi %mul3A_217, %add3A_218 : i32
      %add3A_220 = arith.constant 64 : i32
      %add3A_221 = arith.addi %add3A_219, %add3A_220 : i32
      %get3A_222 = arith.index_cast %add3A_221 : i32 to index
      %get3A_223 = tpu.vector_load %arg7[%get3A_222] {strides = array<i32>} : memref<20000xi32, #tpu.memory_space<vmem>>, vector<16xi32>,
      %get3A_224 = vector.shape_cast %get3A_223 : vector<16xi32> to vector<16xi32>
      %sub3A_225 = vector.broadcast %mul3A_1 : i32 to vector<16xi32>
      %sub3A_226 = arith.subi %get3A_224, %sub3A_225 : vector<16xi32>
      %shift_right_arithmetic3A_227 = arith.constant 31 : i32
      %shift_right_arithmetic3A_228 = vector.broadcast %shift_right_arithmetic3A_227 : i32 to vector<16xi32>
      %shift_right_arithmetic3A_229 = arith.shrsi %sub3A_226, %shift_right_arithmetic3A_228 : vector<16xi32>
      %and3A_230 = arith.constant 16384 : i32
      %and3A_231 = vector.broadcast %and3A_230 : i32 to vector<16xi32>
      %and3A_232 = arith.andi %shift_right_arithmetic3A_229, %and3A_231 : vector<16xi32>
      %add3A_233 = arith.addi %sub3A_226, %and3A_232 : vector<16xi32>
      %min3A_234 = arith.constant 5000 : i32
      %min3A_235 = vector.broadcast %min3A_234 : i32 to vector<16xi32>
      %min3A_236 = arith.minsi %add3A_233, %min3A_235 : vector<16xi32>
      %swap3A_237 = arith.constant 0 : i32
      %swap3A_238 = arith.index_cast %swap3A_237 : i32 to index
      %swap3A_239 = arith.constant 64 : index
      %swap3A_240 = tpu.vector_load %arg8[%swap3A_238, %swap3A_239] {strides = array<i32>} : memref<2x80xi32, #tpu.memory_space<vmem>>, vector<1x16xi32>,
      %swap3A_241 = vector.shape_cast %swap3A_240 : vector<1x16xi32> to vector<16xi32>
      %swap3A_242 = vector.shape_cast %min3A_236 : vector<16xi32> to vector<1x16xi32>
      tpu.vector_store %arg8[%swap3A_238, %swap3A_239], %swap3A_242 {strides = array<i32>} : memref<2x80xi32, #tpu.memory_space<vmem>>, vector<1x16xi32>,
      %mul3A_243 = arith.constant 160 : i32
      %mul3A_244 = arith.muli %while3A_106, %mul3A_243 : i32
      %add3A_245 = arith.constant 80 : i32
      %add3A_246 = arith.addi %mul3A_244, %add3A_245 : i32
      %add3A_247 = arith.constant 0 : i32
      %add3A_248 = arith.addi %add3A_246, %add3A_247 : i32
      %get3A_249 = arith.index_cast %add3A_248 : i32 to index
      %get3A_250 = tpu.vector_load %arg7[%get3A_249] {strides = array<i32>} : memref<20000xi32, #tpu.memory_space<vmem>>, vector<16xi32>,
      %get3A_251 = vector.shape_cast %get3A_250 : vector<16xi32> to vector<16xi32>
      %sub3A_252 = vector.broadcast %mul3A_1 : i32 to vector<16xi32>
      %sub3A_253 = arith.subi %get3A_251, %sub3A_252 : vector<16xi32>
      %shift_right_arithmetic3A_254 = arith.constant 31 : i32
      %shift_right_arithmetic3A_255 = vector.broadcast %shift_right_arithmetic3A_254 : i32 to vector<16xi32>
      %shift_right_arithmetic3A_256 = arith.shrsi %sub3A_253, %shift_right_arithmetic3A_255 : vector<16xi32>
      %and3A_257 = arith.constant 16384 : i32
      %and3A_258 = vector.broadcast %and3A_257 : i32 to vector<16xi32>
      %and3A_259 = arith.andi %shift_right_arithmetic3A_256, %and3A_258 : vector<16xi32>
      %add3A_260 = arith.addi %sub3A_253, %and3A_259 : vector<16xi32>
      %min3A_261 = arith.constant 5000 : i32
      %min3A_262 = vector.broadcast %min3A_261 : i32 to vector<16xi32>
      %min3A_263 = arith.minsi %add3A_260, %min3A_262 : vector<16xi32>
      %swap3A_264 = arith.constant 1 : i32
      %swap3A_265 = arith.index_cast %swap3A_264 : i32 to index
      %swap3A_266 = arith.constant 0 : index
      %swap3A_267 = tpu.vector_load %arg8[%swap3A_265, %swap3A_266] {strides = array<i32>} : memref<2x80xi32, #tpu.memory_space<vmem>>, vector<1x16xi32>,
      %swap3A_268 = vector.shape_cast %swap3A_267 : vector<1x16xi32> to vector<16xi32>
      %swap3A_269 = vector.shape_cast %min3A_263 : vector<16xi32> to vector<1x16xi32>
      tpu.vector_store %arg8[%swap3A_265, %swap3A_266], %swap3A_269 {strides = array<i32>} : memref<2x80xi32, #tpu.memory_space<vmem>>, vector<1x16xi32>,
      %mul3A_270 = arith.constant 160 : i32
      %mul3A_271 = arith.muli %while3A_106, %mul3A_270 : i32
      %add3A_272 = arith.constant 80 : i32
      %add3A_273 = arith.addi %mul3A_271, %add3A_272 : i32
      %add3A_274 = arith.constant 16 : i32
      %add3A_275 = arith.addi %add3A_273, %add3A_274 : i32
      %get3A_276 = arith.index_cast %add3A_275 : i32 to index
      %get3A_277 = tpu.vector_load %arg7[%get3A_276] {strides = array<i32>} : memref<20000xi32, #tpu.memory_space<vmem>>, vector<16xi32>,
      %get3A_278 = vector.shape_cast %get3A_277 : vector<16xi32> to vector<16xi32>
      %sub3A_279 = vector.broadcast %mul3A_1 : i32 to vector<16xi32>
      %sub3A_280 = arith.subi %get3A_278, %sub3A_279 : vector<16xi32>
      %shift_right_arithmetic3A_281 = arith.constant 31 : i32
      %shift_right_arithmetic3A_282 = vector.broadcast %shift_right_arithmetic3A_281 : i32 to vector<16xi32>
      %shift_right_arithmetic3A_283 = arith.shrsi %sub3A_280, %shift_right_arithmetic3A_282 : vector<16xi32>
      %and3A_284 = arith.constant 16384 : i32
      %and3A_285 = vector.broadcast %and3A_284 : i32 to vector<16xi32>
      %and3A_286 = arith.andi %shift_right_arithmetic3A_283, %and3A_285 : vector<16xi32>
      %add3A_287 = arith.addi %sub3A_280, %and3A_286 : vector<16xi32>
      %min3A_288 = arith.constant 5000 : i32
      %min3A_289 = vector.broadcast %min3A_288 : i32 to vector<16xi32>
      %min3A_290 = arith.minsi %add3A_287, %min3A_289 : vector<16xi32>
      %swap3A_291 = arith.constant 1 : i32
      %swap3A_292 = arith.index_cast %swap3A_291 : i32 to index
      %swap3A_293 = arith.constant 16 : index
      %swap3A_294 = tpu.vector_load %arg8[%swap3A_292, %swap3A_293] {strides = array<i32>} : memref<2x80xi32, #tpu.memory_space<vmem>>, vector<1x16xi32>,
      %swap3A_295 = vector.shape_cast %swap3A_294 : vector<1x16xi32> to vector<16xi32>
      %swap3A_296 = vector.shape_cast %min3A_290 : vector<16xi32> to vector<1x16xi32>
      tpu.vector_store %arg8[%swap3A_292, %swap3A_293], %swap3A_296 {strides = array<i32>} : memref<2x80xi32, #tpu.memory_space<vmem>>, vector<1x16xi32>,
      %mul3A_297 = arith.constant 160 : i32
      %mul3A_298 = arith.muli %while3A_106, %mul3A_297 : i32
      %add3A_299 = arith.constant 80 : i32
      %add3A_300 = arith.addi %mul3A_298, %add3A_299 : i32
      %add3A_301 = arith.constant 32 : i32
      %add3A_302 = arith.addi %add3A_300, %add3A_301 : i32
      %get3A_303 = arith.index_cast %add3A_302 : i32 to index
      %get3A_304 = tpu.vector_load %arg7[%get3A_303] {strides = array<i32>} : memref<20000xi32, #tpu.memory_space<vmem>>, vector<16xi32>,
      %get3A_305 = vector.shape_cast %get3A_304 : vector<16xi32> to vector<16xi32>
      %sub3A_306 = vector.broadcast %mul3A_1 : i32 to vector<16xi32>
      %sub3A_307 = arith.subi %get3A_305, %sub3A_306 : vector<16xi32>
      %shift_right_arithmetic3A_308 = arith.constant 31 : i32
      %shift_right_arithmetic3A_309 = vector.broadcast %shift_right_arithmetic3A_308 : i32 to vector<16xi32>
      %shift_right_arithmetic3A_310 = arith.shrsi %sub3A_307, %shift_right_arithmetic3A_309 : vector<16xi32>
      %and3A_311 = arith.constant 16384 : i32
      %and3A_312 = vector.broadcast %and3A_311 : i32 to vector<16xi32>
      %and3A_313 = arith.andi %shift_right_arithmetic3A_310, %and3A_312 : vector<16xi32>
      %add3A_314 = arith.addi %sub3A_307, %and3A_313 : vector<16xi32>
      %min3A_315 = arith.constant 5000 : i32
      %min3A_316 = vector.broadcast %min3A_315 : i32 to vector<16xi32>
      %min3A_317 = arith.minsi %add3A_314, %min3A_316 : vector<16xi32>
      %swap3A_318 = arith.constant 1 : i32
      %swap3A_319 = arith.index_cast %swap3A_318 : i32 to index
      %swap3A_320 = arith.constant 32 : index
      %swap3A_321 = tpu.vector_load %arg8[%swap3A_319, %swap3A_320] {strides = array<i32>} : memref<2x80xi32, #tpu.memory_space<vmem>>, vector<1x16xi32>,
      %swap3A_322 = vector.shape_cast %swap3A_321 : vector<1x16xi32> to vector<16xi32>
      %swap3A_323 = vector.shape_cast %min3A_317 : vector<16xi32> to vector<1x16xi32>
      tpu.vector_store %arg8[%swap3A_319, %swap3A_320], %swap3A_323 {strides = array<i32>} : memref<2x80xi32, #tpu.memory_space<vmem>>, vector<1x16xi32>,
      %mul3A_324 = arith.constant 160 : i32
      %mul3A_325 = arith.muli %while3A_106, %mul3A_324 : i32
      %add3A_326 = arith.constant 80 : i32
      %add3A_327 = arith.addi %mul3A_325, %add3A_326 : i32
      %add3A_328 = arith.constant 48 : i32
      %add3A_329 = arith.addi %add3A_327, %add3A_328 : i32
      %get3A_330 = arith.index_cast %add3A_329 : i32 to index
      %get3A_331 = tpu.vector_load %arg7[%get3A_330] {strides = array<i32>} : memref<20000xi32, #tpu.memory_space<vmem>>, vector<16xi32>,
      %get3A_332 = vector.shape_cast %get3A_331 : vector<16xi32> to vector<16xi32>
      %sub3A_333 = vector.broadcast %mul3A_1 : i32 to vector<16xi32>
      %sub3A_334 = arith.subi %get3A_332, %sub3A_333 : vector<16xi32>
      %shift_right_arithmetic3A_335 = arith.constant 31 : i32
      %shift_right_arithmetic3A_336 = vector.broadcast %shift_right_arithmetic3A_335 : i32 to vector<16xi32>
      %shift_right_arithmetic3A_337 = arith.shrsi %sub3A_334, %shift_right_arithmetic3A_336 : vector<16xi32>
      %and3A_338 = arith.constant 16384 : i32
      %and3A_339 = vector.broadcast %and3A_338 : i32 to vector<16xi32>
      %and3A_340 = arith.andi %shift_right_arithmetic3A_337, %and3A_339 : vector<16xi32>
      %add3A_341 = arith.addi %sub3A_334, %and3A_340 : vector<16xi32>
      %min3A_342 = arith.constant 5000 : i32
      %min3A_343 = vector.broadcast %min3A_342 : i32 to vector<16xi32>
      %min3A_344 = arith.minsi %add3A_341, %min3A_343 : vector<16xi32>
      %swap3A_345 = arith.constant 1 : i32
      %swap3A_346 = arith.index_cast %swap3A_345 : i32 to index
      %swap3A_347 = arith.constant 48 : index
      %swap3A_348 = tpu.vector_load %arg8[%swap3A_346, %swap3A_347] {strides = array<i32>} : memref<2x80xi32, #tpu.memory_space<vmem>>, vector<1x16xi32>,
      %swap3A_349 = vector.shape_cast %swap3A_348 : vector<1x16xi32> to vector<16xi32>
      %swap3A_350 = vector.shape_cast %min3A_344 : vector<16xi32> to vector<1x16xi32>
      tpu.vector_store %arg8[%swap3A_346, %swap3A_347], %swap3A_350 {strides = array<i32>} : memref<2x80xi32, #tpu.memory_space<vmem>>, vector<1x16xi32>,
      %mul3A_351 = arith.constant 160 : i32
      %mul3A_352 = arith.muli %while3A_106, %mul3A_351 : i32
      %add3A_353 = arith.constant 80 : i32
      %add3A_354 = arith.addi %mul3A_352, %add3A_353 : i32
      %add3A_355 = arith.constant 64 : i32
      %add3A_356 = arith.addi %add3A_354, %add3A_355 : i32
      %get3A_357 = arith.index_cast %add3A_356 : i32 to index
      %get3A_358 = tpu.vector_load %arg7[%get3A_357] {strides = array<i32>} : memref<20000xi32, #tpu.memory_space<vmem>>, vector<16xi32>,
      %get3A_359 = vector.shape_cast %get3A_358 : vector<16xi32> to vector<16xi32>
      %sub3A_360 = vector.broadcast %mul3A_1 : i32 to vector<16xi32>
      %sub3A_361 = arith.subi %get3A_359, %sub3A_360 : vector<16xi32>
      %shift_right_arithmetic3A_362 = arith.constant 31 : i32
      %shift_right_arithmetic3A_363 = vector.broadcast %shift_right_arithmetic3A_362 : i32 to vector<16xi32>
      %shift_right_arithmetic3A_364 = arith.shrsi %sub3A_361, %shift_right_arithmetic3A_363 : vector<16xi32>
      %and3A_365 = arith.constant 16384 : i32
      %and3A_366 = vector.broadcast %and3A_365 : i32 to vector<16xi32>
      %and3A_367 = arith.andi %shift_right_arithmetic3A_364, %and3A_366 : vector<16xi32>
      %add3A_368 = arith.addi %sub3A_361, %and3A_367 : vector<16xi32>
      %min3A_369 = arith.constant 5000 : i32
      %min3A_370 = vector.broadcast %min3A_369 : i32 to vector<16xi32>
      %min3A_371 = arith.minsi %add3A_368, %min3A_370 : vector<16xi32>
      %swap3A_372 = arith.constant 1 : i32
      %swap3A_373 = arith.index_cast %swap3A_372 : i32 to index
      %swap3A_374 = arith.constant 64 : index
      %swap3A_375 = tpu.vector_load %arg8[%swap3A_373, %swap3A_374] {strides = array<i32>} : memref<2x80xi32, #tpu.memory_space<vmem>>, vector<1x16xi32>,
      %swap3A_376 = vector.shape_cast %swap3A_375 : vector<1x16xi32> to vector<16xi32>
      %swap3A_377 = vector.shape_cast %min3A_371 : vector<16xi32> to vector<1x16xi32>
      tpu.vector_store %arg8[%swap3A_373, %swap3A_374], %swap3A_377 {strides = array<i32>} : memref<2x80xi32, #tpu.memory_space<vmem>>, vector<1x16xi32>,
      %run_scoped3A = arith.constant 0 : i32
      "tpu.region"() ({
        %run_scoped3A_380 = tpu.sem_alloc : memref<!tpu.dma_semaphore, #tpu.memory_space<semaphore_mem>>
        %dma_start3A = arith.constant 0 : i32
        %dma_start3A_381 = arith.constant 0 : i32
        %dma_start3A_382 = tpu.memref_slice %arg5[%dma_start3A, %dma_start3A_381] : memref<160x128xf32, #tpu.memory_space<vmem>> -> memref<80x128xf32, #tpu.memory_space<vmem>>
        %dma_start3A_383 = arith.constant 0 : i32
        %dma_start3A_384 = tpu.memref_slice %arg8[%run_scoped3A, %dma_start3A_383] : memref<2x80xi32, #tpu.memory_space<vmem>> -> memref<1x80xi32, #tpu.memory_space<vmem>>
        %dma_start3A_385 = tpu.memref_squeeze %dma_start3A_384 : memref<1x80xi32, #tpu.memory_space<vmem>> -> memref<80xi32, #tpu.memory_space<vmem>>
        %dma_start3A_386 = arith.constant 0 : i32
        %dma_start3A_387 = arith.constant 0 : i32
        %dma_start3A_388 = tpu.memref_slice %arg10[%dma_start3A_386, %dma_start3A_387] : memref<5008x128xf32, #tpu.memory_space<vmem_shared>> -> memref<5008x128xf32, #tpu.memory_space<vmem_shared>>
        tpu.enqueue_indirect_dma source(%dma_start3A_382 : memref<80x128xf32, #tpu.memory_space<vmem>>) target(%dma_start3A_388 : memref<5008x128xf32, #tpu.memory_space<vmem_shared>>) offsets(%dma_start3A_385 : memref<80xi32, #tpu.memory_space<vmem>>) semaphore(%run_scoped3A_380 : memref<!tpu.dma_semaphore, #tpu.memory_space<semaphore_mem>>) {add = true}
        %dma_wait3A = arith.constant 0 : i32
        %dma_wait3A_389 = arith.constant 0 : i32
        %dma_wait3A_390 = tpu.memref_slice %arg5[%dma_wait3A, %dma_wait3A_389] : memref<160x128xf32, #tpu.memory_space<vmem>> -> memref<80x128xf32, #tpu.memory_space<vmem>>
        %dma_wait3A_391 = arith.constant 0 : i32
        %dma_wait3A_392 = tpu.memref_slice %arg8[%run_scoped3A, %dma_wait3A_391] : memref<2x80xi32, #tpu.memory_space<vmem>> -> memref<1x80xi32, #tpu.memory_space<vmem>>
        %dma_wait3A_393 = tpu.memref_squeeze %dma_wait3A_392 : memref<1x80xi32, #tpu.memory_space<vmem>> -> memref<80xi32, #tpu.memory_space<vmem>>
        %dma_wait3A_394 = arith.constant 0 : i32
        %dma_wait3A_395 = arith.constant 0 : i32
        %dma_wait3A_396 = tpu.memref_slice %arg10[%dma_wait3A_394, %dma_wait3A_395] : memref<5008x128xf32, #tpu.memory_space<vmem_shared>> -> memref<5008x128xf32, #tpu.memory_space<vmem_shared>>
        tpu.wait_indirect_dma semaphore(%run_scoped3A_380 : memref<!tpu.dma_semaphore, #tpu.memory_space<semaphore_mem>>) src(%dma_wait3A_390 : memref<80x128xf32, #tpu.memory_space<vmem>>) dst(%dma_wait3A_396 : memref<5008x128xf32, #tpu.memory_space<vmem_shared>>)
        tpu.yield
      }) : () -> ()
      %run_scoped3A_378 = arith.constant 1 : i32
      "tpu.region"() ({
        %run_scoped3A_380 = tpu.sem_alloc : memref<!tpu.dma_semaphore, #tpu.memory_space<semaphore_mem>>
        %dma_start3A = arith.constant 80 : i32
        %dma_start3A_381 = arith.constant 0 : i32
        %dma_start3A_382 = tpu.memref_slice %arg5[%dma_start3A, %dma_start3A_381] : memref<160x128xf32, #tpu.memory_space<vmem>> -> memref<80x128xf32, #tpu.memory_space<vmem>>
        %dma_start3A_383 = arith.constant 0 : i32
        %dma_start3A_384 = tpu.memref_slice %arg8[%run_scoped3A_378, %dma_start3A_383] : memref<2x80xi32, #tpu.memory_space<vmem>> -> memref<1x80xi32, #tpu.memory_space<vmem>>
        %dma_start3A_385 = tpu.memref_squeeze %dma_start3A_384 : memref<1x80xi32, #tpu.memory_space<vmem>> -> memref<80xi32, #tpu.memory_space<vmem>>
        %dma_start3A_386 = arith.constant 0 : i32
        %dma_start3A_387 = arith.constant 0 : i32
        %dma_start3A_388 = tpu.memref_slice %arg10[%dma_start3A_386, %dma_start3A_387] : memref<5008x128xf32, #tpu.memory_space<vmem_shared>> -> memref<5008x128xf32, #tpu.memory_space<vmem_shared>>
        tpu.enqueue_indirect_dma source(%dma_start3A_382 : memref<80x128xf32, #tpu.memory_space<vmem>>) target(%dma_start3A_388 : memref<5008x128xf32, #tpu.memory_space<vmem_shared>>) offsets(%dma_start3A_385 : memref<80xi32, #tpu.memory_space<vmem>>) semaphore(%run_scoped3A_380 : memref<!tpu.dma_semaphore, #tpu.memory_space<semaphore_mem>>) {add = true}
        %dma_wait3A = arith.constant 80 : i32
        %dma_wait3A_389 = arith.constant 0 : i32
        %dma_wait3A_390 = tpu.memref_slice %arg5[%dma_wait3A, %dma_wait3A_389] : memref<160x128xf32, #tpu.memory_space<vmem>> -> memref<80x128xf32, #tpu.memory_space<vmem>>
        %dma_wait3A_391 = arith.constant 0 : i32
        %dma_wait3A_392 = tpu.memref_slice %arg8[%run_scoped3A_378, %dma_wait3A_391] : memref<2x80xi32, #tpu.memory_space<vmem>> -> memref<1x80xi32, #tpu.memory_space<vmem>>
        %dma_wait3A_393 = tpu.memref_squeeze %dma_wait3A_392 : memref<1x80xi32, #tpu.memory_space<vmem>> -> memref<80xi32, #tpu.memory_space<vmem>>
        %dma_wait3A_394 = arith.constant 0 : i32
        %dma_wait3A_395 = arith.constant 0 : i32
        %dma_wait3A_396 = tpu.memref_slice %arg10[%dma_wait3A_394, %dma_wait3A_395] : memref<5008x128xf32, #tpu.memory_space<vmem_shared>> -> memref<5008x128xf32, #tpu.memory_space<vmem_shared>>
        tpu.wait_indirect_dma semaphore(%run_scoped3A_380 : memref<!tpu.dma_semaphore, #tpu.memory_space<semaphore_mem>>) src(%dma_wait3A_390 : memref<80x128xf32, #tpu.memory_space<vmem>>) dst(%dma_wait3A_396 : memref<5008x128xf32, #tpu.memory_space<vmem_shared>>)
        tpu.yield
      }) : () -> ()
      %while3A_379 = arith.constant 0 : i32
      scf.yield %while3A_379 : i32
    }
    %while3A_93 = arith.constant 1 : i32
    %while3A_94 = scf.for %while3A_106 = %while3A_90 to %while3A_86 step %while3A_93 iter_args(%while3A_107 = %while3A_92) -> (i32)  : i32 {
      %mul3A_108 = arith.constant 160 : i32
      %mul3A_109 = arith.muli %while3A_106, %mul3A_108 : i32
      %add3A_110 = arith.addi %mul3A_15, %mul3A_109 : i32
      "tpu.region"() ({
        %run_scoped3A_380 = tpu.sem_alloc : memref<!tpu.dma_semaphore, #tpu.memory_space<semaphore_mem>>
        %dma_start3A = arith.constant 0 : i32
        %dma_start3A_381 = tpu.memref_slice %arg2[%add3A_110, %dma_start3A] : memref<320000x128xf32, #tpu.memory_space<hbm>> -> memref<160x128xf32, #tpu.memory_space<hbm>>
        %dma_start3A_382 = arith.constant 0 : i32
        %dma_start3A_383 = tpu.memref_slice %arg2[%add3A_110, %dma_start3A_382] : memref<320000x128xf32, #tpu.memory_space<hbm>> -> memref<160x128xf32, #tpu.memory_space<hbm>>
        tpu.enqueue_dma source(%dma_start3A_383 : memref<160x128xf32, #tpu.memory_space<hbm>>) target(%arg5 : memref<160x128xf32, #tpu.memory_space<vmem>>) target_semaphore(%run_scoped3A_380 : memref<!tpu.dma_semaphore, #tpu.memory_space<semaphore_mem>>)
        %dma_wait3A = arith.constant 0 : i32
        %dma_wait3A_384 = tpu.memref_slice %arg2[%add3A_110, %dma_wait3A] : memref<320000x128xf32, #tpu.memory_space<hbm>> -> memref<160x128xf32, #tpu.memory_space<hbm>>
        %dma_wait3A_385 = arith.constant 0 : i32
        %dma_wait3A_386 = tpu.memref_slice %arg2[%add3A_110, %dma_wait3A_385] : memref<320000x128xf32, #tpu.memory_space<hbm>> -> memref<160x128xf32, #tpu.memory_space<hbm>>
        tpu.wait_dma2 semaphore(%run_scoped3A_380 : memref<!tpu.dma_semaphore, #tpu.memory_space<semaphore_mem>>) src(%dma_wait3A_386 : memref<160x128xf32, #tpu.memory_space<hbm>>) dst(%arg5 : memref<160x128xf32, #tpu.memory_space<vmem>>)
        tpu.yield
      }) : () -> ()
      %mul3A_111 = arith.constant 160 : i32
      %mul3A_112 = arith.muli %while3A_106, %mul3A_111 : i32
      %add3A_113 = arith.constant 0 : i32
      %add3A_114 = arith.addi %mul3A_112, %add3A_113 : i32
      %add3A_115 = arith.constant 0 : i32
      %add3A_116 = arith.addi %add3A_114, %add3A_115 : i32
      %get3A = arith.index_cast %add3A_116 : i32 to index
      %get3A_117 = tpu.vector_load %arg7[%get3A] {strides = array<i32>} : memref<20000xi32, #tpu.memory_space<vmem>>, vector<16xi32>,
      %get3A_118 = vector.shape_cast %get3A_117 : vector<16xi32> to vector<16xi32>
      %sub3A_119 = vector.broadcast %mul3A_1 : i32 to vector<16xi32>
      %sub3A_120 = arith.subi %get3A_118, %sub3A_119 : vector<16xi32>
      %shift_right_arithmetic3A = arith.constant 31 : i32
      %shift_right_arithmetic3A_121 = vector.broadcast %shift_right_arithmetic3A : i32 to vector<16xi32>
      %shift_right_arithmetic3A_122 = arith.shrsi %sub3A_120, %shift_right_arithmetic3A_121 : vector<16xi32>
      %and3A_123 = arith.constant 16384 : i32
      %and3A_124 = vector.broadcast %and3A_123 : i32 to vector<16xi32>
      %and3A_125 = arith.andi %shift_right_arithmetic3A_122, %and3A_124 : vector<16xi32>
      %add3A_126 = arith.addi %sub3A_120, %and3A_125 : vector<16xi32>
      %min3A_127 = arith.constant 5000 : i32
      %min3A_128 = vector.broadcast %min3A_127 : i32 to vector<16xi32>
      %min3A_129 = arith.minsi %add3A_126, %min3A_128 : vector<16xi32>
      %swap3A = arith.constant 0 : i32
      %swap3A_130 = arith.index_cast %swap3A : i32 to index
      %swap3A_131 = arith.constant 0 : index
      %swap3A_132 = tpu.vector_load %arg8[%swap3A_130, %swap3A_131] {strides = array<i32>} : memref<2x80xi32, #tpu.memory_space<vmem>>, vector<1x16xi32>,
      %swap3A_133 = vector.shape_cast %swap3A_132 : vector<1x16xi32> to vector<16xi32>
      %swap3A_134 = vector.shape_cast %min3A_129 : vector<16xi32> to vector<1x16xi32>
      tpu.vector_store %arg8[%swap3A_130, %swap3A_131], %swap3A_134 {strides = array<i32>} : memref<2x80xi32, #tpu.memory_space<vmem>>, vector<1x16xi32>,
      %mul3A_135 = arith.constant 160 : i32
      %mul3A_136 = arith.muli %while3A_106, %mul3A_135 : i32
      %add3A_137 = arith.constant 0 : i32
      %add3A_138 = arith.addi %mul3A_136, %add3A_137 : i32
      %add3A_139 = arith.constant 16 : i32
      %add3A_140 = arith.addi %add3A_138, %add3A_139 : i32
      %get3A_141 = arith.index_cast %add3A_140 : i32 to index
      %get3A_142 = tpu.vector_load %arg7[%get3A_141] {strides = array<i32>} : memref<20000xi32, #tpu.memory_space<vmem>>, vector<16xi32>,
      %get3A_143 = vector.shape_cast %get3A_142 : vector<16xi32> to vector<16xi32>
      %sub3A_144 = vector.broadcast %mul3A_1 : i32 to vector<16xi32>
      %sub3A_145 = arith.subi %get3A_143, %sub3A_144 : vector<16xi32>
      %shift_right_arithmetic3A_146 = arith.constant 31 : i32
      %shift_right_arithmetic3A_147 = vector.broadcast %shift_right_arithmetic3A_146 : i32 to vector<16xi32>
      %shift_right_arithmetic3A_148 = arith.shrsi %sub3A_145, %shift_right_arithmetic3A_147 : vector<16xi32>
      %and3A_149 = arith.constant 16384 : i32
      %and3A_150 = vector.broadcast %and3A_149 : i32 to vector<16xi32>
      %and3A_151 = arith.andi %shift_right_arithmetic3A_148, %and3A_150 : vector<16xi32>
      %add3A_152 = arith.addi %sub3A_145, %and3A_151 : vector<16xi32>
      %min3A_153 = arith.constant 5000 : i32
      %min3A_154 = vector.broadcast %min3A_153 : i32 to vector<16xi32>
      %min3A_155 = arith.minsi %add3A_152, %min3A_154 : vector<16xi32>
      %swap3A_156 = arith.constant 0 : i32
      %swap3A_157 = arith.index_cast %swap3A_156 : i32 to index
      %swap3A_158 = arith.constant 16 : index
      %swap3A_159 = tpu.vector_load %arg8[%swap3A_157, %swap3A_158] {strides = array<i32>} : memref<2x80xi32, #tpu.memory_space<vmem>>, vector<1x16xi32>,
      %swap3A_160 = vector.shape_cast %swap3A_159 : vector<1x16xi32> to vector<16xi32>
      %swap3A_161 = vector.shape_cast %min3A_155 : vector<16xi32> to vector<1x16xi32>
      tpu.vector_store %arg8[%swap3A_157, %swap3A_158], %swap3A_161 {strides = array<i32>} : memref<2x80xi32, #tpu.memory_space<vmem>>, vector<1x16xi32>,
      %mul3A_162 = arith.constant 160 : i32
      %mul3A_163 = arith.muli %while3A_106, %mul3A_162 : i32
      %add3A_164 = arith.constant 0 : i32
      %add3A_165 = arith.addi %mul3A_163, %add3A_164 : i32
      %add3A_166 = arith.constant 32 : i32
      %add3A_167 = arith.addi %add3A_165, %add3A_166 : i32
      %get3A_168 = arith.index_cast %add3A_167 : i32 to index
      %get3A_169 = tpu.vector_load %arg7[%get3A_168] {strides = array<i32>} : memref<20000xi32, #tpu.memory_space<vmem>>, vector<16xi32>,
      %get3A_170 = vector.shape_cast %get3A_169 : vector<16xi32> to vector<16xi32>
      %sub3A_171 = vector.broadcast %mul3A_1 : i32 to vector<16xi32>
      %sub3A_172 = arith.subi %get3A_170, %sub3A_171 : vector<16xi32>
      %shift_right_arithmetic3A_173 = arith.constant 31 : i32
      %shift_right_arithmetic3A_174 = vector.broadcast %shift_right_arithmetic3A_173 : i32 to vector<16xi32>
      %shift_right_arithmetic3A_175 = arith.shrsi %sub3A_172, %shift_right_arithmetic3A_174 : vector<16xi32>
      %and3A_176 = arith.constant 16384 : i32
      %and3A_177 = vector.broadcast %and3A_176 : i32 to vector<16xi32>
      %and3A_178 = arith.andi %shift_right_arithmetic3A_175, %and3A_177 : vector<16xi32>
      %add3A_179 = arith.addi %sub3A_172, %and3A_178 : vector<16xi32>
      %min3A_180 = arith.constant 5000 : i32
      %min3A_181 = vector.broadcast %min3A_180 : i32 to vector<16xi32>
      %min3A_182 = arith.minsi %add3A_179, %min3A_181 : vector<16xi32>
      %swap3A_183 = arith.constant 0 : i32
      %swap3A_184 = arith.index_cast %swap3A_183 : i32 to index
      %swap3A_185 = arith.constant 32 : index
      %swap3A_186 = tpu.vector_load %arg8[%swap3A_184, %swap3A_185] {strides = array<i32>} : memref<2x80xi32, #tpu.memory_space<vmem>>, vector<1x16xi32>,
      %swap3A_187 = vector.shape_cast %swap3A_186 : vector<1x16xi32> to vector<16xi32>
      %swap3A_188 = vector.shape_cast %min3A_182 : vector<16xi32> to vector<1x16xi32>
      tpu.vector_store %arg8[%swap3A_184, %swap3A_185], %swap3A_188 {strides = array<i32>} : memref<2x80xi32, #tpu.memory_space<vmem>>, vector<1x16xi32>,
      %mul3A_189 = arith.constant 160 : i32
      %mul3A_190 = arith.muli %while3A_106, %mul3A_189 : i32
      %add3A_191 = arith.constant 0 : i32
      %add3A_192 = arith.addi %mul3A_190, %add3A_191 : i32
      %add3A_193 = arith.constant 48 : i32
      %add3A_194 = arith.addi %add3A_192, %add3A_193 : i32
      %get3A_195 = arith.index_cast %add3A_194 : i32 to index
      %get3A_196 = tpu.vector_load %arg7[%get3A_195] {strides = array<i32>} : memref<20000xi32, #tpu.memory_space<vmem>>, vector<16xi32>,
      %get3A_197 = vector.shape_cast %get3A_196 : vector<16xi32> to vector<16xi32>
      %sub3A_198 = vector.broadcast %mul3A_1 : i32 to vector<16xi32>
      %sub3A_199 = arith.subi %get3A_197, %sub3A_198 : vector<16xi32>
      %shift_right_arithmetic3A_200 = arith.constant 31 : i32
      %shift_right_arithmetic3A_201 = vector.broadcast %shift_right_arithmetic3A_200 : i32 to vector<16xi32>
      %shift_right_arithmetic3A_202 = arith.shrsi %sub3A_199, %shift_right_arithmetic3A_201 : vector<16xi32>
      %and3A_203 = arith.constant 16384 : i32
      %and3A_204 = vector.broadcast %and3A_203 : i32 to vector<16xi32>
      %and3A_205 = arith.andi %shift_right_arithmetic3A_202, %and3A_204 : vector<16xi32>
      %add3A_206 = arith.addi %sub3A_199, %and3A_205 : vector<16xi32>
      %min3A_207 = arith.constant 5000 : i32
      %min3A_208 = vector.broadcast %min3A_207 : i32 to vector<16xi32>
      %min3A_209 = arith.minsi %add3A_206, %min3A_208 : vector<16xi32>
      %swap3A_210 = arith.constant 0 : i32
      %swap3A_211 = arith.index_cast %swap3A_210 : i32 to index
      %swap3A_212 = arith.constant 48 : index
      %swap3A_213 = tpu.vector_load %arg8[%swap3A_211, %swap3A_212] {strides = array<i32>} : memref<2x80xi32, #tpu.memory_space<vmem>>, vector<1x16xi32>,
      %swap3A_214 = vector.shape_cast %swap3A_213 : vector<1x16xi32> to vector<16xi32>
      %swap3A_215 = vector.shape_cast %min3A_209 : vector<16xi32> to vector<1x16xi32>
      tpu.vector_store %arg8[%swap3A_211, %swap3A_212], %swap3A_215 {strides = array<i32>} : memref<2x80xi32, #tpu.memory_space<vmem>>, vector<1x16xi32>,
      %mul3A_216 = arith.constant 160 : i32
      %mul3A_217 = arith.muli %while3A_106, %mul3A_216 : i32
      %add3A_218 = arith.constant 0 : i32
      %add3A_219 = arith.addi %mul3A_217, %add3A_218 : i32
      %add3A_220 = arith.constant 64 : i32
      %add3A_221 = arith.addi %add3A_219, %add3A_220 : i32
      %get3A_222 = arith.index_cast %add3A_221 : i32 to index
      %get3A_223 = tpu.vector_load %arg7[%get3A_222] {strides = array<i32>} : memref<20000xi32, #tpu.memory_space<vmem>>, vector<16xi32>,
      %get3A_224 = vector.shape_cast %get3A_223 : vector<16xi32> to vector<16xi32>
      %sub3A_225 = vector.broadcast %mul3A_1 : i32 to vector<16xi32>
      %sub3A_226 = arith.subi %get3A_224, %sub3A_225 : vector<16xi32>
      %shift_right_arithmetic3A_227 = arith.constant 31 : i32
      %shift_right_arithmetic3A_228 = vector.broadcast %shift_right_arithmetic3A_227 : i32 to vector<16xi32>
      %shift_right_arithmetic3A_229 = arith.shrsi %sub3A_226, %shift_right_arithmetic3A_228 : vector<16xi32>
      %and3A_230 = arith.constant 16384 : i32
      %and3A_231 = vector.broadcast %and3A_230 : i32 to vector<16xi32>
      %and3A_232 = arith.andi %shift_right_arithmetic3A_229, %and3A_231 : vector<16xi32>
      %add3A_233 = arith.addi %sub3A_226, %and3A_232 : vector<16xi32>
      %min3A_234 = arith.constant 5000 : i32
      %min3A_235 = vector.broadcast %min3A_234 : i32 to vector<16xi32>
      %min3A_236 = arith.minsi %add3A_233, %min3A_235 : vector<16xi32>
      %swap3A_237 = arith.constant 0 : i32
      %swap3A_238 = arith.index_cast %swap3A_237 : i32 to index
      %swap3A_239 = arith.constant 64 : index
      %swap3A_240 = tpu.vector_load %arg8[%swap3A_238, %swap3A_239] {strides = array<i32>} : memref<2x80xi32, #tpu.memory_space<vmem>>, vector<1x16xi32>,
      %swap3A_241 = vector.shape_cast %swap3A_240 : vector<1x16xi32> to vector<16xi32>
      %swap3A_242 = vector.shape_cast %min3A_236 : vector<16xi32> to vector<1x16xi32>
      tpu.vector_store %arg8[%swap3A_238, %swap3A_239], %swap3A_242 {strides = array<i32>} : memref<2x80xi32, #tpu.memory_space<vmem>>, vector<1x16xi32>,
      %mul3A_243 = arith.constant 160 : i32
      %mul3A_244 = arith.muli %while3A_106, %mul3A_243 : i32
      %add3A_245 = arith.constant 80 : i32
      %add3A_246 = arith.addi %mul3A_244, %add3A_245 : i32
      %add3A_247 = arith.constant 0 : i32
      %add3A_248 = arith.addi %add3A_246, %add3A_247 : i32
      %get3A_249 = arith.index_cast %add3A_248 : i32 to index
      %get3A_250 = tpu.vector_load %arg7[%get3A_249] {strides = array<i32>} : memref<20000xi32, #tpu.memory_space<vmem>>, vector<16xi32>,
      %get3A_251 = vector.shape_cast %get3A_250 : vector<16xi32> to vector<16xi32>
      %sub3A_252 = vector.broadcast %mul3A_1 : i32 to vector<16xi32>
      %sub3A_253 = arith.subi %get3A_251, %sub3A_252 : vector<16xi32>
      %shift_right_arithmetic3A_254 = arith.constant 31 : i32
      %shift_right_arithmetic3A_255 = vector.broadcast %shift_right_arithmetic3A_254 : i32 to vector<16xi32>
      %shift_right_arithmetic3A_256 = arith.shrsi %sub3A_253, %shift_right_arithmetic3A_255 : vector<16xi32>
      %and3A_257 = arith.constant 16384 : i32
      %and3A_258 = vector.broadcast %and3A_257 : i32 to vector<16xi32>
      %and3A_259 = arith.andi %shift_right_arithmetic3A_256, %and3A_258 : vector<16xi32>
      %add3A_260 = arith.addi %sub3A_253, %and3A_259 : vector<16xi32>
      %min3A_261 = arith.constant 5000 : i32
      %min3A_262 = vector.broadcast %min3A_261 : i32 to vector<16xi32>
      %min3A_263 = arith.minsi %add3A_260, %min3A_262 : vector<16xi32>
      %swap3A_264 = arith.constant 1 : i32
      %swap3A_265 = arith.index_cast %swap3A_264 : i32 to index
      %swap3A_266 = arith.constant 0 : index
      %swap3A_267 = tpu.vector_load %arg8[%swap3A_265, %swap3A_266] {strides = array<i32>} : memref<2x80xi32, #tpu.memory_space<vmem>>, vector<1x16xi32>,
      %swap3A_268 = vector.shape_cast %swap3A_267 : vector<1x16xi32> to vector<16xi32>
      %swap3A_269 = vector.shape_cast %min3A_263 : vector<16xi32> to vector<1x16xi32>
      tpu.vector_store %arg8[%swap3A_265, %swap3A_266], %swap3A_269 {strides = array<i32>} : memref<2x80xi32, #tpu.memory_space<vmem>>, vector<1x16xi32>,
      %mul3A_270 = arith.constant 160 : i32
      %mul3A_271 = arith.muli %while3A_106, %mul3A_270 : i32
      %add3A_272 = arith.constant 80 : i32
      %add3A_273 = arith.addi %mul3A_271, %add3A_272 : i32
      %add3A_274 = arith.constant 16 : i32
      %add3A_275 = arith.addi %add3A_273, %add3A_274 : i32
      %get3A_276 = arith.index_cast %add3A_275 : i32 to index
      %get3A_277 = tpu.vector_load %arg7[%get3A_276] {strides = array<i32>} : memref<20000xi32, #tpu.memory_space<vmem>>, vector<16xi32>,
      %get3A_278 = vector.shape_cast %get3A_277 : vector<16xi32> to vector<16xi32>
      %sub3A_279 = vector.broadcast %mul3A_1 : i32 to vector<16xi32>
      %sub3A_280 = arith.subi %get3A_278, %sub3A_279 : vector<16xi32>
      %shift_right_arithmetic3A_281 = arith.constant 31 : i32
      %shift_right_arithmetic3A_282 = vector.broadcast %shift_right_arithmetic3A_281 : i32 to vector<16xi32>
      %shift_right_arithmetic3A_283 = arith.shrsi %sub3A_280, %shift_right_arithmetic3A_282 : vector<16xi32>
      %and3A_284 = arith.constant 16384 : i32
      %and3A_285 = vector.broadcast %and3A_284 : i32 to vector<16xi32>
      %and3A_286 = arith.andi %shift_right_arithmetic3A_283, %and3A_285 : vector<16xi32>
      %add3A_287 = arith.addi %sub3A_280, %and3A_286 : vector<16xi32>
      %min3A_288 = arith.constant 5000 : i32
      %min3A_289 = vector.broadcast %min3A_288 : i32 to vector<16xi32>
      %min3A_290 = arith.minsi %add3A_287, %min3A_289 : vector<16xi32>
      %swap3A_291 = arith.constant 1 : i32
      %swap3A_292 = arith.index_cast %swap3A_291 : i32 to index
      %swap3A_293 = arith.constant 16 : index
      %swap3A_294 = tpu.vector_load %arg8[%swap3A_292, %swap3A_293] {strides = array<i32>} : memref<2x80xi32, #tpu.memory_space<vmem>>, vector<1x16xi32>,
      %swap3A_295 = vector.shape_cast %swap3A_294 : vector<1x16xi32> to vector<16xi32>
      %swap3A_296 = vector.shape_cast %min3A_290 : vector<16xi32> to vector<1x16xi32>
      tpu.vector_store %arg8[%swap3A_292, %swap3A_293], %swap3A_296 {strides = array<i32>} : memref<2x80xi32, #tpu.memory_space<vmem>>, vector<1x16xi32>,
      %mul3A_297 = arith.constant 160 : i32
      %mul3A_298 = arith.muli %while3A_106, %mul3A_297 : i32
      %add3A_299 = arith.constant 80 : i32
      %add3A_300 = arith.addi %mul3A_298, %add3A_299 : i32
      %add3A_301 = arith.constant 32 : i32
      %add3A_302 = arith.addi %add3A_300, %add3A_301 : i32
      %get3A_303 = arith.index_cast %add3A_302 : i32 to index
      %get3A_304 = tpu.vector_load %arg7[%get3A_303] {strides = array<i32>} : memref<20000xi32, #tpu.memory_space<vmem>>, vector<16xi32>,
      %get3A_305 = vector.shape_cast %get3A_304 : vector<16xi32> to vector<16xi32>
      %sub3A_306 = vector.broadcast %mul3A_1 : i32 to vector<16xi32>
      %sub3A_307 = arith.subi %get3A_305, %sub3A_306 : vector<16xi32>
      %shift_right_arithmetic3A_308 = arith.constant 31 : i32
      %shift_right_arithmetic3A_309 = vector.broadcast %shift_right_arithmetic3A_308 : i32 to vector<16xi32>
      %shift_right_arithmetic3A_310 = arith.shrsi %sub3A_307, %shift_right_arithmetic3A_309 : vector<16xi32>
      %and3A_311 = arith.constant 16384 : i32
      %and3A_312 = vector.broadcast %and3A_311 : i32 to vector<16xi32>
      %and3A_313 = arith.andi %shift_right_arithmetic3A_310, %and3A_312 : vector<16xi32>
      %add3A_314 = arith.addi %sub3A_307, %and3A_313 : vector<16xi32>
      %min3A_315 = arith.constant 5000 : i32
      %min3A_316 = vector.broadcast %min3A_315 : i32 to vector<16xi32>
      %min3A_317 = arith.minsi %add3A_314, %min3A_316 : vector<16xi32>
      %swap3A_318 = arith.constant 1 : i32
      %swap3A_319 = arith.index_cast %swap3A_318 : i32 to index
      %swap3A_320 = arith.constant 32 : index
      %swap3A_321 = tpu.vector_load %arg8[%swap3A_319, %swap3A_320] {strides = array<i32>} : memref<2x80xi32, #tpu.memory_space<vmem>>, vector<1x16xi32>,
      %swap3A_322 = vector.shape_cast %swap3A_321 : vector<1x16xi32> to vector<16xi32>
      %swap3A_323 = vector.shape_cast %min3A_317 : vector<16xi32> to vector<1x16xi32>
      tpu.vector_store %arg8[%swap3A_319, %swap3A_320], %swap3A_323 {strides = array<i32>} : memref<2x80xi32, #tpu.memory_space<vmem>>, vector<1x16xi32>,
      %mul3A_324 = arith.constant 160 : i32
      %mul3A_325 = arith.muli %while3A_106, %mul3A_324 : i32
      %add3A_326 = arith.constant 80 : i32
      %add3A_327 = arith.addi %mul3A_325, %add3A_326 : i32
      %add3A_328 = arith.constant 48 : i32
      %add3A_329 = arith.addi %add3A_327, %add3A_328 : i32
      %get3A_330 = arith.index_cast %add3A_329 : i32 to index
      %get3A_331 = tpu.vector_load %arg7[%get3A_330] {strides = array<i32>} : memref<20000xi32, #tpu.memory_space<vmem>>, vector<16xi32>,
      %get3A_332 = vector.shape_cast %get3A_331 : vector<16xi32> to vector<16xi32>
      %sub3A_333 = vector.broadcast %mul3A_1 : i32 to vector<16xi32>
      %sub3A_334 = arith.subi %get3A_332, %sub3A_333 : vector<16xi32>
      %shift_right_arithmetic3A_335 = arith.constant 31 : i32
      %shift_right_arithmetic3A_336 = vector.broadcast %shift_right_arithmetic3A_335 : i32 to vector<16xi32>
      %shift_right_arithmetic3A_337 = arith.shrsi %sub3A_334, %shift_right_arithmetic3A_336 : vector<16xi32>
      %and3A_338 = arith.constant 16384 : i32
      %and3A_339 = vector.broadcast %and3A_338 : i32 to vector<16xi32>
      %and3A_340 = arith.andi %shift_right_arithmetic3A_337, %and3A_339 : vector<16xi32>
      %add3A_341 = arith.addi %sub3A_334, %and3A_340 : vector<16xi32>
      %min3A_342 = arith.constant 5000 : i32
      %min3A_343 = vector.broadcast %min3A_342 : i32 to vector<16xi32>
      %min3A_344 = arith.minsi %add3A_341, %min3A_343 : vector<16xi32>
      %swap3A_345 = arith.constant 1 : i32
      %swap3A_346 = arith.index_cast %swap3A_345 : i32 to index
      %swap3A_347 = arith.constant 48 : index
      %swap3A_348 = tpu.vector_load %arg8[%swap3A_346, %swap3A_347] {strides = array<i32>} : memref<2x80xi32, #tpu.memory_space<vmem>>, vector<1x16xi32>,
      %swap3A_349 = vector.shape_cast %swap3A_348 : vector<1x16xi32> to vector<16xi32>
      %swap3A_350 = vector.shape_cast %min3A_344 : vector<16xi32> to vector<1x16xi32>
      tpu.vector_store %arg8[%swap3A_346, %swap3A_347], %swap3A_350 {strides = array<i32>} : memref<2x80xi32, #tpu.memory_space<vmem>>, vector<1x16xi32>,
      %mul3A_351 = arith.constant 160 : i32
      %mul3A_352 = arith.muli %while3A_106, %mul3A_351 : i32
      %add3A_353 = arith.constant 80 : i32
      %add3A_354 = arith.addi %mul3A_352, %add3A_353 : i32
      %add3A_355 = arith.constant 64 : i32
      %add3A_356 = arith.addi %add3A_354, %add3A_355 : i32
      %get3A_357 = arith.index_cast %add3A_356 : i32 to index
      %get3A_358 = tpu.vector_load %arg7[%get3A_357] {strides = array<i32>} : memref<20000xi32, #tpu.memory_space<vmem>>, vector<16xi32>,
      %get3A_359 = vector.shape_cast %get3A_358 : vector<16xi32> to vector<16xi32>
      %sub3A_360 = vector.broadcast %mul3A_1 : i32 to vector<16xi32>
      %sub3A_361 = arith.subi %get3A_359, %sub3A_360 : vector<16xi32>
      %shift_right_arithmetic3A_362 = arith.constant 31 : i32
      %shift_right_arithmetic3A_363 = vector.broadcast %shift_right_arithmetic3A_362 : i32 to vector<16xi32>
      %shift_right_arithmetic3A_364 = arith.shrsi %sub3A_361, %shift_right_arithmetic3A_363 : vector<16xi32>
      %and3A_365 = arith.constant 16384 : i32
      %and3A_366 = vector.broadcast %and3A_365 : i32 to vector<16xi32>
      %and3A_367 = arith.andi %shift_right_arithmetic3A_364, %and3A_366 : vector<16xi32>
      %add3A_368 = arith.addi %sub3A_361, %and3A_367 : vector<16xi32>
      %min3A_369 = arith.constant 5000 : i32
      %min3A_370 = vector.broadcast %min3A_369 : i32 to vector<16xi32>
      %min3A_371 = arith.minsi %add3A_368, %min3A_370 : vector<16xi32>
      %swap3A_372 = arith.constant 1 : i32
      %swap3A_373 = arith.index_cast %swap3A_372 : i32 to index
      %swap3A_374 = arith.constant 64 : index
      %swap3A_375 = tpu.vector_load %arg8[%swap3A_373, %swap3A_374] {strides = array<i32>} : memref<2x80xi32, #tpu.memory_space<vmem>>, vector<1x16xi32>,
      %swap3A_376 = vector.shape_cast %swap3A_375 : vector<1x16xi32> to vector<16xi32>
      %swap3A_377 = vector.shape_cast %min3A_371 : vector<16xi32> to vector<1x16xi32>
      tpu.vector_store %arg8[%swap3A_373, %swap3A_374], %swap3A_377 {strides = array<i32>} : memref<2x80xi32, #tpu.memory_space<vmem>>, vector<1x16xi32>,
      %run_scoped3A = arith.constant 0 : i32
      "tpu.region"() ({
        %run_scoped3A_380 = tpu.sem_alloc : memref<!tpu.dma_semaphore, #tpu.memory_space<semaphore_mem>>
        %dma_start3A = arith.constant 0 : i32
        %dma_start3A_381 = arith.constant 0 : i32
        %dma_start3A_382 = tpu.memref_slice %arg5[%dma_start3A, %dma_start3A_381] : memref<160x128xf32, #tpu.memory_space<vmem>> -> memref<80x128xf32, #tpu.memory_space<vmem>>
        %dma_start3A_383 = arith.constant 0 : i32
        %dma_start3A_384 = tpu.memref_slice %arg8[%run_scoped3A, %dma_start3A_383] : memref<2x80xi32, #tpu.memory_space<vmem>> -> memref<1x80xi32, #tpu.memory_space<vmem>>
        %dma_start3A_385 = tpu.memref_squeeze %dma_start3A_384 : memref<1x80xi32, #tpu.memory_space<vmem>> -> memref<80xi32, #tpu.memory_space<vmem>>
        %dma_start3A_386 = arith.constant 0 : i32
        %dma_start3A_387 = arith.constant 0 : i32
        %dma_start3A_388 = tpu.memref_slice %arg10[%dma_start3A_386, %dma_start3A_387] : memref<5008x128xf32, #tpu.memory_space<vmem_shared>> -> memref<5008x128xf32, #tpu.memory_space<vmem_shared>>
        tpu.enqueue_indirect_dma source(%dma_start3A_382 : memref<80x128xf32, #tpu.memory_space<vmem>>) target(%dma_start3A_388 : memref<5008x128xf32, #tpu.memory_space<vmem_shared>>) offsets(%dma_start3A_385 : memref<80xi32, #tpu.memory_space<vmem>>) semaphore(%run_scoped3A_380 : memref<!tpu.dma_semaphore, #tpu.memory_space<semaphore_mem>>) {add = true}
        %dma_wait3A = arith.constant 0 : i32
        %dma_wait3A_389 = arith.constant 0 : i32
        %dma_wait3A_390 = tpu.memref_slice %arg5[%dma_wait3A, %dma_wait3A_389] : memref<160x128xf32, #tpu.memory_space<vmem>> -> memref<80x128xf32, #tpu.memory_space<vmem>>
        %dma_wait3A_391 = arith.constant 0 : i32
        %dma_wait3A_392 = tpu.memref_slice %arg8[%run_scoped3A, %dma_wait3A_391] : memref<2x80xi32, #tpu.memory_space<vmem>> -> memref<1x80xi32, #tpu.memory_space<vmem>>
        %dma_wait3A_393 = tpu.memref_squeeze %dma_wait3A_392 : memref<1x80xi32, #tpu.memory_space<vmem>> -> memref<80xi32, #tpu.memory_space<vmem>>
        %dma_wait3A_394 = arith.constant 0 : i32
        %dma_wait3A_395 = arith.constant 0 : i32
        %dma_wait3A_396 = tpu.memref_slice %arg10[%dma_wait3A_394, %dma_wait3A_395] : memref<5008x128xf32, #tpu.memory_space<vmem_shared>> -> memref<5008x128xf32, #tpu.memory_space<vmem_shared>>
        tpu.wait_indirect_dma semaphore(%run_scoped3A_380 : memref<!tpu.dma_semaphore, #tpu.memory_space<semaphore_mem>>) src(%dma_wait3A_390 : memref<80x128xf32, #tpu.memory_space<vmem>>) dst(%dma_wait3A_396 : memref<5008x128xf32, #tpu.memory_space<vmem_shared>>)
        tpu.yield
      }) : () -> ()
      %run_scoped3A_378 = arith.constant 1 : i32
      "tpu.region"() ({
        %run_scoped3A_380 = tpu.sem_alloc : memref<!tpu.dma_semaphore, #tpu.memory_space<semaphore_mem>>
        %dma_start3A = arith.constant 80 : i32
        %dma_start3A_381 = arith.constant 0 : i32
        %dma_start3A_382 = tpu.memref_slice %arg5[%dma_start3A, %dma_start3A_381] : memref<160x128xf32, #tpu.memory_space<vmem>> -> memref<80x128xf32, #tpu.memory_space<vmem>>
        %dma_start3A_383 = arith.constant 0 : i32
        %dma_start3A_384 = tpu.memref_slice %arg8[%run_scoped3A_378, %dma_start3A_383] : memref<2x80xi32, #tpu.memory_space<vmem>> -> memref<1x80xi32, #tpu.memory_space<vmem>>
        %dma_start3A_385 = tpu.memref_squeeze %dma_start3A_384 : memref<1x80xi32, #tpu.memory_space<vmem>> -> memref<80xi32, #tpu.memory_space<vmem>>
        %dma_start3A_386 = arith.constant 0 : i32
        %dma_start3A_387 = arith.constant 0 : i32
        %dma_start3A_388 = tpu.memref_slice %arg10[%dma_start3A_386, %dma_start3A_387] : memref<5008x128xf32, #tpu.memory_space<vmem_shared>> -> memref<5008x128xf32, #tpu.memory_space<vmem_shared>>
        tpu.enqueue_indirect_dma source(%dma_start3A_382 : memref<80x128xf32, #tpu.memory_space<vmem>>) target(%dma_start3A_388 : memref<5008x128xf32, #tpu.memory_space<vmem_shared>>) offsets(%dma_start3A_385 : memref<80xi32, #tpu.memory_space<vmem>>) semaphore(%run_scoped3A_380 : memref<!tpu.dma_semaphore, #tpu.memory_space<semaphore_mem>>) {add = true}
        %dma_wait3A = arith.constant 80 : i32
        %dma_wait3A_389 = arith.constant 0 : i32
        %dma_wait3A_390 = tpu.memref_slice %arg5[%dma_wait3A, %dma_wait3A_389] : memref<160x128xf32, #tpu.memory_space<vmem>> -> memref<80x128xf32, #tpu.memory_space<vmem>>
        %dma_wait3A_391 = arith.constant 0 : i32
        %dma_wait3A_392 = tpu.memref_slice %arg8[%run_scoped3A_378, %dma_wait3A_391] : memref<2x80xi32, #tpu.memory_space<vmem>> -> memref<1x80xi32, #tpu.memory_space<vmem>>
        %dma_wait3A_393 = tpu.memref_squeeze %dma_wait3A_392 : memref<1x80xi32, #tpu.memory_space<vmem>> -> memref<80xi32, #tpu.memory_space<vmem>>
        %dma_wait3A_394 = arith.constant 0 : i32
        %dma_wait3A_395 = arith.constant 0 : i32
        %dma_wait3A_396 = tpu.memref_slice %arg10[%dma_wait3A_394, %dma_wait3A_395] : memref<5008x128xf32, #tpu.memory_space<vmem_shared>> -> memref<5008x128xf32, #tpu.memory_space<vmem_shared>>
        tpu.wait_indirect_dma semaphore(%run_scoped3A_380 : memref<!tpu.dma_semaphore, #tpu.memory_space<semaphore_mem>>) src(%dma_wait3A_390 : memref<80x128xf32, #tpu.memory_space<vmem>>) dst(%dma_wait3A_396 : memref<5008x128xf32, #tpu.memory_space<vmem_shared>>)
        tpu.yield
      }) : () -> ()
      %while3A_379 = arith.constant 0 : i32
      scf.yield %while3A_379 : i32
    }
    %barrier3A_95 = arith.constant 0 : index
    tpu.barrier barrier_id(%barrier3A_95)
    %lt3A_96 = arith.constant 15 : i32
    %lt3A_97 = arith.cmpi slt, %arg1, %lt3A_96 : i32
    %convert_element_type3A_98 = arith.extui %lt3A_97 : i1 to i32
    %cond3A_99 = arith.constant 0 : i32
    %cond3A_100 = arith.cmpi ne, %convert_element_type3A_98, %cond3A_99 : i32
    scf.if %cond3A_100 {
      %mul3A_106 = arith.constant 312 : i32
      %mul3A_107 = arith.muli %arg1, %mul3A_106 : i32
      "tpu.region"() ({
        %run_scoped3A = tpu.sem_alloc : memref<!tpu.dma_semaphore, #tpu.memory_space<semaphore_mem>>
        %dma_start3A = arith.constant 0 : i32
        %dma_start3A_112 = arith.constant 0 : i32
        %dma_start3A_113 = tpu.memref_slice %arg5[%dma_start3A, %dma_start3A_112] : memref<160x128xf32, #tpu.memory_space<vmem>> -> memref<160x128xf32, #tpu.memory_space<vmem>>
        %dma_start3A_114 = arith.constant 0 : i32
        %dma_start3A_115 = tpu.memref_slice %arg10[%mul3A_107, %dma_start3A_114] : memref<5008x128xf32, #tpu.memory_space<vmem_shared>> -> memref<160x128xf32, #tpu.memory_space<vmem_shared>>
        %dma_start3A_116 = arith.constant 0 : i32
        %dma_start3A_117 = arith.constant 0 : i32
        %dma_start3A_118 = tpu.memref_slice %arg5[%dma_start3A_116, %dma_start3A_117] : memref<160x128xf32, #tpu.memory_space<vmem>> -> memref<160x128xf32, #tpu.memory_space<vmem>>
        %dma_start3A_119 = arith.constant 0 : i32
        %dma_start3A_120 = tpu.memref_slice %arg10[%mul3A_107, %dma_start3A_119] : memref<5008x128xf32, #tpu.memory_space<vmem_shared>> -> memref<160x128xf32, #tpu.memory_space<vmem_shared>>
        tpu.enqueue_dma source(%dma_start3A_120 : memref<160x128xf32, #tpu.memory_space<vmem_shared>>) target(%dma_start3A_118 : memref<160x128xf32, #tpu.memory_space<vmem>>) target_semaphore(%run_scoped3A : memref<!tpu.dma_semaphore, #tpu.memory_space<semaphore_mem>>)
        %dma_wait3A = arith.constant 0 : i32
        %dma_wait3A_121 = arith.constant 0 : i32
        %dma_wait3A_122 = tpu.memref_slice %arg5[%dma_wait3A, %dma_wait3A_121] : memref<160x128xf32, #tpu.memory_space<vmem>> -> memref<160x128xf32, #tpu.memory_space<vmem>>
        %dma_wait3A_123 = arith.constant 0 : i32
        %dma_wait3A_124 = tpu.memref_slice %arg10[%mul3A_107, %dma_wait3A_123] : memref<5008x128xf32, #tpu.memory_space<vmem_shared>> -> memref<160x128xf32, #tpu.memory_space<vmem_shared>>
        %dma_wait3A_125 = arith.constant 0 : i32
        %dma_wait3A_126 = arith.constant 0 : i32
        %dma_wait3A_127 = tpu.memref_slice %arg5[%dma_wait3A_125, %dma_wait3A_126] : memref<160x128xf32, #tpu.memory_space<vmem>> -> memref<160x128xf32, #tpu.memory_space<vmem>>
        %dma_wait3A_128 = arith.constant 0 : i32
        %dma_wait3A_129 = tpu.memref_slice %arg10[%mul3A_107, %dma_wait3A_128] : memref<5008x128xf32, #tpu.memory_space<vmem_shared>> -> memref<160x128xf32, #tpu.memory_space<vmem_shared>>
        tpu.wait_dma2 semaphore(%run_scoped3A : memref<!tpu.dma_semaphore, #tpu.memory_space<semaphore_mem>>) src(%dma_wait3A_129 : memref<160x128xf32, #tpu.memory_space<vmem_shared>>) dst(%dma_wait3A_127 : memref<160x128xf32, #tpu.memory_space<vmem>>)
        tpu.yield
      }) : () -> ()
      "tpu.region"() ({
        %run_scoped3A = tpu.sem_alloc : memref<!tpu.dma_semaphore, #tpu.memory_space<semaphore_mem>>
        %dma_start3A = arith.constant 0 : i32
        %dma_start3A_112 = arith.constant 0 : i32
        %dma_start3A_113 = tpu.memref_slice %arg5[%dma_start3A, %dma_start3A_112] : memref<160x128xf32, #tpu.memory_space<vmem>> -> memref<160x128xf32, #tpu.memory_space<vmem>>
        %dma_start3A_114 = arith.constant 0 : i32
        %dma_start3A_115 = tpu.memref_slice %arg4[%arg0, %mul3A_107, %dma_start3A_114] : memref<2x5008x128xf32, #tpu.memory_space<hbm>> -> memref<1x160x128xf32, #tpu.memory_space<hbm>>
        %dma_start3A_116 = tpu.memref_squeeze %dma_start3A_115 : memref<1x160x128xf32, #tpu.memory_space<hbm>> -> memref<160x128xf32, #tpu.memory_space<hbm>>
        %dma_start3A_117 = arith.constant 0 : i32
        %dma_start3A_118 = tpu.memref_slice %arg4[%arg0, %mul3A_107, %dma_start3A_117] : memref<2x5008x128xf32, #tpu.memory_space<hbm>> -> memref<1x160x128xf32, #tpu.memory_space<hbm>>
        %dma_start3A_119 = tpu.memref_squeeze %dma_start3A_118 : memref<1x160x128xf32, #tpu.memory_space<hbm>> -> memref<160x128xf32, #tpu.memory_space<hbm>>
        %dma_start3A_120 = arith.constant 0 : i32
        %dma_start3A_121 = arith.constant 0 : i32
        %dma_start3A_122 = tpu.memref_slice %arg5[%dma_start3A_120, %dma_start3A_121] : memref<160x128xf32, #tpu.memory_space<vmem>> -> memref<160x128xf32, #tpu.memory_space<vmem>>
        tpu.enqueue_dma source(%dma_start3A_122 : memref<160x128xf32, #tpu.memory_space<vmem>>) target(%dma_start3A_119 : memref<160x128xf32, #tpu.memory_space<hbm>>) target_semaphore(%run_scoped3A : memref<!tpu.dma_semaphore, #tpu.memory_space<semaphore_mem>>)
        %dma_wait3A = arith.constant 0 : i32
        %dma_wait3A_123 = arith.constant 0 : i32
        %dma_wait3A_124 = tpu.memref_slice %arg5[%dma_wait3A, %dma_wait3A_123] : memref<160x128xf32, #tpu.memory_space<vmem>> -> memref<160x128xf32, #tpu.memory_space<vmem>>
        %dma_wait3A_125 = arith.constant 0 : i32
        %dma_wait3A_126 = tpu.memref_slice %arg4[%arg0, %mul3A_107, %dma_wait3A_125] : memref<2x5008x128xf32, #tpu.memory_space<hbm>> -> memref<1x160x128xf32, #tpu.memory_space<hbm>>
        %dma_wait3A_127 = tpu.memref_squeeze %dma_wait3A_126 : memref<1x160x128xf32, #tpu.memory_space<hbm>> -> memref<160x128xf32, #tpu.memory_space<hbm>>
        %dma_wait3A_128 = arith.constant 0 : i32
        %dma_wait3A_129 = tpu.memref_slice %arg4[%arg0, %mul3A_107, %dma_wait3A_128] : memref<2x5008x128xf32, #tpu.memory_space<hbm>> -> memref<1x160x128xf32, #tpu.memory_space<hbm>>
        %dma_wait3A_130 = tpu.memref_squeeze %dma_wait3A_129 : memref<1x160x128xf32, #tpu.memory_space<hbm>> -> memref<160x128xf32, #tpu.memory_space<hbm>>
        %dma_wait3A_131 = arith.constant 0 : i32
        %dma_wait3A_132 = arith.constant 0 : i32
        %dma_wait3A_133 = tpu.memref_slice %arg5[%dma_wait3A_131, %dma_wait3A_132] : memref<160x128xf32, #tpu.memory_space<vmem>> -> memref<160x128xf32, #tpu.memory_space<vmem>>
        tpu.wait_dma2 semaphore(%run_scoped3A : memref<!tpu.dma_semaphore, #tpu.memory_space<semaphore_mem>>) src(%dma_wait3A_133 : memref<160x128xf32, #tpu.memory_space<vmem>>) dst(%dma_wait3A_130 : memref<160x128xf32, #tpu.memory_space<hbm>>)
        tpu.yield
      }) : () -> ()
      %mul3A_108 = arith.constant 312 : i32
      %mul3A_109 = arith.muli %arg1, %mul3A_108 : i32
      %add3A_110 = arith.constant 160 : i32
      %add3A_111 = arith.addi %mul3A_109, %add3A_110 : i32
      "tpu.region"() ({
        %run_scoped3A = tpu.sem_alloc : memref<!tpu.dma_semaphore, #tpu.memory_space<semaphore_mem>>
        %dma_start3A = arith.constant 0 : i32
        %dma_start3A_112 = arith.constant 0 : i32
        %dma_start3A_113 = tpu.memref_slice %arg5[%dma_start3A, %dma_start3A_112] : memref<160x128xf32, #tpu.memory_space<vmem>> -> memref<152x128xf32, #tpu.memory_space<vmem>>
        %dma_start3A_114 = arith.constant 0 : i32
        %dma_start3A_115 = tpu.memref_slice %arg10[%add3A_111, %dma_start3A_114] : memref<5008x128xf32, #tpu.memory_space<vmem_shared>> -> memref<152x128xf32, #tpu.memory_space<vmem_shared>>
        %dma_start3A_116 = arith.constant 0 : i32
        %dma_start3A_117 = arith.constant 0 : i32
        %dma_start3A_118 = tpu.memref_slice %arg5[%dma_start3A_116, %dma_start3A_117] : memref<160x128xf32, #tpu.memory_space<vmem>> -> memref<152x128xf32, #tpu.memory_space<vmem>>
        %dma_start3A_119 = arith.constant 0 : i32
        %dma_start3A_120 = tpu.memref_slice %arg10[%add3A_111, %dma_start3A_119] : memref<5008x128xf32, #tpu.memory_space<vmem_shared>> -> memref<152x128xf32, #tpu.memory_space<vmem_shared>>
        tpu.enqueue_dma source(%dma_start3A_120 : memref<152x128xf32, #tpu.memory_space<vmem_shared>>) target(%dma_start3A_118 : memref<152x128xf32, #tpu.memory_space<vmem>>) target_semaphore(%run_scoped3A : memref<!tpu.dma_semaphore, #tpu.memory_space<semaphore_mem>>)
        %dma_wait3A = arith.constant 0 : i32
        %dma_wait3A_121 = arith.constant 0 : i32
        %dma_wait3A_122 = tpu.memref_slice %arg5[%dma_wait3A, %dma_wait3A_121] : memref<160x128xf32, #tpu.memory_space<vmem>> -> memref<152x128xf32, #tpu.memory_space<vmem>>
        %dma_wait3A_123 = arith.constant 0 : i32
        %dma_wait3A_124 = tpu.memref_slice %arg10[%add3A_111, %dma_wait3A_123] : memref<5008x128xf32, #tpu.memory_space<vmem_shared>> -> memref<152x128xf32, #tpu.memory_space<vmem_shared>>
        %dma_wait3A_125 = arith.constant 0 : i32
        %dma_wait3A_126 = arith.constant 0 : i32
        %dma_wait3A_127 = tpu.memref_slice %arg5[%dma_wait3A_125, %dma_wait3A_126] : memref<160x128xf32, #tpu.memory_space<vmem>> -> memref<152x128xf32, #tpu.memory_space<vmem>>
        %dma_wait3A_128 = arith.constant 0 : i32
        %dma_wait3A_129 = tpu.memref_slice %arg10[%add3A_111, %dma_wait3A_128] : memref<5008x128xf32, #tpu.memory_space<vmem_shared>> -> memref<152x128xf32, #tpu.memory_space<vmem_shared>>
        tpu.wait_dma2 semaphore(%run_scoped3A : memref<!tpu.dma_semaphore, #tpu.memory_space<semaphore_mem>>) src(%dma_wait3A_129 : memref<152x128xf32, #tpu.memory_space<vmem_shared>>) dst(%dma_wait3A_127 : memref<152x128xf32, #tpu.memory_space<vmem>>)
        tpu.yield
      }) : () -> ()
      "tpu.region"() ({
        %run_scoped3A = tpu.sem_alloc : memref<!tpu.dma_semaphore, #tpu.memory_space<semaphore_mem>>
        %dma_start3A = arith.constant 0 : i32
        %dma_start3A_112 = arith.constant 0 : i32
        %dma_start3A_113 = tpu.memref_slice %arg5[%dma_start3A, %dma_start3A_112] : memref<160x128xf32, #tpu.memory_space<vmem>> -> memref<152x128xf32, #tpu.memory_space<vmem>>
        %dma_start3A_114 = arith.constant 0 : i32
        %dma_start3A_115 = tpu.memref_slice %arg4[%arg0, %add3A_111, %dma_start3A_114] : memref<2x5008x128xf32, #tpu.memory_space<hbm>> -> memref<1x152x128xf32, #tpu.memory_space<hbm>>
        %dma_start3A_116 = tpu.memref_squeeze %dma_start3A_115 : memref<1x152x128xf32, #tpu.memory_space<hbm>> -> memref<152x128xf32, #tpu.memory_space<hbm>>
        %dma_start3A_117 = arith.constant 0 : i32
        %dma_start3A_118 = tpu.memref_slice %arg4[%arg0, %add3A_111, %dma_start3A_117] : memref<2x5008x128xf32, #tpu.memory_space<hbm>> -> memref<1x152x128xf32, #tpu.memory_space<hbm>>
        %dma_start3A_119 = tpu.memref_squeeze %dma_start3A_118 : memref<1x152x128xf32, #tpu.memory_space<hbm>> -> memref<152x128xf32, #tpu.memory_space<hbm>>
        %dma_start3A_120 = arith.constant 0 : i32
        %dma_start3A_121 = arith.constant 0 : i32
        %dma_start3A_122 = tpu.memref_slice %arg5[%dma_start3A_120, %dma_start3A_121] : memref<160x128xf32, #tpu.memory_space<vmem>> -> memref<152x128xf32, #tpu.memory_space<vmem>>
        tpu.enqueue_dma source(%dma_start3A_122 : memref<152x128xf32, #tpu.memory_space<vmem>>) target(%dma_start3A_119 : memref<152x128xf32, #tpu.memory_space<hbm>>) target_semaphore(%run_scoped3A : memref<!tpu.dma_semaphore, #tpu.memory_space<semaphore_mem>>)
        %dma_wait3A = arith.constant 0 : i32
        %dma_wait3A_123 = arith.constant 0 : i32
        %dma_wait3A_124 = tpu.memref_slice %arg5[%dma_wait3A, %dma_wait3A_123] : memref<160x128xf32, #tpu.memory_space<vmem>> -> memref<152x128xf32, #tpu.memory_space<vmem>>
        %dma_wait3A_125 = arith.constant 0 : i32
        %dma_wait3A_126 = tpu.memref_slice %arg4[%arg0, %add3A_111, %dma_wait3A_125] : memref<2x5008x128xf32, #tpu.memory_space<hbm>> -> memref<1x152x128xf32, #tpu.memory_space<hbm>>
        %dma_wait3A_127 = tpu.memref_squeeze %dma_wait3A_126 : memref<1x152x128xf32, #tpu.memory_space<hbm>> -> memref<152x128xf32, #tpu.memory_space<hbm>>
        %dma_wait3A_128 = arith.constant 0 : i32
        %dma_wait3A_129 = tpu.memref_slice %arg4[%arg0, %add3A_111, %dma_wait3A_128] : memref<2x5008x128xf32, #tpu.memory_space<hbm>> -> memref<1x152x128xf32, #tpu.memory_space<hbm>>
        %dma_wait3A_130 = tpu.memref_squeeze %dma_wait3A_129 : memref<1x152x128xf32, #tpu.memory_space<hbm>> -> memref<152x128xf32, #tpu.memory_space<hbm>>
        %dma_wait3A_131 = arith.constant 0 : i32
        %dma_wait3A_132 = arith.constant 0 : i32
        %dma_wait3A_133 = tpu.memref_slice %arg5[%dma_wait3A_131, %dma_wait3A_132] : memref<160x128xf32, #tpu.memory_space<vmem>> -> memref<152x128xf32, #tpu.memory_space<vmem>>
        tpu.wait_dma2 semaphore(%run_scoped3A : memref<!tpu.dma_semaphore, #tpu.memory_space<semaphore_mem>>) src(%dma_wait3A_133 : memref<152x128xf32, #tpu.memory_space<vmem>>) dst(%dma_wait3A_130 : memref<152x128xf32, #tpu.memory_space<hbm>>)
        tpu.yield
      }) : () -> ()
    } else {
    }
    %eq3A_101 = arith.constant 15 : i32
    %eq3A_102 = arith.cmpi eq, %arg1, %eq3A_101 : i32
    %convert_element_type3A_103 = arith.extui %eq3A_102 : i1 to i32
    %cond3A_104 = arith.constant 0 : i32
    %cond3A_105 = arith.cmpi ne, %convert_element_type3A_103, %cond3A_104 : i32
    scf.if %cond3A_105 {
      "tpu.region"() ({
        %run_scoped3A = tpu.sem_alloc : memref<!tpu.dma_semaphore, #tpu.memory_space<semaphore_mem>>
        %dma_start3A = arith.constant 0 : i32
        %dma_start3A_106 = arith.constant 0 : i32
        %dma_start3A_107 = tpu.memref_slice %arg5[%dma_start3A, %dma_start3A_106] : memref<160x128xf32, #tpu.memory_space<vmem>> -> memref<160x128xf32, #tpu.memory_space<vmem>>
        %dma_start3A_108 = arith.constant 4680 : i32
        %dma_start3A_109 = arith.constant 0 : i32
        %dma_start3A_110 = tpu.memref_slice %arg10[%dma_start3A_108, %dma_start3A_109] : memref<5008x128xf32, #tpu.memory_space<vmem_shared>> -> memref<160x128xf32, #tpu.memory_space<vmem_shared>>
        %dma_start3A_111 = arith.constant 0 : i32
        %dma_start3A_112 = arith.constant 0 : i32
        %dma_start3A_113 = tpu.memref_slice %arg5[%dma_start3A_111, %dma_start3A_112] : memref<160x128xf32, #tpu.memory_space<vmem>> -> memref<160x128xf32, #tpu.memory_space<vmem>>
        %dma_start3A_114 = arith.constant 4680 : i32
        %dma_start3A_115 = arith.constant 0 : i32
        %dma_start3A_116 = tpu.memref_slice %arg10[%dma_start3A_114, %dma_start3A_115] : memref<5008x128xf32, #tpu.memory_space<vmem_shared>> -> memref<160x128xf32, #tpu.memory_space<vmem_shared>>
        tpu.enqueue_dma source(%dma_start3A_116 : memref<160x128xf32, #tpu.memory_space<vmem_shared>>) target(%dma_start3A_113 : memref<160x128xf32, #tpu.memory_space<vmem>>) target_semaphore(%run_scoped3A : memref<!tpu.dma_semaphore, #tpu.memory_space<semaphore_mem>>)
        %dma_wait3A = arith.constant 0 : i32
        %dma_wait3A_117 = arith.constant 0 : i32
        %dma_wait3A_118 = tpu.memref_slice %arg5[%dma_wait3A, %dma_wait3A_117] : memref<160x128xf32, #tpu.memory_space<vmem>> -> memref<160x128xf32, #tpu.memory_space<vmem>>
        %dma_wait3A_119 = arith.constant 4680 : i32
        %dma_wait3A_120 = arith.constant 0 : i32
        %dma_wait3A_121 = tpu.memref_slice %arg10[%dma_wait3A_119, %dma_wait3A_120] : memref<5008x128xf32, #tpu.memory_space<vmem_shared>> -> memref<160x128xf32, #tpu.memory_space<vmem_shared>>
        %dma_wait3A_122 = arith.constant 0 : i32
        %dma_wait3A_123 = arith.constant 0 : i32
        %dma_wait3A_124 = tpu.memref_slice %arg5[%dma_wait3A_122, %dma_wait3A_123] : memref<160x128xf32, #tpu.memory_space<vmem>> -> memref<160x128xf32, #tpu.memory_space<vmem>>
        %dma_wait3A_125 = arith.constant 4680 : i32
        %dma_wait3A_126 = arith.constant 0 : i32
        %dma_wait3A_127 = tpu.memref_slice %arg10[%dma_wait3A_125, %dma_wait3A_126] : memref<5008x128xf32, #tpu.memory_space<vmem_shared>> -> memref<160x128xf32, #tpu.memory_space<vmem_shared>>
        tpu.wait_dma2 semaphore(%run_scoped3A : memref<!tpu.dma_semaphore, #tpu.memory_space<semaphore_mem>>) src(%dma_wait3A_127 : memref<160x128xf32, #tpu.memory_space<vmem_shared>>) dst(%dma_wait3A_124 : memref<160x128xf32, #tpu.memory_space<vmem>>)
        tpu.yield
      }) : () -> ()
      "tpu.region"() ({
        %run_scoped3A = tpu.sem_alloc : memref<!tpu.dma_semaphore, #tpu.memory_space<semaphore_mem>>
        %dma_start3A = arith.constant 0 : i32
        %dma_start3A_106 = arith.constant 0 : i32
        %dma_start3A_107 = tpu.memref_slice %arg5[%dma_start3A, %dma_start3A_106] : memref<160x128xf32, #tpu.memory_space<vmem>> -> memref<160x128xf32, #tpu.memory_space<vmem>>
        %dma_start3A_108 = arith.constant 4680 : i32
        %dma_start3A_109 = arith.constant 0 : i32
        %dma_start3A_110 = tpu.memref_slice %arg4[%arg0, %dma_start3A_108, %dma_start3A_109] : memref<2x5008x128xf32, #tpu.memory_space<hbm>> -> memref<1x160x128xf32, #tpu.memory_space<hbm>>
        %dma_start3A_111 = tpu.memref_squeeze %dma_start3A_110 : memref<1x160x128xf32, #tpu.memory_space<hbm>> -> memref<160x128xf32, #tpu.memory_space<hbm>>
        %dma_start3A_112 = arith.constant 4680 : i32
        %dma_start3A_113 = arith.constant 0 : i32
        %dma_start3A_114 = tpu.memref_slice %arg4[%arg0, %dma_start3A_112, %dma_start3A_113] : memref<2x5008x128xf32, #tpu.memory_space<hbm>> -> memref<1x160x128xf32, #tpu.memory_space<hbm>>
        %dma_start3A_115 = tpu.memref_squeeze %dma_start3A_114 : memref<1x160x128xf32, #tpu.memory_space<hbm>> -> memref<160x128xf32, #tpu.memory_space<hbm>>
        %dma_start3A_116 = arith.constant 0 : i32
        %dma_start3A_117 = arith.constant 0 : i32
        %dma_start3A_118 = tpu.memref_slice %arg5[%dma_start3A_116, %dma_start3A_117] : memref<160x128xf32, #tpu.memory_space<vmem>> -> memref<160x128xf32, #tpu.memory_space<vmem>>
        tpu.enqueue_dma source(%dma_start3A_118 : memref<160x128xf32, #tpu.memory_space<vmem>>) target(%dma_start3A_115 : memref<160x128xf32, #tpu.memory_space<hbm>>) target_semaphore(%run_scoped3A : memref<!tpu.dma_semaphore, #tpu.memory_space<semaphore_mem>>)
        %dma_wait3A = arith.constant 0 : i32
        %dma_wait3A_119 = arith.constant 0 : i32
        %dma_wait3A_120 = tpu.memref_slice %arg5[%dma_wait3A, %dma_wait3A_119] : memref<160x128xf32, #tpu.memory_space<vmem>> -> memref<160x128xf32, #tpu.memory_space<vmem>>
        %dma_wait3A_121 = arith.constant 4680 : i32
        %dma_wait3A_122 = arith.constant 0 : i32
        %dma_wait3A_123 = tpu.memref_slice %arg4[%arg0, %dma_wait3A_121, %dma_wait3A_122] : memref<2x5008x128xf32, #tpu.memory_space<hbm>> -> memref<1x160x128xf32, #tpu.memory_space<hbm>>
        %dma_wait3A_124 = tpu.memref_squeeze %dma_wait3A_123 : memref<1x160x128xf32, #tpu.memory_space<hbm>> -> memref<160x128xf32, #tpu.memory_space<hbm>>
        %dma_wait3A_125 = arith.constant 4680 : i32
        %dma_wait3A_126 = arith.constant 0 : i32
        %dma_wait3A_127 = tpu.memref_slice %arg4[%arg0, %dma_wait3A_125, %dma_wait3A_126] : memref<2x5008x128xf32, #tpu.memory_space<hbm>> -> memref<1x160x128xf32, #tpu.memory_space<hbm>>
        %dma_wait3A_128 = tpu.memref_squeeze %dma_wait3A_127 : memref<1x160x128xf32, #tpu.memory_space<hbm>> -> memref<160x128xf32, #tpu.memory_space<hbm>>
        %dma_wait3A_129 = arith.constant 0 : i32
        %dma_wait3A_130 = arith.constant 0 : i32
        %dma_wait3A_131 = tpu.memref_slice %arg5[%dma_wait3A_129, %dma_wait3A_130] : memref<160x128xf32, #tpu.memory_space<vmem>> -> memref<160x128xf32, #tpu.memory_space<vmem>>
        tpu.wait_dma2 semaphore(%run_scoped3A : memref<!tpu.dma_semaphore, #tpu.memory_space<semaphore_mem>>) src(%dma_wait3A_131 : memref<160x128xf32, #tpu.memory_space<vmem>>) dst(%dma_wait3A_128 : memref<160x128xf32, #tpu.memory_space<hbm>>)
        tpu.yield
      }) : () -> ()
      "tpu.region"() ({
        %run_scoped3A = tpu.sem_alloc : memref<!tpu.dma_semaphore, #tpu.memory_space<semaphore_mem>>
        %dma_start3A = arith.constant 0 : i32
        %dma_start3A_106 = arith.constant 0 : i32
        %dma_start3A_107 = tpu.memref_slice %arg5[%dma_start3A, %dma_start3A_106] : memref<160x128xf32, #tpu.memory_space<vmem>> -> memref<160x128xf32, #tpu.memory_space<vmem>>
        %dma_start3A_108 = arith.constant 4840 : i32
        %dma_start3A_109 = arith.constant 0 : i32
        %dma_start3A_110 = tpu.memref_slice %arg10[%dma_start3A_108, %dma_start3A_109] : memref<5008x128xf32, #tpu.memory_space<vmem_shared>> -> memref<160x128xf32, #tpu.memory_space<vmem_shared>>
        %dma_start3A_111 = arith.constant 0 : i32
        %dma_start3A_112 = arith.constant 0 : i32
        %dma_start3A_113 = tpu.memref_slice %arg5[%dma_start3A_111, %dma_start3A_112] : memref<160x128xf32, #tpu.memory_space<vmem>> -> memref<160x128xf32, #tpu.memory_space<vmem>>
        %dma_start3A_114 = arith.constant 4840 : i32
        %dma_start3A_115 = arith.constant 0 : i32
        %dma_start3A_116 = tpu.memref_slice %arg10[%dma_start3A_114, %dma_start3A_115] : memref<5008x128xf32, #tpu.memory_space<vmem_shared>> -> memref<160x128xf32, #tpu.memory_space<vmem_shared>>
        tpu.enqueue_dma source(%dma_start3A_116 : memref<160x128xf32, #tpu.memory_space<vmem_shared>>) target(%dma_start3A_113 : memref<160x128xf32, #tpu.memory_space<vmem>>) target_semaphore(%run_scoped3A : memref<!tpu.dma_semaphore, #tpu.memory_space<semaphore_mem>>)
        %dma_wait3A = arith.constant 0 : i32
        %dma_wait3A_117 = arith.constant 0 : i32
        %dma_wait3A_118 = tpu.memref_slice %arg5[%dma_wait3A, %dma_wait3A_117] : memref<160x128xf32, #tpu.memory_space<vmem>> -> memref<160x128xf32, #tpu.memory_space<vmem>>
        %dma_wait3A_119 = arith.constant 4840 : i32
        %dma_wait3A_120 = arith.constant 0 : i32
        %dma_wait3A_121 = tpu.memref_slice %arg10[%dma_wait3A_119, %dma_wait3A_120] : memref<5008x128xf32, #tpu.memory_space<vmem_shared>> -> memref<160x128xf32, #tpu.memory_space<vmem_shared>>
        %dma_wait3A_122 = arith.constant 0 : i32
        %dma_wait3A_123 = arith.constant 0 : i32
        %dma_wait3A_124 = tpu.memref_slice %arg5[%dma_wait3A_122, %dma_wait3A_123] : memref<160x128xf32, #tpu.memory_space<vmem>> -> memref<160x128xf32, #tpu.memory_space<vmem>>
        %dma_wait3A_125 = arith.constant 4840 : i32
        %dma_wait3A_126 = arith.constant 0 : i32
        %dma_wait3A_127 = tpu.memref_slice %arg10[%dma_wait3A_125, %dma_wait3A_126] : memref<5008x128xf32, #tpu.memory_space<vmem_shared>> -> memref<160x128xf32, #tpu.memory_space<vmem_shared>>
        tpu.wait_dma2 semaphore(%run_scoped3A : memref<!tpu.dma_semaphore, #tpu.memory_space<semaphore_mem>>) src(%dma_wait3A_127 : memref<160x128xf32, #tpu.memory_space<vmem_shared>>) dst(%dma_wait3A_124 : memref<160x128xf32, #tpu.memory_space<vmem>>)
        tpu.yield
      }) : () -> ()
      "tpu.region"() ({
        %run_scoped3A = tpu.sem_alloc : memref<!tpu.dma_semaphore, #tpu.memory_space<semaphore_mem>>
        %dma_start3A = arith.constant 0 : i32
        %dma_start3A_106 = arith.constant 0 : i32
        %dma_start3A_107 = tpu.memref_slice %arg5[%dma_start3A, %dma_start3A_106] : memref<160x128xf32, #tpu.memory_space<vmem>> -> memref<160x128xf32, #tpu.memory_space<vmem>>
        %dma_start3A_108 = arith.constant 4840 : i32
        %dma_start3A_109 = arith.constant 0 : i32
        %dma_start3A_110 = tpu.memref_slice %arg4[%arg0, %dma_start3A_108, %dma_start3A_109] : memref<2x5008x128xf32, #tpu.memory_space<hbm>> -> memref<1x160x128xf32, #tpu.memory_space<hbm>>
        %dma_start3A_111 = tpu.memref_squeeze %dma_start3A_110 : memref<1x160x128xf32, #tpu.memory_space<hbm>> -> memref<160x128xf32, #tpu.memory_space<hbm>>
        %dma_start3A_112 = arith.constant 4840 : i32
        %dma_start3A_113 = arith.constant 0 : i32
        %dma_start3A_114 = tpu.memref_slice %arg4[%arg0, %dma_start3A_112, %dma_start3A_113] : memref<2x5008x128xf32, #tpu.memory_space<hbm>> -> memref<1x160x128xf32, #tpu.memory_space<hbm>>
        %dma_start3A_115 = tpu.memref_squeeze %dma_start3A_114 : memref<1x160x128xf32, #tpu.memory_space<hbm>> -> memref<160x128xf32, #tpu.memory_space<hbm>>
        %dma_start3A_116 = arith.constant 0 : i32
        %dma_start3A_117 = arith.constant 0 : i32
        %dma_start3A_118 = tpu.memref_slice %arg5[%dma_start3A_116, %dma_start3A_117] : memref<160x128xf32, #tpu.memory_space<vmem>> -> memref<160x128xf32, #tpu.memory_space<vmem>>
        tpu.enqueue_dma source(%dma_start3A_118 : memref<160x128xf32, #tpu.memory_space<vmem>>) target(%dma_start3A_115 : memref<160x128xf32, #tpu.memory_space<hbm>>) target_semaphore(%run_scoped3A : memref<!tpu.dma_semaphore, #tpu.memory_space<semaphore_mem>>)
        %dma_wait3A = arith.constant 0 : i32
        %dma_wait3A_119 = arith.constant 0 : i32
        %dma_wait3A_120 = tpu.memref_slice %arg5[%dma_wait3A, %dma_wait3A_119] : memref<160x128xf32, #tpu.memory_space<vmem>> -> memref<160x128xf32, #tpu.memory_space<vmem>>
        %dma_wait3A_121 = arith.constant 4840 : i32
        %dma_wait3A_122 = arith.constant 0 : i32
        %dma_wait3A_123 = tpu.memref_slice %arg4[%arg0, %dma_wait3A_121, %dma_wait3A_122] : memref<2x5008x128xf32, #tpu.memory_space<hbm>> -> memref<1x160x128xf32, #tpu.memory_space<hbm>>
        %dma_wait3A_124 = tpu.memref_squeeze %dma_wait3A_123 : memref<1x160x128xf32, #tpu.memory_space<hbm>> -> memref<160x128xf32, #tpu.memory_space<hbm>>
        %dma_wait3A_125 = arith.constant 4840 : i32
        %dma_wait3A_126 = arith.constant 0 : i32
        %dma_wait3A_127 = tpu.memref_slice %arg4[%arg0, %dma_wait3A_125, %dma_wait3A_126] : memref<2x5008x128xf32, #tpu.memory_space<hbm>> -> memref<1x160x128xf32, #tpu.memory_space<hbm>>
        %dma_wait3A_128 = tpu.memref_squeeze %dma_wait3A_127 : memref<1x160x128xf32, #tpu.memory_space<hbm>> -> memref<160x128xf32, #tpu.memory_space<hbm>>
        %dma_wait3A_129 = arith.constant 0 : i32
        %dma_wait3A_130 = arith.constant 0 : i32
        %dma_wait3A_131 = tpu.memref_slice %arg5[%dma_wait3A_129, %dma_wait3A_130] : memref<160x128xf32, #tpu.memory_space<vmem>> -> memref<160x128xf32, #tpu.memory_space<vmem>>
        tpu.wait_dma2 semaphore(%run_scoped3A : memref<!tpu.dma_semaphore, #tpu.memory_space<semaphore_mem>>) src(%dma_wait3A_131 : memref<160x128xf32, #tpu.memory_space<vmem>>) dst(%dma_wait3A_128 : memref<160x128xf32, #tpu.memory_space<hbm>>)
        tpu.yield
      }) : () -> ()
      "tpu.region"() ({
        %run_scoped3A = tpu.sem_alloc : memref<!tpu.dma_semaphore, #tpu.memory_space<semaphore_mem>>
        %dma_start3A = arith.constant 0 : i32
        %dma_start3A_106 = arith.constant 0 : i32
        %dma_start3A_107 = tpu.memref_slice %arg5[%dma_start3A, %dma_start3A_106] : memref<160x128xf32, #tpu.memory_space<vmem>> -> memref<8x128xf32, #tpu.memory_space<vmem>>
        %dma_start3A_108 = arith.constant 5000 : i32
        %dma_start3A_109 = arith.constant 0 : i32
        %dma_start3A_110 = tpu.memref_slice %arg10[%dma_start3A_108, %dma_start3A_109] : memref<5008x128xf32, #tpu.memory_space<vmem_shared>> -> memref<8x128xf32, #tpu.memory_space<vmem_shared>>
        %dma_start3A_111 = arith.constant 0 : i32
        %dma_start3A_112 = arith.constant 0 : i32
        %dma_start3A_113 = tpu.memref_slice %arg5[%dma_start3A_111, %dma_start3A_112] : memref<160x128xf32, #tpu.memory_space<vmem>> -> memref<8x128xf32, #tpu.memory_space<vmem>>
        %dma_start3A_114 = arith.constant 5000 : i32
        %dma_start3A_115 = arith.constant 0 : i32
        %dma_start3A_116 = tpu.memref_slice %arg10[%dma_start3A_114, %dma_start3A_115] : memref<5008x128xf32, #tpu.memory_space<vmem_shared>> -> memref<8x128xf32, #tpu.memory_space<vmem_shared>>
        tpu.enqueue_dma source(%dma_start3A_116 : memref<8x128xf32, #tpu.memory_space<vmem_shared>>) target(%dma_start3A_113 : memref<8x128xf32, #tpu.memory_space<vmem>>) target_semaphore(%run_scoped3A : memref<!tpu.dma_semaphore, #tpu.memory_space<semaphore_mem>>)
        %dma_wait3A = arith.constant 0 : i32
        %dma_wait3A_117 = arith.constant 0 : i32
        %dma_wait3A_118 = tpu.memref_slice %arg5[%dma_wait3A, %dma_wait3A_117] : memref<160x128xf32, #tpu.memory_space<vmem>> -> memref<8x128xf32, #tpu.memory_space<vmem>>
        %dma_wait3A_119 = arith.constant 5000 : i32
        %dma_wait3A_120 = arith.constant 0 : i32
        %dma_wait3A_121 = tpu.memref_slice %arg10[%dma_wait3A_119, %dma_wait3A_120] : memref<5008x128xf32, #tpu.memory_space<vmem_shared>> -> memref<8x128xf32, #tpu.memory_space<vmem_shared>>
        %dma_wait3A_122 = arith.constant 0 : i32
        %dma_wait3A_123 = arith.constant 0 : i32
        %dma_wait3A_124 = tpu.memref_slice %arg5[%dma_wait3A_122, %dma_wait3A_123] : memref<160x128xf32, #tpu.memory_space<vmem>> -> memref<8x128xf32, #tpu.memory_space<vmem>>
        %dma_wait3A_125 = arith.constant 5000 : i32
        %dma_wait3A_126 = arith.constant 0 : i32
        %dma_wait3A_127 = tpu.memref_slice %arg10[%dma_wait3A_125, %dma_wait3A_126] : memref<5008x128xf32, #tpu.memory_space<vmem_shared>> -> memref<8x128xf32, #tpu.memory_space<vmem_shared>>
        tpu.wait_dma2 semaphore(%run_scoped3A : memref<!tpu.dma_semaphore, #tpu.memory_space<semaphore_mem>>) src(%dma_wait3A_127 : memref<8x128xf32, #tpu.memory_space<vmem_shared>>) dst(%dma_wait3A_124 : memref<8x128xf32, #tpu.memory_space<vmem>>)
        tpu.yield
      }) : () -> ()
      "tpu.region"() ({
        %run_scoped3A = tpu.sem_alloc : memref<!tpu.dma_semaphore, #tpu.memory_space<semaphore_mem>>
        %dma_start3A = arith.constant 0 : i32
        %dma_start3A_106 = arith.constant 0 : i32
        %dma_start3A_107 = tpu.memref_slice %arg5[%dma_start3A, %dma_start3A_106] : memref<160x128xf32, #tpu.memory_space<vmem>> -> memref<8x128xf32, #tpu.memory_space<vmem>>
        %dma_start3A_108 = arith.constant 5000 : i32
        %dma_start3A_109 = arith.constant 0 : i32
        %dma_start3A_110 = tpu.memref_slice %arg4[%arg0, %dma_start3A_108, %dma_start3A_109] : memref<2x5008x128xf32, #tpu.memory_space<hbm>> -> memref<1x8x128xf32, #tpu.memory_space<hbm>>
        %dma_start3A_111 = tpu.memref_squeeze %dma_start3A_110 : memref<1x8x128xf32, #tpu.memory_space<hbm>> -> memref<8x128xf32, #tpu.memory_space<hbm>>
        %dma_start3A_112 = arith.constant 5000 : i32
        %dma_start3A_113 = arith.constant 0 : i32
        %dma_start3A_114 = tpu.memref_slice %arg4[%arg0, %dma_start3A_112, %dma_start3A_113] : memref<2x5008x128xf32, #tpu.memory_space<hbm>> -> memref<1x8x128xf32, #tpu.memory_space<hbm>>
        %dma_start3A_115 = tpu.memref_squeeze %dma_start3A_114 : memref<1x8x128xf32, #tpu.memory_space<hbm>> -> memref<8x128xf32, #tpu.memory_space<hbm>>
        %dma_start3A_116 = arith.constant 0 : i32
        %dma_start3A_117 = arith.constant 0 : i32
        %dma_start3A_118 = tpu.memref_slice %arg5[%dma_start3A_116, %dma_start3A_117] : memref<160x128xf32, #tpu.memory_space<vmem>> -> memref<8x128xf32, #tpu.memory_space<vmem>>
        tpu.enqueue_dma source(%dma_start3A_118 : memref<8x128xf32, #tpu.memory_space<vmem>>) target(%dma_start3A_115 : memref<8x128xf32, #tpu.memory_space<hbm>>) target_semaphore(%run_scoped3A : memref<!tpu.dma_semaphore, #tpu.memory_space<semaphore_mem>>)
        %dma_wait3A = arith.constant 0 : i32
        %dma_wait3A_119 = arith.constant 0 : i32
        %dma_wait3A_120 = tpu.memref_slice %arg5[%dma_wait3A, %dma_wait3A_119] : memref<160x128xf32, #tpu.memory_space<vmem>> -> memref<8x128xf32, #tpu.memory_space<vmem>>
        %dma_wait3A_121 = arith.constant 5000 : i32
        %dma_wait3A_122 = arith.constant 0 : i32
        %dma_wait3A_123 = tpu.memref_slice %arg4[%arg0, %dma_wait3A_121, %dma_wait3A_122] : memref<2x5008x128xf32, #tpu.memory_space<hbm>> -> memref<1x8x128xf32, #tpu.memory_space<hbm>>
        %dma_wait3A_124 = tpu.memref_squeeze %dma_wait3A_123 : memref<1x8x128xf32, #tpu.memory_space<hbm>> -> memref<8x128xf32, #tpu.memory_space<hbm>>
        %dma_wait3A_125 = arith.constant 5000 : i32
        %dma_wait3A_126 = arith.constant 0 : i32
        %dma_wait3A_127 = tpu.memref_slice %arg4[%arg0, %dma_wait3A_125, %dma_wait3A_126] : memref<2x5008x128xf32, #tpu.memory_space<hbm>> -> memref<1x8x128xf32, #tpu.memory_space<hbm>>
        %dma_wait3A_128 = tpu.memref_squeeze %dma_wait3A_127 : memref<1x8x128xf32, #tpu.memory_space<hbm>> -> memref<8x128xf32, #tpu.memory_space<hbm>>
        %dma_wait3A_129 = arith.constant 0 : i32
        %dma_wait3A_130 = arith.constant 0 : i32
        %dma_wait3A_131 = tpu.memref_slice %arg5[%dma_wait3A_129, %dma_wait3A_130] : memref<160x128xf32, #tpu.memory_space<vmem>> -> memref<8x128xf32, #tpu.memory_space<vmem>>
        tpu.wait_dma2 semaphore(%run_scoped3A : memref<!tpu.dma_semaphore, #tpu.memory_space<semaphore_mem>>) src(%dma_wait3A_131 : memref<8x128xf32, #tpu.memory_space<vmem>>) dst(%dma_wait3A_128 : memref<8x128xf32, #tpu.memory_space<hbm>>)
        tpu.yield
      }) : () -> ()
    } else {
    }
    return
  }
}

module attributes {stable_mosaic.version = 14 : i64} {
  func.func @_tc_finalize_body(%arg0: i32, %arg1: memref<400x128xf32, #tpu.memory_space<vmem>>, %arg2: memref<400x16xf32, #tpu.memory_space<vmem>>, %arg3: memref<128x64xf32, #tpu.memory_space<vmem>>, %arg4: memref<64x64xf32, #tpu.memory_space<vmem>>, %arg5: memref<64x32xf32, #tpu.memory_space<vmem>>, %arg6: memref<1x32xf32, #tpu.memory_space<vmem>>, %arg7: memref<400x128xf32, #tpu.memory_space<vmem>>, %arg8: memref<400x16xf32, #tpu.memory_space<vmem>>, %arg9: memref<400x32xf32, #tpu.memory_space<vmem>>) attributes {dimension_semantics = [#tpu.dimension_semantics<arbitrary>], iteration_bounds = array<i64: 25>, scalar_prefetch = 0 : i64, scratch_operands = 0 : i64, tpu.core_type = #tpu.core_type<tc>, window_params = [{transform_indices = @transform_0, window_bounds = array<i64: 400, 128>}, {transform_indices = @transform_1, window_bounds = array<i64: 400, 16>}, {pipeline_mode = #tpu.pipeline_mode<synchronous>, transform_indices = @transform_2, window_bounds = array<i64: 128, 64>}, {pipeline_mode = #tpu.pipeline_mode<synchronous>, transform_indices = @transform_3, window_bounds = array<i64: 64, 64>}, {pipeline_mode = #tpu.pipeline_mode<synchronous>, transform_indices = @transform_4, window_bounds = array<i64: 64, 32>}, {pipeline_mode = #tpu.pipeline_mode<synchronous>, transform_indices = @transform_5, window_bounds = array<i64: 1, 32>}, {transform_indices = @transform_6, window_bounds = array<i64: 400, 128>}, {transform_indices = @transform_7, window_bounds = array<i64: 400, 16>}, {transform_indices = @transform_8, window_bounds = array<i64: 400, 32>}]} {
    %get3A = arith.constant 0 : index
    %get3A_0 = arith.constant 0 : index
    %get3A_1 = vector.load %arg1[%get3A, %get3A_0] : memref<400x128xf32, #tpu.memory_space<vmem>>, vector<400x128xf32>
    %get3A_2 = arith.constant 0 : index
    %get3A_3 = arith.constant 0 : index
    %get3A_4 = vector.load %arg2[%get3A_2, %get3A_3] : memref<400x16xf32, #tpu.memory_space<vmem>>, vector<400x16xf32>
    %slice3A = vector.extract_strided_slice %get3A_4 {offsets = [0, 3], sizes = [400, 1], strides = [1, 1]} : vector<400x16xf32> to vector<400x1xf32>
    %max3A = arith.constant 1.000000e+00 : f32
    %max3A_5 = vector.broadcast %max3A : f32 to vector<400x1xf32>
    %max3A_6 = arith.maximumf %slice3A, %max3A_5 : vector<400x1xf32>
    %div3A = vector.broadcast %max3A_6 : vector<400x1xf32> to vector<400x128xf32>
    %div3A_7 = arith.divf %get3A_1, %div3A : vector<400x128xf32>
    %div3A_8 = vector.broadcast %max3A_6 : vector<400x1xf32> to vector<400x16xf32>
    %div3A_9 = arith.divf %get3A_4, %div3A_8 : vector<400x16xf32>
    %swap3A = arith.constant 0 : index
    %swap3A_10 = arith.constant 0 : index
    %swap3A_11 = vector.load %arg8[%swap3A, %swap3A_10] : memref<400x16xf32, #tpu.memory_space<vmem>>, vector<400x16xf32>
    tpu.vector_store %arg8[%swap3A, %swap3A_10], %div3A_9 {strides = array<i32>} : memref<400x16xf32, #tpu.memory_space<vmem>>, vector<400x16xf32>,
    %swap3A_12 = arith.constant 0 : index
    %swap3A_13 = arith.constant 0 : index
    %swap3A_14 = vector.load %arg7[%swap3A_12, %swap3A_13] : memref<400x128xf32, #tpu.memory_space<vmem>>, vector<400x128xf32>
    tpu.vector_store %arg7[%swap3A_12, %swap3A_13], %div3A_7 {strides = array<i32>} : memref<400x128xf32, #tpu.memory_space<vmem>>, vector<400x128xf32>,
    %get3A_15 = arith.constant 0 : index
    %get3A_16 = arith.constant 0 : index
    %get3A_17 = vector.load %arg3[%get3A_15, %get3A_16] : memref<128x64xf32, #tpu.memory_space<vmem>>, vector<128x64xf32>
    %dot_general3A = arith.constant dense<0.000000e+00> : vector<400x64xf32>
    %dot_general3A_18 = tpu.matmul %div3A_7, %get3A_17, %dot_general3A {dimension_numbers = #tpu.dot_dimension_numbers<[1], [0], [0], [1], [0, 0, 1, 1], [], []>, transpose_lhs_hint = false} : vector<400x128xf32>, vector<128x64xf32>, vector<400x64xf32> -> vector<400x64xf32>
    %max3A_19 = arith.constant 0.000000e+00 : f32
    %max3A_20 = vector.broadcast %max3A_19 : f32 to vector<400x64xf32>
    %max3A_21 = arith.maximumf %dot_general3A_18, %max3A_20 : vector<400x64xf32>
    %get3A_22 = arith.constant 0 : index
    %get3A_23 = arith.constant 0 : index
    %get3A_24 = vector.load %arg4[%get3A_22, %get3A_23] : memref<64x64xf32, #tpu.memory_space<vmem>>, vector<64x64xf32>
    %dot_general3A_25 = arith.constant dense<0.000000e+00> : vector<400x64xf32>
    %dot_general3A_26 = tpu.matmul %max3A_21, %get3A_24, %dot_general3A_25 {dimension_numbers = #tpu.dot_dimension_numbers<[1], [0], [0], [1], [0, 0, 1, 1], [], []>, transpose_lhs_hint = false} : vector<400x64xf32>, vector<64x64xf32>, vector<400x64xf32> -> vector<400x64xf32>
    %max3A_27 = arith.constant 0.000000e+00 : f32
    %max3A_28 = vector.broadcast %max3A_27 : f32 to vector<400x64xf32>
    %max3A_29 = arith.maximumf %dot_general3A_26, %max3A_28 : vector<400x64xf32>
    %get3A_30 = arith.constant 0 : index
    %get3A_31 = arith.constant 0 : index
    %get3A_32 = vector.load %arg5[%get3A_30, %get3A_31] : memref<64x32xf32, #tpu.memory_space<vmem>>, vector<64x32xf32>
    %dot_general3A_33 = arith.constant dense<0.000000e+00> : vector<400x32xf32>
    %dot_general3A_34 = tpu.matmul %max3A_29, %get3A_32, %dot_general3A_33 {dimension_numbers = #tpu.dot_dimension_numbers<[1], [0], [0], [1], [0, 0, 1, 1], [], []>, transpose_lhs_hint = false} : vector<400x64xf32>, vector<64x32xf32>, vector<400x32xf32> -> vector<400x32xf32>
    %get3A_35 = arith.constant 0 : index
    %get3A_36 = arith.constant 0 : index
    %get3A_37 = vector.load %arg6[%get3A_35, %get3A_36] : memref<1x32xf32, #tpu.memory_space<vmem>>, vector<1x32xf32>
    %add3A = vector.broadcast %get3A_37 : vector<1x32xf32> to vector<400x32xf32>
    %add3A_38 = arith.addf %dot_general3A_34, %add3A : vector<400x32xf32>
    %swap3A_39 = arith.constant 0 : index
    %swap3A_40 = arith.constant 0 : index
    %swap3A_41 = vector.load %arg9[%swap3A_39, %swap3A_40] : memref<400x32xf32, #tpu.memory_space<vmem>>, vector<400x32xf32>
    tpu.vector_store %arg9[%swap3A_39, %swap3A_40], %add3A_38 {strides = array<i32>} : memref<400x32xf32, #tpu.memory_space<vmem>>, vector<400x32xf32>,
    return
  }
  func.func @transform_0(%arg0: i32) -> (i32, i32) {
    %c0_i32 = arith.constant 0 : i32
    %c0_i32_0 = arith.constant 0 : i32
    return %arg0, %c0_i32 : i32, i32
  }
  func.func @transform_1(%arg0: i32) -> (i32, i32) {
    %c0_i32 = arith.constant 0 : i32
    %c0_i32_0 = arith.constant 0 : i32
    return %arg0, %c0_i32 : i32, i32
  }
  func.func @transform_2(%arg0: i32) -> (i32, i32) {
    %c0_i32 = arith.constant 0 : i32
    %c0_i32_0 = arith.constant 0 : i32
    %c0_i32_1 = arith.constant 0 : i32
    return %c0_i32, %c0_i32_0 : i32, i32
  }
  func.func @transform_3(%arg0: i32) -> (i32, i32) {
    %c0_i32 = arith.constant 0 : i32
    %c0_i32_0 = arith.constant 0 : i32
    %c0_i32_1 = arith.constant 0 : i32
    return %c0_i32, %c0_i32_0 : i32, i32
  }
  func.func @transform_4(%arg0: i32) -> (i32, i32) {
    %c0_i32 = arith.constant 0 : i32
    %c0_i32_0 = arith.constant 0 : i32
    %c0_i32_1 = arith.constant 0 : i32
    return %c0_i32, %c0_i32_0 : i32, i32
  }
  func.func @transform_5(%arg0: i32) -> (i32, i32) {
    %c0_i32 = arith.constant 0 : i32
    %c0_i32_0 = arith.constant 0 : i32
    %c0_i32_1 = arith.constant 0 : i32
    return %c0_i32, %c0_i32_0 : i32, i32
  }
  func.func @transform_6(%arg0: i32) -> (i32, i32) {
    %c0_i32 = arith.constant 0 : i32
    %c0_i32_0 = arith.constant 0 : i32
    return %arg0, %c0_i32 : i32, i32
  }
  func.func @transform_7(%arg0: i32) -> (i32, i32) {
    %c0_i32 = arith.constant 0 : i32
    %c0_i32_0 = arith.constant 0 : i32
    return %arg0, %c0_i32 : i32, i32
  }
  func.func @transform_8(%arg0: i32) -> (i32, i32) {
    %c0_i32 = arith.constant 0 : i32
    %c0_i32_0 = arith.constant 0 : i32
    return %arg0, %c0_i32 : i32, i32
  }
}

</mosaic_0001>

<sc_bundles>
// kernel: kernel.5.cloned.1.call-start
scs
__scs_entry_jumppad:
0x0: {  	(pc) =	sbr.rel $0x88, $3  }
0x1: {  	(tag) =	ssettag $0x0;
	lr =	simm.s32 $0x1  }
0x2: {  	[smem:$0x3F9A] =	sst lr;
	_ =	strace $0xD0000000  }
0x3: {  	_ = 	snop  }
0x4: {  	_ = 	snop  }
0x5: {  	_ = 	snop  }
0x6: {  	_ = 	snop  }
0x7: {  	_ = 	snop  }
__scs_overlays_trampoline_lowered:
0x8: {  	[smem:$0x3FA9] =	sst s0  }
0x9: {  	[smem:$0x3FAA] =	sst s1  }
0xa: {  	[smem:$0x3FAB] =	sst s2  }
0xb: {  	[smem:$0x3FAC] =	sst s3  }
0xc: {  	[smem:$0x3FAD] =	sst s4  }
0xd: {  	[smem:$0x3FAE] =	sst s5  }
0xe: {  	[smem:$0x3FAF] =	sst s6  }
0xf: {  	[smem:$0x3FB0] =	sst s7  }
0x10: {  	[smem:$0x3FB1] =	sst s8  }
0x11: {  	[smem:$0x3FB2] =	sst s9;
	s0 =	simm.s32 @!p0 $0x0  }
0x12: {  	s1 =	sld [smem:$0x3F98];
	s0 =	simm.s32 @p0 $0x1  }
0x13: {  	[smem:$0x3FB3] =	sst s0;
	s0 =	simm.s32 @!p1 $0x0  }
0x14: {  	s2 =	sld [smem:$0x3F97];
	s0 =	simm.s32 @p1 $0x1  }
0x15: {  	[smem:$0x3FB4] =	sst s0;
	s0 =	simm.s32 @!p2 $0x0  }
0x16: {  	s3 =	sld [smem:$0x3FDB];
	s0 =	simm.s32 @p2 $0x1  }
0x17: {  	s4 =	simm.s32 $0x1BF5;
	[smem:$0x3FB6] =	sst s0  }
0x18: {  	s0 =	sld [smem:$0x3F99];
	_ =	swait.ge [sflag:s4], $0x0  }
0x19: {  	s7 =	sld [smem:$0x3F9A]  }
0x1a: {  	s8 =	sadd.s32 $0xFFFFE003, lr  }
0x1b: {  	s9 =	sadd.s32 $0xFFFFFEF7, lr;
	s5 =	simm.s32 $0xFFFFFFFF;
	p2 =	slt.u32 s8, $0xFFFFF086  }
0x1c: {  	p1 =	slt.u32 s9, $0xF7A;
	s5 =	simm.s32 @!p2 $0x0  }
0x1d: {  	s5 =	simm.s32 @p1 $0x1;
	p0 =	seq.s32 s7, s2  }
0x1e: {  	s7 =	smul.u32 @!p0 $0xF7A, s2;
	p2 =	seq.s32 @!p0 s5, $0x0  }
0x1f: {  	s9 =	smul.u32 $0xF7A, s1;
	s8 =	simm.s32 @!p0 $0x1BF5;
	p2 =	por !p2, p0  }
0x20: {  	[sflag:s8] =	ssyncset.s32 @!p0 $0xFFFFF086;
	s6 =	sadd.s32 @!p0 s3, s7;
	s7 =	simm.s32 @!p0 $0x108  }
0x21: {  	s3 =	sadd.s32 s3, s9;
	s6 =	sadd.s32 @!p0 $0x88, s6;
	s7 =	simm.s32 @p2 $0x1082  }
0x22: {  	[simem:s7], [sflag:s8] =	dma.local @!p0 [hbm:s6], $0xF7A  }
0x23: {  	s9 =	sor.u32 $0xD0000000, s2;
	s6 =	simm.s32 $0x108;
	_ =	swait.ge @!p0 [sflag:s8], $0x0  }
0x24: {  	s3 =	sadd.s32 $0x88, s3;
	s6 =	simm.s32 @!p1 $0x1082;
	[sflag:s4] =	ssyncset.s32 $0xFFFFF086  }
0x25: {  	[simem:s6], [sflag:s4] =	dma.local [hbm:s3], $0xF7A  }
0x26: {  	[smem:$0x3F9A] =	sst s1;
	(tag) =	ssettag s2;
	_ =	strace s9  }
0x27: {  	s1 =	sld [smem:$0x3FAA]  }
0x28: {  	s2 =	sld [smem:$0x3FAB]  }
0x29: {  	s4 =	sld [smem:$0x3FAD]  }
0x2a: {  	p0 =	seq.s32 s5, $0x0;
	s5 =	sld [smem:$0x3FAE]  }
0x2b: {  	s6 =	sld [smem:$0x3FAF]  }
0x2c: {  	s7 =	sld [smem:$0x3FB0]  }
0x2d: {  	s3 =	simm.s32 $0x108;
	s8 =	sld [smem:$0x3FB1]  }
0x2e: {  	s3 =	simm.s32 @!p0 $0x1082;
	s9 =	sld [smem:$0x3FB2]  }
0x2f: {  	lr =	sadd.s32 s0, s3;
	s0 =	sld [smem:$0x3FA9]  }
0x30: {  	s3 =	sld [smem:$0x3FAC]  }
0x31: {  	[smem:$0x3FB5] =	sst s10  }
0x32: {  	s10 =	sld [smem:$0x3FB3];
	_ =	sdelay $0x3  }
0x33: {  	p0 =	seq.s32 s10, $0x1;
	s10 =	sld [smem:$0x3FB5];
	_ =	sdelay $0x3  }
0x34: {  	[smem:$0x3FB5] =	sst s10  }
0x35: {  	s10 =	sld [smem:$0x3FB4];
	_ =	sdelay $0x3  }
0x36: {  	p1 =	seq.s32 s10, $0x1;
	s10 =	sld [smem:$0x3FB5];
	_ =	sdelay $0x3  }
0x37: {  	[smem:$0x3FB5] =	sst s10  }
0x38: {  	s10 =	sld [smem:$0x3FB6]  }
0x39: {  	_ = 	snop;
	(pc) =	sbr.ind lr, $3  }
0x3a: {  	_ = 	snop  }
0x3b: {  	_ = 	snop  }
0x3c: {  	p2 =	seq.s32 s10, $0x1;
	s10 =	sld [smem:$0x3FB5]  }
0x3d: {  	_ =	shalt  }
0x3e: {  	_ =	shalt  }
0x3f: {  	_ =	shalt  }
0x40: {  	_ =	shalt  }
0x41: {  	_ =	shalt  }
0x42: {  	_ =	shalt  }
0x43: {  	_ =	shalt  }
0x44: {  	_ =	shalt  }
0x45: {  	_ =	shalt  }
0x46: {  	_ =	shalt  }
0x47: {  	_ =	shalt  }
0x48: {  	_ =	shalt  }
0x49: {  	_ =	shalt  }
0x4a: {  	_ =	shalt  }
0x4b: {  	_ =	shalt  }
0x4c: {  	_ =	shalt  }
0x4d: {  	_ =	shalt  }
0x4e: {  	_ =	shalt  }
0x4f: {  	_ =	shalt  }
0x50: {  	_ =	shalt  }
0x51: {  	_ =	shalt  }
0x52: {  	_ =	shalt  }
0x53: {  	_ =	shalt  }
0x54: {  	_ =	shalt  }
0x55: {  	_ =	shalt  }
0x56: {  	_ =	shalt  }
0x57: {  	_ =	shalt  }
0x58: {  	_ =	shalt  }
0x59: {  	_ =	shalt  }
0x5a: {  	_ =	shalt  }
0x5b: {  	_ =	shalt  }
0x5c: {  	_ =	shalt  }
0x5d: {  	_ =	shalt  }
0x5e: {  	_ =	shalt  }
0x5f: {  	_ =	shalt  }
0x60: {  	_ =	shalt  }
0x61: {  	_ =	shalt  }
0x62: {  	_ =	shalt  }
0x63: {  	_ =	shalt  }
0x64: {  	_ =	shalt  }
0x65: {  	_ =	shalt  }
0x66: {  	_ =	shalt  }
0x67: {  	_ =	shalt  }
0x68: {  	_ =	shalt  }
0x69: {  	_ =	shalt  }
0x6a: {  	_ =	shalt  }
0x6b: {  	_ =	shalt  }
0x6c: {  	_ =	shalt  }
0x6d: {  	_ =	shalt  }
0x6e: {  	_ =	shalt  }
0x6f: {  	_ =	shalt  }
0x70: {  	_ =	shalt  }
0x71: {  	_ =	shalt  }
0x72: {  	_ =	shalt  }
0x73: {  	_ =	shalt  }
0x74: {  	_ =	shalt  }
0x75: {  	_ =	shalt  }
0x76: {  	_ =	shalt  }
0x77: {  	_ =	shalt  }
0x78: {  	_ =	shalt  }
0x79: {  	_ =	shalt  }
0x7a: {  	_ =	shalt  }
0x7b: {  	_ =	shalt  }
0x7c: {  	_ =	shalt  }
0x7d: {  	_ =	shalt  }
0x7e: {  	_ =	shalt  }
0x7f: {  	_ =	shalt  }
0x80: {  	_ =	shalt  }
0x81: {  	_ =	shalt  }
0x82: {  	_ =	shalt  }
0x83: {  	_ =	shalt  }
0x84: {  	_ =	shalt  }
0x85: {  	_ =	shalt  }
0x86: {  	_ =	shalt  }
0x87: {  	_ =	shalt  }
.Lfunc_end0:
.L_simem_size_0:
called_computation_lowered:
.L_overlay_start_0:
0x88: {  	s2 =	sld [smem:$0x3FD9]  }
0x89: {  	s3 =	sld [smem:$0x3FFE];
	_ =	sdelay $0x1  }
0x8a: {  	s1 =	srdreg.scid  }
0x8b: {  	s0 =	sand.u32 $0x1, s1  }
0x8c: {  	s17 =	sshll.u32 s0, $0xA;
	s2 =	sadd.s32 s3, s2  }
0x8d: {  	s2 =	sadd.s32 s2, s17  }
0x8e: {  	[smem:$0x3FC1] =	sst s2  }
0x8f: {  	_ = 	snop  }
0x90: {  	s18 =	sld [smem:$0x3FC9]  }
0x91: {  	s4 =	sld [smem:$0x3FC7];
	(tm) =	ssettm $0x1  }
0x92: {  	s19 =	sld [smem:$0x3FFB];
	_ =	sdelay $0x3  }
0x93: {  	_ =	strace s19  }
0x94: {  	s2 =	sld [smem:$0x3FFC];
	_ =	sdelay $0x3  }
0x95: {  	_ =	strace s2  }
0x96: {  	s2 =	sld [smem:$0x3FFD];
	_ =	sdelay $0x3  }
0x97: {  	_ =	strace s2  }
0x98: {  	_ =	strace $0x8FFFFFFF  }
0x99: {  	s20 =	sld [smem:$0x3FDB];
	_ =	sdelay $0x1  }
0x9a: {  	s5 =	simm.s32 $_scs_section_size  }
0x9b: {  	s6 =	simm.s32 $_size__tile_overlayer_lowered;
	s7 =	simm.s32 $_tile_overlayer_lowered  }
0x9c: {  	s8 =	simm.s32 $0x1BFF;
	s21 =	sshll.u32 s7, $0x1;
	s5 =	sadd.s32 s5, s20  }
0x9d: {  	s22 =	simm.s32 $0x0;
	s6 =	sshll.u32 s6, $0x1;
	s7 =	sadd.s32 s21, s5  }
0x9e: {  	[timem:s22], [sflag:s8] =	dma.local [hbm:s7], s6  }
0x9f: {  	_ =	swait.ge [sflag:s8], s6  }
0xa0: {  	s6 =	ssub.s32 $0x0, s6;
	[sflag:s8] =	ssyncset.done $0x0  }
0xa1: {  	[sflag:s8] =	ssyncadd.s32 s6;
	_ =	sdelay $0x1  }
0xa2: {  	s23 =	simm.s32 $0x1B8B  }
0xa3: {  	_ =	swait.ge [sflag:s23], $0x1  }
0xa4: {  	[sflag:s23] =	ssyncset.done $0x0  }
0xa5: {  	[sflag:s23] =	ssyncadd.s32 $0xFFFFFFFF  }
0xa6: {  	s6 =	sld [smem:$0x0]  }
0xa7: {  	s7 =	sand.u32 $0xFFFFFFFE, s1  }
0xa8: {  	p0 =	sne.s32 s1, s7  }
0xa9: {  	s7 =	sshll.u32 @p0 s7, $0xE  }
0xaa: {  	s7 =	sadd.s32 @p0 $0x11B8D, s7;
	s8 =	sshll.u32 @p0 s6, $0x11  }
0xab: {  	s7 =	sor.u32 @p0 s8, s7  }
0xac: {  	[sflag:s7] =	ssyncadd.remote.s32 @p0 $0x1;
	_ =	sdelay $0x1  }
0xad: {  	s7 =	simm.s32 @p0 $0x1B8D  }
0xae: {  	_ =	swait.eq @p0 [sflag:s7], $0x1  }
0xaf: {  	[sflag:s7] =	ssyncadd.s32 @p0 $0xFFFFFFFF  }
0xb0: {  	s8 =	sshll.u32 @!p0 s1, $0xE  }
0xb1: {  	s8 =	sor.u32 @!p0 $0x4000, s8;
	s7 =	simm.s32 @!p0 $0x1B8D  }
0xb2: {  	s6 =	sshll.u32 @!p0 s6, $0x11;
	s8 =	sadd.s32 @!p0 $0x11B8D, s8;
	_ =	swait.eq @!p0 [sflag:s7], $0x1  }
0xb3: {  	s6 =	sor.u32 @!p0 s6, s8;
	[sflag:s7] =	ssyncadd.s32 @!p0 $0xFFFFFFFF  }
0xb4: {  	s25 =	simm.s32 $0x1B8E;
	s24 =	sld [smem:$0x3FFE];
	[sflag:s6] =	ssyncadd.remote.s32 @!p0 $0x1  }
0xb5: {  	s26 =	simm.s32 $execute0_lowered;
	[smem:$0x3FD2] =	sst s25  }
0xb6: {  	s7 =	sshll.u32 s26, $0x1;
	_ =	strace $0x80000049;
	[dreg:$0x1] =	wrdreg $0xFFFFFFFF  }
0xb7: {  	s28 =	simm.s32 $_size_execute0_lowered;
	s5 =	sadd.s32 s5, s7;
	[dreg:$0x0] =	wrdreg $0x0  }
0xb8: {  	s7 =	sshll.u32 s28, $0x1;
	[dreg:$0x2] =	wrdreg s5  }
0xb9: {  	[dreg:$0x3] =	wrdreg s7  }
0xba: {  	[dreg:$0x4] =	wrdreg $0xC0  }
0xbb: {  	_ =	task [dreg:s22], $0x5FFFF  }
0xbc: {  	[dreg:$0x1] =	wrdreg $0xFFFFFFFF  }
0xbd: {  	[dreg:$0x0] =	wrdreg $0x60  }
0xbe: {  	[dreg:$0x2] =	wrdreg s18  }
0xbf: {  	[dreg:$0x3] =	wrdreg s4  }
0xc0: {  	[dreg:$0x4] =	wrdreg s24  }
0xc1: {  	[dreg:$0x5] =	wrdreg $0x9F800  }
0xc2: {  	[dreg:$0x6] =	wrdreg $0x9  }
0xc3: {  	_ =	task.clear_ibuf [dreg:s22], $0x7FFFF;
	_ =	strace $0x90000049  }
0xc4: {  	s29 =	simm.s32 $0x9;
	_ =	strace $0x8000004B  }
0xc5: {  	_ =	swait.ge [sflag:s29], $0x1  }
0xc6: {  	[sflag:s29] =	ssyncadd.s32 $0xFFFFFFFF  }
0xc7: {  	_ =	strace $0x9000004B  }
0xc8: {  	_ =	sfence  }
0xc9: {  	s30 =	sld [smem:$0x0];
	_ =	sdelay $0x2  }
0xca: {  	s31 =	sshll.u32 s1, $0xD;
	s1 =	sshrl.u32 s1, $0x2  }
0xcb: {  	s4 =	sand.u32 $0x4000, s31;
	s1 =	sadd.s32 s1, s30  }
0xcc: {  	s0 =	sor.u32 s4, s0;
	s1 =	sshll.u32 s1, $0x11  }
0xcd: {  	s0 =	sor.u32 s1, s0  }
0xce: {  	s0 =	sadd.s32 $0x8F2B, s0  }
0xcf: {  	[sflag:s0] =	ssyncadd.remote.s32 $0x1  }
0xd0: {  	_ =	sfence.sel $0xFFFF  }
0xd1: {  	[dreg:$0x0] =	wrdreg $0xFFFFFFFF;
	(pc) =	sbr.abs _section_cstart, $3  }
0xd2: {  	[dreg:$0x1] =	wrdreg $0xFFFFFFFF  }
0xd3: {  	_ =	task.clear_ibuf [dreg:s22], $0x2FFFF;
	_ =	strace $0x9FFFFFFF  }
0xd4: {  	(tm) =	ssettm $0x7FFFFFFF  }
0xd5: {  	_ =	shalt  }
tec
execute0_lowered:
.L_overlay_start_1:
0x0: {  	(tag) =	ssettag $0x1  }
0x1: {  	s0 =	rddreg [dreg:$0x0]  }
0x2: {  	s2 =	rddreg [dreg:$0x1]  }
0x3: {  	s4 =	rddreg [dreg:$0x2]  }
0x4: {  	s1 =	rddreg [dreg:$0x3];
	s3 =	simm.s32 $0x0;
	s19 =	stileid.u32  }
0x5: {  	s5 =	srdreg.scid;
	s21 =	simm.s32 $0x1;
	s26 =	smul.u32 $0x27000, s19  }
0x6: {  	s22 =	simm.s32 $0x50;
	s23 =	simm.s32 $0x9E80;
	s9 =	smul.u32 $0x4E20, s19  }
0x7: {  	s24 =	simm.s32 $0x9F00;
	s25 =	simm.s32 $0x2800;
	s12 =	smul.u32 $0x9C00, s19  }
0x8: {  	[smem:$0x7FF] =	sst s3;
	s6 =	sand.u32 $0x1, s5;
	s31 =	smul.u32 $0x4E200, s19  }
0x9: {  	s10 =	sadd.s32 $0x50A400, s4;
	p0 =	seq.s32 s19, $0xF;
	s4 =	smul.u32 $0x1388, s6  }
0xa: {  	_ =	strace $0x8000004A;
	s7 =	ssub.s32 $0x2, s6;
	s6 =	smul.u32 $0x9C800, s6  }
0xb: {  	s5 =	sshrl.u32 s26, $0x2;
	s8 =	sshrl.u32 s7, $0x1;
	s11 =	sshrl.u32 s9, $0x3  }
0xc: {  	s9 =	sadd.s32 $0x9C400, s1;
	s13 =	sadd.s32 $0x5000, s12;
	s0 =	sadd.s32 s31, s0  }
0xd: {  	s26 =	simm.s32 $0x0;
	s5 =	sadd.s32 s5, s1;
	s18 =	ssub.s32 s7, s8  }
0xe: {  	s7 =	sadd.s32 $0x92400, s1;
	s8 =	sadd.s32 $0x97400, s1;
	s2 =	sadd.s32 s2, s11  }
0xf: {  	s29 =	sadd.s32 s12, s6;
	s11 =	sadd.s32 $0x1388, s4;
	s30 =	sadd.s32 s6, s13  }
0x10: {  	s6 =	sshrl.u32 s6, $0x3;
	s12 =	sadd.s32 s13, s1;
	[dreg:$0x9] =	wrdreg s0  }
.Ltmp0:
0x11: {  	s28 =	sadd.s32 $0x5000, s5;
	[dreg:$0x6] =	wrdreg s2;
	(pc) =	sbr.rel .LBB2_1-.Ltmp0, $4  }
0x12: {  	s2 =	sshrl.u32 s29, $0x3;
	[dreg:$0x8] =	wrdreg s12;
	s6 =	sadd.s32 s10, s6  }
0x13: {  	s18 =	smax.u32 s18, $0x1;
	[dreg:$0x5] =	wrdreg s28;
	s2 =	sadd.s32 s10, s2  }
0x14: {  	s15 =	sadd.s32 $0x12480, s6;
	[dreg:$0x7] =	wrdreg s2;
	s2 =	sshrl.u32 s30, $0x3  }
0x15: {  	v1 =	vimm.f32 $0.0e+00;
	v0 =	vmov s4;
	s16 =	sadd.s32 $0x12E80, s6;
	s17 =	sadd.s32 $0x13880, s6;
	s14 =	sadd.s32 s10, s2  }
.LBB2_6:
0x16: {  	[sflag:s21] =	ssyncadd.s32 $0xFFFFD800  }
.LBB2_7:
0x17: {  	[bflag:$0x0] =	sbarrier.arrive $0xFFFF  }
0x18: {  	[tilespmem:s31], [sflag:$0x1] =	stream.linear.gather @p0 [spmem:s7], $0x5000, $0x38;
	[tilespmem:$0x13C00] =	vst v63  }
0x19: {  	_ =	swait.ge @p0 [sflag:s30], $0x5000  }
0x1a: {  	[sflag:s30] =	ssyncset.done @p0 $0x0  }
0x1b: {  	[sflag:s30] =	ssyncadd.s32 @p0 $0xFFFFB000  }
0x1c: {  	[hbm4b:s15+s31] =	stream.linear.scatter @p0 [tilespmem:s31], [sflag:$0x1], $0x5000, $0x38;
	[tilespmem:$0x13C00] =	vst v63  }
0x1d: {  	_ =	swait.ge @p0 [sflag:s30], $0x5000  }
0x1e: {  	[sflag:s30] =	ssyncset.done @p0 $0x0  }
0x1f: {  	[sflag:s30] =	ssyncadd.s32 @p0 $0xFFFFB000  }
0x20: {  	[tilespmem:s31], [sflag:$0x1] =	stream.linear.gather @p0 [spmem:s8], $0x5000, $0x38;
	[tilespmem:$0x13C00] =	vst v63  }
0x21: {  	_ =	swait.ge @p0 [sflag:s30], $0x5000  }
0x22: {  	[sflag:s30] =	ssyncset.done @p0 $0x0  }
0x23: {  	[sflag:s30] =	ssyncadd.s32 @p0 $0xFFFFB000  }
0x24: {  	[hbm4b:s16+s31] =	stream.linear.scatter @p0 [tilespmem:s31], [sflag:$0x1], $0x5000, $0x38;
	[tilespmem:$0x13C00] =	vst v63  }
0x25: {  	_ =	swait.ge @p0 [sflag:s30], $0x5000  }
0x26: {  	[sflag:s30] =	ssyncset.done @p0 $0x0  }
0x27: {  	[sflag:s30] =	ssyncadd.s32 @p0 $0xFFFFB000  }
0x28: {  	[tilespmem:s31], [sflag:$0x1] =	stream.linear.gather @p0 [spmem:s9], $0x400, $0x38;
	[tilespmem:$0x13C00] =	vst v63  }
0x29: {  	_ =	swait.ge @p0 [sflag:s30], $0x400  }
0x2a: {  	[sflag:s30] =	ssyncset.done @p0 $0x0  }
0x2b: {  	[sflag:s30] =	ssyncadd.s32 @p0 $0xFFFFFC00  }
0x2c: {  	[hbm4b:s17+s31] =	stream.linear.scatter @p0 [tilespmem:s31], [sflag:$0x1], $0x400, $0x38;
	[tilespmem:$0x13C00] =	vst v63  }
0x2d: {  	_ =	swait.ge @p0 [sflag:s30], $0x400  }
0x2e: {  	[sflag:s30] =	ssyncset.done @p0 $0x0  }
0x2f: {  	[sflag:s30] =	ssyncadd.s32 @p0 $0xFFFFFC00  }
0x30: {  	[tilespmem:s29], [sflag:$0x1] =	stream.linear.gather @!p0 [spmem:s5], $0x5000, $0x38;
	[tilespmem:$0x13C00] =	vst v63  }
0x31: {  	_ =	swait.ge @!p0 [sflag:s28], $0x5000  }
0x32: {  	[sflag:s28] =	ssyncset.done @!p0 $0x0  }
0x33: {  	s0 =	rddreg [dreg:$0x7];
	[sflag:s28] =	ssyncadd.s32 @!p0 $0xFFFFB000  }
0x34: {  	[hbm4b:s0+s29] =	stream.linear.scatter @!p0 [tilespmem:s29], [sflag:$0x1], $0x5000, $0x38;
	[tilespmem:$0x13C00] =	vst v63  }
0x35: {  	_ =	swait.ge @!p0 [sflag:s28], $0x5000  }
0x36: {  	[sflag:s28] =	ssyncset.done @!p0 $0x0  }
0x37: {  	s0 =	rddreg [dreg:$0x8];
	[sflag:s28] =	ssyncadd.s32 @!p0 $0xFFFFB000  }
0x38: {  	[tilespmem:s29], [sflag:$0x1] =	stream.linear.gather @!p0 [spmem:s0], $0x4C00, $0x38;
	[tilespmem:$0x13C00] =	vst v63  }
0x39: {  	s26 =	sadd.s32 $0x1, s26;
	_ =	swait.ge @!p0 [sflag:s28], $0x4C00  }
0x3a: {  	p1 =	sne.s32 s26, s18;
	[sflag:s28] =	ssyncset.done @!p0 $0x0  }
.Ltmp1:
0x3b: {  	[sflag:s28] =	ssyncadd.s32 @!p0 $0xFFFFB400;
	(pc) =	sbr.rel @!p1 .LBB2_8-.Ltmp1, $4  }
0x3c: {  	[hbm4b:s14+s29] =	stream.linear.scatter @!p0 [tilespmem:s29], [sflag:$0x1], $0x4C00, $0x38;
	[tilespmem:$0x13C00] =	vst v63  }
0x3d: {  	_ =	swait.ge @!p0 [sflag:s28], $0x4C00  }
0x3e: {  	[sflag:s28] =	ssyncset.done @!p0 $0x0  }
0x3f: {  	[sflag:s28] =	ssyncadd.s32 @!p0 $0xFFFFB400  }
.LBB2_1:
0x40: {  	s0 =	simm.s32 $0x0;
	s2 =	simm.s32 $0x200  }
.LBB2_2:
0x41: {  	p1 =	sne.s32 s2, $0x13E00;
	[tilespmem:s0+$0x70] =	vst v1  }
0x42: {  	[tilespmem:s0+$0x0] =	vst v1  }
0x43: {  	[tilespmem:s0+$0x10] =	vst v1  }
.Ltmp2:
0x44: {  	[tilespmem:s0+$0x20] =	vst v1;
	(pc) =	sbr.rel @p1 .LBB2_2-.Ltmp2, $4  }
0x45: {  	[tilespmem:s0+$0x30] =	vst v1  }
0x46: {  	[tilespmem:s0+$0x40] =	vst v1  }
0x47: {  	[tilespmem:s0+$0x50] =	vst v1  }
0x48: {  	[tilespmem:s0+$0x60] =	vst v1;
	s0 =	sshra.s32 s2, $0x2;
	s2 =	sadd.s32 $0x200, s2  }
0x49: {  	[tilespmem:s0+$0x70] =	vst v1  }
0x4a: {  	[tilespmem:s0+$0x0] =	vst v1  }
0x4b: {  	[tilespmem:s0+$0x10] =	vst v1  }
0x4c: {  	[tilespmem:s0+$0x20] =	vst v1  }
0x4d: {  	[tilespmem:s0+$0x30] =	vst v1  }
0x4e: {  	[tilespmem:s0+$0x40] =	vst v1  }
0x4f: {  	[tilespmem:s0+$0x50] =	vst v1  }
0x50: {  	[tilespmem:s0+$0x60] =	vst v1;
	s31 =	simm.s32 @p0 $0x0;
	s30 =	simm.s32 @p0 $0x1  }
0x51: {  	[spmem:s7] =	stream.linear.scatter @p0 [tilespmem:s31], [sflag:$0x1], $0x5000, $0x38;
	[tilespmem:$0x13C00] =	vst v63  }
0x52: {  	_ =	swait.ge @p0 [sflag:s30], $0x5000  }
0x53: {  	[sflag:s30] =	ssyncset.done @p0 $0x0  }
0x54: {  	[sflag:s30] =	ssyncadd.s32 @p0 $0xFFFFB000  }
0x55: {  	[spmem:s8] =	stream.linear.scatter @p0 [tilespmem:s31], [sflag:$0x1], $0x5000, $0x38;
	[tilespmem:$0x13C00] =	vst v63  }
0x56: {  	_ =	swait.ge @p0 [sflag:s30], $0x5000  }
0x57: {  	[sflag:s30] =	ssyncset.done @p0 $0x0  }
0x58: {  	[sflag:s30] =	ssyncadd.s32 @p0 $0xFFFFB000  }
0x59: {  	[spmem:s9] =	stream.linear.scatter @p0 [tilespmem:s31], [sflag:$0x1], $0x400, $0x38;
	[tilespmem:$0x13C00] =	vst v63  }
0x5a: {  	_ =	swait.ge @p0 [sflag:s30], $0x400  }
0x5b: {  	[sflag:s30] =	ssyncset.done @p0 $0x0  }
0x5c: {  	s29 =	simm.s32 @!p0 $0x0;
	s28 =	simm.s32 @!p0 $0x1;
	[sflag:s30] =	ssyncadd.s32 @p0 $0xFFFFFC00  }
0x5d: {  	[spmem:s5] =	stream.linear.scatter @!p0 [tilespmem:s29], [sflag:$0x1], $0x5000, $0x38;
	[tilespmem:$0x13C00] =	vst v63  }
0x5e: {  	_ =	swait.ge @!p0 [sflag:s28], $0x5000  }
0x5f: {  	[sflag:s28] =	ssyncset.done @!p0 $0x0  }
0x60: {  	s0 =	rddreg [dreg:$0x5];
	[sflag:s28] =	ssyncadd.s32 @!p0 $0xFFFFB000  }
0x61: {  	[spmem:s0] =	stream.linear.scatter @!p0 [tilespmem:s29], [sflag:$0x1], $0x4C00, $0x38;
	[tilespmem:$0x13C00] =	vst v63  }
0x62: {  	_ =	swait.ge @!p0 [sflag:s28], $0x4C00  }
0x63: {  	[sflag:s28] =	ssyncset.done @!p0 $0x0  }
0x64: {  	s2 =	simm.s32 $0x5000;
	s13 =	rddreg [dreg:$0x6];
	[sflag:s28] =	ssyncadd.s32 @!p0 $0xFFFFB400  }
0x65: {  	[tilespmem:s2], [sflag:$0x1] =	stream.linear.gather [hbm4b:s13+s3], $0x4E20, $0x38;
	[tilespmem:$0x13C00] =	vst v63  }
0x66: {  	_ =	swait.ge [sflag:s21], $0x4E20  }
0x67: {  	[sflag:s21] =	ssyncset.done $0x0  }
0x68: {  	[sflag:s21] =	ssyncadd.s32 $0xFFFFB1E0  }
0x69: {  	[bflag:$0x0] =	sbarrier.arrive $0xFFFF  }
0x6a: {  	v2 =	vld [tilespmem:$0x7710];
	_ =	sdelay $0x4  }
0x6b: {  	(v2sf) =	vpush v2, $0x0;
	_ =	sdelay $0xe  }
0x6c: {  	s2 =	spop (v2sf)  }
0x6d: {  	s6 =	simm.s32 $0x3AA;
	p1 =	slt.s32 s2, s4  }
0x6e: {  	s6 =	simm.s32 @!p1 $0x138  }
0x6f: {  	s19 =	sshll.u32 s6, $0x4  }
0x70: {  	v2 =	vld [tilespmem:s19+$0x5000];
	_ =	sdelay $0x4  }
0x71: {  	(v2sf) =	vpush v2, $0x0;
	_ =	sdelay $0xd  }
0x72: {  	s0 =	simm.s32 $0x272  }
0x73: {  	s10 =	simm.s32 $0x4E2;
	s0 =	simm.s32 @!p1 $0x0;
	s19 =	spop (v2sf)  }
0x74: {  	s10 =	simm.s32 @!p1 $0x271;
	p1 =	slt.s32 s19, s4;
	s19 =	sor.u32 $0x1, s6  }
0x75: {  	s0 =	smov.u32 @p1 s19;
	s6 =	smov.u32 @p1 s10  }
0x76: {  	s10 =	sadd.s32 s0, s6  }
0x77: {  	s10 =	sshrl.u32 s10, $0x1  }
0x78: {  	s20 =	sshll.u32 s10, $0x4  }
0x79: {  	v2 =	vld [tilespmem:s20+$0x5000];
	_ =	sdelay $0x4  }
0x7a: {  	(v2sf) =	vpush v2, $0x0;
	_ =	sdelay $0xe  }
0x7b: {  	s12 =	spop (v2sf)  }
0x7c: {  	s19 =	sadd.s32 $0x1, s10;
	p1 =	slt.s32 s12, s4  }
0x7d: {  	s0 =	smov.u32 @p1 s19;
	s10 =	smov.u32 @p1 s6  }
0x7e: {  	s6 =	sadd.s32 s0, s10  }
0x7f: {  	s13 =	sshll.u32 s6, $0x3  }
0x80: {  	s19 =	sand.u32 $0x3FFFFFF0, s13  }
0x81: {  	v2 =	vld [tilespmem:s19+$0x5000];
	_ =	sdelay $0x4  }
0x82: {  	(v2sf) =	vpush v2, $0x0;
	_ =	sdelay $0xe  }
0x83: {  	s6 =	sshrl.u32 s6, $0x1;
	s20 =	spop (v2sf)  }
0x84: {  	s19 =	sadd.s32 $0x1, s6;
	p1 =	slt.s32 s20, s4  }
0x85: {  	s0 =	smov.u32 @p1 s19;
	s6 =	smov.u32 @p1 s10  }
0x86: {  	s10 =	sadd.s32 s0, s6  }
0x87: {  	s10 =	sshll.u32 s10, $0x3  }
0x88: {  	s10 =	sand.u32 $0x3FFFFFF0, s10  }
0x89: {  	v2 =	vld [tilespmem:s10+$0x5000];
	_ =	sdelay $0x4  }
0x8a: {  	(v2sf) =	vpush v2, $0x0;
	_ =	sdelay $0xc  }
0x8b: {  	s12 =	sxor.u32 s0, s6  }
0x8c: {  	s19 =	sand.u32 s0, s6;
	s10 =	sshrl.u32 s12, $0x1  }
0x8d: {  	s10 =	sadd.s32 s10, s19;
	s13 =	spop (v2sf)  }
0x8e: {  	s19 =	sadd.s32 $0x1, s10;
	p1 =	slt.s32 s13, s4  }
0x8f: {  	s0 =	smov.u32 @p1 s19;
	s10 =	smov.u32 @p1 s6  }
0x90: {  	s6 =	sadd.s32 s0, s10  }
0x91: {  	s20 =	sshll.u32 s6, $0x3  }
0x92: {  	s19 =	sand.u32 $0x3FFFFFF0, s20  }
0x93: {  	v2 =	vld [tilespmem:s19+$0x5000];
	_ =	sdelay $0x4  }
0x94: {  	(v2sf) =	vpush v2, $0x0;
	_ =	sdelay $0xe  }
0x95: {  	s6 =	sshrl.u32 s6, $0x1;
	s12 =	spop (v2sf)  }
0x96: {  	s19 =	sadd.s32 $0x1, s6;
	p1 =	slt.s32 s12, s4  }
0x97: {  	s0 =	smov.u32 @p1 s19;
	s6 =	smov.u32 @p1 s10  }
0x98: {  	s10 =	sadd.s32 s0, s6  }
0x99: {  	s13 =	sshll.u32 s10, $0x3  }
0x9a: {  	s19 =	sand.u32 $0x3FFFFFF0, s13  }
0x9b: {  	v2 =	vld [tilespmem:s19+$0x5000];
	_ =	sdelay $0x4  }
0x9c: {  	(v2sf) =	vpush v2, $0x0;
	_ =	sdelay $0xe  }
0x9d: {  	s10 =	sshrl.u32 s10, $0x1;
	s20 =	spop (v2sf)  }
0x9e: {  	s19 =	sadd.s32 $0x1, s10;
	p1 =	slt.s32 s20, s4  }
0x9f: {  	s0 =	smov.u32 @p1 s19;
	s10 =	smov.u32 @p1 s6  }
0xa0: {  	s6 =	sadd.s32 s0, s10  }
0xa1: {  	s12 =	sshll.u32 s6, $0x3  }
0xa2: {  	s19 =	sand.u32 $0x3FFFFFF0, s12  }
0xa3: {  	v2 =	vld [tilespmem:s19+$0x5000];
	_ =	sdelay $0x4  }
0xa4: {  	(v2sf) =	vpush v2, $0x0;
	_ =	sdelay $0xe  }
0xa5: {  	s19 =	sshrl.u32 s6, $0x1;
	s13 =	spop (v2sf)  }
0xa6: {  	s6 =	sadd.s32 $0x1, s19;
	p1 =	slt.s32 s13, s4  }
0xa7: {  	s0 =	smov.u32 @p1 s6;
	s19 =	smov.u32 @p1 s10  }
0xa8: {  	s6 =	sadd.s32 s0, s19  }
0xa9: {  	s20 =	sshll.u32 s6, $0x3  }
0xaa: {  	s10 =	sand.u32 $0x3FFFFFF0, s20  }
0xab: {  	v2 =	vld [tilespmem:s10+$0x5000];
	_ =	sdelay $0x4  }
0xac: {  	(v2sf) =	vpush v2, $0x0;
	_ =	sdelay $0xe  }
0xad: {  	s6 =	sshrl.u32 s6, $0x1;
	s12 =	spop (v2sf)  }
0xae: {  	s10 =	sadd.s32 $0x1, s6;
	p1 =	slt.s32 s12, s4  }
0xaf: {  	s0 =	smov.u32 @p1 s10;
	s6 =	smov.u32 @p1 s19  }
0xb0: {  	s19 =	sadd.s32 s0, s6  }
0xb1: {  	s20 =	simm.s32 $0x3AA;
	p1 =	slt.s32 s2, s11;
	s13 =	sshll.u32 s19, $0x3  }
0xb2: {  	s20 =	simm.s32 @!p1 $0x138;
	s12 =	sand.u32 $0x3FFFFFF0, s13  }
0xb3: {  	s13 =	sshll.u32 s20, $0x4;
	v2 =	vld [tilespmem:s12+$0x5000]  }
0xb4: {  	v3 =	vld [tilespmem:s13+$0x5000];
	_ =	sdelay $0x3  }
0xb5: {  	(v2sf) =	vpush v2, $0x0  }
0xb6: {  	(v2sf) =	vpush v3, $0x0;
	_ =	sdelay $0xd  }
0xb7: {  	s2 =	simm.s32 $0x272;
	s10 =	spop (v2sf)  }
0xb8: {  	s2 =	simm.s32 @!p1 $0x0;
	s12 =	simm.s32 $0x4E2;
	s13 =	spop (v2sf)  }
0xb9: {  	s12 =	simm.s32 @!p1 $0x271;
	p1 =	slt.s32 s13, s11;
	s13 =	sor.u32 $0x1, s20  }
0xba: {  	s2 =	smov.u32 @p1 s13;
	s20 =	smov.u32 @p1 s12  }
0xbb: {  	s12 =	sadd.s32 s2, s20  }
0xbc: {  	s12 =	sshrl.u32 s12, $0x1  }
0xbd: {  	s13 =	sshll.u32 s12, $0x4  }
0xbe: {  	v2 =	vld [tilespmem:s13+$0x5000];
	_ =	sdelay $0x4  }
0xbf: {  	(v2sf) =	vpush v2, $0x0;
	_ =	sdelay $0xe  }
0xc0: {  	s13 =	spop (v2sf)  }
0xc1: {  	p1 =	slt.s32 s13, s11;
	s13 =	sadd.s32 $0x1, s12  }
0xc2: {  	s2 =	smov.u32 @p1 s13;
	s12 =	smov.u32 @p1 s20  }
0xc3: {  	s13 =	sadd.s32 s2, s12  }
0xc4: {  	s20 =	sshll.u32 s13, $0x3  }
0xc5: {  	s20 =	sand.u32 $0x3FFFFFF0, s20  }
0xc6: {  	v2 =	vld [tilespmem:s20+$0x5000];
	_ =	sdelay $0x4  }
0xc7: {  	(v2sf) =	vpush v2, $0x0;
	_ =	sdelay $0xe  }
0xc8: {  	s13 =	sshrl.u32 s13, $0x1;
	s20 =	spop (v2sf)  }
0xc9: {  	p1 =	slt.s32 s20, s11;
	s20 =	sadd.s32 $0x1, s13  }
0xca: {  	s2 =	smov.u32 @p1 s20;
	s13 =	smov.u32 @p1 s12  }
0xcb: {  	s12 =	sadd.s32 s2, s13  }
0xcc: {  	s12 =	sshll.u32 s12, $0x3  }
0xcd: {  	s12 =	sand.u32 $0x3FFFFFF0, s12  }
0xce: {  	v2 =	vld [tilespmem:s12+$0x5000];
	_ =	sdelay $0x4  }
0xcf: {  	(v2sf) =	vpush v2, $0x0;
	_ =	sdelay $0xc  }
0xd0: {  	s12 =	sxor.u32 s2, s13  }
0xd1: {  	s20 =	sand.u32 s2, s13;
	s12 =	sshrl.u32 s12, $0x1  }
0xd2: {  	s12 =	sadd.s32 s12, s20;
	s20 =	spop (v2sf)  }
0xd3: {  	p1 =	slt.s32 s20, s11;
	s20 =	sadd.s32 $0x1, s12  }
0xd4: {  	s2 =	smov.u32 @p1 s20;
	s12 =	smov.u32 @p1 s13  }
0xd5: {  	s13 =	sadd.s32 s2, s12  }
0xd6: {  	s20 =	sshll.u32 s13, $0x3  }
0xd7: {  	s20 =	sand.u32 $0x3FFFFFF0, s20  }
0xd8: {  	v2 =	vld [tilespmem:s20+$0x5000];
	_ =	sdelay $0x4  }
0xd9: {  	(v2sf) =	vpush v2, $0x0;
	_ =	sdelay $0xe  }
0xda: {  	s13 =	sshrl.u32 s13, $0x1;
	s20 =	spop (v2sf)  }
0xdb: {  	p1 =	slt.s32 s20, s11;
	s20 =	sadd.s32 $0x1, s13  }
0xdc: {  	s2 =	smov.u32 @p1 s20;
	s13 =	smov.u32 @p1 s12  }
0xdd: {  	s12 =	sadd.s32 s2, s13  }
0xde: {  	s20 =	sshll.u32 s12, $0x3  }
0xdf: {  	s20 =	sand.u32 $0x3FFFFFF0, s20  }
0xe0: {  	v2 =	vld [tilespmem:s20+$0x5000];
	_ =	sdelay $0x4  }
0xe1: {  	(v2sf) =	vpush v2, $0x0;
	_ =	sdelay $0xe  }
0xe2: {  	s12 =	sshrl.u32 s12, $0x1;
	s20 =	spop (v2sf)  }
0xe3: {  	p1 =	slt.s32 s20, s11;
	s20 =	sadd.s32 $0x1, s12  }
0xe4: {  	s2 =	smov.u32 @p1 s20;
	s12 =	smov.u32 @p1 s13  }
0xe5: {  	s13 =	sadd.s32 s2, s12  }
0xe6: {  	s20 =	sshll.u32 s13, $0x3  }
0xe7: {  	s20 =	sand.u32 $0x3FFFFFF0, s20  }
0xe8: {  	v2 =	vld [tilespmem:s20+$0x5000];
	_ =	sdelay $0x4  }
0xe9: {  	(v2sf) =	vpush v2, $0x0;
	_ =	sdelay $0xe  }
0xea: {  	s13 =	sshrl.u32 s13, $0x1;
	s20 =	spop (v2sf)  }
0xeb: {  	p1 =	slt.s32 s20, s11;
	s20 =	sadd.s32 $0x1, s13  }
0xec: {  	s2 =	smov.u32 @p1 s20;
	s13 =	smov.u32 @p1 s12  }
0xed: {  	s12 =	sadd.s32 s2, s13  }
0xee: {  	s20 =	sshll.u32 s12, $0x3  }
0xef: {  	s20 =	sand.u32 $0x3FFFFFF0, s20  }
0xf0: {  	v2 =	vld [tilespmem:s20+$0x5000];
	_ =	sdelay $0x4  }
0xf1: {  	(v2sf) =	vpush v2, $0x0;
	_ =	sdelay $0xe  }
0xf2: {  	s12 =	sshrl.u32 s12, $0x1;
	s20 =	spop (v2sf)  }
0xf3: {  	p1 =	slt.s32 s20, s11;
	s20 =	sadd.s32 $0x1, s12  }
0xf4: {  	s2 =	smov.u32 @p1 s20;
	s12 =	smov.u32 @p1 s13  }
0xf5: {  	s13 =	sadd.s32 s2, s12  }
0xf6: {  	s20 =	sshll.u32 s13, $0x3  }
0xf7: {  	s20 =	sand.u32 $0x3FFFFFF0, s20  }
0xf8: {  	v2 =	vld [tilespmem:s20+$0x5000];
	_ =	sdelay $0x4  }
0xf9: {  	(v2sf) =	vpush v2, $0x0;
	_ =	sdelay $0xe  }
0xfa: {  	p1 =	slt.s32 s10, s4;
	s10 =	sshrl.u32 s13, $0x1;
	s20 =	spop (v2sf)  }
0xfb: {  	s19 =	sshrl.u32 s19, $0x1;
	s13 =	sadd.s32 $0x1, s10;
	p2 =	slt.s32 s20, s11  }
0xfc: {  	s2 =	smov.u32 @p2 s13;
	s13 =	sadd.s32 $0x1, s19;
	s10 =	smov.u32 @p2 s12  }
0xfd: {  	s19 =	smov.u32 @p1 s6;
	s0 =	smov.u32 @p1 s13;
	s6 =	sadd.s32 s2, s10  }
0xfe: {  	s20 =	sadd.s32 s0, s19;
	s13 =	sshll.u32 s6, $0x3  }
0xff: {  	s19 =	sshll.u32 s20, $0x3;
	s12 =	sand.u32 $0x3FFFFFF0, s13  }
0x100: {  	s13 =	sand.u32 $0x3FFFFFF0, s19;
	v2 =	vld [tilespmem:s12+$0x5000]  }
0x101: {  	v3 =	vld [tilespmem:s13+$0x5000];
	_ =	sdelay $0x3  }
0x102: {  	(v2sf) =	vpush v2, $0x0  }
0x103: {  	(v2sf) =	vpush v3, $0x0;
	_ =	sdelay $0xd  }
0x104: {  	s12 =	spop (v2sf)  }
0x105: {  	s10 =	sshrl.u32 s20, $0x1;
	s20 =	spop (v2sf)  }
0x106: {  	s0 =	smax.u32 s0, $0x1;
	s10 =	sadd.s32 $0x1, s10;
	p1 =	slt.s32 s20, s4  }
0x107: {  	s0 =	smov.u32 @p1 s10  }
0x108: {  	s10 =	sshll.u32 s0, $0x4  }
0x109: {  	s10 =	sadd.s32 $0xFFFFFFF0, s10  }
0x10a: {  	s19 =	smul.u32 $0xFFFFCCCD, s10  }
0x10b: {  	s6 =	sshrl.u32 s6, $0x1  }
0x10c: {  	s6 =	sadd.s32 $0x1, s6;
	p1 =	slt.s32 s12, s11;
	s20 =	sand.u32 $0xFFE0, s19  }
0x10d: {  	s2 =	smov.u32 @p1 s6;
	s13 =	sshll.u32 s19, $0xB;
	s12 =	sshrl.u32 s20, $0x5  }
0x10e: {  	p5 =	slt.u32 s0, $0x2;
	s2 =	sshll.u32 s2, $0x4;
	s6 =	sor.u32 s13, s12  }
0x10f: {  	s10 =	sand.u32 $0xFFF0, s10;
	s2 =	sadd.s32 $0x90, s2;
	s6 =	sand.u32 $0x87FF, s6  }
0x110: {  	s10 =	smul.u32 $0xCCCD, s10;
	s19 =	sand.u32 $0xFFF0, s2;
	p6 =	sgt.u32 s6, $0x199  }
0x111: {  	s0 =	smul.u32 $0xCCCD, s19;
	p1 =	por !p5, !p6  }
0x112: {  	s2 =	simm.s32 $0x1;
	p1 =	por !p1, !p1  }
0x113: {  	s20 =	sshrl.u32 s10, $0x17;
	s0 =	sshrl.u32 s0, $0x17;
	s2 =	simm.s32 @!p1 $0x0  }
0x114: {  	s0 =	smin.u32 s0, $0x7D;
	s6 =	ssub.s32 s20, s2  }
0x115: {  	p1 =	sge.s32 s6, s0  }
.Ltmp3:
0x116: {  	_ = 	snop;
	(pc) =	sbr.rel @p1 .LBB2_7-.Ltmp3, $1  }
0x117: {  	_ =	sdelay $0x3  }
0x118: {  	s2 =	smul.u32 $0xA00, s6  }
0x119: {  	s10 =	rddreg [dreg:$0x9]  }
0x11a: {  	s12 =	smul.u32 $0x280, s6;
	s19 =	sadd.s32 s2, s10  }
0x11b: {  	[tilespmem:s3], [sflag:$0x1] =	stream.linear.gather [hbm4b:s19+s3], $0x5000, $0x38;
	[tilespmem:$0x13C00] =	vst v63  }
0x11c: {  	_ =	swait.ge [sflag:s21], $0x5000  }
0x11d: {  	s2 =	sshra.s32 s12, $0x2;
	[sflag:s21] =	ssyncset.done $0x0  }
0x11e: {  	s13 =	sadd.s32 $0x5050, s2;
	[sflag:s21] =	ssyncadd.s32 $0xFFFFB000  }
0x11f: {  	v2 =	vld [tilespmem:s13+$0xFFFFFFB0];
	_ =	sdelay $0x4  }
0x120: {  	v2 =	vsub.s32 v2, v0  }
0x121: {  	v3 =	vshrl.u32 v2, $0x11  }
0x122: {  	v3 =	vand.u32 $0x4000, v3  }
0x123: {  	v2 =	vadd.s32 v2, v3  }
0x124: {  	vm0 =	vlt.s32 v2, $0x1388  }
0x125: {  	v2 =	vnsel vm0, $0x1388, v2  }
0x126: {  	[tilespmem:$0x9E80] =	vst v2  }
0x127: {  	v2 =	vld [tilespmem:s13+$0xFFFFFFC0];
	_ =	sdelay $0x4  }
0x128: {  	v2 =	vsub.s32 v2, v0  }
0x129: {  	v3 =	vshrl.u32 v2, $0x11  }
0x12a: {  	v3 =	vand.u32 $0x4000, v3  }
0x12b: {  	v2 =	vadd.s32 v2, v3  }
0x12c: {  	vm7 =	vlt.s32 v2, $0x1388  }
0x12d: {  	v2 =	vnsel vm7, $0x1388, v2  }
0x12e: {  	[tilespmem:$0x9E90] =	vst v2  }
0x12f: {  	v2 =	vld [tilespmem:s13+$0xFFFFFFD0];
	_ =	sdelay $0x4  }
0x130: {  	v2 =	vsub.s32 v2, v0  }
0x131: {  	v3 =	vshrl.u32 v2, $0x11  }
0x132: {  	v3 =	vand.u32 $0x4000, v3  }
0x133: {  	v2 =	vadd.s32 v2, v3  }
0x134: {  	vm8 =	vlt.s32 v2, $0x1388  }
0x135: {  	v2 =	vnsel vm8, $0x1388, v2  }
0x136: {  	[tilespmem:$0x9EA0] =	vst v2  }
0x137: {  	v2 =	vld [tilespmem:s13+$0xFFFFFFE0];
	_ =	sdelay $0x4  }
0x138: {  	v2 =	vsub.s32 v2, v0  }
0x139: {  	v3 =	vshrl.u32 v2, $0x11  }
0x13a: {  	v3 =	vand.u32 $0x4000, v3  }
0x13b: {  	v2 =	vadd.s32 v2, v3  }
0x13c: {  	vm9 =	vlt.s32 v2, $0x1388  }
0x13d: {  	v2 =	vnsel vm9, $0x1388, v2  }
0x13e: {  	[tilespmem:$0x9EB0] =	vst v2  }
0x13f: {  	v2 =	vld [tilespmem:s13+$0xFFFFFFF0];
	_ =	sdelay $0x4  }
0x140: {  	v2 =	vsub.s32 v2, v0  }
0x141: {  	v3 =	vshrl.u32 v2, $0x11  }
0x142: {  	v3 =	vand.u32 $0x4000, v3  }
0x143: {  	v2 =	vadd.s32 v2, v3  }
0x144: {  	vm10 =	vlt.s32 v2, $0x1388  }
0x145: {  	v2 =	vnsel vm10, $0x1388, v2  }
0x146: {  	[tilespmem:$0x9EC0] =	vst v2  }
0x147: {  	v2 =	vld [tilespmem:s13+$0x0];
	_ =	sdelay $0x4  }
0x148: {  	v2 =	vsub.s32 v2, v0  }
0x149: {  	v3 =	vshrl.u32 v2, $0x11  }
0x14a: {  	v3 =	vand.u32 $0x4000, v3  }
0x14b: {  	v2 =	vadd.s32 v2, v3  }
0x14c: {  	vm11 =	vlt.s32 v2, $0x1388  }
0x14d: {  	v2 =	vnsel vm11, $0x1388, v2  }
0x14e: {  	[tilespmem:$0x9F00] =	vst v2  }
0x14f: {  	v2 =	vld [tilespmem:s13+$0x10];
	_ =	sdelay $0x4  }
0x150: {  	v2 =	vsub.s32 v2, v0  }
0x151: {  	v3 =	vshrl.u32 v2, $0x11  }
0x152: {  	v3 =	vand.u32 $0x4000, v3  }
0x153: {  	v2 =	vadd.s32 v2, v3  }
0x154: {  	vm12 =	vlt.s32 v2, $0x1388  }
0x155: {  	v2 =	vnsel vm12, $0x1388, v2  }
0x156: {  	[tilespmem:$0x9F10] =	vst v2  }
0x157: {  	v2 =	vld [tilespmem:s13+$0x20];
	_ =	sdelay $0x4  }
0x158: {  	v2 =	vsub.s32 v2, v0  }
0x159: {  	v3 =	vshrl.u32 v2, $0x11  }
0x15a: {  	v3 =	vand.u32 $0x4000, v3  }
0x15b: {  	v2 =	vadd.s32 v2, v3  }
0x15c: {  	s2 =	smul.u32 $0xA0, s6;
	vm13 =	vlt.s32 v2, $0x1388  }
0x15d: {  	v2 =	vnsel vm13, $0x1388, v2  }
0x15e: {  	s12 =	sand.u32 $0xFFFFFFE0, s2;
	[tilespmem:$0x9F20] =	vst v2  }
0x15f: {  	v2 =	vld [tilespmem:s12+$0x5080];
	_ =	sdelay $0x4  }
0x160: {  	v2 =	vsub.s32 v2, v0  }
0x161: {  	v3 =	vshrl.u32 v2, $0x11  }
0x162: {  	v3 =	vand.u32 $0x4000, v3  }
0x163: {  	v2 =	vadd.s32 v2, v3  }
0x164: {  	vm14 =	vlt.s32 v2, $0x1388  }
0x165: {  	v2 =	vnsel vm14, $0x1388, v2  }
0x166: {  	[tilespmem:$0x9F30] =	vst v2  }
0x167: {  	v2 =	vld [tilespmem:s13+$0x40];
	_ =	sdelay $0x4  }
0x168: {  	v2 =	vsub.s32 v2, v0  }
0x169: {  	v3 =	vshrl.u32 v2, $0x11  }
0x16a: {  	v3 =	vand.u32 $0x4000, v3  }
0x16b: {  	v2 =	vadd.s32 v2, v3  }
0x16c: {  	vm15 =	vlt.s32 v2, $0x1388  }
0x16d: {  	v2 =	vnsel vm15, $0x1388, v2  }
0x16e: {  	s20 =	sadd.s32 $0x1, s6;
	[tilespmem:$0x9F40] =	vst v2  }
0x16f: {  	[spmem:s1] =	stream.indirect.scatter.add.f32 [tilespmem:s3], [sflag:$0x1], $0x80, s23, s22, $0xb8;
	[tilespmem:$0x13C00] =	vst v63  }
0x170: {  	p1 =	slt.s32 s20, s0;
	_ =	swait.ge [sflag:s21], $0x2800  }
.Ltmp4:
0x171: {  	[sflag:s21] =	ssyncset.done $0x0;
	(pc) =	sbr.rel @!p1 .LBB2_6-.Ltmp4, $4  }
0x172: {  	[sflag:s21] =	ssyncadd.s32 $0xFFFFD800  }
0x173: {  	[spmem:s1] =	stream.indirect.scatter.add.f32 [tilespmem:s25], [sflag:$0x1], $0x80, s24, s22, $0xb8;
	[tilespmem:$0x13C00] =	vst v63  }
0x174: {  	_ =	swait.ge [sflag:s21], $0x2800  }
0x175: {  	s19 =	sadd.s32 $0xA00, s19;
	s6 =	sadd.s32 $0xA0, s13;
	[sflag:s21] =	ssyncset.done $0x0  }
.LBB2_5:
0x176: {  	s20 =	sadd.s32 $0x1, s20;
	[sflag:s21] =	ssyncadd.s32 $0xFFFFD800;
	s2 =	sadd.s32 $0xA0, s2  }
0x177: {  	[tilespmem:s3], [sflag:$0x1] =	stream.linear.gather [hbm4b:s19+s3], $0x5000, $0x38;
	[tilespmem:$0x13C00] =	vst v63  }
0x178: {  	p1 =	slt.s32 s20, s0;
	_ =	swait.ge [sflag:s21], $0x5000  }
0x179: {  	[sflag:s21] =	ssyncset.done $0x0  }
0x17a: {  	[sflag:s21] =	ssyncadd.s32 $0xFFFFB000  }
0x17b: {  	v2 =	vld [tilespmem:s6+$0xFFFFFFB0];
	_ =	sdelay $0x4  }
0x17c: {  	v2 =	vsub.s32 v2, v0  }
0x17d: {  	v3 =	vshrl.u32 v2, $0x11  }
0x17e: {  	v3 =	vand.u32 $0x4000, v3  }
0x17f: {  	v2 =	vadd.s32 v2, v3  }
0x180: {  	vm0 =	vlt.s32 v2, $0x1388  }
0x181: {  	v2 =	vnsel vm0, $0x1388, v2  }
0x182: {  	[tilespmem:$0x9E80] =	vst v2  }
0x183: {  	v2 =	vld [tilespmem:s6+$0xFFFFFFC0];
	_ =	sdelay $0x4  }
0x184: {  	v2 =	vsub.s32 v2, v0  }
0x185: {  	v3 =	vshrl.u32 v2, $0x11  }
0x186: {  	v3 =	vand.u32 $0x4000, v3  }
0x187: {  	v2 =	vadd.s32 v2, v3  }
0x188: {  	vm0 =	vlt.s32 v2, $0x1388  }
0x189: {  	v2 =	vnsel vm0, $0x1388, v2  }
0x18a: {  	[tilespmem:$0x9E90] =	vst v2  }
0x18b: {  	v2 =	vld [tilespmem:s6+$0xFFFFFFD0];
	_ =	sdelay $0x4  }
0x18c: {  	v2 =	vsub.s32 v2, v0  }
0x18d: {  	v3 =	vshrl.u32 v2, $0x11  }
0x18e: {  	v3 =	vand.u32 $0x4000, v3  }
0x18f: {  	v2 =	vadd.s32 v2, v3  }
0x190: {  	vm0 =	vlt.s32 v2, $0x1388  }
0x191: {  	v2 =	vnsel vm0, $0x1388, v2  }
0x192: {  	[tilespmem:$0x9EA0] =	vst v2  }
0x193: {  	v2 =	vld [tilespmem:s6+$0xFFFFFFE0];
	_ =	sdelay $0x4  }
0x194: {  	v2 =	vsub.s32 v2, v0  }
0x195: {  	v3 =	vshrl.u32 v2, $0x11  }
0x196: {  	v3 =	vand.u32 $0x4000, v3  }
0x197: {  	v2 =	vadd.s32 v2, v3  }
0x198: {  	vm0 =	vlt.s32 v2, $0x1388  }
0x199: {  	v2 =	vnsel vm0, $0x1388, v2  }
0x19a: {  	[tilespmem:$0x9EB0] =	vst v2  }
0x19b: {  	v2 =	vld [tilespmem:s6+$0xFFFFFFF0];
	_ =	sdelay $0x4  }
0x19c: {  	v2 =	vsub.s32 v2, v0  }
0x19d: {  	v3 =	vshrl.u32 v2, $0x11  }
0x19e: {  	v3 =	vand.u32 $0x4000, v3  }
0x19f: {  	v2 =	vadd.s32 v2, v3  }
0x1a0: {  	vm0 =	vlt.s32 v2, $0x1388  }
0x1a1: {  	v2 =	vnsel vm0, $0x1388, v2  }
0x1a2: {  	[tilespmem:$0x9EC0] =	vst v2  }
0x1a3: {  	v2 =	vld [tilespmem:s6+$0x0];
	_ =	sdelay $0x4  }
0x1a4: {  	v2 =	vsub.s32 v2, v0  }
0x1a5: {  	v3 =	vshrl.u32 v2, $0x11  }
0x1a6: {  	v3 =	vand.u32 $0x4000, v3  }
0x1a7: {  	v2 =	vadd.s32 v2, v3  }
0x1a8: {  	vm0 =	vlt.s32 v2, $0x1388  }
0x1a9: {  	v2 =	vnsel vm0, $0x1388, v2  }
0x1aa: {  	[tilespmem:$0x9F00] =	vst v2  }
0x1ab: {  	v2 =	vld [tilespmem:s6+$0x10];
	_ =	sdelay $0x4  }
0x1ac: {  	v2 =	vsub.s32 v2, v0  }
0x1ad: {  	v3 =	vshrl.u32 v2, $0x11  }
0x1ae: {  	v3 =	vand.u32 $0x4000, v3  }
0x1af: {  	v2 =	vadd.s32 v2, v3  }
0x1b0: {  	vm0 =	vlt.s32 v2, $0x1388  }
0x1b1: {  	v2 =	vnsel vm0, $0x1388, v2  }
0x1b2: {  	[tilespmem:$0x9F10] =	vst v2  }
0x1b3: {  	v2 =	vld [tilespmem:s6+$0x20];
	_ =	sdelay $0x4  }
0x1b4: {  	v2 =	vsub.s32 v2, v0  }
0x1b5: {  	v3 =	vshrl.u32 v2, $0x11  }
0x1b6: {  	v3 =	vand.u32 $0x4000, v3  }
0x1b7: {  	v2 =	vadd.s32 v2, v3  }
0x1b8: {  	vm0 =	vlt.s32 v2, $0x1388  }
0x1b9: {  	v2 =	vnsel vm0, $0x1388, v2  }
0x1ba: {  	s10 =	sand.u32 $0xFFFFFFE0, s2;
	[tilespmem:$0x9F20] =	vst v2  }
0x1bb: {  	v2 =	vld [tilespmem:s10+$0x5080];
	_ =	sdelay $0x4  }
0x1bc: {  	v2 =	vsub.s32 v2, v0  }
0x1bd: {  	v3 =	vshrl.u32 v2, $0x11  }
0x1be: {  	v3 =	vand.u32 $0x4000, v3  }
0x1bf: {  	v2 =	vadd.s32 v2, v3  }
0x1c0: {  	vm0 =	vlt.s32 v2, $0x1388  }
0x1c1: {  	v2 =	vnsel vm0, $0x1388, v2  }
0x1c2: {  	[tilespmem:$0x9F30] =	vst v2  }
0x1c3: {  	v2 =	vld [tilespmem:s6+$0x40];
	_ =	sdelay $0x4  }
0x1c4: {  	v2 =	vsub.s32 v2, v0  }
0x1c5: {  	v3 =	vshrl.u32 v2, $0x11  }
0x1c6: {  	v3 =	vand.u32 $0x4000, v3  }
0x1c7: {  	v2 =	vadd.s32 v2, v3  }
0x1c8: {  	vm0 =	vlt.s32 v2, $0x1388  }
0x1c9: {  	v2 =	vnsel vm0, $0x1388, v2  }
0x1ca: {  	[tilespmem:$0x9F40] =	vst v2  }
0x1cb: {  	[spmem:s1] =	stream.indirect.scatter.add.f32 [tilespmem:s3], [sflag:$0x1], $0x80, s23, s22, $0xb8;
	[tilespmem:$0x13C00] =	vst v63  }
0x1cc: {  	_ =	swait.ge [sflag:s21], $0x2800  }
.Ltmp5:
0x1cd: {  	[sflag:s21] =	ssyncset.done $0x0;
	(pc) =	sbr.rel @p1 .LBB2_5-.Ltmp5, $4  }
0x1ce: {  	[sflag:s21] =	ssyncadd.s32 $0xFFFFD800  }
0x1cf: {  	[spmem:s1] =	stream.indirect.scatter.add.f32 [tilespmem:s25], [sflag:$0x1], $0x80, s24, s22, $0xb8;
	[tilespmem:$0x13C00] =	vst v63  }
0x1d0: {  	_ =	swait.ge [sflag:s21], $0x2800  }
0x1d1: {  	s19 =	sadd.s32 $0xA00, s19;
	s6 =	sadd.s32 $0xA0, s6;
	[sflag:s21] =	ssyncset.done $0x0  }
.Ltmp6:
0x1d2: {  	_ = 	snop;
	(pc) =	sbr.rel .LBB2_6-.Ltmp6, $1  }
0x1d3: {  	_ =	sdelay $0x3  }
.LBB2_8:
0x1d4: {  	_ =	sfence.sel $0x180000  }
0x1d5: {  	[bflag:$0x0] =	sbarrier.arrive $0xFFFF  }
0x1d6: {  	_ =	strace $0x9000004A  }
0x1d7: {  	s0 =	stileid.u32;
	[bflag:$0x2] =	sbarrier.arrive $0xFFFF  }
0x1d8: {  	p0 =	sne.s32 s0, $0x0;
	s0 =	rddreg [dreg:$0x4]  }
0x1d9: {  	s0 =	sadd.s32 @!p0 $0x100000, s0  }
0x1da: {  	[sflag:s0] =	ssyncadd.tile.s32 @!p0 $0x1;
	_ =	shalt  }
.Lfunc_end2:
_tile_overlayer_lowered:
.L_overlay_start_2:
0x1db: {  	(tag) =	ssettag $0x2  }
0x1dc: {  	s0 =	rddreg [dreg:$0x0];
	s2 =	stileid.u32  }
0x1dd: {  	s1 =	rddreg [dreg:$0x1];
	p0 =	sne.s32 s2, $0x0  }
0x1de: {  	s3 =	rddreg [dreg:$0x2];
	[bflag:$0x3] =	sbarrier.arrive $0xFFFF;
	s2 =	simm.s32 @!p0 $0x1C01  }
0x1df: {  	[timem:s3], [sflag:s2] =	dma.local @!p0 [hbm:s0], s1  }
0x1e0: {  	s0 =	simm.s32 @!p0 $0x1  }
0x1e1: {  	_ =	swait.ge @!p0 [sflag:s0], s1  }
0x1e2: {  	s1 =	ssub.s32 @!p0 $0x0, s1;
	[sflag:s0] =	ssyncset.done @!p0 $0x0  }
0x1e3: {  	[sflag:s0] =	ssyncadd.s32 @!p0 s1  }
0x1e4: {  	[bflag:$0x3] =	sbarrier.arrive $0xFFFF  }
0x1e5: {  	_ =	shalt  }

// kernel: kernel.8.cloned.1.call-start
scs
__scs_entry_jumppad:
0x0: {  	(pc) =	sbr.rel $0x88, $3  }
0x1: {  	(tag) =	ssettag $0x0;
	lr =	simm.s32 $0x1  }
0x2: {  	[smem:$0x3F9A] =	sst lr;
	_ =	strace $0xD0000000  }
0x3: {  	_ = 	snop  }
0x4: {  	_ = 	snop  }
0x5: {  	_ = 	snop  }
0x6: {  	_ = 	snop  }
0x7: {  	_ = 	snop  }
__scs_overlays_trampoline_lowered:
0x8: {  	[smem:$0x3FA9] =	sst s0  }
0x9: {  	[smem:$0x3FAA] =	sst s1  }
0xa: {  	[smem:$0x3FAB] =	sst s2  }
0xb: {  	[smem:$0x3FAC] =	sst s3  }
0xc: {  	[smem:$0x3FAD] =	sst s4  }
0xd: {  	[smem:$0x3FAE] =	sst s5  }
0xe: {  	[smem:$0x3FAF] =	sst s6  }
0xf: {  	[smem:$0x3FB0] =	sst s7  }
0x10: {  	[smem:$0x3FB1] =	sst s8  }
0x11: {  	[smem:$0x3FB2] =	sst s9;
	s0 =	simm.s32 @!p0 $0x0  }
0x12: {  	s1 =	sld [smem:$0x3F98];
	s0 =	simm.s32 @p0 $0x1  }
0x13: {  	[smem:$0x3FB3] =	sst s0;
	s0 =	simm.s32 @!p1 $0x0  }
0x14: {  	s2 =	sld [smem:$0x3F97];
	s0 =	simm.s32 @p1 $0x1  }
0x15: {  	[smem:$0x3FB4] =	sst s0;
	s0 =	simm.s32 @!p2 $0x0  }
0x16: {  	s3 =	sld [smem:$0x3FDB];
	s0 =	simm.s32 @p2 $0x1  }
0x17: {  	s4 =	simm.s32 $0x1BF5;
	[smem:$0x3FB6] =	sst s0  }
0x18: {  	s0 =	sld [smem:$0x3F99];
	_ =	swait.ge [sflag:s4], $0x0  }
0x19: {  	s7 =	sld [smem:$0x3F9A]  }
0x1a: {  	s8 =	sadd.s32 $0xFFFFE003, lr  }
0x1b: {  	s9 =	sadd.s32 $0xFFFFFEF7, lr;
	s5 =	simm.s32 $0xFFFFFFFF;
	p2 =	slt.u32 s8, $0xFFFFF086  }
0x1c: {  	p1 =	slt.u32 s9, $0xF7A;
	s5 =	simm.s32 @!p2 $0x0  }
0x1d: {  	s5 =	simm.s32 @p1 $0x1;
	p0 =	seq.s32 s7, s2  }
0x1e: {  	s7 =	smul.u32 @!p0 $0xF7A, s2;
	p2 =	seq.s32 @!p0 s5, $0x0  }
0x1f: {  	s9 =	smul.u32 $0xF7A, s1;
	s8 =	simm.s32 @!p0 $0x1BF5;
	p2 =	por !p2, p0  }
0x20: {  	[sflag:s8] =	ssyncset.s32 @!p0 $0xFFFFF086;
	s6 =	sadd.s32 @!p0 s3, s7;
	s7 =	simm.s32 @!p0 $0x108  }
0x21: {  	s3 =	sadd.s32 s3, s9;
	s6 =	sadd.s32 @!p0 $0x88, s6;
	s7 =	simm.s32 @p2 $0x1082  }
0x22: {  	[simem:s7], [sflag:s8] =	dma.local @!p0 [hbm:s6], $0xF7A  }
0x23: {  	s9 =	sor.u32 $0xD0000000, s2;
	s6 =	simm.s32 $0x108;
	_ =	swait.ge @!p0 [sflag:s8], $0x0  }
0x24: {  	s3 =	sadd.s32 $0x88, s3;
	s6 =	simm.s32 @!p1 $0x1082;
	[sflag:s4] =	ssyncset.s32 $0xFFFFF086  }
0x25: {  	[simem:s6], [sflag:s4] =	dma.local [hbm:s3], $0xF7A  }
0x26: {  	[smem:$0x3F9A] =	sst s1;
	(tag) =	ssettag s2;
	_ =	strace s9  }
0x27: {  	s1 =	sld [smem:$0x3FAA]  }
0x28: {  	s2 =	sld [smem:$0x3FAB]  }
0x29: {  	s4 =	sld [smem:$0x3FAD]  }
0x2a: {  	p0 =	seq.s32 s5, $0x0;
	s5 =	sld [smem:$0x3FAE]  }
0x2b: {  	s6 =	sld [smem:$0x3FAF]  }
0x2c: {  	s7 =	sld [smem:$0x3FB0]  }
0x2d: {  	s3 =	simm.s32 $0x108;
	s8 =	sld [smem:$0x3FB1]  }
0x2e: {  	s3 =	simm.s32 @!p0 $0x1082;
	s9 =	sld [smem:$0x3FB2]  }
0x2f: {  	lr =	sadd.s32 s0, s3;
	s0 =	sld [smem:$0x3FA9]  }
0x30: {  	s3 =	sld [smem:$0x3FAC]  }
0x31: {  	[smem:$0x3FB5] =	sst s10  }
0x32: {  	s10 =	sld [smem:$0x3FB3];
	_ =	sdelay $0x3  }
0x33: {  	p0 =	seq.s32 s10, $0x1;
	s10 =	sld [smem:$0x3FB5];
	_ =	sdelay $0x3  }
0x34: {  	[smem:$0x3FB5] =	sst s10  }
0x35: {  	s10 =	sld [smem:$0x3FB4];
	_ =	sdelay $0x3  }
0x36: {  	p1 =	seq.s32 s10, $0x1;
	s10 =	sld [smem:$0x3FB5];
	_ =	sdelay $0x3  }
0x37: {  	[smem:$0x3FB5] =	sst s10  }
0x38: {  	s10 =	sld [smem:$0x3FB6]  }
0x39: {  	_ = 	snop;
	(pc) =	sbr.ind lr, $3  }
0x3a: {  	_ = 	snop  }
0x3b: {  	_ = 	snop  }
0x3c: {  	p2 =	seq.s32 s10, $0x1;
	s10 =	sld [smem:$0x3FB5]  }
0x3d: {  	_ =	shalt  }
0x3e: {  	_ =	shalt  }
0x3f: {  	_ =	shalt  }
0x40: {  	_ =	shalt  }
0x41: {  	_ =	shalt  }
0x42: {  	_ =	shalt  }
0x43: {  	_ =	shalt  }
0x44: {  	_ =	shalt  }
0x45: {  	_ =	shalt  }
0x46: {  	_ =	shalt  }
0x47: {  	_ =	shalt  }
0x48: {  	_ =	shalt  }
0x49: {  	_ =	shalt  }
0x4a: {  	_ =	shalt  }
0x4b: {  	_ =	shalt  }
0x4c: {  	_ =	shalt  }
0x4d: {  	_ =	shalt  }
0x4e: {  	_ =	shalt  }
0x4f: {  	_ =	shalt  }
0x50: {  	_ =	shalt  }
0x51: {  	_ =	shalt  }
0x52: {  	_ =	shalt  }
0x53: {  	_ =	shalt  }
0x54: {  	_ =	shalt  }
0x55: {  	_ =	shalt  }
0x56: {  	_ =	shalt  }
0x57: {  	_ =	shalt  }
0x58: {  	_ =	shalt  }
0x59: {  	_ =	shalt  }
0x5a: {  	_ =	shalt  }
0x5b: {  	_ =	shalt  }
0x5c: {  	_ =	shalt  }
0x5d: {  	_ =	shalt  }
0x5e: {  	_ =	shalt  }
0x5f: {  	_ =	shalt  }
0x60: {  	_ =	shalt  }
0x61: {  	_ =	shalt  }
0x62: {  	_ =	shalt  }
0x63: {  	_ =	shalt  }
0x64: {  	_ =	shalt  }
0x65: {  	_ =	shalt  }
0x66: {  	_ =	shalt  }
0x67: {  	_ =	shalt  }
0x68: {  	_ =	shalt  }
0x69: {  	_ =	shalt  }
0x6a: {  	_ =	shalt  }
0x6b: {  	_ =	shalt  }
0x6c: {  	_ =	shalt  }
0x6d: {  	_ =	shalt  }
0x6e: {  	_ =	shalt  }
0x6f: {  	_ =	shalt  }
0x70: {  	_ =	shalt  }
0x71: {  	_ =	shalt  }
0x72: {  	_ =	shalt  }
0x73: {  	_ =	shalt  }
0x74: {  	_ =	shalt  }
0x75: {  	_ =	shalt  }
0x76: {  	_ =	shalt  }
0x77: {  	_ =	shalt  }
0x78: {  	_ =	shalt  }
0x79: {  	_ =	shalt  }
0x7a: {  	_ =	shalt  }
0x7b: {  	_ =	shalt  }
0x7c: {  	_ =	shalt  }
0x7d: {  	_ =	shalt  }
0x7e: {  	_ =	shalt  }
0x7f: {  	_ =	shalt  }
0x80: {  	_ =	shalt  }
0x81: {  	_ =	shalt  }
0x82: {  	_ =	shalt  }
0x83: {  	_ =	shalt  }
0x84: {  	_ =	shalt  }
0x85: {  	_ =	shalt  }
0x86: {  	_ =	shalt  }
0x87: {  	_ =	shalt  }
.Lfunc_end0:
.L_simem_size_0:
called_computation.1_lowered:
.L_overlay_start_0:
0x88: {  	s2 =	sld [smem:$0x3FD9]  }
0x89: {  	s3 =	sld [smem:$0x3FFE];
	_ =	sdelay $0x1  }
0x8a: {  	s1 =	srdreg.scid  }
0x8b: {  	s0 =	sand.u32 $0x1, s1  }
0x8c: {  	s17 =	sshll.u32 s0, $0xA;
	s2 =	sadd.s32 s3, s2  }
0x8d: {  	s2 =	sadd.s32 s2, s17  }
0x8e: {  	[smem:$0x3FC1] =	sst s2  }
0x8f: {  	_ = 	snop  }
0x90: {  	s2 =	sld [smem:$0x3FC7];
	(tm) =	ssettm $0x1  }
0x91: {  	s18 =	sld [smem:$0x3FFB];
	_ =	sdelay $0x3  }
0x92: {  	_ =	strace s18  }
0x93: {  	s3 =	sld [smem:$0x3FFC];
	_ =	sdelay $0x3  }
0x94: {  	_ =	strace s3  }
0x95: {  	s3 =	sld [smem:$0x3FFD];
	_ =	sdelay $0x3  }
0x96: {  	_ =	strace s3  }
0x97: {  	_ =	strace $0x8FFFFFFF  }
0x98: {  	s19 =	sld [smem:$0x3FDB];
	_ =	sdelay $0x1  }
0x99: {  	s4 =	simm.s32 $_scs_section_size  }
0x9a: {  	s5 =	simm.s32 $_size__tile_overlayer_lowered;
	s6 =	simm.s32 $_tile_overlayer_lowered  }
0x9b: {  	s22 =	simm.s32 $0x1BFF;
	s21 =	sshll.u32 s6, $0x1;
	s3 =	sadd.s32 s4, s19  }
0x9c: {  	s7 =	simm.s32 $0x0;
	s20 =	sshll.u32 s5, $0x1;
	s5 =	sadd.s32 s21, s3  }
0x9d: {  	[timem:s7], [sflag:s22] =	dma.local [hbm:s5], s20  }
0x9e: {  	_ =	swait.ge [sflag:s22], s20  }
0x9f: {  	s4 =	ssub.s32 $0x0, s20;
	[sflag:s22] =	ssyncset.done $0x0  }
0xa0: {  	[sflag:s22] =	ssyncadd.s32 s4;
	_ =	sdelay $0x1  }
0xa1: {  	s23 =	simm.s32 $0x1B8B  }
0xa2: {  	_ =	swait.ge [sflag:s23], $0x1  }
0xa3: {  	[sflag:s23] =	ssyncset.done $0x0  }
0xa4: {  	s25 =	simm.s32 $0x1B8E;
	s24 =	sld [smem:$0x3FFE];
	[sflag:s23] =	ssyncadd.s32 $0xFFFFFFFF  }
0xa5: {  	s26 =	simm.s32 $execute0_lowered;
	[smem:$0x3FD2] =	sst s25  }
0xa6: {  	s5 =	sshll.u32 s26, $0x1;
	_ =	strace $0x80000046;
	[dreg:$0x1] =	wrdreg $0xFFFFFFFF  }
0xa7: {  	s28 =	simm.s32 $_size_execute0_lowered;
	s3 =	sadd.s32 s3, s5;
	[dreg:$0x0] =	wrdreg $0x0  }
0xa8: {  	s5 =	sshll.u32 s28, $0x1;
	[dreg:$0x2] =	wrdreg s3  }
0xa9: {  	[dreg:$0x3] =	wrdreg s5  }
0xaa: {  	[dreg:$0x4] =	wrdreg $0xC0  }
0xab: {  	_ =	task [dreg:s7], $0x5FFFF  }
0xac: {  	[dreg:$0x1] =	wrdreg $0xFFFFFFFF  }
0xad: {  	[dreg:$0x0] =	wrdreg $0x60  }
0xae: {  	[dreg:$0x2] =	wrdreg s24  }
0xaf: {  	[dreg:$0x3] =	wrdreg s2  }
0xb0: {  	[dreg:$0x4] =	wrdreg $0xEF800  }
0xb1: {  	[dreg:$0x5] =	wrdreg $0xA  }
0xb2: {  	_ =	task.clear_ibuf [dreg:s7], $0x6FFFF;
	_ =	strace $0x90000046  }
0xb3: {  	s29 =	simm.s32 $0xA;
	_ =	strace $0x80000048  }
0xb4: {  	_ =	swait.ge [sflag:s29], $0x1  }
0xb5: {  	[sflag:s29] =	ssyncadd.s32 $0xFFFFFFFF  }
0xb6: {  	_ =	strace $0x90000048  }
0xb7: {  	_ =	sfence  }
0xb8: {  	s30 =	sld [smem:$0x0];
	_ =	sdelay $0x2  }
0xb9: {  	s31 =	sshll.u32 s1, $0xD;
	s1 =	sshrl.u32 s1, $0x2  }
0xba: {  	s3 =	sand.u32 $0x4000, s31;
	s1 =	sadd.s32 s1, s30  }
0xbb: {  	s0 =	sor.u32 s3, s0;
	s1 =	sshll.u32 s1, $0x11  }
0xbc: {  	s0 =	sor.u32 s1, s0  }
0xbd: {  	s0 =	sadd.s32 $0x8F2B, s0  }
0xbe: {  	[sflag:s0] =	ssyncadd.remote.s32 $0x1  }
0xbf: {  	_ =	sfence.sel $0xFFFF  }
0xc0: {  	[dreg:$0x0] =	wrdreg $0xFFFFFFFF;
	(pc) =	sbr.abs _section_cstart, $3  }
0xc1: {  	[dreg:$0x1] =	wrdreg $0xFFFFFFFF  }
0xc2: {  	_ =	task.clear_ibuf [dreg:s7], $0x2FFFF;
	_ =	strace $0x9FFFFFFF  }
0xc3: {  	(tm) =	ssettm $0x7FFFFFFF  }
tec
execute0_lowered:
.L_overlay_start_1:
0x0: {  	(tag) =	ssettag $0x1  }
0x1: {  	s0 =	rddreg [dreg:$0x0]  }
0x2: {  	s1 =	rddreg [dreg:$0x1]  }
0x3: {  	s2 =	rddreg [dreg:$0x2];
	s3 =	simm.s32 $0x0  }
0x4: {  	s16 =	stileid.u32;
	s5 =	srdreg.scid;
	s22 =	simm.s32 $0x1  }
0x5: {  	s23 =	simm.s32 $0x5000;
	s28 =	simm.s32 $0x2800;
	s29 =	simm.s32 $0x0  }
0x6: {  	[smem:$0x7FF] =	sst s3;
	s6 =	smul.u32 $0x27000, s16;
	s4 =	sadd.s32 $0x1200, s0  }
0x7: {  	s0 =	sadd.s32 $0x4E3200, s0;
	s8 =	sand.u32 $0x1, s5;
	s7 =	smul.u32 $0x4E20, s16  }
0x8: {  	s14 =	smul.u32 $0x9C00, s16;
	s11 =	sadd.s32 $0x9C400, s2;
	p0 =	seq.s32 s16, $0xF  }
0x9: {  	_ =	strace $0x80000047;
	s9 =	ssub.s32 $0x2, s8;
	s5 =	smul.u32 $0x1388, s8  }
0xa: {  	s8 =	smul.u32 $0x9C800, s8;
	s6 =	sshrl.u32 s6, $0x2;
	s10 =	sshrl.u32 s9, $0x1  }
0xb: {  	s13 =	sshrl.u32 s7, $0x3;
	s6 =	sadd.s32 s6, s2;
	s12 =	ssub.s32 s9, s10  }
0xc: {  	s9 =	sadd.s32 $0x92400, s2;
	s10 =	sadd.s32 $0x97400, s2;
	s1 =	sadd.s32 s1, s13  }
0xd: {  	s13 =	sadd.s32 $0x1388, s5;
	s25 =	sadd.s32 s14, s8;
	s14 =	sadd.s32 $0x5000, s14  }
0xe: {  	s24 =	sadd.s32 $0x5000, s6;
	[dreg:$0x5] =	wrdreg s1;
	s1 =	sshrl.u32 s25, $0x3  }
0xf: {  	s15 =	sadd.s32 s8, s14;
	s8 =	sshrl.u32 s8, $0x3;
	s14 =	sadd.s32 s14, s2  }
0x10: {  	s20 =	smax.u32 s12, $0x1;
	[dreg:$0x4] =	wrdreg s24;
	s1 =	sadd.s32 s0, s1  }
.Ltmp0:
0x11: {  	s26 =	sshrl.u32 s15, $0x3;
	[dreg:$0x7] =	wrdreg s14;
	(pc) =	sbr.rel .LBB2_1-.Ltmp0, $4  }
0x12: {  	s8 =	sadd.s32 s0, s8;
	[dreg:$0x6] =	wrdreg s1;
	s0 =	sadd.s32 s0, s26  }
0x13: {  	s25 =	simm.s32 $0xEE80;
	s30 =	sadd.s32 $0x12480, s8;
	[dreg:$0x8] =	wrdreg s0  }
0x14: {  	s24 =	simm.s32 $0x50;
	s31 =	sadd.s32 $0x12E80, s8;
	[dreg:$0x9] =	wrdreg s30  }
0x15: {  	v1 =	vimm.f32 $0.0e+00;
	v0 =	vmov s5;
	s19 =	sadd.s32 $0x13880, s8;
	s26 =	simm.s32 $0xEF00;
	[dreg:$0xa] =	wrdreg s31  }
.LBB2_7:
0x16: {  	[bflag:$0x0] =	sbarrier.arrive $0xFFFF  }
0x17: {  	[tilespmem:s1], [sflag:$0x1] =	stream.linear.gather @p0 [spmem:s9], $0x5000, $0x38;
	[tilespmem:$0x18C00] =	vst v63  }
0x18: {  	_ =	swait.ge @p0 [sflag:s0], $0x5000  }
0x19: {  	[sflag:s0] =	ssyncset.done @p0 $0x0  }
0x1a: {  	s8 =	rddreg [dreg:$0x9];
	[sflag:s0] =	ssyncadd.s32 @p0 $0xFFFFB000  }
0x1b: {  	[hbm4b:s8+s1] =	stream.linear.scatter @p0 [tilespmem:s1], [sflag:$0x1], $0x5000, $0x38;
	[tilespmem:$0x18C00] =	vst v63  }
0x1c: {  	_ =	swait.ge @p0 [sflag:s0], $0x5000  }
0x1d: {  	[sflag:s0] =	ssyncset.done @p0 $0x0  }
0x1e: {  	[sflag:s0] =	ssyncadd.s32 @p0 $0xFFFFB000  }
0x1f: {  	[tilespmem:s1], [sflag:$0x1] =	stream.linear.gather @p0 [spmem:s10], $0x5000, $0x38;
	[tilespmem:$0x18C00] =	vst v63  }
0x20: {  	_ =	swait.ge @p0 [sflag:s0], $0x5000  }
0x21: {  	[sflag:s0] =	ssyncset.done @p0 $0x0  }
0x22: {  	s8 =	rddreg [dreg:$0xa];
	[sflag:s0] =	ssyncadd.s32 @p0 $0xFFFFB000  }
0x23: {  	[hbm4b:s8+s1] =	stream.linear.scatter @p0 [tilespmem:s1], [sflag:$0x1], $0x5000, $0x38;
	[tilespmem:$0x18C00] =	vst v63  }
0x24: {  	_ =	swait.ge @p0 [sflag:s0], $0x5000  }
0x25: {  	[sflag:s0] =	ssyncset.done @p0 $0x0  }
0x26: {  	[sflag:s0] =	ssyncadd.s32 @p0 $0xFFFFB000  }
0x27: {  	[tilespmem:s1], [sflag:$0x1] =	stream.linear.gather @p0 [spmem:s11], $0x400, $0x38;
	[tilespmem:$0x18C00] =	vst v63  }
0x28: {  	_ =	swait.ge @p0 [sflag:s0], $0x400  }
0x29: {  	[sflag:s0] =	ssyncset.done @p0 $0x0  }
0x2a: {  	[sflag:s0] =	ssyncadd.s32 @p0 $0xFFFFFC00  }
0x2b: {  	[hbm4b:s19+s1] =	stream.linear.scatter @p0 [tilespmem:s1], [sflag:$0x1], $0x400, $0x38;
	[tilespmem:$0x18C00] =	vst v63  }
0x2c: {  	_ =	swait.ge @p0 [sflag:s0], $0x400  }
0x2d: {  	[sflag:s0] =	ssyncset.done @p0 $0x0  }
0x2e: {  	[sflag:s0] =	ssyncadd.s32 @p0 $0xFFFFFC00  }
0x2f: {  	[tilespmem:s31], [sflag:$0x1] =	stream.linear.gather @!p0 [spmem:s6], $0x5000, $0x38;
	[tilespmem:$0x18C00] =	vst v63  }
0x30: {  	_ =	swait.ge @!p0 [sflag:s30], $0x5000  }
0x31: {  	[sflag:s30] =	ssyncset.done @!p0 $0x0  }
0x32: {  	s0 =	rddreg [dreg:$0x6];
	[sflag:s30] =	ssyncadd.s32 @!p0 $0xFFFFB000  }
0x33: {  	[hbm4b:s0+s31] =	stream.linear.scatter @!p0 [tilespmem:s31], [sflag:$0x1], $0x5000, $0x38;
	[tilespmem:$0x18C00] =	vst v63  }
0x34: {  	_ =	swait.ge @!p0 [sflag:s30], $0x5000  }
0x35: {  	[sflag:s30] =	ssyncset.done @!p0 $0x0  }
0x36: {  	s0 =	rddreg [dreg:$0x7];
	[sflag:s30] =	ssyncadd.s32 @!p0 $0xFFFFB000  }
0x37: {  	[tilespmem:s31], [sflag:$0x1] =	stream.linear.gather @!p0 [spmem:s0], $0x4C00, $0x38;
	[tilespmem:$0x18C00] =	vst v63  }
0x38: {  	s29 =	sadd.s32 $0x1, s29;
	_ =	swait.ge @!p0 [sflag:s30], $0x4C00  }
0x39: {  	p1 =	sne.s32 s29, s20;
	[sflag:s30] =	ssyncset.done @!p0 $0x0  }
.Ltmp1:
0x3a: {  	s0 =	rddreg [dreg:$0x8];
	[sflag:s30] =	ssyncadd.s32 @!p0 $0xFFFFB400;
	(pc) =	sbr.rel @!p1 .LBB2_8-.Ltmp1, $4  }
0x3b: {  	[hbm4b:s0+s31] =	stream.linear.scatter @!p0 [tilespmem:s31], [sflag:$0x1], $0x4C00, $0x38;
	[tilespmem:$0x18C00] =	vst v63  }
0x3c: {  	_ =	swait.ge @!p0 [sflag:s30], $0x4C00  }
0x3d: {  	[sflag:s30] =	ssyncset.done @!p0 $0x0  }
0x3e: {  	[sflag:s30] =	ssyncadd.s32 @!p0 $0xFFFFB400  }
.LBB2_1:
0x3f: {  	s0 =	simm.s32 $0x0;
	s1 =	simm.s32 $0x200  }
.LBB2_2:
0x40: {  	p1 =	sne.s32 s1, $0x13E00;
	[tilespmem:s0+$0x70] =	vst v1  }
0x41: {  	[tilespmem:s0+$0x0] =	vst v1  }
0x42: {  	[tilespmem:s0+$0x10] =	vst v1  }
.Ltmp2:
0x43: {  	[tilespmem:s0+$0x20] =	vst v1;
	(pc) =	sbr.rel @p1 .LBB2_2-.Ltmp2, $4  }
0x44: {  	[tilespmem:s0+$0x30] =	vst v1  }
0x45: {  	[tilespmem:s0+$0x40] =	vst v1  }
0x46: {  	[tilespmem:s0+$0x50] =	vst v1  }
0x47: {  	[tilespmem:s0+$0x60] =	vst v1;
	s0 =	sshra.s32 s1, $0x2;
	s1 =	sadd.s32 $0x200, s1  }
0x48: {  	[tilespmem:s0+$0x70] =	vst v1  }
0x49: {  	[tilespmem:s0+$0x0] =	vst v1  }
0x4a: {  	[tilespmem:s0+$0x10] =	vst v1  }
0x4b: {  	[tilespmem:s0+$0x20] =	vst v1  }
0x4c: {  	[tilespmem:s0+$0x30] =	vst v1  }
0x4d: {  	[tilespmem:s0+$0x40] =	vst v1  }
0x4e: {  	[tilespmem:s0+$0x50] =	vst v1  }
0x4f: {  	[tilespmem:s0+$0x60] =	vst v1;
	s1 =	simm.s32 @p0 $0x0;
	s0 =	simm.s32 @p0 $0x1  }
0x50: {  	[spmem:s9] =	stream.linear.scatter @p0 [tilespmem:s1], [sflag:$0x1], $0x5000, $0x38;
	[tilespmem:$0x18C00] =	vst v63  }
0x51: {  	_ =	swait.ge @p0 [sflag:s0], $0x5000  }
0x52: {  	[sflag:s0] =	ssyncset.done @p0 $0x0  }
0x53: {  	[sflag:s0] =	ssyncadd.s32 @p0 $0xFFFFB000  }
0x54: {  	[spmem:s10] =	stream.linear.scatter @p0 [tilespmem:s1], [sflag:$0x1], $0x5000, $0x38;
	[tilespmem:$0x18C00] =	vst v63  }
0x55: {  	_ =	swait.ge @p0 [sflag:s0], $0x5000  }
0x56: {  	[sflag:s0] =	ssyncset.done @p0 $0x0  }
0x57: {  	[sflag:s0] =	ssyncadd.s32 @p0 $0xFFFFB000  }
0x58: {  	[spmem:s11] =	stream.linear.scatter @p0 [tilespmem:s1], [sflag:$0x1], $0x400, $0x38;
	[tilespmem:$0x18C00] =	vst v63  }
0x59: {  	_ =	swait.ge @p0 [sflag:s0], $0x400  }
0x5a: {  	[sflag:s0] =	ssyncset.done @p0 $0x0  }
0x5b: {  	s31 =	simm.s32 @!p0 $0x0;
	s30 =	simm.s32 @!p0 $0x1;
	[sflag:s0] =	ssyncadd.s32 @p0 $0xFFFFFC00  }
0x5c: {  	[spmem:s6] =	stream.linear.scatter @!p0 [tilespmem:s31], [sflag:$0x1], $0x5000, $0x38;
	[tilespmem:$0x18C00] =	vst v63  }
0x5d: {  	_ =	swait.ge @!p0 [sflag:s30], $0x5000  }
0x5e: {  	[sflag:s30] =	ssyncset.done @!p0 $0x0  }
0x5f: {  	s8 =	rddreg [dreg:$0x4];
	[sflag:s30] =	ssyncadd.s32 @!p0 $0xFFFFB000  }
0x60: {  	[spmem:s8] =	stream.linear.scatter @!p0 [tilespmem:s31], [sflag:$0x1], $0x4C00, $0x38;
	[tilespmem:$0x18C00] =	vst v63  }
0x61: {  	_ =	swait.ge @!p0 [sflag:s30], $0x4C00  }
0x62: {  	[sflag:s30] =	ssyncset.done @!p0 $0x0  }
0x63: {  	s12 =	simm.s32 $0xA000;
	s15 =	rddreg [dreg:$0x5];
	[sflag:s30] =	ssyncadd.s32 @!p0 $0xFFFFB400  }
0x64: {  	[tilespmem:s12], [sflag:$0x1] =	stream.linear.gather [hbm4b:s15+s3], $0x4E20, $0x38;
	[tilespmem:$0x18C00] =	vst v63  }
0x65: {  	_ =	swait.ge [sflag:s22], $0x4E20  }
0x66: {  	[sflag:s22] =	ssyncset.done $0x0  }
0x67: {  	[sflag:s22] =	ssyncadd.s32 $0xFFFFB1E0  }
0x68: {  	[bflag:$0x0] =	sbarrier.arrive $0xFFFF  }
0x69: {  	v2 =	vld [tilespmem:$0xC710];
	_ =	sdelay $0x4  }
0x6a: {  	(v2sf) =	vpush v2, $0x0;
	_ =	sdelay $0xe  }
0x6b: {  	s8 =	spop (v2sf)  }
0x6c: {  	s12 =	simm.s32 $0x3AA;
	p1 =	slt.s32 s8, s5  }
0x6d: {  	s12 =	simm.s32 @!p1 $0x138  }
0x6e: {  	s14 =	sshll.u32 s12, $0x4  }
0x6f: {  	v2 =	vld [tilespmem:s14+$0xA000];
	_ =	sdelay $0x4  }
0x70: {  	(v2sf) =	vpush v2, $0x0;
	_ =	sdelay $0xd  }
0x71: {  	s21 =	simm.s32 $0x272  }
0x72: {  	s21 =	simm.s32 @!p1 $0x0;
	s14 =	simm.s32 $0x4E2;
	s15 =	spop (v2sf)  }
0x73: {  	s14 =	simm.s32 @!p1 $0x271;
	p1 =	slt.s32 s15, s5;
	s15 =	sor.u32 $0x1, s12  }
0x74: {  	s21 =	smov.u32 @p1 s15;
	s12 =	smov.u32 @p1 s14  }
0x75: {  	s14 =	sadd.s32 s21, s12  }
0x76: {  	s14 =	sshrl.u32 s14, $0x1  }
0x77: {  	s16 =	sshll.u32 s14, $0x4  }
0x78: {  	v2 =	vld [tilespmem:s16+$0xA000];
	_ =	sdelay $0x4  }
0x79: {  	(v2sf) =	vpush v2, $0x0;
	_ =	sdelay $0xe  }
0x7a: {  	s17 =	spop (v2sf)  }
0x7b: {  	s15 =	sadd.s32 $0x1, s14;
	p1 =	slt.s32 s17, s5  }
0x7c: {  	s21 =	smov.u32 @p1 s15;
	s14 =	smov.u32 @p1 s12  }
0x7d: {  	s12 =	sadd.s32 s21, s14  }
0x7e: {  	s18 =	sshll.u32 s12, $0x3  }
0x7f: {  	s15 =	sand.u32 $0x3FFFFFF0, s18  }
0x80: {  	v2 =	vld [tilespmem:s15+$0xA000];
	_ =	sdelay $0x4  }
0x81: {  	(v2sf) =	vpush v2, $0x0;
	_ =	sdelay $0xe  }
0x82: {  	s12 =	sshrl.u32 s12, $0x1;
	s16 =	spop (v2sf)  }
0x83: {  	s15 =	sadd.s32 $0x1, s12;
	p1 =	slt.s32 s16, s5  }
0x84: {  	s21 =	smov.u32 @p1 s15;
	s12 =	smov.u32 @p1 s14  }
0x85: {  	s14 =	sadd.s32 s21, s12  }
0x86: {  	s14 =	sshll.u32 s14, $0x3  }
0x87: {  	s14 =	sand.u32 $0x3FFFFFF0, s14  }
0x88: {  	v2 =	vld [tilespmem:s14+$0xA000];
	_ =	sdelay $0x4  }
0x89: {  	(v2sf) =	vpush v2, $0x0;
	_ =	sdelay $0xc  }
0x8a: {  	s17 =	sxor.u32 s21, s12  }
0x8b: {  	s15 =	sand.u32 s21, s12;
	s14 =	sshrl.u32 s17, $0x1  }
0x8c: {  	s14 =	sadd.s32 s14, s15;
	s18 =	spop (v2sf)  }
0x8d: {  	s15 =	sadd.s32 $0x1, s14;
	p1 =	slt.s32 s18, s5  }
0x8e: {  	s21 =	smov.u32 @p1 s15;
	s14 =	smov.u32 @p1 s12  }
0x8f: {  	s12 =	sadd.s32 s21, s14  }
0x90: {  	s16 =	sshll.u32 s12, $0x3  }
0x91: {  	s15 =	sand.u32 $0x3FFFFFF0, s16  }
0x92: {  	v2 =	vld [tilespmem:s15+$0xA000];
	_ =	sdelay $0x4  }
0x93: {  	(v2sf) =	vpush v2, $0x0;
	_ =	sdelay $0xe  }
0x94: {  	s12 =	sshrl.u32 s12, $0x1;
	s17 =	spop (v2sf)  }
0x95: {  	s15 =	sadd.s32 $0x1, s12;
	p1 =	slt.s32 s17, s5  }
0x96: {  	s21 =	smov.u32 @p1 s15;
	s12 =	smov.u32 @p1 s14  }
0x97: {  	s14 =	sadd.s32 s21, s12  }
0x98: {  	s18 =	sshll.u32 s14, $0x3  }
0x99: {  	s15 =	sand.u32 $0x3FFFFFF0, s18  }
0x9a: {  	v2 =	vld [tilespmem:s15+$0xA000];
	_ =	sdelay $0x4  }
0x9b: {  	(v2sf) =	vpush v2, $0x0;
	_ =	sdelay $0xe  }
0x9c: {  	s14 =	sshrl.u32 s14, $0x1;
	s16 =	spop (v2sf)  }
0x9d: {  	s15 =	sadd.s32 $0x1, s14;
	p1 =	slt.s32 s16, s5  }
0x9e: {  	s21 =	smov.u32 @p1 s15;
	s14 =	smov.u32 @p1 s12  }
0x9f: {  	s12 =	sadd.s32 s21, s14  }
0xa0: {  	s17 =	sshll.u32 s12, $0x3  }
0xa1: {  	s15 =	sand.u32 $0x3FFFFFF0, s17  }
0xa2: {  	v2 =	vld [tilespmem:s15+$0xA000];
	_ =	sdelay $0x4  }
0xa3: {  	(v2sf) =	vpush v2, $0x0;
	_ =	sdelay $0xe  }
0xa4: {  	s15 =	sshrl.u32 s12, $0x1;
	s18 =	spop (v2sf)  }
0xa5: {  	s12 =	sadd.s32 $0x1, s15;
	p1 =	slt.s32 s18, s5  }
0xa6: {  	s21 =	smov.u32 @p1 s12;
	s15 =	smov.u32 @p1 s14  }
0xa7: {  	s12 =	sadd.s32 s21, s15  }
0xa8: {  	s16 =	sshll.u32 s12, $0x3  }
0xa9: {  	s14 =	sand.u32 $0x3FFFFFF0, s16  }
0xaa: {  	v2 =	vld [tilespmem:s14+$0xA000];
	_ =	sdelay $0x4  }
0xab: {  	(v2sf) =	vpush v2, $0x0;
	_ =	sdelay $0xe  }
0xac: {  	s12 =	sshrl.u32 s12, $0x1;
	s17 =	spop (v2sf)  }
0xad: {  	s14 =	sadd.s32 $0x1, s12;
	p1 =	slt.s32 s17, s5  }
0xae: {  	s21 =	smov.u32 @p1 s14;
	s12 =	smov.u32 @p1 s15  }
0xaf: {  	s14 =	sadd.s32 s21, s12  }
0xb0: {  	s16 =	simm.s32 $0x3AA;
	p1 =	slt.s32 s8, s13;
	s18 =	sshll.u32 s14, $0x3  }
0xb1: {  	s16 =	simm.s32 @!p1 $0x138;
	s15 =	sand.u32 $0x3FFFFFF0, s18  }
0xb2: {  	s17 =	sshll.u32 s16, $0x4;
	v2 =	vld [tilespmem:s15+$0xA000]  }
0xb3: {  	v3 =	vld [tilespmem:s17+$0xA000];
	_ =	sdelay $0x3  }
0xb4: {  	(v2sf) =	vpush v2, $0x0  }
0xb5: {  	(v2sf) =	vpush v3, $0x0;
	_ =	sdelay $0xd  }
0xb6: {  	s8 =	simm.s32 $0x272;
	s15 =	spop (v2sf)  }
0xb7: {  	s8 =	simm.s32 @!p1 $0x0;
	s17 =	simm.s32 $0x4E2;
	s18 =	spop (v2sf)  }
0xb8: {  	s17 =	simm.s32 @!p1 $0x271;
	p1 =	slt.s32 s18, s13;
	s18 =	sor.u32 $0x1, s16  }
0xb9: {  	s8 =	smov.u32 @p1 s18;
	s16 =	smov.u32 @p1 s17  }
0xba: {  	s17 =	sadd.s32 s8, s16  }
0xbb: {  	s17 =	sshrl.u32 s17, $0x1  }
0xbc: {  	s18 =	sshll.u32 s17, $0x4  }
0xbd: {  	v2 =	vld [tilespmem:s18+$0xA000];
	_ =	sdelay $0x4  }
0xbe: {  	(v2sf) =	vpush v2, $0x0;
	_ =	sdelay $0xe  }
0xbf: {  	s18 =	spop (v2sf)  }
0xc0: {  	p1 =	slt.s32 s18, s13;
	s18 =	sadd.s32 $0x1, s17  }
0xc1: {  	s8 =	smov.u32 @p1 s18;
	s17 =	smov.u32 @p1 s16  }
0xc2: {  	s16 =	sadd.s32 s8, s17  }
0xc3: {  	s18 =	sshll.u32 s16, $0x3  }
0xc4: {  	s18 =	sand.u32 $0x3FFFFFF0, s18  }
0xc5: {  	v2 =	vld [tilespmem:s18+$0xA000];
	_ =	sdelay $0x4  }
0xc6: {  	(v2sf) =	vpush v2, $0x0;
	_ =	sdelay $0xe  }
0xc7: {  	s16 =	sshrl.u32 s16, $0x1;
	s18 =	spop (v2sf)  }
0xc8: {  	p1 =	slt.s32 s18, s13;
	s18 =	sadd.s32 $0x1, s16  }
0xc9: {  	s8 =	smov.u32 @p1 s18;
	s16 =	smov.u32 @p1 s17  }
0xca: {  	s17 =	sadd.s32 s8, s16  }
0xcb: {  	s17 =	sshll.u32 s17, $0x3  }
0xcc: {  	s17 =	sand.u32 $0x3FFFFFF0, s17  }
0xcd: {  	v2 =	vld [tilespmem:s17+$0xA000];
	_ =	sdelay $0x4  }
0xce: {  	(v2sf) =	vpush v2, $0x0;
	_ =	sdelay $0xc  }
0xcf: {  	s17 =	sxor.u32 s8, s16  }
0xd0: {  	s18 =	sand.u32 s8, s16;
	s17 =	sshrl.u32 s17, $0x1  }
0xd1: {  	s17 =	sadd.s32 s17, s18;
	s18 =	spop (v2sf)  }
0xd2: {  	p1 =	slt.s32 s18, s13;
	s18 =	sadd.s32 $0x1, s17  }
0xd3: {  	s8 =	smov.u32 @p1 s18;
	s17 =	smov.u32 @p1 s16  }
0xd4: {  	s16 =	sadd.s32 s8, s17  }
0xd5: {  	s18 =	sshll.u32 s16, $0x3  }
0xd6: {  	s18 =	sand.u32 $0x3FFFFFF0, s18  }
0xd7: {  	v2 =	vld [tilespmem:s18+$0xA000];
	_ =	sdelay $0x4  }
0xd8: {  	(v2sf) =	vpush v2, $0x0;
	_ =	sdelay $0xe  }
0xd9: {  	s16 =	sshrl.u32 s16, $0x1;
	s18 =	spop (v2sf)  }
0xda: {  	p1 =	slt.s32 s18, s13;
	s18 =	sadd.s32 $0x1, s16  }
0xdb: {  	s8 =	smov.u32 @p1 s18;
	s16 =	smov.u32 @p1 s17  }
0xdc: {  	s17 =	sadd.s32 s8, s16  }
0xdd: {  	s18 =	sshll.u32 s17, $0x3  }
0xde: {  	s18 =	sand.u32 $0x3FFFFFF0, s18  }
0xdf: {  	v2 =	vld [tilespmem:s18+$0xA000];
	_ =	sdelay $0x4  }
0xe0: {  	(v2sf) =	vpush v2, $0x0;
	_ =	sdelay $0xe  }
0xe1: {  	s17 =	sshrl.u32 s17, $0x1;
	s18 =	spop (v2sf)  }
0xe2: {  	p1 =	slt.s32 s18, s13;
	s18 =	sadd.s32 $0x1, s17  }
0xe3: {  	s8 =	smov.u32 @p1 s18;
	s17 =	smov.u32 @p1 s16  }
0xe4: {  	s16 =	sadd.s32 s8, s17  }
0xe5: {  	s18 =	sshll.u32 s16, $0x3  }
0xe6: {  	s18 =	sand.u32 $0x3FFFFFF0, s18  }
0xe7: {  	v2 =	vld [tilespmem:s18+$0xA000];
	_ =	sdelay $0x4  }
0xe8: {  	(v2sf) =	vpush v2, $0x0;
	_ =	sdelay $0xe  }
0xe9: {  	s16 =	sshrl.u32 s16, $0x1;
	s18 =	spop (v2sf)  }
0xea: {  	p1 =	slt.s32 s18, s13;
	s18 =	sadd.s32 $0x1, s16  }
0xeb: {  	s8 =	smov.u32 @p1 s18;
	s16 =	smov.u32 @p1 s17  }
0xec: {  	s17 =	sadd.s32 s8, s16  }
0xed: {  	s18 =	sshll.u32 s17, $0x3  }
0xee: {  	s18 =	sand.u32 $0x3FFFFFF0, s18  }
0xef: {  	v2 =	vld [tilespmem:s18+$0xA000];
	_ =	sdelay $0x4  }
0xf0: {  	(v2sf) =	vpush v2, $0x0;
	_ =	sdelay $0xe  }
0xf1: {  	s17 =	sshrl.u32 s17, $0x1;
	s18 =	spop (v2sf)  }
0xf2: {  	p1 =	slt.s32 s18, s13;
	s18 =	sadd.s32 $0x1, s17  }
0xf3: {  	s8 =	smov.u32 @p1 s18;
	s17 =	smov.u32 @p1 s16  }
0xf4: {  	s16 =	sadd.s32 s8, s17  }
0xf5: {  	s18 =	sshll.u32 s16, $0x3  }
0xf6: {  	s18 =	sand.u32 $0x3FFFFFF0, s18  }
0xf7: {  	v2 =	vld [tilespmem:s18+$0xA000];
	_ =	sdelay $0x4  }
0xf8: {  	(v2sf) =	vpush v2, $0x0;
	_ =	sdelay $0xe  }
0xf9: {  	p1 =	slt.s32 s15, s5;
	s15 =	sshrl.u32 s16, $0x1;
	s18 =	spop (v2sf)  }
0xfa: {  	s14 =	sshrl.u32 s14, $0x1;
	s16 =	sadd.s32 $0x1, s15;
	p2 =	slt.s32 s18, s13  }
0xfb: {  	s8 =	smov.u32 @p2 s16;
	s16 =	sadd.s32 $0x1, s14;
	s15 =	smov.u32 @p2 s17  }
0xfc: {  	s14 =	smov.u32 @p1 s12;
	s21 =	smov.u32 @p1 s16;
	s12 =	sadd.s32 s8, s15  }
0xfd: {  	s14 =	sadd.s32 s21, s14;
	s15 =	sshll.u32 s12, $0x3  }
0xfe: {  	s18 =	sshll.u32 s14, $0x3;
	s15 =	sand.u32 $0x3FFFFFF0, s15  }
0xff: {  	s16 =	sand.u32 $0x3FFFFFF0, s18;
	v2 =	vld [tilespmem:s15+$0xA000]  }
0x100: {  	v3 =	vld [tilespmem:s16+$0xA000];
	_ =	sdelay $0x3  }
0x101: {  	(v2sf) =	vpush v2, $0x0  }
0x102: {  	(v2sf) =	vpush v3, $0x0;
	_ =	sdelay $0xd  }
0x103: {  	s15 =	spop (v2sf)  }
0x104: {  	s14 =	sshrl.u32 s14, $0x1;
	s17 =	spop (v2sf)  }
0x105: {  	s14 =	sadd.s32 $0x1, s14;
	s16 =	smax.u32 s21, $0x1;
	p1 =	slt.s32 s17, s5  }
0x106: {  	s16 =	smov.u32 @p1 s14  }
0x107: {  	s14 =	sshll.u32 s16, $0x4  }
0x108: {  	s14 =	sadd.s32 $0xFFFFFFF0, s14  }
0x109: {  	s18 =	smul.u32 $0xFFFFCCCD, s14  }
0x10a: {  	s12 =	sshrl.u32 s12, $0x1  }
0x10b: {  	s12 =	sadd.s32 $0x1, s12;
	p1 =	slt.s32 s15, s13;
	s21 =	sand.u32 $0xFFE0, s18  }
0x10c: {  	s8 =	smov.u32 @p1 s12;
	s18 =	sshll.u32 s18, $0xB;
	s15 =	sshrl.u32 s21, $0x5  }
0x10d: {  	p5 =	slt.u32 s16, $0x2;
	s8 =	sshll.u32 s8, $0x4;
	s12 =	sor.u32 s18, s15  }
0x10e: {  	s14 =	sand.u32 $0xFFF0, s14;
	s8 =	sadd.s32 $0x90, s8;
	s12 =	sand.u32 $0x87FF, s12  }
0x10f: {  	s14 =	smul.u32 $0xCCCD, s14;
	s8 =	sand.u32 $0xFFF0, s8;
	p6 =	sgt.u32 s12, $0x199  }
0x110: {  	s8 =	smul.u32 $0xCCCD, s8;
	p1 =	por !p5, !p6  }
0x111: {  	s12 =	simm.s32 $0x1;
	p1 =	por !p1, !p1  }
0x112: {  	s14 =	sshrl.u32 s14, $0x17;
	s21 =	sshrl.u32 s8, $0x17;
	s12 =	simm.s32 @!p1 $0x0  }
0x113: {  	s8 =	ssub.s32 s14, s12;
	s12 =	smin.u32 s21, $0x7D  }
0x114: {  	p1 =	sge.s32 s8, s12  }
.Ltmp3:
0x115: {  	_ = 	snop;
	(pc) =	sbr.rel @p1 .LBB2_7-.Ltmp3, $1  }
0x116: {  	_ =	sdelay $0x3  }
.LBB2_4:
0x117: {  	s14 =	smul.u32 $0xA0, s8;
	_ =	sdelay $0x1  }
0x118: {  	s15 =	sadd.s32 s7, s14  }
0x119: {  	s15 =	sshll.u32 s15, $0x4  }
0x11a: {  	s16 =	simm.s32 $0x0;
	s15 =	sadd.s32 s4, s15  }
0x11b: {  	[tilespmem:s23], [sflag:$0x1] =	stream.linear.gather [hbm4b:s15+s16], $0x5000, $0x38;
	[tilespmem:$0x18C00] =	vst v63  }
0x11c: {  	_ =	swait.ge [sflag:s22], $0x5000  }
0x11d: {  	[sflag:s22] =	ssyncset.done $0x0  }
0x11e: {  	[sflag:s22] =	ssyncadd.s32 $0xFFFFB000  }
0x11f: {  	v2 =	vld [tilespmem:s14+$0xA000];
	_ =	sdelay $0x4  }
0x120: {  	v2 =	vsub.s32 v2, v0  }
0x121: {  	v3 =	vshrl.u32 v2, $0x11  }
0x122: {  	v3 =	vand.u32 $0x4000, v3  }
0x123: {  	v2 =	vadd.s32 v2, v3  }
0x124: {  	vm0 =	vlt.s32 v2, $0x1388  }
0x125: {  	v2 =	vnsel vm0, $0x1388, v2  }
0x126: {  	[tilespmem:$0xEE80] =	vst v2  }
0x127: {  	v2 =	vld [tilespmem:s14+$0xA010];
	_ =	sdelay $0x4  }
0x128: {  	v2 =	vsub.s32 v2, v0  }
0x129: {  	v3 =	vshrl.u32 v2, $0x11  }
0x12a: {  	v3 =	vand.u32 $0x4000, v3  }
0x12b: {  	v2 =	vadd.s32 v2, v3  }
0x12c: {  	vm7 =	vlt.s32 v2, $0x1388  }
0x12d: {  	v2 =	vnsel vm7, $0x1388, v2  }
0x12e: {  	[tilespmem:$0xEE90] =	vst v2  }
0x12f: {  	v2 =	vld [tilespmem:s14+$0xA020];
	_ =	sdelay $0x4  }
0x130: {  	v2 =	vsub.s32 v2, v0  }
0x131: {  	v3 =	vshrl.u32 v2, $0x11  }
0x132: {  	v3 =	vand.u32 $0x4000, v3  }
0x133: {  	v2 =	vadd.s32 v2, v3  }
0x134: {  	vm8 =	vlt.s32 v2, $0x1388  }
0x135: {  	v2 =	vnsel vm8, $0x1388, v2  }
0x136: {  	[tilespmem:$0xEEA0] =	vst v2  }
0x137: {  	v2 =	vld [tilespmem:s14+$0xA030];
	_ =	sdelay $0x4  }
0x138: {  	v2 =	vsub.s32 v2, v0  }
0x139: {  	v3 =	vshrl.u32 v2, $0x11  }
0x13a: {  	v3 =	vand.u32 $0x4000, v3  }
0x13b: {  	v2 =	vadd.s32 v2, v3  }
0x13c: {  	vm9 =	vlt.s32 v2, $0x1388  }
0x13d: {  	v2 =	vnsel vm9, $0x1388, v2  }
0x13e: {  	[tilespmem:$0xEEB0] =	vst v2  }
0x13f: {  	v2 =	vld [tilespmem:s14+$0xA040];
	_ =	sdelay $0x4  }
0x140: {  	v2 =	vsub.s32 v2, v0  }
0x141: {  	v3 =	vshrl.u32 v2, $0x11  }
0x142: {  	v3 =	vand.u32 $0x4000, v3  }
0x143: {  	v2 =	vadd.s32 v2, v3  }
0x144: {  	vm10 =	vlt.s32 v2, $0x1388  }
0x145: {  	v2 =	vnsel vm10, $0x1388, v2  }
0x146: {  	[tilespmem:$0xEEC0] =	vst v2  }
0x147: {  	v2 =	vld [tilespmem:s14+$0xA050];
	_ =	sdelay $0x4  }
0x148: {  	v2 =	vsub.s32 v2, v0  }
0x149: {  	v3 =	vshrl.u32 v2, $0x11  }
0x14a: {  	v3 =	vand.u32 $0x4000, v3  }
0x14b: {  	v2 =	vadd.s32 v2, v3  }
0x14c: {  	vm11 =	vlt.s32 v2, $0x1388  }
0x14d: {  	v2 =	vnsel vm11, $0x1388, v2  }
0x14e: {  	[tilespmem:$0xEF00] =	vst v2  }
0x14f: {  	v2 =	vld [tilespmem:s14+$0xA060];
	_ =	sdelay $0x4  }
0x150: {  	v2 =	vsub.s32 v2, v0  }
0x151: {  	v3 =	vshrl.u32 v2, $0x11  }
0x152: {  	v3 =	vand.u32 $0x4000, v3  }
0x153: {  	v2 =	vadd.s32 v2, v3  }
0x154: {  	vm12 =	vlt.s32 v2, $0x1388  }
0x155: {  	v2 =	vnsel vm12, $0x1388, v2  }
0x156: {  	[tilespmem:$0xEF10] =	vst v2  }
0x157: {  	v2 =	vld [tilespmem:s14+$0xA070];
	_ =	sdelay $0x4  }
0x158: {  	v2 =	vsub.s32 v2, v0  }
0x159: {  	v3 =	vshrl.u32 v2, $0x11  }
0x15a: {  	v3 =	vand.u32 $0x4000, v3  }
0x15b: {  	v2 =	vadd.s32 v2, v3  }
0x15c: {  	vm13 =	vlt.s32 v2, $0x1388  }
0x15d: {  	v2 =	vnsel vm13, $0x1388, v2  }
0x15e: {  	[tilespmem:$0xEF20] =	vst v2  }
0x15f: {  	v2 =	vld [tilespmem:s14+$0xA080];
	_ =	sdelay $0x4  }
0x160: {  	v2 =	vsub.s32 v2, v0  }
0x161: {  	v3 =	vshrl.u32 v2, $0x11  }
0x162: {  	v3 =	vand.u32 $0x4000, v3  }
0x163: {  	v2 =	vadd.s32 v2, v3  }
0x164: {  	vm14 =	vlt.s32 v2, $0x1388  }
0x165: {  	v2 =	vnsel vm14, $0x1388, v2  }
0x166: {  	[tilespmem:$0xEF30] =	vst v2  }
0x167: {  	v2 =	vld [tilespmem:s14+$0xA090];
	_ =	sdelay $0x4  }
0x168: {  	v2 =	vsub.s32 v2, v0  }
0x169: {  	v3 =	vshrl.u32 v2, $0x11  }
0x16a: {  	v3 =	vand.u32 $0x4000, v3  }
0x16b: {  	v2 =	vadd.s32 v2, v3  }
0x16c: {  	vm15 =	vlt.s32 v2, $0x1388  }
0x16d: {  	v2 =	vnsel vm15, $0x1388, v2  }
0x16e: {  	s14 =	simm.s32 $0x0;
	[tilespmem:$0xEF40] =	vst v2  }
0x16f: {  	s15 =	simm.s32 $0x200;
	v2 =	vld [tilespmem:s14+$0x5000]  }
.LBB2_5:
0x170: {  	p1 =	sne.s32 s15, $0x13E00  }
.Ltmp4:
0x171: {  	_ = 	snop;
	(pc) =	sbr.rel @p1 .LBB2_5-.Ltmp4, $3  }
0x172: {  	_ =	sdelay $0x1  }
0x173: {  	[tilespmem:s14+$0x0] =	vst v2;
	s14 =	sshra.s32 s15, $0x2;
	s15 =	sadd.s32 $0x200, s15  }
0x174: {  	v2 =	vld [tilespmem:s14+$0x5000]  }
0x175: {  	_ =	sdelay $0x3  }
0x176: {  	[tilespmem:s14+$0x0] =	vst v2  }
0x177: {  	[spmem:s2] =	stream.indirect.scatter.add.f32 [tilespmem:s3], [sflag:$0x1], $0x80, s25, s24, $0xb8;
	[tilespmem:$0x18C00] =	vst v63  }
0x178: {  	_ =	swait.ge [sflag:s22], $0x2800  }
0x179: {  	s8 =	sadd.s32 $0x1, s8;
	[sflag:s22] =	ssyncset.done $0x0  }
0x17a: {  	p1 =	slt.s32 s8, s12;
	[sflag:s22] =	ssyncadd.s32 $0xFFFFD800  }
0x17b: {  	[spmem:s2] =	stream.indirect.scatter.add.f32 [tilespmem:s28], [sflag:$0x1], $0x80, s26, s24, $0xb8;
	[tilespmem:$0x18C00] =	vst v63  }
.Ltmp5:
0x17c: {  	_ = 	snop;
	(pc) =	sbr.rel @p1 .LBB2_4-.Ltmp5, $4  }
.Ltmp6:
0x17d: {  	_ = 	snop;
	(pc) =	sbr.rel @!p1 .LBB2_7-.Ltmp6, $4  }
0x17e: {  	_ =	swait.ge [sflag:s22], $0x2800  }
0x17f: {  	[sflag:s22] =	ssyncset.done $0x0  }
0x180: {  	[sflag:s22] =	ssyncadd.s32 $0xFFFFD800  }
0x181: {  	_ = 	snop  }
.LBB2_8:
0x182: {  	_ =	sfence.sel $0x180000  }
0x183: {  	[bflag:$0x0] =	sbarrier.arrive $0xFFFF  }
0x184: {  	_ =	strace $0x90000047  }
0x185: {  	s0 =	stileid.u32;
	[bflag:$0x2] =	sbarrier.arrive $0xFFFF  }
0x186: {  	p0 =	sne.s32 s0, $0x0;
	s0 =	rddreg [dreg:$0x3]  }
0x187: {  	s0 =	sadd.s32 @!p0 $0x100000, s0  }
0x188: {  	[sflag:s0] =	ssyncadd.tile.s32 @!p0 $0x1;
	_ =	shalt  }
.Lfunc_end2:
_tile_overlayer_lowered:
.L_overlay_start_2:
0x189: {  	(tag) =	ssettag $0x2  }
0x18a: {  	s0 =	rddreg [dreg:$0x0];
	s2 =	stileid.u32  }
0x18b: {  	s1 =	rddreg [dreg:$0x1];
	p0 =	sne.s32 s2, $0x0  }
0x18c: {  	s3 =	rddreg [dreg:$0x2];
	[bflag:$0x3] =	sbarrier.arrive $0xFFFF;
	s2 =	simm.s32 @!p0 $0x1C01  }
0x18d: {  	[timem:s3], [sflag:s2] =	dma.local @!p0 [hbm:s0], s1  }
0x18e: {  	s0 =	simm.s32 @!p0 $0x1  }
0x18f: {  	_ =	swait.ge @!p0 [sflag:s0], s1  }
0x190: {  	s1 =	ssub.s32 @!p0 $0x0, s1;
	[sflag:s0] =	ssyncset.done @!p0 $0x0  }
0x191: {  	[sflag:s0] =	ssyncadd.s32 @!p0 s1  }
0x192: {  	[bflag:$0x3] =	sbarrier.arrive $0xFFFF  }
0x193: {  	_ =	shalt  }

</sc_bundles>
